<compile_context>
chip_gen: v7x
topology: tpu7x:2x2x1
jax: 0.10.2.dev20260603
libtpu: 0.0.44.dev20260713+nightly
codegen_flags: <defaults>
</compile_context>

<pallas_src>
import functools

import jax
import jax.numpy as jnp
from jax import lax
from jax.experimental import pallas as pl
from jax.experimental.pallas import tpu as pltpu
from jax.experimental.pallas import tpu_sc as plsc

_D = 128
_H = 8
_C = 16
_NG = 64
_NC = 2
_NS = 16
_NW = _NC * _NS
_BLK = 40



def _mm_bias(x, W, b, block_rows):
    n, k = x.shape
    m = W.shape[1]

    def body(x_ref, w_ref, b_ref, o_ref):
        o_ref[...] = (
            jnp.dot(x_ref[...], w_ref[...], preferred_element_type=jnp.float32)
            + b_ref[...]
        )

    return pl.pallas_call(
        body,
        grid=(n // block_rows,),
        in_specs=[
            pl.BlockSpec((block_rows, k), lambda i: (i, 0)),
            pl.BlockSpec((k, m), lambda i: (0, 0)),
            pl.BlockSpec((1, m), lambda i: (0, 0)),
        ],
        out_specs=pl.BlockSpec((block_rows, m), lambda i: (i, 0)),
        out_shape=jax.ShapeDtypeStruct((n, m), jnp.float32),
    )(x, W, b)


def _qkv_skip(h, W4, b4, block_rows):
    n, k = h.shape

    def body(h_ref, w_ref, b_ref, q_ref, kv_ref, xr_ref):
        o = (
            jnp.dot(h_ref[...], w_ref[...], preferred_element_type=jnp.float32)
            + b_ref[...]
        )
        q_ref[...] = o[:, :_D]
        kv_ref[...] = o[:, _D:3 * _D]
        xr_ref[...] = o[:, 3 * _D:]

    return pl.pallas_call(
        body,
        grid=(n // block_rows,),
        in_specs=[
            pl.BlockSpec((block_rows, k), lambda i: (i, 0)),
            pl.BlockSpec((k, 4 * _D), lambda i: (0, 0)),
            pl.BlockSpec((1, 4 * _D), lambda i: (0, 0)),
        ],
        out_specs=[
            pl.BlockSpec((block_rows, _D), lambda i: (i, 0)),
            pl.BlockSpec((block_rows, 2 * _D), lambda i: (i, 0)),
            pl.BlockSpec((block_rows, _D), lambda i: (i, 0)),
        ],
        out_shape=[
            jax.ShapeDtypeStruct((n, _D), jnp.float32),
            jax.ShapeDtypeStruct((n, 2 * _D), jnp.float32),
            jax.ShapeDtypeStruct((n, _D), jnp.float32),
        ],
    )(h, W4, b4)


def _edge_math(qg, kvg, edge_attr, We, scale, block_rows):
    e_total = qg.shape[0]
    ed = edge_attr.shape[1]

    def body(q_ref, kv_ref, ea_ref, we_ref, swvj_ref, sden_ref):
        q = q_ref[...]
        k = kv_ref[:, :_D]
        v = kv_ref[:, _D:]
        e = jnp.dot(ea_ref[...], we_ref[...], preferred_element_type=jnp.float32)
        kj = k + e
        vj = v + e
        p = q * kj
        ii = lax.broadcasted_iota(jnp.int32, (_D, _D), 0)
        jj = lax.broadcasted_iota(jnp.int32, (_D, _D), 1)
        bd = ((ii // _C) == (jj // _C)).astype(jnp.float32)
        ab = jnp.dot(p, bd, preferred_element_type=jnp.float32) * scale
        sb = jnp.exp(ab)
        swvj_ref[...] = sb * vj
        sden_ref[...] = sb

    return pl.pallas_call(
        body,
        grid=(e_total // block_rows,),
        in_specs=[
            pl.BlockSpec((block_rows, _D), lambda i: (i, 0)),
            pl.BlockSpec((block_rows, 2 * _D), lambda i: (i, 0)),
            pl.BlockSpec((block_rows, ed), lambda i: (i, 0)),
            pl.BlockSpec((ed, _D), lambda i: (0, 0)),
        ],
        out_specs=[
            pl.BlockSpec((block_rows, _D), lambda i: (i, 0)),
            pl.BlockSpec((block_rows, _D), lambda i: (i, 0)),
        ],
        out_shape=[
            jax.ShapeDtypeStruct((e_total, _D), jnp.float32),
            jax.ShapeDtypeStruct((e_total, _D), jnp.float32),
        ],
    )(qg, kvg, edge_attr, We)


def _gate_ln(op0, op1, dp0, dp1, xr, h, Av, Bv, g1, b1, block_rows):
    n = h.shape[0]

    def body(o0_ref, o1_ref, d0_ref, d1_ref, xr_ref, h_ref, a_ref, b_ref,
             g_ref, bb_ref, out_ref):
        den = d0_ref[...] + d1_ref[...]
        out = (o0_ref[...] + o1_ref[...]) / jnp.maximum(den, 1e-30)
        xrv = xr_ref[...]
        t = (jnp.sum(out * a_ref[...], axis=1, keepdims=True)
             + jnp.sum(xrv * b_ref[...], axis=1, keepdims=True))
        beta = jax.nn.sigmoid(t)
        out2 = beta * xrv + (1.0 - beta) * out
        y = out2 + h_ref[...]
        m = jnp.mean(y, axis=1, keepdims=True)
        yc = y - m
        var = jnp.mean(yc * yc, axis=1, keepdims=True)
        out_ref[...] = yc * lax.rsqrt(var + 1e-5) * g_ref[...] + bb_ref[...]

    row = lambda i: (i, 0)
    fixed = lambda i: (0, 0)
    return pl.pallas_call(
        body,
        grid=(n // block_rows,),
        in_specs=[
            pl.BlockSpec((block_rows, _D), row),
            pl.BlockSpec((block_rows, _D), row),
            pl.BlockSpec((block_rows, _D), row),
            pl.BlockSpec((block_rows, _D), row),
            pl.BlockSpec((block_rows, _D), row),
            pl.BlockSpec((block_rows, _D), row),
            pl.BlockSpec((1, _D), fixed),
            pl.BlockSpec((1, _D), fixed),
            pl.BlockSpec((1, _D), fixed),
            pl.BlockSpec((1, _D), fixed),
        ],
        out_specs=pl.BlockSpec((block_rows, _D), row),
        out_shape=jax.ShapeDtypeStruct((n, _D), jnp.float32),
    )(op0, op1, dp0, dp1, xr, h, Av, Bv, g1, b1)


def _ffn_ln(h, W1, b1, W2, b2, g2, bn2, block_rows):
    n = h.shape[0]
    dff = W1.shape[1]

    def body(h_ref, w1_ref, b1_ref, w2_ref, b2_ref, g_ref, bb_ref, o_ref):
        hv = h_ref[...]
        f = jnp.maximum(
            jnp.dot(hv, w1_ref[...], preferred_element_type=jnp.float32)
            + b1_ref[...], 0.0)
        f2 = (jnp.dot(f, w2_ref[...], preferred_element_type=jnp.float32)
              + b2_ref[...])
        y = f2 + hv
        m = jnp.mean(y, axis=1, keepdims=True)
        yc = y - m
        var = jnp.mean(yc * yc, axis=1, keepdims=True)
        o_ref[...] = yc * lax.rsqrt(var + 1e-5) * g_ref[...] + bb_ref[...]

    row = lambda i: (i, 0)
    fixed = lambda i: (0, 0)
    return pl.pallas_call(
        body,
        grid=(n // block_rows,),
        in_specs=[
            pl.BlockSpec((block_rows, _D), row),
            pl.BlockSpec((_D, dff), fixed),
            pl.BlockSpec((1, dff), fixed),
            pl.BlockSpec((dff, _D), fixed),
            pl.BlockSpec((1, _D), fixed),
            pl.BlockSpec((1, _D), fixed),
            pl.BlockSpec((1, _D), fixed),
        ],
        out_specs=pl.BlockSpec((block_rows, _D), row),
        out_shape=jax.ShapeDtypeStruct((n, _D), jnp.float32),
    )(h, W1, b1, W2, b2, g2, bn2)


def _pool(h, batch3, block_rows):
    n = h.shape[0]
    nblk = n // block_rows

    def body(b_ref, h_ref, sums_ref, cnt_ref):
        i = pl.program_id(0)

        @pl.when(i == 0)
        def _():
            sums_ref[...] = jnp.zeros_like(sums_ref)
            cnt_ref[...] = jnp.zeros_like(cnt_ref)

        ids = b_ref[0, 0, :]
        gid = lax.broadcasted_iota(jnp.int32, (_NG, block_rows), 0)
        onehot = (gid == ids[None, :]).astype(jnp.float32)
        sums_ref[...] += jnp.dot(onehot, h_ref[...],
                                 preferred_element_type=jnp.float32)
        c = jnp.sum(onehot, axis=1, keepdims=True)
        cnt_ref[...] += jnp.broadcast_to(c, (_NG, _D))

    return pl.pallas_call(
        body,
        grid=(nblk,),
        in_specs=[
            pl.BlockSpec((1, 1, block_rows), lambda i: (i, 0, 0)),
            pl.BlockSpec((block_rows, _D), lambda i: (i, 0)),
        ],
        out_specs=[
            pl.BlockSpec((_NG, _D), lambda i: (0, 0)),
            pl.BlockSpec((_NG, _D), lambda i: (0, 0)),
        ],
        out_shape=[
            jax.ShapeDtypeStruct((_NG, _D), jnp.float32),
            jax.ShapeDtypeStruct((_NG, _D), jnp.float32),
        ],
    )(batch3, h)


def _final(sums, cnt, Wout, bout):
    def body(s_ref, c_ref, w_ref, b_ref, o_ref):
        g = s_ref[...] / jnp.maximum(c_ref[...], 1.0)
        o_ref[...] = (jnp.dot(g, w_ref[...], preferred_element_type=jnp.float32)
                      + b_ref[...])

    return pl.pallas_call(
        body,
        out_shape=jax.ShapeDtypeStruct((_NG, _D), jnp.float32),
    )(sums, cnt, Wout, bout)



def _sc_gather(q, kv, dst, src):
    e_total = dst.shape[0]
    per_w = e_total // _NW
    steps = per_w // _BLK
    mesh = plsc.VectorSubcoreMesh(core_axis_name="c", subcore_axis_name="s")

    @functools.partial(
        pl.kernel, mesh=mesh,
        out_type=[
            jax.ShapeDtypeStruct((e_total, _D), jnp.float32),
            jax.ShapeDtypeStruct((e_total, 2 * _D), jnp.float32),
        ],
        scratch_types=[
            pltpu.VMEM((_BLK,), jnp.int32),
            pltpu.VMEM((_BLK,), jnp.int32),
            pltpu.VMEM((_BLK, _D), jnp.float32),
            pltpu.VMEM((_BLK, 2 * _D), jnp.float32),
        ],
    )
    def k(q_hbm, kv_hbm, dst_hbm, src_hbm, qg_hbm, kvg_hbm,
          dsti, srci, qrows, kvrows):
        wid = lax.axis_index("s") * _NC + lax.axis_index("c")
        base = wid * per_w

        @pl.loop(0, steps)
        def _(j):
            off = base + j * _BLK
            pltpu.sync_copy(dst_hbm.at[pl.ds(off, _BLK)], dsti)
            pltpu.sync_copy(src_hbm.at[pl.ds(off, _BLK)], srci)
            pltpu.sync_copy(q_hbm.at[dsti], qrows)
            pltpu.sync_copy(kv_hbm.at[srci], kvrows)
            pltpu.sync_copy(qrows, qg_hbm.at[pl.ds(off, _BLK)])
            pltpu.sync_copy(kvrows, kvg_hbm.at[pl.ds(off, _BLK)])

    return k(q, kv, dst, src)


def _sc_scatter_add(vals, dst1, zeros, n):
    e_total = vals.shape[0]
    w = vals.shape[1]
    per_w = e_total // _NW
    blk = _BLK
    steps = per_w // blk
    stride = 624
    span = 640
    mesh = plsc.VectorSubcoreMesh(core_axis_name="c", subcore_axis_name="s")

    @functools.partial(
        pl.kernel, mesh=mesh,
        out_type=jax.ShapeDtypeStruct((_NC, n, w), jnp.float32),
        scratch_types=[
            pltpu.VMEM((1, blk), jnp.int32),
            pltpu.VMEM((blk, w), jnp.float32),
            pltpu.VMEM_SHARED((n, w), jnp.float32),
        ],
    )
    def k(vals_hbm, dst_hbm, z_hbm, outp_hbm, dsti2, rows, acc):
        cid = lax.axis_index("c")
        sid = lax.axis_index("s")
        wid = sid * _NC + cid
        rbase = sid * stride

        pltpu.sync_copy(z_hbm.at[pl.ds(rbase, span)],
                        acc.at[pl.ds(rbase, span)])
        plsc.subcore_barrier()
        base = wid * per_w

        @pl.loop(0, steps)
        def _(j):
            off = base + j * blk
            pltpu.sync_copy(dst_hbm.at[pl.ds(off, blk)], dsti2.at[0])
            pltpu.sync_copy(vals_hbm.at[pl.ds(off, blk)], rows)
            pltpu.sync_copy(rows, acc.at[dsti2.at[0]], add=True)

        plsc.subcore_barrier()
        pltpu.sync_copy(acc.at[pl.ds(rbase, span)],
                        outp_hbm.at[cid, pl.ds(rbase, span)])

    return k(vals, dst1, zeros)



def kernel(x, edge_index, edge_attr, batch, Wemb, bemb, Wq, bq, Wk, bk, Wv, bv,
           We, Wskip, bskip, Wbeta, g1, bn1, g2, bn2, Wf1, bf1, Wf2, bf2,
           Wout, bout):
    n = x.shape[0]
    a = x.shape[1]
    e_total = edge_index.shape[1]
    nlayers = Wq.shape[0]
    scale = 1.0 / float(_C) ** 0.5

    src = edge_index[0]
    dst = edge_index[1]
    z128 = jnp.zeros((n, _D), jnp.float32)

    xp = jnp.pad(x, ((0, 0), (0, _D - a)))
    Wembp = jnp.pad(Wemb, ((0, _D - a), (0, 0)))
    h = _mm_bias(xp, Wembp, bemb.reshape(1, _D), 2000)

    for l in range(nlayers):
        W4 = jnp.concatenate([Wq[l], Wk[l], Wv[l], Wskip[l]], axis=1)
        b4 = jnp.concatenate([bq[l], bk[l], bv[l], bskip[l]]).reshape(1, 4 * _D)
        q, kv, xr = _qkv_skip(h, W4, b4, 2000)
        qg, kvg = _sc_gather(q, kv, dst, src)
        swvj, sden = _edge_math(qg, kvg, edge_attr, We[l], scale, 2000)
        outp = _sc_scatter_add(swvj, dst, z128, n)
        denp = _sc_scatter_add(sden, dst, z128 + outp[0, 0, 0] * 0.0, n)
        Av = (Wbeta[l, :_D, 0] + Wbeta[l, 2 * _D:, 0]).reshape(1, _D)
        Bv = (Wbeta[l, _D:2 * _D, 0] - Wbeta[l, 2 * _D:, 0]).reshape(1, _D)
        h = _gate_ln(outp[0], outp[1], denp[0], denp[1], xr, h, Av, Bv,
                     g1[l].reshape(1, _D), bn1[l].reshape(1, _D), 2000)
        h = _ffn_ln(h, Wf1[l], bf1[l].reshape(1, 4 * _D), Wf2[l],
                    bf2[l].reshape(1, _D), g2[l].reshape(1, _D),
                    bn2[l].reshape(1, _D), 2000)

    batch3 = batch.reshape(n // 2000, 1, 2000)
    sums, cnt = _pool(h, batch3, 2000)
    return _final(sums, cnt, Wout, bout.reshape(1, _D))

# --- scband reference (transcript-rebuilt; emitter-appended) ---
"""Pipeline reference for scband-graph-transformer-encoder-70866960384544 (READ-ONLY COPY).

The authoritative reference and input builder live on the scoring server;
editing this copy changes nothing except your own understanding.
"""

import jax, jax.numpy as jnp
import numpy as np

N = 10000
E = 160000
D = 128
A = 78
ED = 16
L = 4
H = 8
C = D // H
NG = 64


def setup_inputs(seed: int = 0) -> dict:
    key = jax.random.key(seed)
    ks = jax.random.split(key, 20)
    s = 0.05
    inp = {}
    inp["x"] = jax.random.normal(ks[0], (N, A), dtype=jnp.float32)
    inp["edge_index"] = jax.random.randint(ks[1], (2, E), 0, N, dtype=jnp.int32)
    inp["edge_attr"] = jax.random.normal(ks[2], (E, ED), dtype=jnp.float32)
    inp["batch"] = jnp.sort(jax.random.randint(ks[3], (N,), 0, NG, dtype=jnp.int32))
    inp["Wemb"] = jax.random.normal(ks[4], (A, D), dtype=jnp.float32) * s
    inp["bemb"] = jnp.zeros((D,), dtype=jnp.float32)
    inp["Wq"] = jax.random.normal(ks[5], (L, D, D), dtype=jnp.float32) * s
    inp["bq"] = jnp.zeros((L, D), dtype=jnp.float32)
    inp["Wk"] = jax.random.normal(ks[6], (L, D, D), dtype=jnp.float32) * s
    inp["bk"] = jnp.zeros((L, D), dtype=jnp.float32)
    inp["Wv"] = jax.random.normal(ks[7], (L, D, D), dtype=jnp.float32) * s
    inp["bv"] = jnp.zeros((L, D), dtype=jnp.float32)
    inp["We"] = jax.random.normal(ks[8], (L, ED, D), dtype=jnp.float32) * s
    inp["Wskip"] = jax.random.normal(ks[9], (L, D, D), dtype=jnp.float32) * s
    inp["bskip"] = jnp.zeros((L, D), dtype=jnp.float32)
    inp["Wbeta"] = jax.random.normal(ks[10], (L, 3 * D, 1), dtype=jnp.float32) * s
    inp["g1"] = jnp.ones((L, D), dtype=jnp.float32)
    inp["bn1"] = jnp.zeros((L, D), dtype=jnp.float32)
    inp["g2"] = jnp.ones((L, D), dtype=jnp.float32)
    inp["bn2"] = jnp.zeros((L, D), dtype=jnp.float32)
    inp["Wf1"] = jax.random.normal(ks[11], (L, D, 4 * D), dtype=jnp.float32) * s
    inp["bf1"] = jnp.zeros((L, 4 * D), dtype=jnp.float32)
    inp["Wf2"] = jax.random.normal(ks[12], (L, 4 * D, D), dtype=jnp.float32) * s
    inp["bf2"] = jnp.zeros((L, D), dtype=jnp.float32)
    inp["Wout"] = jax.random.normal(ks[13], (D, D), dtype=jnp.float32) * s
    inp["bout"] = jnp.zeros((D,), dtype=jnp.float32)
    return inp


def _layernorm(x, g, b):
    m = x.mean(-1, keepdims=True)
    v = ((x - m) ** 2).mean(-1, keepdims=True)
    return (x - m) / jnp.sqrt(v + 1e-5) * g + b


def _forward(x, edge_attr, Wemb, bemb, Wq, bq, Wk, bk, Wv, bv, We, Wskip, bskip,
             Wbeta, g1, bn1, g2, bn2, Wf1, bf1, Wf2, bf2, Wout, bout,
             edge_index, batch):
    src = edge_index[0]
    dst = edge_index[1]
    scale = 1.0 / np.sqrt(C).astype(np.float32)
    h = x @ Wemb + bemb
    for l in range(L):
        q = (h @ Wq[l] + bq[l]).reshape(N, H, C)
        k = (h @ Wk[l] + bk[l]).reshape(N, H, C)
        v = (h @ Wv[l] + bv[l]).reshape(N, H, C)
        e = (edge_attr @ We[l]).reshape(E, H, C)
        kj = k[src] + e
        vj = v[src] + e
        alpha = (q[dst] * kj).sum(-1) * scale
        amax = jax.ops.segment_max(alpha, dst, num_segments=N)
        amax = jnp.where(jnp.isfinite(amax), amax, 0.0)
        ex = jnp.exp(alpha - amax[dst])
        den = jax.ops.segment_sum(ex, dst, num_segments=N)
        w = ex / den[dst]
        out = jax.ops.segment_sum(w[:, :, None] * vj, dst, num_segments=N).reshape(N, D)
        xr = h @ Wskip[l] + bskip[l]
        beta = jax.nn.sigmoid(jnp.concatenate([out, xr, out - xr], axis=-1) @ Wbeta[l])
        out = beta * xr + (1.0 - beta) * out
        h = _layernorm(out + h, g1[l], bn1[l])
        f = jax.nn.relu(h @ Wf1[l] + bf1[l]) @ Wf2[l] + bf2[l]
        h = _layernorm(f + h, g2[l], bn2[l])
    sums = jax.ops.segment_sum(h, batch, num_segments=NG)
    cnt = jax.ops.segment_sum(jnp.ones((N, 1), dtype=h.dtype), batch, num_segments=NG)
    g = sums / jnp.maximum(cnt, 1.0)
    return g @ Wout + bout


def reference(x, edge_index, edge_attr, batch, Wemb, bemb, Wq, bq, Wk, bk, Wv, bv,
              We, Wskip, bskip, Wbeta, g1, bn1, g2, bn2, Wf1, bf1, Wf2, bf2,
              Wout, bout):
    return _forward(x, edge_attr, Wemb, bemb, Wq, bq, Wk, bk, Wv, bv, We, Wskip,
                    bskip, Wbeta, g1, bn1, g2, bn2, Wf1, bf1, Wf2, bf2, Wout,
                    bout, edge_index, batch)

if __name__ == "__main__":
    import jax
    _d = setup_inputs()
    print(jax.jit(kernel)(*tuple(_d.values())))

</pallas_src>

<mosaic_0001>
#map = affine_map<(d0, d1) -> (0, 0)>
#map1 = affine_map<(d0, d1) -> (0)>
module attributes {stable_mosaic.version = 14 : i64} {
  func.func @k(%arg0: i32, %arg1: i32, %arg2: memref<10000x128xf32, #tpu.memory_space<hbm>>, %arg3: memref<10000x256xf32, #tpu.memory_space<hbm>>, %arg4: memref<160000xi32, #tpu.memory_space<hbm>>, %arg5: memref<160000xi32, #tpu.memory_space<hbm>>, %arg6: memref<160000x128xf32, #tpu.memory_space<hbm>>, %arg7: memref<160000x256xf32, #tpu.memory_space<hbm>>, %arg8: memref<40xi32, #tpu.memory_space<vmem>>, %arg9: memref<40xi32, #tpu.memory_space<vmem>>, %arg10: memref<40x128xf32, #tpu.memory_space<vmem>>, %arg11: memref<40x256xf32, #tpu.memory_space<vmem>>) attributes {dimension_semantics = [#tpu.dimension_semantics<core_parallel>, #tpu.dimension_semantics<subcore_parallel>], iteration_bounds = array<i64: 2, 16>, scalar_prefetch = 0 : i64, scratch_operands = 4 : i64, tpu.core_type = #tpu.core_type<sc_vector_subcore>, window_params = [{transform_indices = #map}, {transform_indices = #map}, {transform_indices = #map1}, {transform_indices = #map1}, {transform_indices = #map}, {transform_indices = #map}]} {
    %mul3A = arith.constant 2 : i32
    %mul3A_0 = arith.muli %arg1, %mul3A : i32
    %add3A = arith.addi %mul3A_0, %arg0 : i32
    %mul3A_1 = arith.constant 5000 : i32
    %mul3A_2 = arith.muli %add3A, %mul3A_1 : i32
    %scan3A = arith.constant 0 : i32
    %scan3A_3 = arith.constant 125 : i32
    %scan3A_4 = arith.addi %scan3A, %scan3A_3 : i32
    %scan3A_5 = arith.constant 1 : i32
    scf.for %scan3A_7 = %scan3A to %scan3A_4 step %scan3A_5  : i32 {
      %mul3A_8 = arith.constant 1 : i32
      %mul3A_9 = arith.muli %scan3A_7, %mul3A_8 : i32
      %add3A_10 = arith.constant 0 : i32
      %add3A_11 = arith.addi %add3A_10, %mul3A_9 : i32
      %mul3A_12 = arith.constant 40 : i32
      %mul3A_13 = arith.muli %add3A_11, %mul3A_12 : i32
      %add3A_14 = arith.addi %mul3A_2, %mul3A_13 : i32
      "tpu.region"() ({
        %run_scoped3A = tpu.sem_alloc : memref<!tpu.dma_semaphore, #tpu.memory_space<semaphore_mem>>
        %dma_start3A = tpu.memref_slice %arg4[%add3A_14] : memref<160000xi32, #tpu.memory_space<hbm>> -> memref<40xi32, #tpu.memory_space<hbm>>
        %dma_start3A_15 = tpu.memref_slice %arg4[%add3A_14] : memref<160000xi32, #tpu.memory_space<hbm>> -> memref<40xi32, #tpu.memory_space<hbm>>
        tpu.enqueue_dma source(%dma_start3A_15 : memref<40xi32, #tpu.memory_space<hbm>>) target(%arg8 : memref<40xi32, #tpu.memory_space<vmem>>) target_semaphore(%run_scoped3A : memref<!tpu.dma_semaphore, #tpu.memory_space<semaphore_mem>>)
        %dma_wait3A = tpu.memref_slice %arg4[%add3A_14] : memref<160000xi32, #tpu.memory_space<hbm>> -> memref<40xi32, #tpu.memory_space<hbm>>
        %dma_wait3A_16 = tpu.memref_slice %arg4[%add3A_14] : memref<160000xi32, #tpu.memory_space<hbm>> -> memref<40xi32, #tpu.memory_space<hbm>>
        tpu.wait_dma2 semaphore(%run_scoped3A : memref<!tpu.dma_semaphore, #tpu.memory_space<semaphore_mem>>) src(%dma_wait3A_16 : memref<40xi32, #tpu.memory_space<hbm>>) dst(%arg8 : memref<40xi32, #tpu.memory_space<vmem>>)
        tpu.yield
      }) : () -> ()
      "tpu.region"() ({
        %run_scoped3A = tpu.sem_alloc : memref<!tpu.dma_semaphore, #tpu.memory_space<semaphore_mem>>
        %dma_start3A = tpu.memref_slice %arg5[%add3A_14] : memref<160000xi32, #tpu.memory_space<hbm>> -> memref<40xi32, #tpu.memory_space<hbm>>
        %dma_start3A_15 = tpu.memref_slice %arg5[%add3A_14] : memref<160000xi32, #tpu.memory_space<hbm>> -> memref<40xi32, #tpu.memory_space<hbm>>
        tpu.enqueue_dma source(%dma_start3A_15 : memref<40xi32, #tpu.memory_space<hbm>>) target(%arg9 : memref<40xi32, #tpu.memory_space<vmem>>) target_semaphore(%run_scoped3A : memref<!tpu.dma_semaphore, #tpu.memory_space<semaphore_mem>>)
        %dma_wait3A = tpu.memref_slice %arg5[%add3A_14] : memref<160000xi32, #tpu.memory_space<hbm>> -> memref<40xi32, #tpu.memory_space<hbm>>
        %dma_wait3A_16 = tpu.memref_slice %arg5[%add3A_14] : memref<160000xi32, #tpu.memory_space<hbm>> -> memref<40xi32, #tpu.memory_space<hbm>>
        tpu.wait_dma2 semaphore(%run_scoped3A : memref<!tpu.dma_semaphore, #tpu.memory_space<semaphore_mem>>) src(%dma_wait3A_16 : memref<40xi32, #tpu.memory_space<hbm>>) dst(%arg9 : memref<40xi32, #tpu.memory_space<vmem>>)
        tpu.yield
      }) : () -> ()
      "tpu.region"() ({
        %run_scoped3A = tpu.sem_alloc : memref<!tpu.dma_semaphore, #tpu.memory_space<semaphore_mem>>
        %dma_start3A = arith.constant 0 : i32
        %dma_start3A_15 = arith.constant 0 : i32
        %dma_start3A_16 = tpu.memref_slice %arg2[%dma_start3A, %dma_start3A_15] : memref<10000x128xf32, #tpu.memory_space<hbm>> -> memref<10000x128xf32, #tpu.memory_space<hbm>>
        tpu.enqueue_indirect_dma source(%dma_start3A_16 : memref<10000x128xf32, #tpu.memory_space<hbm>>) target(%arg10 : memref<40x128xf32, #tpu.memory_space<vmem>>) offsets(%arg8 : memref<40xi32, #tpu.memory_space<vmem>>) semaphore(%run_scoped3A : memref<!tpu.dma_semaphore, #tpu.memory_space<semaphore_mem>>)
        %dma_wait3A = arith.constant 0 : i32
        %dma_wait3A_17 = arith.constant 0 : i32
        %dma_wait3A_18 = tpu.memref_slice %arg2[%dma_wait3A, %dma_wait3A_17] : memref<10000x128xf32, #tpu.memory_space<hbm>> -> memref<10000x128xf32, #tpu.memory_space<hbm>>
        tpu.wait_indirect_dma semaphore(%run_scoped3A : memref<!tpu.dma_semaphore, #tpu.memory_space<semaphore_mem>>) src(%dma_wait3A_18 : memref<10000x128xf32, #tpu.memory_space<hbm>>) dst(%arg10 : memref<40x128xf32, #tpu.memory_space<vmem>>)
        tpu.yield
      }) : () -> ()
      "tpu.region"() ({
        %run_scoped3A = tpu.sem_alloc : memref<!tpu.dma_semaphore, #tpu.memory_space<semaphore_mem>>
        %dma_start3A = arith.constant 0 : i32
        %dma_start3A_15 = arith.constant 0 : i32
        %dma_start3A_16 = tpu.memref_slice %arg3[%dma_start3A, %dma_start3A_15] : memref<10000x256xf32, #tpu.memory_space<hbm>> -> memref<10000x256xf32, #tpu.memory_space<hbm>>
        tpu.enqueue_indirect_dma source(%dma_start3A_16 : memref<10000x256xf32, #tpu.memory_space<hbm>>) target(%arg11 : memref<40x256xf32, #tpu.memory_space<vmem>>) offsets(%arg9 : memref<40xi32, #tpu.memory_space<vmem>>) semaphore(%run_scoped3A : memref<!tpu.dma_semaphore, #tpu.memory_space<semaphore_mem>>)
        %dma_wait3A = arith.constant 0 : i32
        %dma_wait3A_17 = arith.constant 0 : i32
        %dma_wait3A_18 = tpu.memref_slice %arg3[%dma_wait3A, %dma_wait3A_17] : memref<10000x256xf32, #tpu.memory_space<hbm>> -> memref<10000x256xf32, #tpu.memory_space<hbm>>
        tpu.wait_indirect_dma semaphore(%run_scoped3A : memref<!tpu.dma_semaphore, #tpu.memory_space<semaphore_mem>>) src(%dma_wait3A_18 : memref<10000x256xf32, #tpu.memory_space<hbm>>) dst(%arg11 : memref<40x256xf32, #tpu.memory_space<vmem>>)
        tpu.yield
      }) : () -> ()
      "tpu.region"() ({
        %run_scoped3A = tpu.sem_alloc : memref<!tpu.dma_semaphore, #tpu.memory_space<semaphore_mem>>
        %dma_start3A = arith.constant 0 : i32
        %dma_start3A_15 = tpu.memref_slice %arg6[%add3A_14, %dma_start3A] : memref<160000x128xf32, #tpu.memory_space<hbm>> -> memref<40x128xf32, #tpu.memory_space<hbm>>
        %dma_start3A_16 = arith.constant 0 : i32
        %dma_start3A_17 = tpu.memref_slice %arg6[%add3A_14, %dma_start3A_16] : memref<160000x128xf32, #tpu.memory_space<hbm>> -> memref<40x128xf32, #tpu.memory_space<hbm>>
        tpu.enqueue_dma source(%arg10 : memref<40x128xf32, #tpu.memory_space<vmem>>) target(%dma_start3A_17 : memref<40x128xf32, #tpu.memory_space<hbm>>) target_semaphore(%run_scoped3A : memref<!tpu.dma_semaphore, #tpu.memory_space<semaphore_mem>>)
        %dma_wait3A = arith.constant 0 : i32
        %dma_wait3A_18 = tpu.memref_slice %arg6[%add3A_14, %dma_wait3A] : memref<160000x128xf32, #tpu.memory_space<hbm>> -> memref<40x128xf32, #tpu.memory_space<hbm>>
        %dma_wait3A_19 = arith.constant 0 : i32
        %dma_wait3A_20 = tpu.memref_slice %arg6[%add3A_14, %dma_wait3A_19] : memref<160000x128xf32, #tpu.memory_space<hbm>> -> memref<40x128xf32, #tpu.memory_space<hbm>>
        tpu.wait_dma2 semaphore(%run_scoped3A : memref<!tpu.dma_semaphore, #tpu.memory_space<semaphore_mem>>) src(%arg10 : memref<40x128xf32, #tpu.memory_space<vmem>>) dst(%dma_wait3A_20 : memref<40x128xf32, #tpu.memory_space<hbm>>)
        tpu.yield
      }) : () -> ()
      "tpu.region"() ({
        %run_scoped3A = tpu.sem_alloc : memref<!tpu.dma_semaphore, #tpu.memory_space<semaphore_mem>>
        %dma_start3A = arith.constant 0 : i32
        %dma_start3A_15 = tpu.memref_slice %arg7[%add3A_14, %dma_start3A] : memref<160000x256xf32, #tpu.memory_space<hbm>> -> memref<40x256xf32, #tpu.memory_space<hbm>>
        %dma_start3A_16 = arith.constant 0 : i32
        %dma_start3A_17 = tpu.memref_slice %arg7[%add3A_14, %dma_start3A_16] : memref<160000x256xf32, #tpu.memory_space<hbm>> -> memref<40x256xf32, #tpu.memory_space<hbm>>
        tpu.enqueue_dma source(%arg11 : memref<40x256xf32, #tpu.memory_space<vmem>>) target(%dma_start3A_17 : memref<40x256xf32, #tpu.memory_space<hbm>>) target_semaphore(%run_scoped3A : memref<!tpu.dma_semaphore, #tpu.memory_space<semaphore_mem>>)
        %dma_wait3A = arith.constant 0 : i32
        %dma_wait3A_18 = tpu.memref_slice %arg7[%add3A_14, %dma_wait3A] : memref<160000x256xf32, #tpu.memory_space<hbm>> -> memref<40x256xf32, #tpu.memory_space<hbm>>
        %dma_wait3A_19 = arith.constant 0 : i32
        %dma_wait3A_20 = tpu.memref_slice %arg7[%add3A_14, %dma_wait3A_19] : memref<160000x256xf32, #tpu.memory_space<hbm>> -> memref<40x256xf32, #tpu.memory_space<hbm>>
        tpu.wait_dma2 semaphore(%run_scoped3A : memref<!tpu.dma_semaphore, #tpu.memory_space<semaphore_mem>>) src(%arg11 : memref<40x256xf32, #tpu.memory_space<vmem>>) dst(%dma_wait3A_20 : memref<40x256xf32, #tpu.memory_space<hbm>>)
        tpu.yield
      }) : () -> ()
    }
    %scan3A_6 = arith.constant 125 : i32
    return
  }
}

#map = affine_map<(d0, d1) -> (0, 0)>
#map1 = affine_map<(d0, d1) -> (0)>
module attributes {stable_mosaic.version = 14 : i64} {
  func.func @k(%arg0: i32, %arg1: i32, %arg2: memref<10000x128xf32, #tpu.memory_space<hbm>>, %arg3: memref<10000x256xf32, #tpu.memory_space<hbm>>, %arg4: memref<160000xi32, #tpu.memory_space<hbm>>, %arg5: memref<160000xi32, #tpu.memory_space<hbm>>, %arg6: memref<160000x128xf32, #tpu.memory_space<hbm>>, %arg7: memref<160000x256xf32, #tpu.memory_space<hbm>>, %arg8: memref<40xi32, #tpu.memory_space<vmem>>, %arg9: memref<40xi32, #tpu.memory_space<vmem>>, %arg10: memref<40x128xf32, #tpu.memory_space<vmem>>, %arg11: memref<40x256xf32, #tpu.memory_space<vmem>>) attributes {dimension_semantics = [#tpu.dimension_semantics<core_parallel>, #tpu.dimension_semantics<subcore_parallel>], iteration_bounds = array<i64: 2, 16>, scalar_prefetch = 0 : i64, scratch_operands = 4 : i64, tpu.core_type = #tpu.core_type<sc_vector_subcore>, window_params = [{transform_indices = #map}, {transform_indices = #map}, {transform_indices = #map1}, {transform_indices = #map1}, {transform_indices = #map}, {transform_indices = #map}]} {
    %mul3A = arith.constant 2 : i32
    %mul3A_0 = arith.muli %arg1, %mul3A : i32
    %add3A = arith.addi %mul3A_0, %arg0 : i32
    %mul3A_1 = arith.constant 5000 : i32
    %mul3A_2 = arith.muli %add3A, %mul3A_1 : i32
    %scan3A = arith.constant 0 : i32
    %scan3A_3 = arith.constant 125 : i32
    %scan3A_4 = arith.addi %scan3A, %scan3A_3 : i32
    %scan3A_5 = arith.constant 1 : i32
    scf.for %scan3A_7 = %scan3A to %scan3A_4 step %scan3A_5  : i32 {
      %mul3A_8 = arith.constant 1 : i32
      %mul3A_9 = arith.muli %scan3A_7, %mul3A_8 : i32
      %add3A_10 = arith.constant 0 : i32
      %add3A_11 = arith.addi %add3A_10, %mul3A_9 : i32
      %mul3A_12 = arith.constant 40 : i32
      %mul3A_13 = arith.muli %add3A_11, %mul3A_12 : i32
      %add3A_14 = arith.addi %mul3A_2, %mul3A_13 : i32
      "tpu.region"() ({
        %run_scoped3A = tpu.sem_alloc : memref<!tpu.dma_semaphore, #tpu.memory_space<semaphore_mem>>
        %dma_start3A = tpu.memref_slice %arg4[%add3A_14] : memref<160000xi32, #tpu.memory_space<hbm>> -> memref<40xi32, #tpu.memory_space<hbm>>
        %dma_start3A_15 = tpu.memref_slice %arg4[%add3A_14] : memref<160000xi32, #tpu.memory_space<hbm>> -> memref<40xi32, #tpu.memory_space<hbm>>
        tpu.enqueue_dma source(%dma_start3A_15 : memref<40xi32, #tpu.memory_space<hbm>>) target(%arg8 : memref<40xi32, #tpu.memory_space<vmem>>) target_semaphore(%run_scoped3A : memref<!tpu.dma_semaphore, #tpu.memory_space<semaphore_mem>>)
        %dma_wait3A = tpu.memref_slice %arg4[%add3A_14] : memref<160000xi32, #tpu.memory_space<hbm>> -> memref<40xi32, #tpu.memory_space<hbm>>
        %dma_wait3A_16 = tpu.memref_slice %arg4[%add3A_14] : memref<160000xi32, #tpu.memory_space<hbm>> -> memref<40xi32, #tpu.memory_space<hbm>>
        tpu.wait_dma2 semaphore(%run_scoped3A : memref<!tpu.dma_semaphore, #tpu.memory_space<semaphore_mem>>) src(%dma_wait3A_16 : memref<40xi32, #tpu.memory_space<hbm>>) dst(%arg8 : memref<40xi32, #tpu.memory_space<vmem>>)
        tpu.yield
      }) : () -> ()
      "tpu.region"() ({
        %run_scoped3A = tpu.sem_alloc : memref<!tpu.dma_semaphore, #tpu.memory_space<semaphore_mem>>
        %dma_start3A = tpu.memref_slice %arg5[%add3A_14] : memref<160000xi32, #tpu.memory_space<hbm>> -> memref<40xi32, #tpu.memory_space<hbm>>
        %dma_start3A_15 = tpu.memref_slice %arg5[%add3A_14] : memref<160000xi32, #tpu.memory_space<hbm>> -> memref<40xi32, #tpu.memory_space<hbm>>
        tpu.enqueue_dma source(%dma_start3A_15 : memref<40xi32, #tpu.memory_space<hbm>>) target(%arg9 : memref<40xi32, #tpu.memory_space<vmem>>) target_semaphore(%run_scoped3A : memref<!tpu.dma_semaphore, #tpu.memory_space<semaphore_mem>>)
        %dma_wait3A = tpu.memref_slice %arg5[%add3A_14] : memref<160000xi32, #tpu.memory_space<hbm>> -> memref<40xi32, #tpu.memory_space<hbm>>
        %dma_wait3A_16 = tpu.memref_slice %arg5[%add3A_14] : memref<160000xi32, #tpu.memory_space<hbm>> -> memref<40xi32, #tpu.memory_space<hbm>>
        tpu.wait_dma2 semaphore(%run_scoped3A : memref<!tpu.dma_semaphore, #tpu.memory_space<semaphore_mem>>) src(%dma_wait3A_16 : memref<40xi32, #tpu.memory_space<hbm>>) dst(%arg9 : memref<40xi32, #tpu.memory_space<vmem>>)
        tpu.yield
      }) : () -> ()
      "tpu.region"() ({
        %run_scoped3A = tpu.sem_alloc : memref<!tpu.dma_semaphore, #tpu.memory_space<semaphore_mem>>
        %dma_start3A = arith.constant 0 : i32
        %dma_start3A_15 = arith.constant 0 : i32
        %dma_start3A_16 = tpu.memref_slice %arg2[%dma_start3A, %dma_start3A_15] : memref<10000x128xf32, #tpu.memory_space<hbm>> -> memref<10000x128xf32, #tpu.memory_space<hbm>>
        tpu.enqueue_indirect_dma source(%dma_start3A_16 : memref<10000x128xf32, #tpu.memory_space<hbm>>) target(%arg10 : memref<40x128xf32, #tpu.memory_space<vmem>>) offsets(%arg8 : memref<40xi32, #tpu.memory_space<vmem>>) semaphore(%run_scoped3A : memref<!tpu.dma_semaphore, #tpu.memory_space<semaphore_mem>>)
        %dma_wait3A = arith.constant 0 : i32
        %dma_wait3A_17 = arith.constant 0 : i32
        %dma_wait3A_18 = tpu.memref_slice %arg2[%dma_wait3A, %dma_wait3A_17] : memref<10000x128xf32, #tpu.memory_space<hbm>> -> memref<10000x128xf32, #tpu.memory_space<hbm>>
        tpu.wait_indirect_dma semaphore(%run_scoped3A : memref<!tpu.dma_semaphore, #tpu.memory_space<semaphore_mem>>) src(%dma_wait3A_18 : memref<10000x128xf32, #tpu.memory_space<hbm>>) dst(%arg10 : memref<40x128xf32, #tpu.memory_space<vmem>>)
        tpu.yield
      }) : () -> ()
      "tpu.region"() ({
        %run_scoped3A = tpu.sem_alloc : memref<!tpu.dma_semaphore, #tpu.memory_space<semaphore_mem>>
        %dma_start3A = arith.constant 0 : i32
        %dma_start3A_15 = arith.constant 0 : i32
        %dma_start3A_16 = tpu.memref_slice %arg3[%dma_start3A, %dma_start3A_15] : memref<10000x256xf32, #tpu.memory_space<hbm>> -> memref<10000x256xf32, #tpu.memory_space<hbm>>
        tpu.enqueue_indirect_dma source(%dma_start3A_16 : memref<10000x256xf32, #tpu.memory_space<hbm>>) target(%arg11 : memref<40x256xf32, #tpu.memory_space<vmem>>) offsets(%arg9 : memref<40xi32, #tpu.memory_space<vmem>>) semaphore(%run_scoped3A : memref<!tpu.dma_semaphore, #tpu.memory_space<semaphore_mem>>)
        %dma_wait3A = arith.constant 0 : i32
        %dma_wait3A_17 = arith.constant 0 : i32
        %dma_wait3A_18 = tpu.memref_slice %arg3[%dma_wait3A, %dma_wait3A_17] : memref<10000x256xf32, #tpu.memory_space<hbm>> -> memref<10000x256xf32, #tpu.memory_space<hbm>>
        tpu.wait_indirect_dma semaphore(%run_scoped3A : memref<!tpu.dma_semaphore, #tpu.memory_space<semaphore_mem>>) src(%dma_wait3A_18 : memref<10000x256xf32, #tpu.memory_space<hbm>>) dst(%arg11 : memref<40x256xf32, #tpu.memory_space<vmem>>)
        tpu.yield
      }) : () -> ()
      "tpu.region"() ({
        %run_scoped3A = tpu.sem_alloc : memref<!tpu.dma_semaphore, #tpu.memory_space<semaphore_mem>>
        %dma_start3A = arith.constant 0 : i32
        %dma_start3A_15 = tpu.memref_slice %arg6[%add3A_14, %dma_start3A] : memref<160000x128xf32, #tpu.memory_space<hbm>> -> memref<40x128xf32, #tpu.memory_space<hbm>>
        %dma_start3A_16 = arith.constant 0 : i32
        %dma_start3A_17 = tpu.memref_slice %arg6[%add3A_14, %dma_start3A_16] : memref<160000x128xf32, #tpu.memory_space<hbm>> -> memref<40x128xf32, #tpu.memory_space<hbm>>
        tpu.enqueue_dma source(%arg10 : memref<40x128xf32, #tpu.memory_space<vmem>>) target(%dma_start3A_17 : memref<40x128xf32, #tpu.memory_space<hbm>>) target_semaphore(%run_scoped3A : memref<!tpu.dma_semaphore, #tpu.memory_space<semaphore_mem>>)
        %dma_wait3A = arith.constant 0 : i32
        %dma_wait3A_18 = tpu.memref_slice %arg6[%add3A_14, %dma_wait3A] : memref<160000x128xf32, #tpu.memory_space<hbm>> -> memref<40x128xf32, #tpu.memory_space<hbm>>
        %dma_wait3A_19 = arith.constant 0 : i32
        %dma_wait3A_20 = tpu.memref_slice %arg6[%add3A_14, %dma_wait3A_19] : memref<160000x128xf32, #tpu.memory_space<hbm>> -> memref<40x128xf32, #tpu.memory_space<hbm>>
        tpu.wait_dma2 semaphore(%run_scoped3A : memref<!tpu.dma_semaphore, #tpu.memory_space<semaphore_mem>>) src(%arg10 : memref<40x128xf32, #tpu.memory_space<vmem>>) dst(%dma_wait3A_20 : memref<40x128xf32, #tpu.memory_space<hbm>>)
        tpu.yield
      }) : () -> ()
      "tpu.region"() ({
        %run_scoped3A = tpu.sem_alloc : memref<!tpu.dma_semaphore, #tpu.memory_space<semaphore_mem>>
        %dma_start3A = arith.constant 0 : i32
        %dma_start3A_15 = tpu.memref_slice %arg7[%add3A_14, %dma_start3A] : memref<160000x256xf32, #tpu.memory_space<hbm>> -> memref<40x256xf32, #tpu.memory_space<hbm>>
        %dma_start3A_16 = arith.constant 0 : i32
        %dma_start3A_17 = tpu.memref_slice %arg7[%add3A_14, %dma_start3A_16] : memref<160000x256xf32, #tpu.memory_space<hbm>> -> memref<40x256xf32, #tpu.memory_space<hbm>>
        tpu.enqueue_dma source(%arg11 : memref<40x256xf32, #tpu.memory_space<vmem>>) target(%dma_start3A_17 : memref<40x256xf32, #tpu.memory_space<hbm>>) target_semaphore(%run_scoped3A : memref<!tpu.dma_semaphore, #tpu.memory_space<semaphore_mem>>)
        %dma_wait3A = arith.constant 0 : i32
        %dma_wait3A_18 = tpu.memref_slice %arg7[%add3A_14, %dma_wait3A] : memref<160000x256xf32, #tpu.memory_space<hbm>> -> memref<40x256xf32, #tpu.memory_space<hbm>>
        %dma_wait3A_19 = arith.constant 0 : i32
        %dma_wait3A_20 = tpu.memref_slice %arg7[%add3A_14, %dma_wait3A_19] : memref<160000x256xf32, #tpu.memory_space<hbm>> -> memref<40x256xf32, #tpu.memory_space<hbm>>
        tpu.wait_dma2 semaphore(%run_scoped3A : memref<!tpu.dma_semaphore, #tpu.memory_space<semaphore_mem>>) src(%arg11 : memref<40x256xf32, #tpu.memory_space<vmem>>) dst(%dma_wait3A_20 : memref<40x256xf32, #tpu.memory_space<hbm>>)
        tpu.yield
      }) : () -> ()
    }
    %scan3A_6 = arith.constant 125 : i32
    return
  }
}

#map = affine_map<(d0, d1) -> (0, 0)>
#map1 = affine_map<(d0, d1) -> (0)>
#map2 = affine_map<(d0, d1) -> (0, 0, 0)>
module attributes {stable_mosaic.version = 14 : i64} {
  func.func @k(%arg0: i32, %arg1: i32, %arg2: memref<160000x128xf32, #tpu.memory_space<hbm>>, %arg3: memref<160000xi32, #tpu.memory_space<hbm>>, %arg4: memref<10000x128xf32, #tpu.memory_space<hbm>>, %arg5: memref<2x10000x128xf32, #tpu.memory_space<hbm>>, %arg6: memref<1x40xi32, #tpu.memory_space<vmem>>, %arg7: memref<40x128xf32, #tpu.memory_space<vmem>>, %arg8: memref<10000x128xf32, #tpu.memory_space<vmem_shared>>) attributes {dimension_semantics = [#tpu.dimension_semantics<core_parallel>, #tpu.dimension_semantics<subcore_parallel>], iteration_bounds = array<i64: 2, 16>, scalar_prefetch = 0 : i64, scratch_operands = 3 : i64, tpu.core_type = #tpu.core_type<sc_vector_subcore>, window_params = [{transform_indices = #map}, {transform_indices = #map1}, {transform_indices = #map}, {transform_indices = #map2}]} {
    %mul3A = arith.constant 2 : i32
    %mul3A_0 = arith.muli %arg1, %mul3A : i32
    %add3A = arith.addi %mul3A_0, %arg0 : i32
    %mul3A_1 = arith.constant 624 : i32
    %mul3A_2 = arith.muli %arg1, %mul3A_1 : i32
    "tpu.region"() ({
      %run_scoped3A = tpu.sem_alloc : memref<!tpu.dma_semaphore, #tpu.memory_space<semaphore_mem>>
      %dma_start3A = arith.constant 0 : i32
      %dma_start3A_10 = tpu.memref_slice %arg8[%mul3A_2, %dma_start3A] : memref<10000x128xf32, #tpu.memory_space<vmem_shared>> -> memref<640x128xf32, #tpu.memory_space<vmem_shared>>
      %dma_start3A_11 = arith.constant 0 : i32
      %dma_start3A_12 = tpu.memref_slice %arg4[%mul3A_2, %dma_start3A_11] : memref<10000x128xf32, #tpu.memory_space<hbm>> -> memref<640x128xf32, #tpu.memory_space<hbm>>
      tpu.enqueue_dma source(%dma_start3A_12 : memref<640x128xf32, #tpu.memory_space<hbm>>) target(%dma_start3A_10 : memref<640x128xf32, #tpu.memory_space<vmem_shared>>) target_semaphore(%run_scoped3A : memref<!tpu.dma_semaphore, #tpu.memory_space<semaphore_mem>>)
      %dma_wait3A = arith.constant 0 : i32
      %dma_wait3A_13 = tpu.memref_slice %arg8[%mul3A_2, %dma_wait3A] : memref<10000x128xf32, #tpu.memory_space<vmem_shared>> -> memref<640x128xf32, #tpu.memory_space<vmem_shared>>
      %dma_wait3A_14 = arith.constant 0 : i32
      %dma_wait3A_15 = tpu.memref_slice %arg4[%mul3A_2, %dma_wait3A_14] : memref<10000x128xf32, #tpu.memory_space<hbm>> -> memref<640x128xf32, #tpu.memory_space<hbm>>
      tpu.wait_dma2 semaphore(%run_scoped3A : memref<!tpu.dma_semaphore, #tpu.memory_space<semaphore_mem>>) src(%dma_wait3A_15 : memref<640x128xf32, #tpu.memory_space<hbm>>) dst(%dma_wait3A_13 : memref<640x128xf32, #tpu.memory_space<vmem_shared>>)
      tpu.yield
    }) : () -> ()
    %barrier3A = arith.constant 0 : index
    tpu.barrier barrier_id(%barrier3A)
    %mul3A_3 = arith.constant 5000 : i32
    %mul3A_4 = arith.muli %add3A, %mul3A_3 : i32
    %scan3A = arith.constant 0 : i32
    %scan3A_5 = arith.constant 125 : i32
    %scan3A_6 = arith.addi %scan3A, %scan3A_5 : i32
    %scan3A_7 = arith.constant 1 : i32
    scf.for %scan3A_10 = %scan3A to %scan3A_6 step %scan3A_7  : i32 {
      %mul3A_11 = arith.constant 1 : i32
      %mul3A_12 = arith.muli %scan3A_10, %mul3A_11 : i32
      %add3A_13 = arith.constant 0 : i32
      %add3A_14 = arith.addi %add3A_13, %mul3A_12 : i32
      %mul3A_15 = arith.constant 40 : i32
      %mul3A_16 = arith.muli %add3A_14, %mul3A_15 : i32
      %add3A_17 = arith.addi %mul3A_4, %mul3A_16 : i32
      %run_scoped3A = arith.constant 0 : i32
      "tpu.region"() ({
        %run_scoped3A_19 = tpu.sem_alloc : memref<!tpu.dma_semaphore, #tpu.memory_space<semaphore_mem>>
        %dma_start3A = arith.constant 0 : i32
        %dma_start3A_20 = tpu.memref_slice %arg6[%run_scoped3A, %dma_start3A] : memref<1x40xi32, #tpu.memory_space<vmem>> -> memref<1x40xi32, #tpu.memory_space<vmem>>
        %dma_start3A_21 = tpu.memref_squeeze %dma_start3A_20 : memref<1x40xi32, #tpu.memory_space<vmem>> -> memref<40xi32, #tpu.memory_space<vmem>>
        %dma_start3A_22 = tpu.memref_slice %arg3[%add3A_17] : memref<160000xi32, #tpu.memory_space<hbm>> -> memref<40xi32, #tpu.memory_space<hbm>>
        %dma_start3A_23 = arith.constant 0 : i32
        %dma_start3A_24 = tpu.memref_slice %arg6[%run_scoped3A, %dma_start3A_23] : memref<1x40xi32, #tpu.memory_space<vmem>> -> memref<1x40xi32, #tpu.memory_space<vmem>>
        %dma_start3A_25 = tpu.memref_squeeze %dma_start3A_24 : memref<1x40xi32, #tpu.memory_space<vmem>> -> memref<40xi32, #tpu.memory_space<vmem>>
        %dma_start3A_26 = tpu.memref_slice %arg3[%add3A_17] : memref<160000xi32, #tpu.memory_space<hbm>> -> memref<40xi32, #tpu.memory_space<hbm>>
        tpu.enqueue_dma source(%dma_start3A_26 : memref<40xi32, #tpu.memory_space<hbm>>) target(%dma_start3A_25 : memref<40xi32, #tpu.memory_space<vmem>>) target_semaphore(%run_scoped3A_19 : memref<!tpu.dma_semaphore, #tpu.memory_space<semaphore_mem>>)
        %dma_wait3A = arith.constant 0 : i32
        %dma_wait3A_27 = tpu.memref_slice %arg6[%run_scoped3A, %dma_wait3A] : memref<1x40xi32, #tpu.memory_space<vmem>> -> memref<1x40xi32, #tpu.memory_space<vmem>>
        %dma_wait3A_28 = tpu.memref_squeeze %dma_wait3A_27 : memref<1x40xi32, #tpu.memory_space<vmem>> -> memref<40xi32, #tpu.memory_space<vmem>>
        %dma_wait3A_29 = tpu.memref_slice %arg3[%add3A_17] : memref<160000xi32, #tpu.memory_space<hbm>> -> memref<40xi32, #tpu.memory_space<hbm>>
        %dma_wait3A_30 = arith.constant 0 : i32
        %dma_wait3A_31 = tpu.memref_slice %arg6[%run_scoped3A, %dma_wait3A_30] : memref<1x40xi32, #tpu.memory_space<vmem>> -> memref<1x40xi32, #tpu.memory_space<vmem>>
        %dma_wait3A_32 = tpu.memref_squeeze %dma_wait3A_31 : memref<1x40xi32, #tpu.memory_space<vmem>> -> memref<40xi32, #tpu.memory_space<vmem>>
        %dma_wait3A_33 = tpu.memref_slice %arg3[%add3A_17] : memref<160000xi32, #tpu.memory_space<hbm>> -> memref<40xi32, #tpu.memory_space<hbm>>
        tpu.wait_dma2 semaphore(%run_scoped3A_19 : memref<!tpu.dma_semaphore, #tpu.memory_space<semaphore_mem>>) src(%dma_wait3A_33 : memref<40xi32, #tpu.memory_space<hbm>>) dst(%dma_wait3A_32 : memref<40xi32, #tpu.memory_space<vmem>>)
        tpu.yield
      }) : () -> ()
      "tpu.region"() ({
        %run_scoped3A_19 = tpu.sem_alloc : memref<!tpu.dma_semaphore, #tpu.memory_space<semaphore_mem>>
        %dma_start3A = arith.constant 0 : i32
        %dma_start3A_20 = tpu.memref_slice %arg2[%add3A_17, %dma_start3A] : memref<160000x128xf32, #tpu.memory_space<hbm>> -> memref<40x128xf32, #tpu.memory_space<hbm>>
        %dma_start3A_21 = arith.constant 0 : i32
        %dma_start3A_22 = tpu.memref_slice %arg2[%add3A_17, %dma_start3A_21] : memref<160000x128xf32, #tpu.memory_space<hbm>> -> memref<40x128xf32, #tpu.memory_space<hbm>>
        tpu.enqueue_dma source(%dma_start3A_22 : memref<40x128xf32, #tpu.memory_space<hbm>>) target(%arg7 : memref<40x128xf32, #tpu.memory_space<vmem>>) target_semaphore(%run_scoped3A_19 : memref<!tpu.dma_semaphore, #tpu.memory_space<semaphore_mem>>)
        %dma_wait3A = arith.constant 0 : i32
        %dma_wait3A_23 = tpu.memref_slice %arg2[%add3A_17, %dma_wait3A] : memref<160000x128xf32, #tpu.memory_space<hbm>> -> memref<40x128xf32, #tpu.memory_space<hbm>>
        %dma_wait3A_24 = arith.constant 0 : i32
        %dma_wait3A_25 = tpu.memref_slice %arg2[%add3A_17, %dma_wait3A_24] : memref<160000x128xf32, #tpu.memory_space<hbm>> -> memref<40x128xf32, #tpu.memory_space<hbm>>
        tpu.wait_dma2 semaphore(%run_scoped3A_19 : memref<!tpu.dma_semaphore, #tpu.memory_space<semaphore_mem>>) src(%dma_wait3A_25 : memref<40x128xf32, #tpu.memory_space<hbm>>) dst(%arg7 : memref<40x128xf32, #tpu.memory_space<vmem>>)
        tpu.yield
      }) : () -> ()
      %run_scoped3A_18 = arith.constant 0 : i32
      "tpu.region"() ({
        %run_scoped3A_19 = tpu.sem_alloc : memref<!tpu.dma_semaphore, #tpu.memory_space<semaphore_mem>>
        %dma_start3A = arith.constant 0 : i32
        %dma_start3A_20 = tpu.memref_slice %arg6[%run_scoped3A_18, %dma_start3A] : memref<1x40xi32, #tpu.memory_space<vmem>> -> memref<1x40xi32, #tpu.memory_space<vmem>>
        %dma_start3A_21 = tpu.memref_squeeze %dma_start3A_20 : memref<1x40xi32, #tpu.memory_space<vmem>> -> memref<40xi32, #tpu.memory_space<vmem>>
        %dma_start3A_22 = arith.constant 0 : i32
        %dma_start3A_23 = arith.constant 0 : i32
        %dma_start3A_24 = tpu.memref_slice %arg8[%dma_start3A_22, %dma_start3A_23] : memref<10000x128xf32, #tpu.memory_space<vmem_shared>> -> memref<10000x128xf32, #tpu.memory_space<vmem_shared>>
        tpu.enqueue_indirect_dma source(%arg7 : memref<40x128xf32, #tpu.memory_space<vmem>>) target(%dma_start3A_24 : memref<10000x128xf32, #tpu.memory_space<vmem_shared>>) offsets(%dma_start3A_21 : memref<40xi32, #tpu.memory_space<vmem>>) semaphore(%run_scoped3A_19 : memref<!tpu.dma_semaphore, #tpu.memory_space<semaphore_mem>>) {add = true}
        %dma_wait3A = arith.constant 0 : i32
        %dma_wait3A_25 = tpu.memref_slice %arg6[%run_scoped3A_18, %dma_wait3A] : memref<1x40xi32, #tpu.memory_space<vmem>> -> memref<1x40xi32, #tpu.memory_space<vmem>>
        %dma_wait3A_26 = tpu.memref_squeeze %dma_wait3A_25 : memref<1x40xi32, #tpu.memory_space<vmem>> -> memref<40xi32, #tpu.memory_space<vmem>>
        %dma_wait3A_27 = arith.constant 0 : i32
        %dma_wait3A_28 = arith.constant 0 : i32
        %dma_wait3A_29 = tpu.memref_slice %arg8[%dma_wait3A_27, %dma_wait3A_28] : memref<10000x128xf32, #tpu.memory_space<vmem_shared>> -> memref<10000x128xf32, #tpu.memory_space<vmem_shared>>
        tpu.wait_indirect_dma semaphore(%run_scoped3A_19 : memref<!tpu.dma_semaphore, #tpu.memory_space<semaphore_mem>>) src(%arg7 : memref<40x128xf32, #tpu.memory_space<vmem>>) dst(%dma_wait3A_29 : memref<10000x128xf32, #tpu.memory_space<vmem_shared>>)
        tpu.yield
      }) : () -> ()
    }
    %scan3A_8 = arith.constant 125 : i32
    %barrier3A_9 = arith.constant 0 : index
    tpu.barrier barrier_id(%barrier3A_9)
    "tpu.region"() ({
      %run_scoped3A = tpu.sem_alloc : memref<!tpu.dma_semaphore, #tpu.memory_space<semaphore_mem>>
      %dma_start3A = arith.constant 0 : i32
      %dma_start3A_10 = tpu.memref_slice %arg5[%arg0, %mul3A_2, %dma_start3A] : memref<2x10000x128xf32, #tpu.memory_space<hbm>> -> memref<1x640x128xf32, #tpu.memory_space<hbm>>
      %dma_start3A_11 = tpu.memref_squeeze %dma_start3A_10 : memref<1x640x128xf32, #tpu.memory_space<hbm>> -> memref<640x128xf32, #tpu.memory_space<hbm>>
      %dma_start3A_12 = arith.constant 0 : i32
      %dma_start3A_13 = tpu.memref_slice %arg8[%mul3A_2, %dma_start3A_12] : memref<10000x128xf32, #tpu.memory_space<vmem_shared>> -> memref<640x128xf32, #tpu.memory_space<vmem_shared>>
      tpu.enqueue_dma source(%dma_start3A_13 : memref<640x128xf32, #tpu.memory_space<vmem_shared>>) target(%dma_start3A_11 : memref<640x128xf32, #tpu.memory_space<hbm>>) target_semaphore(%run_scoped3A : memref<!tpu.dma_semaphore, #tpu.memory_space<semaphore_mem>>)
      %dma_wait3A = arith.constant 0 : i32
      %dma_wait3A_14 = tpu.memref_slice %arg5[%arg0, %mul3A_2, %dma_wait3A] : memref<2x10000x128xf32, #tpu.memory_space<hbm>> -> memref<1x640x128xf32, #tpu.memory_space<hbm>>
      %dma_wait3A_15 = tpu.memref_squeeze %dma_wait3A_14 : memref<1x640x128xf32, #tpu.memory_space<hbm>> -> memref<640x128xf32, #tpu.memory_space<hbm>>
      %dma_wait3A_16 = arith.constant 0 : i32
      %dma_wait3A_17 = tpu.memref_slice %arg8[%mul3A_2, %dma_wait3A_16] : memref<10000x128xf32, #tpu.memory_space<vmem_shared>> -> memref<640x128xf32, #tpu.memory_space<vmem_shared>>
      tpu.wait_dma2 semaphore(%run_scoped3A : memref<!tpu.dma_semaphore, #tpu.memory_space<semaphore_mem>>) src(%dma_wait3A_17 : memref<640x128xf32, #tpu.memory_space<vmem_shared>>) dst(%dma_wait3A_15 : memref<640x128xf32, #tpu.memory_space<hbm>>)
      tpu.yield
    }) : () -> ()
    return
  }
}

#map = affine_map<(d0, d1) -> (0, 0)>
#map1 = affine_map<(d0, d1) -> (0)>
#map2 = affine_map<(d0, d1) -> (0, 0, 0)>
module attributes {stable_mosaic.version = 14 : i64} {
  func.func @k(%arg0: i32, %arg1: i32, %arg2: memref<160000x128xf32, #tpu.memory_space<hbm>>, %arg3: memref<160000xi32, #tpu.memory_space<hbm>>, %arg4: memref<10000x128xf32, #tpu.memory_space<hbm>>, %arg5: memref<2x10000x128xf32, #tpu.memory_space<hbm>>, %arg6: memref<1x40xi32, #tpu.memory_space<vmem>>, %arg7: memref<40x128xf32, #tpu.memory_space<vmem>>, %arg8: memref<10000x128xf32, #tpu.memory_space<vmem_shared>>) attributes {dimension_semantics = [#tpu.dimension_semantics<core_parallel>, #tpu.dimension_semantics<subcore_parallel>], iteration_bounds = array<i64: 2, 16>, scalar_prefetch = 0 : i64, scratch_operands = 3 : i64, tpu.core_type = #tpu.core_type<sc_vector_subcore>, window_params = [{transform_indices = #map}, {transform_indices = #map1}, {transform_indices = #map}, {transform_indices = #map2}]} {
    %mul3A = arith.constant 2 : i32
    %mul3A_0 = arith.muli %arg1, %mul3A : i32
    %add3A = arith.addi %mul3A_0, %arg0 : i32
    %mul3A_1 = arith.constant 624 : i32
    %mul3A_2 = arith.muli %arg1, %mul3A_1 : i32
    "tpu.region"() ({
      %run_scoped3A = tpu.sem_alloc : memref<!tpu.dma_semaphore, #tpu.memory_space<semaphore_mem>>
      %dma_start3A = arith.constant 0 : i32
      %dma_start3A_10 = tpu.memref_slice %arg8[%mul3A_2, %dma_start3A] : memref<10000x128xf32, #tpu.memory_space<vmem_shared>> -> memref<640x128xf32, #tpu.memory_space<vmem_shared>>
      %dma_start3A_11 = arith.constant 0 : i32
      %dma_start3A_12 = tpu.memref_slice %arg4[%mul3A_2, %dma_start3A_11] : memref<10000x128xf32, #tpu.memory_space<hbm>> -> memref<640x128xf32, #tpu.memory_space<hbm>>
      tpu.enqueue_dma source(%dma_start3A_12 : memref<640x128xf32, #tpu.memory_space<hbm>>) target(%dma_start3A_10 : memref<640x128xf32, #tpu.memory_space<vmem_shared>>) target_semaphore(%run_scoped3A : memref<!tpu.dma_semaphore, #tpu.memory_space<semaphore_mem>>)
      %dma_wait3A = arith.constant 0 : i32
      %dma_wait3A_13 = tpu.memref_slice %arg8[%mul3A_2, %dma_wait3A] : memref<10000x128xf32, #tpu.memory_space<vmem_shared>> -> memref<640x128xf32, #tpu.memory_space<vmem_shared>>
      %dma_wait3A_14 = arith.constant 0 : i32
      %dma_wait3A_15 = tpu.memref_slice %arg4[%mul3A_2, %dma_wait3A_14] : memref<10000x128xf32, #tpu.memory_space<hbm>> -> memref<640x128xf32, #tpu.memory_space<hbm>>
      tpu.wait_dma2 semaphore(%run_scoped3A : memref<!tpu.dma_semaphore, #tpu.memory_space<semaphore_mem>>) src(%dma_wait3A_15 : memref<640x128xf32, #tpu.memory_space<hbm>>) dst(%dma_wait3A_13 : memref<640x128xf32, #tpu.memory_space<vmem_shared>>)
      tpu.yield
    }) : () -> ()
    %barrier3A = arith.constant 0 : index
    tpu.barrier barrier_id(%barrier3A)
    %mul3A_3 = arith.constant 5000 : i32
    %mul3A_4 = arith.muli %add3A, %mul3A_3 : i32
    %scan3A = arith.constant 0 : i32
    %scan3A_5 = arith.constant 125 : i32
    %scan3A_6 = arith.addi %scan3A, %scan3A_5 : i32
    %scan3A_7 = arith.constant 1 : i32
    scf.for %scan3A_10 = %scan3A to %scan3A_6 step %scan3A_7  : i32 {
      %mul3A_11 = arith.constant 1 : i32
      %mul3A_12 = arith.muli %scan3A_10, %mul3A_11 : i32
      %add3A_13 = arith.constant 0 : i32
      %add3A_14 = arith.addi %add3A_13, %mul3A_12 : i32
      %mul3A_15 = arith.constant 40 : i32
      %mul3A_16 = arith.muli %add3A_14, %mul3A_15 : i32
      %add3A_17 = arith.addi %mul3A_4, %mul3A_16 : i32
      %run_scoped3A = arith.constant 0 : i32
      "tpu.region"() ({
        %run_scoped3A_19 = tpu.sem_alloc : memref<!tpu.dma_semaphore, #tpu.memory_space<semaphore_mem>>
        %dma_start3A = arith.constant 0 : i32
        %dma_start3A_20 = tpu.memref_slice %arg6[%run_scoped3A, %dma_start3A] : memref<1x40xi32, #tpu.memory_space<vmem>> -> memref<1x40xi32, #tpu.memory_space<vmem>>
        %dma_start3A_21 = tpu.memref_squeeze %dma_start3A_20 : memref<1x40xi32, #tpu.memory_space<vmem>> -> memref<40xi32, #tpu.memory_space<vmem>>
        %dma_start3A_22 = tpu.memref_slice %arg3[%add3A_17] : memref<160000xi32, #tpu.memory_space<hbm>> -> memref<40xi32, #tpu.memory_space<hbm>>
        %dma_start3A_23 = arith.constant 0 : i32
        %dma_start3A_24 = tpu.memref_slice %arg6[%run_scoped3A, %dma_start3A_23] : memref<1x40xi32, #tpu.memory_space<vmem>> -> memref<1x40xi32, #tpu.memory_space<vmem>>
        %dma_start3A_25 = tpu.memref_squeeze %dma_start3A_24 : memref<1x40xi32, #tpu.memory_space<vmem>> -> memref<40xi32, #tpu.memory_space<vmem>>
        %dma_start3A_26 = tpu.memref_slice %arg3[%add3A_17] : memref<160000xi32, #tpu.memory_space<hbm>> -> memref<40xi32, #tpu.memory_space<hbm>>
        tpu.enqueue_dma source(%dma_start3A_26 : memref<40xi32, #tpu.memory_space<hbm>>) target(%dma_start3A_25 : memref<40xi32, #tpu.memory_space<vmem>>) target_semaphore(%run_scoped3A_19 : memref<!tpu.dma_semaphore, #tpu.memory_space<semaphore_mem>>)
        %dma_wait3A = arith.constant 0 : i32
        %dma_wait3A_27 = tpu.memref_slice %arg6[%run_scoped3A, %dma_wait3A] : memref<1x40xi32, #tpu.memory_space<vmem>> -> memref<1x40xi32, #tpu.memory_space<vmem>>
        %dma_wait3A_28 = tpu.memref_squeeze %dma_wait3A_27 : memref<1x40xi32, #tpu.memory_space<vmem>> -> memref<40xi32, #tpu.memory_space<vmem>>
        %dma_wait3A_29 = tpu.memref_slice %arg3[%add3A_17] : memref<160000xi32, #tpu.memory_space<hbm>> -> memref<40xi32, #tpu.memory_space<hbm>>
        %dma_wait3A_30 = arith.constant 0 : i32
        %dma_wait3A_31 = tpu.memref_slice %arg6[%run_scoped3A, %dma_wait3A_30] : memref<1x40xi32, #tpu.memory_space<vmem>> -> memref<1x40xi32, #tpu.memory_space<vmem>>
        %dma_wait3A_32 = tpu.memref_squeeze %dma_wait3A_31 : memref<1x40xi32, #tpu.memory_space<vmem>> -> memref<40xi32, #tpu.memory_space<vmem>>
        %dma_wait3A_33 = tpu.memref_slice %arg3[%add3A_17] : memref<160000xi32, #tpu.memory_space<hbm>> -> memref<40xi32, #tpu.memory_space<hbm>>
        tpu.wait_dma2 semaphore(%run_scoped3A_19 : memref<!tpu.dma_semaphore, #tpu.memory_space<semaphore_mem>>) src(%dma_wait3A_33 : memref<40xi32, #tpu.memory_space<hbm>>) dst(%dma_wait3A_32 : memref<40xi32, #tpu.memory_space<vmem>>)
        tpu.yield
      }) : () -> ()
      "tpu.region"() ({
        %run_scoped3A_19 = tpu.sem_alloc : memref<!tpu.dma_semaphore, #tpu.memory_space<semaphore_mem>>
        %dma_start3A = arith.constant 0 : i32
        %dma_start3A_20 = tpu.memref_slice %arg2[%add3A_17, %dma_start3A] : memref<160000x128xf32, #tpu.memory_space<hbm>> -> memref<40x128xf32, #tpu.memory_space<hbm>>
        %dma_start3A_21 = arith.constant 0 : i32
        %dma_start3A_22 = tpu.memref_slice %arg2[%add3A_17, %dma_start3A_21] : memref<160000x128xf32, #tpu.memory_space<hbm>> -> memref<40x128xf32, #tpu.memory_space<hbm>>
        tpu.enqueue_dma source(%dma_start3A_22 : memref<40x128xf32, #tpu.memory_space<hbm>>) target(%arg7 : memref<40x128xf32, #tpu.memory_space<vmem>>) target_semaphore(%run_scoped3A_19 : memref<!tpu.dma_semaphore, #tpu.memory_space<semaphore_mem>>)
        %dma_wait3A = arith.constant 0 : i32
        %dma_wait3A_23 = tpu.memref_slice %arg2[%add3A_17, %dma_wait3A] : memref<160000x128xf32, #tpu.memory_space<hbm>> -> memref<40x128xf32, #tpu.memory_space<hbm>>
        %dma_wait3A_24 = arith.constant 0 : i32
        %dma_wait3A_25 = tpu.memref_slice %arg2[%add3A_17, %dma_wait3A_24] : memref<160000x128xf32, #tpu.memory_space<hbm>> -> memref<40x128xf32, #tpu.memory_space<hbm>>
        tpu.wait_dma2 semaphore(%run_scoped3A_19 : memref<!tpu.dma_semaphore, #tpu.memory_space<semaphore_mem>>) src(%dma_wait3A_25 : memref<40x128xf32, #tpu.memory_space<hbm>>) dst(%arg7 : memref<40x128xf32, #tpu.memory_space<vmem>>)
        tpu.yield
      }) : () -> ()
      %run_scoped3A_18 = arith.constant 0 : i32
      "tpu.region"() ({
        %run_scoped3A_19 = tpu.sem_alloc : memref<!tpu.dma_semaphore, #tpu.memory_space<semaphore_mem>>
        %dma_start3A = arith.constant 0 : i32
        %dma_start3A_20 = tpu.memref_slice %arg6[%run_scoped3A_18, %dma_start3A] : memref<1x40xi32, #tpu.memory_space<vmem>> -> memref<1x40xi32, #tpu.memory_space<vmem>>
        %dma_start3A_21 = tpu.memref_squeeze %dma_start3A_20 : memref<1x40xi32, #tpu.memory_space<vmem>> -> memref<40xi32, #tpu.memory_space<vmem>>
        %dma_start3A_22 = arith.constant 0 : i32
        %dma_start3A_23 = arith.constant 0 : i32
        %dma_start3A_24 = tpu.memref_slice %arg8[%dma_start3A_22, %dma_start3A_23] : memref<10000x128xf32, #tpu.memory_space<vmem_shared>> -> memref<10000x128xf32, #tpu.memory_space<vmem_shared>>
        tpu.enqueue_indirect_dma source(%arg7 : memref<40x128xf32, #tpu.memory_space<vmem>>) target(%dma_start3A_24 : memref<10000x128xf32, #tpu.memory_space<vmem_shared>>) offsets(%dma_start3A_21 : memref<40xi32, #tpu.memory_space<vmem>>) semaphore(%run_scoped3A_19 : memref<!tpu.dma_semaphore, #tpu.memory_space<semaphore_mem>>) {add = true}
        %dma_wait3A = arith.constant 0 : i32
        %dma_wait3A_25 = tpu.memref_slice %arg6[%run_scoped3A_18, %dma_wait3A] : memref<1x40xi32, #tpu.memory_space<vmem>> -> memref<1x40xi32, #tpu.memory_space<vmem>>
        %dma_wait3A_26 = tpu.memref_squeeze %dma_wait3A_25 : memref<1x40xi32, #tpu.memory_space<vmem>> -> memref<40xi32, #tpu.memory_space<vmem>>
        %dma_wait3A_27 = arith.constant 0 : i32
        %dma_wait3A_28 = arith.constant 0 : i32
        %dma_wait3A_29 = tpu.memref_slice %arg8[%dma_wait3A_27, %dma_wait3A_28] : memref<10000x128xf32, #tpu.memory_space<vmem_shared>> -> memref<10000x128xf32, #tpu.memory_space<vmem_shared>>
        tpu.wait_indirect_dma semaphore(%run_scoped3A_19 : memref<!tpu.dma_semaphore, #tpu.memory_space<semaphore_mem>>) src(%arg7 : memref<40x128xf32, #tpu.memory_space<vmem>>) dst(%dma_wait3A_29 : memref<10000x128xf32, #tpu.memory_space<vmem_shared>>)
        tpu.yield
      }) : () -> ()
    }
    %scan3A_8 = arith.constant 125 : i32
    %barrier3A_9 = arith.constant 0 : index
    tpu.barrier barrier_id(%barrier3A_9)
    "tpu.region"() ({
      %run_scoped3A = tpu.sem_alloc : memref<!tpu.dma_semaphore, #tpu.memory_space<semaphore_mem>>
      %dma_start3A = arith.constant 0 : i32
      %dma_start3A_10 = tpu.memref_slice %arg5[%arg0, %mul3A_2, %dma_start3A] : memref<2x10000x128xf32, #tpu.memory_space<hbm>> -> memref<1x640x128xf32, #tpu.memory_space<hbm>>
      %dma_start3A_11 = tpu.memref_squeeze %dma_start3A_10 : memref<1x640x128xf32, #tpu.memory_space<hbm>> -> memref<640x128xf32, #tpu.memory_space<hbm>>
      %dma_start3A_12 = arith.constant 0 : i32
      %dma_start3A_13 = tpu.memref_slice %arg8[%mul3A_2, %dma_start3A_12] : memref<10000x128xf32, #tpu.memory_space<vmem_shared>> -> memref<640x128xf32, #tpu.memory_space<vmem_shared>>
      tpu.enqueue_dma source(%dma_start3A_13 : memref<640x128xf32, #tpu.memory_space<vmem_shared>>) target(%dma_start3A_11 : memref<640x128xf32, #tpu.memory_space<hbm>>) target_semaphore(%run_scoped3A : memref<!tpu.dma_semaphore, #tpu.memory_space<semaphore_mem>>)
      %dma_wait3A = arith.constant 0 : i32
      %dma_wait3A_14 = tpu.memref_slice %arg5[%arg0, %mul3A_2, %dma_wait3A] : memref<2x10000x128xf32, #tpu.memory_space<hbm>> -> memref<1x640x128xf32, #tpu.memory_space<hbm>>
      %dma_wait3A_15 = tpu.memref_squeeze %dma_wait3A_14 : memref<1x640x128xf32, #tpu.memory_space<hbm>> -> memref<640x128xf32, #tpu.memory_space<hbm>>
      %dma_wait3A_16 = arith.constant 0 : i32
      %dma_wait3A_17 = tpu.memref_slice %arg8[%mul3A_2, %dma_wait3A_16] : memref<10000x128xf32, #tpu.memory_space<vmem_shared>> -> memref<640x128xf32, #tpu.memory_space<vmem_shared>>
      tpu.wait_dma2 semaphore(%run_scoped3A : memref<!tpu.dma_semaphore, #tpu.memory_space<semaphore_mem>>) src(%dma_wait3A_17 : memref<640x128xf32, #tpu.memory_space<vmem_shared>>) dst(%dma_wait3A_15 : memref<640x128xf32, #tpu.memory_space<hbm>>)
      tpu.yield
    }) : () -> ()
    return
  }
}

#map = affine_map<(d0, d1) -> (0, 0)>
#map1 = affine_map<(d0, d1) -> (0)>
#map2 = affine_map<(d0, d1) -> (0, 0, 0)>
module attributes {stable_mosaic.version = 14 : i64} {
  func.func @k(%arg0: i32, %arg1: i32, %arg2: memref<160000x128xf32, #tpu.memory_space<hbm>>, %arg3: memref<160000xi32, #tpu.memory_space<hbm>>, %arg4: memref<10000x128xf32, #tpu.memory_space<hbm>>, %arg5: memref<2x10000x128xf32, #tpu.memory_space<hbm>>, %arg6: memref<1x40xi32, #tpu.memory_space<vmem>>, %arg7: memref<40x128xf32, #tpu.memory_space<vmem>>, %arg8: memref<10000x128xf32, #tpu.memory_space<vmem_shared>>) attributes {dimension_semantics = [#tpu.dimension_semantics<core_parallel>, #tpu.dimension_semantics<subcore_parallel>], iteration_bounds = array<i64: 2, 16>, scalar_prefetch = 0 : i64, scratch_operands = 3 : i64, tpu.core_type = #tpu.core_type<sc_vector_subcore>, window_params = [{transform_indices = #map}, {transform_indices = #map1}, {transform_indices = #map}, {transform_indices = #map2}]} {
    %mul3A = arith.constant 2 : i32
    %mul3A_0 = arith.muli %arg1, %mul3A : i32
    %add3A = arith.addi %mul3A_0, %arg0 : i32
    %mul3A_1 = arith.constant 624 : i32
    %mul3A_2 = arith.muli %arg1, %mul3A_1 : i32
    "tpu.region"() ({
      %run_scoped3A = tpu.sem_alloc : memref<!tpu.dma_semaphore, #tpu.memory_space<semaphore_mem>>
      %dma_start3A = arith.constant 0 : i32
      %dma_start3A_10 = tpu.memref_slice %arg8[%mul3A_2, %dma_start3A] : memref<10000x128xf32, #tpu.memory_space<vmem_shared>> -> memref<640x128xf32, #tpu.memory_space<vmem_shared>>
      %dma_start3A_11 = arith.constant 0 : i32
      %dma_start3A_12 = tpu.memref_slice %arg4[%mul3A_2, %dma_start3A_11] : memref<10000x128xf32, #tpu.memory_space<hbm>> -> memref<640x128xf32, #tpu.memory_space<hbm>>
      tpu.enqueue_dma source(%dma_start3A_12 : memref<640x128xf32, #tpu.memory_space<hbm>>) target(%dma_start3A_10 : memref<640x128xf32, #tpu.memory_space<vmem_shared>>) target_semaphore(%run_scoped3A : memref<!tpu.dma_semaphore, #tpu.memory_space<semaphore_mem>>)
      %dma_wait3A = arith.constant 0 : i32
      %dma_wait3A_13 = tpu.memref_slice %arg8[%mul3A_2, %dma_wait3A] : memref<10000x128xf32, #tpu.memory_space<vmem_shared>> -> memref<640x128xf32, #tpu.memory_space<vmem_shared>>
      %dma_wait3A_14 = arith.constant 0 : i32
      %dma_wait3A_15 = tpu.memref_slice %arg4[%mul3A_2, %dma_wait3A_14] : memref<10000x128xf32, #tpu.memory_space<hbm>> -> memref<640x128xf32, #tpu.memory_space<hbm>>
      tpu.wait_dma2 semaphore(%run_scoped3A : memref<!tpu.dma_semaphore, #tpu.memory_space<semaphore_mem>>) src(%dma_wait3A_15 : memref<640x128xf32, #tpu.memory_space<hbm>>) dst(%dma_wait3A_13 : memref<640x128xf32, #tpu.memory_space<vmem_shared>>)
      tpu.yield
    }) : () -> ()
    %barrier3A = arith.constant 0 : index
    tpu.barrier barrier_id(%barrier3A)
    %mul3A_3 = arith.constant 5000 : i32
    %mul3A_4 = arith.muli %add3A, %mul3A_3 : i32
    %scan3A = arith.constant 0 : i32
    %scan3A_5 = arith.constant 125 : i32
    %scan3A_6 = arith.addi %scan3A, %scan3A_5 : i32
    %scan3A_7 = arith.constant 1 : i32
    scf.for %scan3A_10 = %scan3A to %scan3A_6 step %scan3A_7  : i32 {
      %mul3A_11 = arith.constant 1 : i32
      %mul3A_12 = arith.muli %scan3A_10, %mul3A_11 : i32
      %add3A_13 = arith.constant 0 : i32
      %add3A_14 = arith.addi %add3A_13, %mul3A_12 : i32
      %mul3A_15 = arith.constant 40 : i32
      %mul3A_16 = arith.muli %add3A_14, %mul3A_15 : i32
      %add3A_17 = arith.addi %mul3A_4, %mul3A_16 : i32
      %run_scoped3A = arith.constant 0 : i32
      "tpu.region"() ({
        %run_scoped3A_19 = tpu.sem_alloc : memref<!tpu.dma_semaphore, #tpu.memory_space<semaphore_mem>>
        %dma_start3A = arith.constant 0 : i32
        %dma_start3A_20 = tpu.memref_slice %arg6[%run_scoped3A, %dma_start3A] : memref<1x40xi32, #tpu.memory_space<vmem>> -> memref<1x40xi32, #tpu.memory_space<vmem>>
        %dma_start3A_21 = tpu.memref_squeeze %dma_start3A_20 : memref<1x40xi32, #tpu.memory_space<vmem>> -> memref<40xi32, #tpu.memory_space<vmem>>
        %dma_start3A_22 = tpu.memref_slice %arg3[%add3A_17] : memref<160000xi32, #tpu.memory_space<hbm>> -> memref<40xi32, #tpu.memory_space<hbm>>
        %dma_start3A_23 = arith.constant 0 : i32
        %dma_start3A_24 = tpu.memref_slice %arg6[%run_scoped3A, %dma_start3A_23] : memref<1x40xi32, #tpu.memory_space<vmem>> -> memref<1x40xi32, #tpu.memory_space<vmem>>
        %dma_start3A_25 = tpu.memref_squeeze %dma_start3A_24 : memref<1x40xi32, #tpu.memory_space<vmem>> -> memref<40xi32, #tpu.memory_space<vmem>>
        %dma_start3A_26 = tpu.memref_slice %arg3[%add3A_17] : memref<160000xi32, #tpu.memory_space<hbm>> -> memref<40xi32, #tpu.memory_space<hbm>>
        tpu.enqueue_dma source(%dma_start3A_26 : memref<40xi32, #tpu.memory_space<hbm>>) target(%dma_start3A_25 : memref<40xi32, #tpu.memory_space<vmem>>) target_semaphore(%run_scoped3A_19 : memref<!tpu.dma_semaphore, #tpu.memory_space<semaphore_mem>>)
        %dma_wait3A = arith.constant 0 : i32
        %dma_wait3A_27 = tpu.memref_slice %arg6[%run_scoped3A, %dma_wait3A] : memref<1x40xi32, #tpu.memory_space<vmem>> -> memref<1x40xi32, #tpu.memory_space<vmem>>
        %dma_wait3A_28 = tpu.memref_squeeze %dma_wait3A_27 : memref<1x40xi32, #tpu.memory_space<vmem>> -> memref<40xi32, #tpu.memory_space<vmem>>
        %dma_wait3A_29 = tpu.memref_slice %arg3[%add3A_17] : memref<160000xi32, #tpu.memory_space<hbm>> -> memref<40xi32, #tpu.memory_space<hbm>>
        %dma_wait3A_30 = arith.constant 0 : i32
        %dma_wait3A_31 = tpu.memref_slice %arg6[%run_scoped3A, %dma_wait3A_30] : memref<1x40xi32, #tpu.memory_space<vmem>> -> memref<1x40xi32, #tpu.memory_space<vmem>>
        %dma_wait3A_32 = tpu.memref_squeeze %dma_wait3A_31 : memref<1x40xi32, #tpu.memory_space<vmem>> -> memref<40xi32, #tpu.memory_space<vmem>>
        %dma_wait3A_33 = tpu.memref_slice %arg3[%add3A_17] : memref<160000xi32, #tpu.memory_space<hbm>> -> memref<40xi32, #tpu.memory_space<hbm>>
        tpu.wait_dma2 semaphore(%run_scoped3A_19 : memref<!tpu.dma_semaphore, #tpu.memory_space<semaphore_mem>>) src(%dma_wait3A_33 : memref<40xi32, #tpu.memory_space<hbm>>) dst(%dma_wait3A_32 : memref<40xi32, #tpu.memory_space<vmem>>)
        tpu.yield
      }) : () -> ()
      "tpu.region"() ({
        %run_scoped3A_19 = tpu.sem_alloc : memref<!tpu.dma_semaphore, #tpu.memory_space<semaphore_mem>>
        %dma_start3A = arith.constant 0 : i32
        %dma_start3A_20 = tpu.memref_slice %arg2[%add3A_17, %dma_start3A] : memref<160000x128xf32, #tpu.memory_space<hbm>> -> memref<40x128xf32, #tpu.memory_space<hbm>>
        %dma_start3A_21 = arith.constant 0 : i32
        %dma_start3A_22 = tpu.memref_slice %arg2[%add3A_17, %dma_start3A_21] : memref<160000x128xf32, #tpu.memory_space<hbm>> -> memref<40x128xf32, #tpu.memory_space<hbm>>
        tpu.enqueue_dma source(%dma_start3A_22 : memref<40x128xf32, #tpu.memory_space<hbm>>) target(%arg7 : memref<40x128xf32, #tpu.memory_space<vmem>>) target_semaphore(%run_scoped3A_19 : memref<!tpu.dma_semaphore, #tpu.memory_space<semaphore_mem>>)
        %dma_wait3A = arith.constant 0 : i32
        %dma_wait3A_23 = tpu.memref_slice %arg2[%add3A_17, %dma_wait3A] : memref<160000x128xf32, #tpu.memory_space<hbm>> -> memref<40x128xf32, #tpu.memory_space<hbm>>
        %dma_wait3A_24 = arith.constant 0 : i32
        %dma_wait3A_25 = tpu.memref_slice %arg2[%add3A_17, %dma_wait3A_24] : memref<160000x128xf32, #tpu.memory_space<hbm>> -> memref<40x128xf32, #tpu.memory_space<hbm>>
        tpu.wait_dma2 semaphore(%run_scoped3A_19 : memref<!tpu.dma_semaphore, #tpu.memory_space<semaphore_mem>>) src(%dma_wait3A_25 : memref<40x128xf32, #tpu.memory_space<hbm>>) dst(%arg7 : memref<40x128xf32, #tpu.memory_space<vmem>>)
        tpu.yield
      }) : () -> ()
      %run_scoped3A_18 = arith.constant 0 : i32
      "tpu.region"() ({
        %run_scoped3A_19 = tpu.sem_alloc : memref<!tpu.dma_semaphore, #tpu.memory_space<semaphore_mem>>
        %dma_start3A = arith.constant 0 : i32
        %dma_start3A_20 = tpu.memref_slice %arg6[%run_scoped3A_18, %dma_start3A] : memref<1x40xi32, #tpu.memory_space<vmem>> -> memref<1x40xi32, #tpu.memory_space<vmem>>
        %dma_start3A_21 = tpu.memref_squeeze %dma_start3A_20 : memref<1x40xi32, #tpu.memory_space<vmem>> -> memref<40xi32, #tpu.memory_space<vmem>>
        %dma_start3A_22 = arith.constant 0 : i32
        %dma_start3A_23 = arith.constant 0 : i32
        %dma_start3A_24 = tpu.memref_slice %arg8[%dma_start3A_22, %dma_start3A_23] : memref<10000x128xf32, #tpu.memory_space<vmem_shared>> -> memref<10000x128xf32, #tpu.memory_space<vmem_shared>>
        tpu.enqueue_indirect_dma source(%arg7 : memref<40x128xf32, #tpu.memory_space<vmem>>) target(%dma_start3A_24 : memref<10000x128xf32, #tpu.memory_space<vmem_shared>>) offsets(%dma_start3A_21 : memref<40xi32, #tpu.memory_space<vmem>>) semaphore(%run_scoped3A_19 : memref<!tpu.dma_semaphore, #tpu.memory_space<semaphore_mem>>) {add = true}
        %dma_wait3A = arith.constant 0 : i32
        %dma_wait3A_25 = tpu.memref_slice %arg6[%run_scoped3A_18, %dma_wait3A] : memref<1x40xi32, #tpu.memory_space<vmem>> -> memref<1x40xi32, #tpu.memory_space<vmem>>
        %dma_wait3A_26 = tpu.memref_squeeze %dma_wait3A_25 : memref<1x40xi32, #tpu.memory_space<vmem>> -> memref<40xi32, #tpu.memory_space<vmem>>
        %dma_wait3A_27 = arith.constant 0 : i32
        %dma_wait3A_28 = arith.constant 0 : i32
        %dma_wait3A_29 = tpu.memref_slice %arg8[%dma_wait3A_27, %dma_wait3A_28] : memref<10000x128xf32, #tpu.memory_space<vmem_shared>> -> memref<10000x128xf32, #tpu.memory_space<vmem_shared>>
        tpu.wait_indirect_dma semaphore(%run_scoped3A_19 : memref<!tpu.dma_semaphore, #tpu.memory_space<semaphore_mem>>) src(%arg7 : memref<40x128xf32, #tpu.memory_space<vmem>>) dst(%dma_wait3A_29 : memref<10000x128xf32, #tpu.memory_space<vmem_shared>>)
        tpu.yield
      }) : () -> ()
    }
    %scan3A_8 = arith.constant 125 : i32
    %barrier3A_9 = arith.constant 0 : index
    tpu.barrier barrier_id(%barrier3A_9)
    "tpu.region"() ({
      %run_scoped3A = tpu.sem_alloc : memref<!tpu.dma_semaphore, #tpu.memory_space<semaphore_mem>>
      %dma_start3A = arith.constant 0 : i32
      %dma_start3A_10 = tpu.memref_slice %arg5[%arg0, %mul3A_2, %dma_start3A] : memref<2x10000x128xf32, #tpu.memory_space<hbm>> -> memref<1x640x128xf32, #tpu.memory_space<hbm>>
      %dma_start3A_11 = tpu.memref_squeeze %dma_start3A_10 : memref<1x640x128xf32, #tpu.memory_space<hbm>> -> memref<640x128xf32, #tpu.memory_space<hbm>>
      %dma_start3A_12 = arith.constant 0 : i32
      %dma_start3A_13 = tpu.memref_slice %arg8[%mul3A_2, %dma_start3A_12] : memref<10000x128xf32, #tpu.memory_space<vmem_shared>> -> memref<640x128xf32, #tpu.memory_space<vmem_shared>>
      tpu.enqueue_dma source(%dma_start3A_13 : memref<640x128xf32, #tpu.memory_space<vmem_shared>>) target(%dma_start3A_11 : memref<640x128xf32, #tpu.memory_space<hbm>>) target_semaphore(%run_scoped3A : memref<!tpu.dma_semaphore, #tpu.memory_space<semaphore_mem>>)
      %dma_wait3A = arith.constant 0 : i32
      %dma_wait3A_14 = tpu.memref_slice %arg5[%arg0, %mul3A_2, %dma_wait3A] : memref<2x10000x128xf32, #tpu.memory_space<hbm>> -> memref<1x640x128xf32, #tpu.memory_space<hbm>>
      %dma_wait3A_15 = tpu.memref_squeeze %dma_wait3A_14 : memref<1x640x128xf32, #tpu.memory_space<hbm>> -> memref<640x128xf32, #tpu.memory_space<hbm>>
      %dma_wait3A_16 = arith.constant 0 : i32
      %dma_wait3A_17 = tpu.memref_slice %arg8[%mul3A_2, %dma_wait3A_16] : memref<10000x128xf32, #tpu.memory_space<vmem_shared>> -> memref<640x128xf32, #tpu.memory_space<vmem_shared>>
      tpu.wait_dma2 semaphore(%run_scoped3A : memref<!tpu.dma_semaphore, #tpu.memory_space<semaphore_mem>>) src(%dma_wait3A_17 : memref<640x128xf32, #tpu.memory_space<vmem_shared>>) dst(%dma_wait3A_15 : memref<640x128xf32, #tpu.memory_space<hbm>>)
      tpu.yield
    }) : () -> ()
    return
  }
}

#map = affine_map<(d0, d1) -> (0, 0)>
#map1 = affine_map<(d0, d1) -> (0)>
#map2 = affine_map<(d0, d1) -> (0, 0, 0)>
module attributes {stable_mosaic.version = 14 : i64} {
  func.func @k(%arg0: i32, %arg1: i32, %arg2: memref<160000x128xf32, #tpu.memory_space<hbm>>, %arg3: memref<160000xi32, #tpu.memory_space<hbm>>, %arg4: memref<10000x128xf32, #tpu.memory_space<hbm>>, %arg5: memref<2x10000x128xf32, #tpu.memory_space<hbm>>, %arg6: memref<1x40xi32, #tpu.memory_space<vmem>>, %arg7: memref<40x128xf32, #tpu.memory_space<vmem>>, %arg8: memref<10000x128xf32, #tpu.memory_space<vmem_shared>>) attributes {dimension_semantics = [#tpu.dimension_semantics<core_parallel>, #tpu.dimension_semantics<subcore_parallel>], iteration_bounds = array<i64: 2, 16>, scalar_prefetch = 0 : i64, scratch_operands = 3 : i64, tpu.core_type = #tpu.core_type<sc_vector_subcore>, window_params = [{transform_indices = #map}, {transform_indices = #map1}, {transform_indices = #map}, {transform_indices = #map2}]} {
    %mul3A = arith.constant 2 : i32
    %mul3A_0 = arith.muli %arg1, %mul3A : i32
    %add3A = arith.addi %mul3A_0, %arg0 : i32
    %mul3A_1 = arith.constant 624 : i32
    %mul3A_2 = arith.muli %arg1, %mul3A_1 : i32
    "tpu.region"() ({
      %run_scoped3A = tpu.sem_alloc : memref<!tpu.dma_semaphore, #tpu.memory_space<semaphore_mem>>
      %dma_start3A = arith.constant 0 : i32
      %dma_start3A_10 = tpu.memref_slice %arg8[%mul3A_2, %dma_start3A] : memref<10000x128xf32, #tpu.memory_space<vmem_shared>> -> memref<640x128xf32, #tpu.memory_space<vmem_shared>>
      %dma_start3A_11 = arith.constant 0 : i32
      %dma_start3A_12 = tpu.memref_slice %arg4[%mul3A_2, %dma_start3A_11] : memref<10000x128xf32, #tpu.memory_space<hbm>> -> memref<640x128xf32, #tpu.memory_space<hbm>>
      tpu.enqueue_dma source(%dma_start3A_12 : memref<640x128xf32, #tpu.memory_space<hbm>>) target(%dma_start3A_10 : memref<640x128xf32, #tpu.memory_space<vmem_shared>>) target_semaphore(%run_scoped3A : memref<!tpu.dma_semaphore, #tpu.memory_space<semaphore_mem>>)
      %dma_wait3A = arith.constant 0 : i32
      %dma_wait3A_13 = tpu.memref_slice %arg8[%mul3A_2, %dma_wait3A] : memref<10000x128xf32, #tpu.memory_space<vmem_shared>> -> memref<640x128xf32, #tpu.memory_space<vmem_shared>>
      %dma_wait3A_14 = arith.constant 0 : i32
      %dma_wait3A_15 = tpu.memref_slice %arg4[%mul3A_2, %dma_wait3A_14] : memref<10000x128xf32, #tpu.memory_space<hbm>> -> memref<640x128xf32, #tpu.memory_space<hbm>>
      tpu.wait_dma2 semaphore(%run_scoped3A : memref<!tpu.dma_semaphore, #tpu.memory_space<semaphore_mem>>) src(%dma_wait3A_15 : memref<640x128xf32, #tpu.memory_space<hbm>>) dst(%dma_wait3A_13 : memref<640x128xf32, #tpu.memory_space<vmem_shared>>)
      tpu.yield
    }) : () -> ()
    %barrier3A = arith.constant 0 : index
    tpu.barrier barrier_id(%barrier3A)
    %mul3A_3 = arith.constant 5000 : i32
    %mul3A_4 = arith.muli %add3A, %mul3A_3 : i32
    %scan3A = arith.constant 0 : i32
    %scan3A_5 = arith.constant 125 : i32
    %scan3A_6 = arith.addi %scan3A, %scan3A_5 : i32
    %scan3A_7 = arith.constant 1 : i32
    scf.for %scan3A_10 = %scan3A to %scan3A_6 step %scan3A_7  : i32 {
      %mul3A_11 = arith.constant 1 : i32
      %mul3A_12 = arith.muli %scan3A_10, %mul3A_11 : i32
      %add3A_13 = arith.constant 0 : i32
      %add3A_14 = arith.addi %add3A_13, %mul3A_12 : i32
      %mul3A_15 = arith.constant 40 : i32
      %mul3A_16 = arith.muli %add3A_14, %mul3A_15 : i32
      %add3A_17 = arith.addi %mul3A_4, %mul3A_16 : i32
      %run_scoped3A = arith.constant 0 : i32
      "tpu.region"() ({
        %run_scoped3A_19 = tpu.sem_alloc : memref<!tpu.dma_semaphore, #tpu.memory_space<semaphore_mem>>
        %dma_start3A = arith.constant 0 : i32
        %dma_start3A_20 = tpu.memref_slice %arg6[%run_scoped3A, %dma_start3A] : memref<1x40xi32, #tpu.memory_space<vmem>> -> memref<1x40xi32, #tpu.memory_space<vmem>>
        %dma_start3A_21 = tpu.memref_squeeze %dma_start3A_20 : memref<1x40xi32, #tpu.memory_space<vmem>> -> memref<40xi32, #tpu.memory_space<vmem>>
        %dma_start3A_22 = tpu.memref_slice %arg3[%add3A_17] : memref<160000xi32, #tpu.memory_space<hbm>> -> memref<40xi32, #tpu.memory_space<hbm>>
        %dma_start3A_23 = arith.constant 0 : i32
        %dma_start3A_24 = tpu.memref_slice %arg6[%run_scoped3A, %dma_start3A_23] : memref<1x40xi32, #tpu.memory_space<vmem>> -> memref<1x40xi32, #tpu.memory_space<vmem>>
        %dma_start3A_25 = tpu.memref_squeeze %dma_start3A_24 : memref<1x40xi32, #tpu.memory_space<vmem>> -> memref<40xi32, #tpu.memory_space<vmem>>
        %dma_start3A_26 = tpu.memref_slice %arg3[%add3A_17] : memref<160000xi32, #tpu.memory_space<hbm>> -> memref<40xi32, #tpu.memory_space<hbm>>
        tpu.enqueue_dma source(%dma_start3A_26 : memref<40xi32, #tpu.memory_space<hbm>>) target(%dma_start3A_25 : memref<40xi32, #tpu.memory_space<vmem>>) target_semaphore(%run_scoped3A_19 : memref<!tpu.dma_semaphore, #tpu.memory_space<semaphore_mem>>)
        %dma_wait3A = arith.constant 0 : i32
        %dma_wait3A_27 = tpu.memref_slice %arg6[%run_scoped3A, %dma_wait3A] : memref<1x40xi32, #tpu.memory_space<vmem>> -> memref<1x40xi32, #tpu.memory_space<vmem>>
        %dma_wait3A_28 = tpu.memref_squeeze %dma_wait3A_27 : memref<1x40xi32, #tpu.memory_space<vmem>> -> memref<40xi32, #tpu.memory_space<vmem>>
        %dma_wait3A_29 = tpu.memref_slice %arg3[%add3A_17] : memref<160000xi32, #tpu.memory_space<hbm>> -> memref<40xi32, #tpu.memory_space<hbm>>
        %dma_wait3A_30 = arith.constant 0 : i32
        %dma_wait3A_31 = tpu.memref_slice %arg6[%run_scoped3A, %dma_wait3A_30] : memref<1x40xi32, #tpu.memory_space<vmem>> -> memref<1x40xi32, #tpu.memory_space<vmem>>
        %dma_wait3A_32 = tpu.memref_squeeze %dma_wait3A_31 : memref<1x40xi32, #tpu.memory_space<vmem>> -> memref<40xi32, #tpu.memory_space<vmem>>
        %dma_wait3A_33 = tpu.memref_slice %arg3[%add3A_17] : memref<160000xi32, #tpu.memory_space<hbm>> -> memref<40xi32, #tpu.memory_space<hbm>>
        tpu.wait_dma2 semaphore(%run_scoped3A_19 : memref<!tpu.dma_semaphore, #tpu.memory_space<semaphore_mem>>) src(%dma_wait3A_33 : memref<40xi32, #tpu.memory_space<hbm>>) dst(%dma_wait3A_32 : memref<40xi32, #tpu.memory_space<vmem>>)
        tpu.yield
      }) : () -> ()
      "tpu.region"() ({
        %run_scoped3A_19 = tpu.sem_alloc : memref<!tpu.dma_semaphore, #tpu.memory_space<semaphore_mem>>
        %dma_start3A = arith.constant 0 : i32
        %dma_start3A_20 = tpu.memref_slice %arg2[%add3A_17, %dma_start3A] : memref<160000x128xf32, #tpu.memory_space<hbm>> -> memref<40x128xf32, #tpu.memory_space<hbm>>
        %dma_start3A_21 = arith.constant 0 : i32
        %dma_start3A_22 = tpu.memref_slice %arg2[%add3A_17, %dma_start3A_21] : memref<160000x128xf32, #tpu.memory_space<hbm>> -> memref<40x128xf32, #tpu.memory_space<hbm>>
        tpu.enqueue_dma source(%dma_start3A_22 : memref<40x128xf32, #tpu.memory_space<hbm>>) target(%arg7 : memref<40x128xf32, #tpu.memory_space<vmem>>) target_semaphore(%run_scoped3A_19 : memref<!tpu.dma_semaphore, #tpu.memory_space<semaphore_mem>>)
        %dma_wait3A = arith.constant 0 : i32
        %dma_wait3A_23 = tpu.memref_slice %arg2[%add3A_17, %dma_wait3A] : memref<160000x128xf32, #tpu.memory_space<hbm>> -> memref<40x128xf32, #tpu.memory_space<hbm>>
        %dma_wait3A_24 = arith.constant 0 : i32
        %dma_wait3A_25 = tpu.memref_slice %arg2[%add3A_17, %dma_wait3A_24] : memref<160000x128xf32, #tpu.memory_space<hbm>> -> memref<40x128xf32, #tpu.memory_space<hbm>>
        tpu.wait_dma2 semaphore(%run_scoped3A_19 : memref<!tpu.dma_semaphore, #tpu.memory_space<semaphore_mem>>) src(%dma_wait3A_25 : memref<40x128xf32, #tpu.memory_space<hbm>>) dst(%arg7 : memref<40x128xf32, #tpu.memory_space<vmem>>)
        tpu.yield
      }) : () -> ()
      %run_scoped3A_18 = arith.constant 0 : i32
      "tpu.region"() ({
        %run_scoped3A_19 = tpu.sem_alloc : memref<!tpu.dma_semaphore, #tpu.memory_space<semaphore_mem>>
        %dma_start3A = arith.constant 0 : i32
        %dma_start3A_20 = tpu.memref_slice %arg6[%run_scoped3A_18, %dma_start3A] : memref<1x40xi32, #tpu.memory_space<vmem>> -> memref<1x40xi32, #tpu.memory_space<vmem>>
        %dma_start3A_21 = tpu.memref_squeeze %dma_start3A_20 : memref<1x40xi32, #tpu.memory_space<vmem>> -> memref<40xi32, #tpu.memory_space<vmem>>
        %dma_start3A_22 = arith.constant 0 : i32
        %dma_start3A_23 = arith.constant 0 : i32
        %dma_start3A_24 = tpu.memref_slice %arg8[%dma_start3A_22, %dma_start3A_23] : memref<10000x128xf32, #tpu.memory_space<vmem_shared>> -> memref<10000x128xf32, #tpu.memory_space<vmem_shared>>
        tpu.enqueue_indirect_dma source(%arg7 : memref<40x128xf32, #tpu.memory_space<vmem>>) target(%dma_start3A_24 : memref<10000x128xf32, #tpu.memory_space<vmem_shared>>) offsets(%dma_start3A_21 : memref<40xi32, #tpu.memory_space<vmem>>) semaphore(%run_scoped3A_19 : memref<!tpu.dma_semaphore, #tpu.memory_space<semaphore_mem>>) {add = true}
        %dma_wait3A = arith.constant 0 : i32
        %dma_wait3A_25 = tpu.memref_slice %arg6[%run_scoped3A_18, %dma_wait3A] : memref<1x40xi32, #tpu.memory_space<vmem>> -> memref<1x40xi32, #tpu.memory_space<vmem>>
        %dma_wait3A_26 = tpu.memref_squeeze %dma_wait3A_25 : memref<1x40xi32, #tpu.memory_space<vmem>> -> memref<40xi32, #tpu.memory_space<vmem>>
        %dma_wait3A_27 = arith.constant 0 : i32
        %dma_wait3A_28 = arith.constant 0 : i32
        %dma_wait3A_29 = tpu.memref_slice %arg8[%dma_wait3A_27, %dma_wait3A_28] : memref<10000x128xf32, #tpu.memory_space<vmem_shared>> -> memref<10000x128xf32, #tpu.memory_space<vmem_shared>>
        tpu.wait_indirect_dma semaphore(%run_scoped3A_19 : memref<!tpu.dma_semaphore, #tpu.memory_space<semaphore_mem>>) src(%arg7 : memref<40x128xf32, #tpu.memory_space<vmem>>) dst(%dma_wait3A_29 : memref<10000x128xf32, #tpu.memory_space<vmem_shared>>)
        tpu.yield
      }) : () -> ()
    }
    %scan3A_8 = arith.constant 125 : i32
    %barrier3A_9 = arith.constant 0 : index
    tpu.barrier barrier_id(%barrier3A_9)
    "tpu.region"() ({
      %run_scoped3A = tpu.sem_alloc : memref<!tpu.dma_semaphore, #tpu.memory_space<semaphore_mem>>
      %dma_start3A = arith.constant 0 : i32
      %dma_start3A_10 = tpu.memref_slice %arg5[%arg0, %mul3A_2, %dma_start3A] : memref<2x10000x128xf32, #tpu.memory_space<hbm>> -> memref<1x640x128xf32, #tpu.memory_space<hbm>>
      %dma_start3A_11 = tpu.memref_squeeze %dma_start3A_10 : memref<1x640x128xf32, #tpu.memory_space<hbm>> -> memref<640x128xf32, #tpu.memory_space<hbm>>
      %dma_start3A_12 = arith.constant 0 : i32
      %dma_start3A_13 = tpu.memref_slice %arg8[%mul3A_2, %dma_start3A_12] : memref<10000x128xf32, #tpu.memory_space<vmem_shared>> -> memref<640x128xf32, #tpu.memory_space<vmem_shared>>
      tpu.enqueue_dma source(%dma_start3A_13 : memref<640x128xf32, #tpu.memory_space<vmem_shared>>) target(%dma_start3A_11 : memref<640x128xf32, #tpu.memory_space<hbm>>) target_semaphore(%run_scoped3A : memref<!tpu.dma_semaphore, #tpu.memory_space<semaphore_mem>>)
      %dma_wait3A = arith.constant 0 : i32
      %dma_wait3A_14 = tpu.memref_slice %arg5[%arg0, %mul3A_2, %dma_wait3A] : memref<2x10000x128xf32, #tpu.memory_space<hbm>> -> memref<1x640x128xf32, #tpu.memory_space<hbm>>
      %dma_wait3A_15 = tpu.memref_squeeze %dma_wait3A_14 : memref<1x640x128xf32, #tpu.memory_space<hbm>> -> memref<640x128xf32, #tpu.memory_space<hbm>>
      %dma_wait3A_16 = arith.constant 0 : i32
      %dma_wait3A_17 = tpu.memref_slice %arg8[%mul3A_2, %dma_wait3A_16] : memref<10000x128xf32, #tpu.memory_space<vmem_shared>> -> memref<640x128xf32, #tpu.memory_space<vmem_shared>>
      tpu.wait_dma2 semaphore(%run_scoped3A : memref<!tpu.dma_semaphore, #tpu.memory_space<semaphore_mem>>) src(%dma_wait3A_17 : memref<640x128xf32, #tpu.memory_space<vmem_shared>>) dst(%dma_wait3A_15 : memref<640x128xf32, #tpu.memory_space<hbm>>)
      tpu.yield
    }) : () -> ()
    return
  }
}

#map = affine_map<(d0, d1) -> (0, 0)>
#map1 = affine_map<(d0, d1) -> (0)>
module attributes {stable_mosaic.version = 14 : i64} {
  func.func @k(%arg0: i32, %arg1: i32, %arg2: memref<10000x128xf32, #tpu.memory_space<hbm>>, %arg3: memref<10000x256xf32, #tpu.memory_space<hbm>>, %arg4: memref<160000xi32, #tpu.memory_space<hbm>>, %arg5: memref<160000xi32, #tpu.memory_space<hbm>>, %arg6: memref<160000x128xf32, #tpu.memory_space<hbm>>, %arg7: memref<160000x256xf32, #tpu.memory_space<hbm>>, %arg8: memref<40xi32, #tpu.memory_space<vmem>>, %arg9: memref<40xi32, #tpu.memory_space<vmem>>, %arg10: memref<40x128xf32, #tpu.memory_space<vmem>>, %arg11: memref<40x256xf32, #tpu.memory_space<vmem>>) attributes {dimension_semantics = [#tpu.dimension_semantics<core_parallel>, #tpu.dimension_semantics<subcore_parallel>], iteration_bounds = array<i64: 2, 16>, scalar_prefetch = 0 : i64, scratch_operands = 4 : i64, tpu.core_type = #tpu.core_type<sc_vector_subcore>, window_params = [{transform_indices = #map}, {transform_indices = #map}, {transform_indices = #map1}, {transform_indices = #map1}, {transform_indices = #map}, {transform_indices = #map}]} {
    %mul3A = arith.constant 2 : i32
    %mul3A_0 = arith.muli %arg1, %mul3A : i32
    %add3A = arith.addi %mul3A_0, %arg0 : i32
    %mul3A_1 = arith.constant 5000 : i32
    %mul3A_2 = arith.muli %add3A, %mul3A_1 : i32
    %scan3A = arith.constant 0 : i32
    %scan3A_3 = arith.constant 125 : i32
    %scan3A_4 = arith.addi %scan3A, %scan3A_3 : i32
    %scan3A_5 = arith.constant 1 : i32
    scf.for %scan3A_7 = %scan3A to %scan3A_4 step %scan3A_5  : i32 {
      %mul3A_8 = arith.constant 1 : i32
      %mul3A_9 = arith.muli %scan3A_7, %mul3A_8 : i32
      %add3A_10 = arith.constant 0 : i32
      %add3A_11 = arith.addi %add3A_10, %mul3A_9 : i32
      %mul3A_12 = arith.constant 40 : i32
      %mul3A_13 = arith.muli %add3A_11, %mul3A_12 : i32
      %add3A_14 = arith.addi %mul3A_2, %mul3A_13 : i32
      "tpu.region"() ({
        %run_scoped3A = tpu.sem_alloc : memref<!tpu.dma_semaphore, #tpu.memory_space<semaphore_mem>>
        %dma_start3A = tpu.memref_slice %arg4[%add3A_14] : memref<160000xi32, #tpu.memory_space<hbm>> -> memref<40xi32, #tpu.memory_space<hbm>>
        %dma_start3A_15 = tpu.memref_slice %arg4[%add3A_14] : memref<160000xi32, #tpu.memory_space<hbm>> -> memref<40xi32, #tpu.memory_space<hbm>>
        tpu.enqueue_dma source(%dma_start3A_15 : memref<40xi32, #tpu.memory_space<hbm>>) target(%arg8 : memref<40xi32, #tpu.memory_space<vmem>>) target_semaphore(%run_scoped3A : memref<!tpu.dma_semaphore, #tpu.memory_space<semaphore_mem>>)
        %dma_wait3A = tpu.memref_slice %arg4[%add3A_14] : memref<160000xi32, #tpu.memory_space<hbm>> -> memref<40xi32, #tpu.memory_space<hbm>>
        %dma_wait3A_16 = tpu.memref_slice %arg4[%add3A_14] : memref<160000xi32, #tpu.memory_space<hbm>> -> memref<40xi32, #tpu.memory_space<hbm>>
        tpu.wait_dma2 semaphore(%run_scoped3A : memref<!tpu.dma_semaphore, #tpu.memory_space<semaphore_mem>>) src(%dma_wait3A_16 : memref<40xi32, #tpu.memory_space<hbm>>) dst(%arg8 : memref<40xi32, #tpu.memory_space<vmem>>)
        tpu.yield
      }) : () -> ()
      "tpu.region"() ({
        %run_scoped3A = tpu.sem_alloc : memref<!tpu.dma_semaphore, #tpu.memory_space<semaphore_mem>>
        %dma_start3A = tpu.memref_slice %arg5[%add3A_14] : memref<160000xi32, #tpu.memory_space<hbm>> -> memref<40xi32, #tpu.memory_space<hbm>>
        %dma_start3A_15 = tpu.memref_slice %arg5[%add3A_14] : memref<160000xi32, #tpu.memory_space<hbm>> -> memref<40xi32, #tpu.memory_space<hbm>>
        tpu.enqueue_dma source(%dma_start3A_15 : memref<40xi32, #tpu.memory_space<hbm>>) target(%arg9 : memref<40xi32, #tpu.memory_space<vmem>>) target_semaphore(%run_scoped3A : memref<!tpu.dma_semaphore, #tpu.memory_space<semaphore_mem>>)
        %dma_wait3A = tpu.memref_slice %arg5[%add3A_14] : memref<160000xi32, #tpu.memory_space<hbm>> -> memref<40xi32, #tpu.memory_space<hbm>>
        %dma_wait3A_16 = tpu.memref_slice %arg5[%add3A_14] : memref<160000xi32, #tpu.memory_space<hbm>> -> memref<40xi32, #tpu.memory_space<hbm>>
        tpu.wait_dma2 semaphore(%run_scoped3A : memref<!tpu.dma_semaphore, #tpu.memory_space<semaphore_mem>>) src(%dma_wait3A_16 : memref<40xi32, #tpu.memory_space<hbm>>) dst(%arg9 : memref<40xi32, #tpu.memory_space<vmem>>)
        tpu.yield
      }) : () -> ()
      "tpu.region"() ({
        %run_scoped3A = tpu.sem_alloc : memref<!tpu.dma_semaphore, #tpu.memory_space<semaphore_mem>>
        %dma_start3A = arith.constant 0 : i32
        %dma_start3A_15 = arith.constant 0 : i32
        %dma_start3A_16 = tpu.memref_slice %arg2[%dma_start3A, %dma_start3A_15] : memref<10000x128xf32, #tpu.memory_space<hbm>> -> memref<10000x128xf32, #tpu.memory_space<hbm>>
        tpu.enqueue_indirect_dma source(%dma_start3A_16 : memref<10000x128xf32, #tpu.memory_space<hbm>>) target(%arg10 : memref<40x128xf32, #tpu.memory_space<vmem>>) offsets(%arg8 : memref<40xi32, #tpu.memory_space<vmem>>) semaphore(%run_scoped3A : memref<!tpu.dma_semaphore, #tpu.memory_space<semaphore_mem>>)
        %dma_wait3A = arith.constant 0 : i32
        %dma_wait3A_17 = arith.constant 0 : i32
        %dma_wait3A_18 = tpu.memref_slice %arg2[%dma_wait3A, %dma_wait3A_17] : memref<10000x128xf32, #tpu.memory_space<hbm>> -> memref<10000x128xf32, #tpu.memory_space<hbm>>
        tpu.wait_indirect_dma semaphore(%run_scoped3A : memref<!tpu.dma_semaphore, #tpu.memory_space<semaphore_mem>>) src(%dma_wait3A_18 : memref<10000x128xf32, #tpu.memory_space<hbm>>) dst(%arg10 : memref<40x128xf32, #tpu.memory_space<vmem>>)
        tpu.yield
      }) : () -> ()
      "tpu.region"() ({
        %run_scoped3A = tpu.sem_alloc : memref<!tpu.dma_semaphore, #tpu.memory_space<semaphore_mem>>
        %dma_start3A = arith.constant 0 : i32
        %dma_start3A_15 = arith.constant 0 : i32
        %dma_start3A_16 = tpu.memref_slice %arg3[%dma_start3A, %dma_start3A_15] : memref<10000x256xf32, #tpu.memory_space<hbm>> -> memref<10000x256xf32, #tpu.memory_space<hbm>>
        tpu.enqueue_indirect_dma source(%dma_start3A_16 : memref<10000x256xf32, #tpu.memory_space<hbm>>) target(%arg11 : memref<40x256xf32, #tpu.memory_space<vmem>>) offsets(%arg9 : memref<40xi32, #tpu.memory_space<vmem>>) semaphore(%run_scoped3A : memref<!tpu.dma_semaphore, #tpu.memory_space<semaphore_mem>>)
        %dma_wait3A = arith.constant 0 : i32
        %dma_wait3A_17 = arith.constant 0 : i32
        %dma_wait3A_18 = tpu.memref_slice %arg3[%dma_wait3A, %dma_wait3A_17] : memref<10000x256xf32, #tpu.memory_space<hbm>> -> memref<10000x256xf32, #tpu.memory_space<hbm>>
        tpu.wait_indirect_dma semaphore(%run_scoped3A : memref<!tpu.dma_semaphore, #tpu.memory_space<semaphore_mem>>) src(%dma_wait3A_18 : memref<10000x256xf32, #tpu.memory_space<hbm>>) dst(%arg11 : memref<40x256xf32, #tpu.memory_space<vmem>>)
        tpu.yield
      }) : () -> ()
      "tpu.region"() ({
        %run_scoped3A = tpu.sem_alloc : memref<!tpu.dma_semaphore, #tpu.memory_space<semaphore_mem>>
        %dma_start3A = arith.constant 0 : i32
        %dma_start3A_15 = tpu.memref_slice %arg6[%add3A_14, %dma_start3A] : memref<160000x128xf32, #tpu.memory_space<hbm>> -> memref<40x128xf32, #tpu.memory_space<hbm>>
        %dma_start3A_16 = arith.constant 0 : i32
        %dma_start3A_17 = tpu.memref_slice %arg6[%add3A_14, %dma_start3A_16] : memref<160000x128xf32, #tpu.memory_space<hbm>> -> memref<40x128xf32, #tpu.memory_space<hbm>>
        tpu.enqueue_dma source(%arg10 : memref<40x128xf32, #tpu.memory_space<vmem>>) target(%dma_start3A_17 : memref<40x128xf32, #tpu.memory_space<hbm>>) target_semaphore(%run_scoped3A : memref<!tpu.dma_semaphore, #tpu.memory_space<semaphore_mem>>)
        %dma_wait3A = arith.constant 0 : i32
        %dma_wait3A_18 = tpu.memref_slice %arg6[%add3A_14, %dma_wait3A] : memref<160000x128xf32, #tpu.memory_space<hbm>> -> memref<40x128xf32, #tpu.memory_space<hbm>>
        %dma_wait3A_19 = arith.constant 0 : i32
        %dma_wait3A_20 = tpu.memref_slice %arg6[%add3A_14, %dma_wait3A_19] : memref<160000x128xf32, #tpu.memory_space<hbm>> -> memref<40x128xf32, #tpu.memory_space<hbm>>
        tpu.wait_dma2 semaphore(%run_scoped3A : memref<!tpu.dma_semaphore, #tpu.memory_space<semaphore_mem>>) src(%arg10 : memref<40x128xf32, #tpu.memory_space<vmem>>) dst(%dma_wait3A_20 : memref<40x128xf32, #tpu.memory_space<hbm>>)
        tpu.yield
      }) : () -> ()
      "tpu.region"() ({
        %run_scoped3A = tpu.sem_alloc : memref<!tpu.dma_semaphore, #tpu.memory_space<semaphore_mem>>
        %dma_start3A = arith.constant 0 : i32
        %dma_start3A_15 = tpu.memref_slice %arg7[%add3A_14, %dma_start3A] : memref<160000x256xf32, #tpu.memory_space<hbm>> -> memref<40x256xf32, #tpu.memory_space<hbm>>
        %dma_start3A_16 = arith.constant 0 : i32
        %dma_start3A_17 = tpu.memref_slice %arg7[%add3A_14, %dma_start3A_16] : memref<160000x256xf32, #tpu.memory_space<hbm>> -> memref<40x256xf32, #tpu.memory_space<hbm>>
        tpu.enqueue_dma source(%arg11 : memref<40x256xf32, #tpu.memory_space<vmem>>) target(%dma_start3A_17 : memref<40x256xf32, #tpu.memory_space<hbm>>) target_semaphore(%run_scoped3A : memref<!tpu.dma_semaphore, #tpu.memory_space<semaphore_mem>>)
        %dma_wait3A = arith.constant 0 : i32
        %dma_wait3A_18 = tpu.memref_slice %arg7[%add3A_14, %dma_wait3A] : memref<160000x256xf32, #tpu.memory_space<hbm>> -> memref<40x256xf32, #tpu.memory_space<hbm>>
        %dma_wait3A_19 = arith.constant 0 : i32
        %dma_wait3A_20 = tpu.memref_slice %arg7[%add3A_14, %dma_wait3A_19] : memref<160000x256xf32, #tpu.memory_space<hbm>> -> memref<40x256xf32, #tpu.memory_space<hbm>>
        tpu.wait_dma2 semaphore(%run_scoped3A : memref<!tpu.dma_semaphore, #tpu.memory_space<semaphore_mem>>) src(%arg11 : memref<40x256xf32, #tpu.memory_space<vmem>>) dst(%dma_wait3A_20 : memref<40x256xf32, #tpu.memory_space<hbm>>)
        tpu.yield
      }) : () -> ()
    }
    %scan3A_6 = arith.constant 125 : i32
    return
  }
}

#map = affine_map<(d0, d1) -> (0, 0)>
#map1 = affine_map<(d0, d1) -> (0)>
#map2 = affine_map<(d0, d1) -> (0, 0, 0)>
module attributes {stable_mosaic.version = 14 : i64} {
  func.func @k(%arg0: i32, %arg1: i32, %arg2: memref<160000x128xf32, #tpu.memory_space<hbm>>, %arg3: memref<160000xi32, #tpu.memory_space<hbm>>, %arg4: memref<10000x128xf32, #tpu.memory_space<hbm>>, %arg5: memref<2x10000x128xf32, #tpu.memory_space<hbm>>, %arg6: memref<1x40xi32, #tpu.memory_space<vmem>>, %arg7: memref<40x128xf32, #tpu.memory_space<vmem>>, %arg8: memref<10000x128xf32, #tpu.memory_space<vmem_shared>>) attributes {dimension_semantics = [#tpu.dimension_semantics<core_parallel>, #tpu.dimension_semantics<subcore_parallel>], iteration_bounds = array<i64: 2, 16>, scalar_prefetch = 0 : i64, scratch_operands = 3 : i64, tpu.core_type = #tpu.core_type<sc_vector_subcore>, window_params = [{transform_indices = #map}, {transform_indices = #map1}, {transform_indices = #map}, {transform_indices = #map2}]} {
    %mul3A = arith.constant 2 : i32
    %mul3A_0 = arith.muli %arg1, %mul3A : i32
    %add3A = arith.addi %mul3A_0, %arg0 : i32
    %mul3A_1 = arith.constant 624 : i32
    %mul3A_2 = arith.muli %arg1, %mul3A_1 : i32
    "tpu.region"() ({
      %run_scoped3A = tpu.sem_alloc : memref<!tpu.dma_semaphore, #tpu.memory_space<semaphore_mem>>
      %dma_start3A = arith.constant 0 : i32
      %dma_start3A_10 = tpu.memref_slice %arg8[%mul3A_2, %dma_start3A] : memref<10000x128xf32, #tpu.memory_space<vmem_shared>> -> memref<640x128xf32, #tpu.memory_space<vmem_shared>>
      %dma_start3A_11 = arith.constant 0 : i32
      %dma_start3A_12 = tpu.memref_slice %arg4[%mul3A_2, %dma_start3A_11] : memref<10000x128xf32, #tpu.memory_space<hbm>> -> memref<640x128xf32, #tpu.memory_space<hbm>>
      tpu.enqueue_dma source(%dma_start3A_12 : memref<640x128xf32, #tpu.memory_space<hbm>>) target(%dma_start3A_10 : memref<640x128xf32, #tpu.memory_space<vmem_shared>>) target_semaphore(%run_scoped3A : memref<!tpu.dma_semaphore, #tpu.memory_space<semaphore_mem>>)
      %dma_wait3A = arith.constant 0 : i32
      %dma_wait3A_13 = tpu.memref_slice %arg8[%mul3A_2, %dma_wait3A] : memref<10000x128xf32, #tpu.memory_space<vmem_shared>> -> memref<640x128xf32, #tpu.memory_space<vmem_shared>>
      %dma_wait3A_14 = arith.constant 0 : i32
      %dma_wait3A_15 = tpu.memref_slice %arg4[%mul3A_2, %dma_wait3A_14] : memref<10000x128xf32, #tpu.memory_space<hbm>> -> memref<640x128xf32, #tpu.memory_space<hbm>>
      tpu.wait_dma2 semaphore(%run_scoped3A : memref<!tpu.dma_semaphore, #tpu.memory_space<semaphore_mem>>) src(%dma_wait3A_15 : memref<640x128xf32, #tpu.memory_space<hbm>>) dst(%dma_wait3A_13 : memref<640x128xf32, #tpu.memory_space<vmem_shared>>)
      tpu.yield
    }) : () -> ()
    %barrier3A = arith.constant 0 : index
    tpu.barrier barrier_id(%barrier3A)
    %mul3A_3 = arith.constant 5000 : i32
    %mul3A_4 = arith.muli %add3A, %mul3A_3 : i32
    %scan3A = arith.constant 0 : i32
    %scan3A_5 = arith.constant 125 : i32
    %scan3A_6 = arith.addi %scan3A, %scan3A_5 : i32
    %scan3A_7 = arith.constant 1 : i32
    scf.for %scan3A_10 = %scan3A to %scan3A_6 step %scan3A_7  : i32 {
      %mul3A_11 = arith.constant 1 : i32
      %mul3A_12 = arith.muli %scan3A_10, %mul3A_11 : i32
      %add3A_13 = arith.constant 0 : i32
      %add3A_14 = arith.addi %add3A_13, %mul3A_12 : i32
      %mul3A_15 = arith.constant 40 : i32
      %mul3A_16 = arith.muli %add3A_14, %mul3A_15 : i32
      %add3A_17 = arith.addi %mul3A_4, %mul3A_16 : i32
      %run_scoped3A = arith.constant 0 : i32
      "tpu.region"() ({
        %run_scoped3A_19 = tpu.sem_alloc : memref<!tpu.dma_semaphore, #tpu.memory_space<semaphore_mem>>
        %dma_start3A = arith.constant 0 : i32
        %dma_start3A_20 = tpu.memref_slice %arg6[%run_scoped3A, %dma_start3A] : memref<1x40xi32, #tpu.memory_space<vmem>> -> memref<1x40xi32, #tpu.memory_space<vmem>>
        %dma_start3A_21 = tpu.memref_squeeze %dma_start3A_20 : memref<1x40xi32, #tpu.memory_space<vmem>> -> memref<40xi32, #tpu.memory_space<vmem>>
        %dma_start3A_22 = tpu.memref_slice %arg3[%add3A_17] : memref<160000xi32, #tpu.memory_space<hbm>> -> memref<40xi32, #tpu.memory_space<hbm>>
        %dma_start3A_23 = arith.constant 0 : i32
        %dma_start3A_24 = tpu.memref_slice %arg6[%run_scoped3A, %dma_start3A_23] : memref<1x40xi32, #tpu.memory_space<vmem>> -> memref<1x40xi32, #tpu.memory_space<vmem>>
        %dma_start3A_25 = tpu.memref_squeeze %dma_start3A_24 : memref<1x40xi32, #tpu.memory_space<vmem>> -> memref<40xi32, #tpu.memory_space<vmem>>
        %dma_start3A_26 = tpu.memref_slice %arg3[%add3A_17] : memref<160000xi32, #tpu.memory_space<hbm>> -> memref<40xi32, #tpu.memory_space<hbm>>
        tpu.enqueue_dma source(%dma_start3A_26 : memref<40xi32, #tpu.memory_space<hbm>>) target(%dma_start3A_25 : memref<40xi32, #tpu.memory_space<vmem>>) target_semaphore(%run_scoped3A_19 : memref<!tpu.dma_semaphore, #tpu.memory_space<semaphore_mem>>)
        %dma_wait3A = arith.constant 0 : i32
        %dma_wait3A_27 = tpu.memref_slice %arg6[%run_scoped3A, %dma_wait3A] : memref<1x40xi32, #tpu.memory_space<vmem>> -> memref<1x40xi32, #tpu.memory_space<vmem>>
        %dma_wait3A_28 = tpu.memref_squeeze %dma_wait3A_27 : memref<1x40xi32, #tpu.memory_space<vmem>> -> memref<40xi32, #tpu.memory_space<vmem>>
        %dma_wait3A_29 = tpu.memref_slice %arg3[%add3A_17] : memref<160000xi32, #tpu.memory_space<hbm>> -> memref<40xi32, #tpu.memory_space<hbm>>
        %dma_wait3A_30 = arith.constant 0 : i32
        %dma_wait3A_31 = tpu.memref_slice %arg6[%run_scoped3A, %dma_wait3A_30] : memref<1x40xi32, #tpu.memory_space<vmem>> -> memref<1x40xi32, #tpu.memory_space<vmem>>
        %dma_wait3A_32 = tpu.memref_squeeze %dma_wait3A_31 : memref<1x40xi32, #tpu.memory_space<vmem>> -> memref<40xi32, #tpu.memory_space<vmem>>
        %dma_wait3A_33 = tpu.memref_slice %arg3[%add3A_17] : memref<160000xi32, #tpu.memory_space<hbm>> -> memref<40xi32, #tpu.memory_space<hbm>>
        tpu.wait_dma2 semaphore(%run_scoped3A_19 : memref<!tpu.dma_semaphore, #tpu.memory_space<semaphore_mem>>) src(%dma_wait3A_33 : memref<40xi32, #tpu.memory_space<hbm>>) dst(%dma_wait3A_32 : memref<40xi32, #tpu.memory_space<vmem>>)
        tpu.yield
      }) : () -> ()
      "tpu.region"() ({
        %run_scoped3A_19 = tpu.sem_alloc : memref<!tpu.dma_semaphore, #tpu.memory_space<semaphore_mem>>
        %dma_start3A = arith.constant 0 : i32
        %dma_start3A_20 = tpu.memref_slice %arg2[%add3A_17, %dma_start3A] : memref<160000x128xf32, #tpu.memory_space<hbm>> -> memref<40x128xf32, #tpu.memory_space<hbm>>
        %dma_start3A_21 = arith.constant 0 : i32
        %dma_start3A_22 = tpu.memref_slice %arg2[%add3A_17, %dma_start3A_21] : memref<160000x128xf32, #tpu.memory_space<hbm>> -> memref<40x128xf32, #tpu.memory_space<hbm>>
        tpu.enqueue_dma source(%dma_start3A_22 : memref<40x128xf32, #tpu.memory_space<hbm>>) target(%arg7 : memref<40x128xf32, #tpu.memory_space<vmem>>) target_semaphore(%run_scoped3A_19 : memref<!tpu.dma_semaphore, #tpu.memory_space<semaphore_mem>>)
        %dma_wait3A = arith.constant 0 : i32
        %dma_wait3A_23 = tpu.memref_slice %arg2[%add3A_17, %dma_wait3A] : memref<160000x128xf32, #tpu.memory_space<hbm>> -> memref<40x128xf32, #tpu.memory_space<hbm>>
        %dma_wait3A_24 = arith.constant 0 : i32
        %dma_wait3A_25 = tpu.memref_slice %arg2[%add3A_17, %dma_wait3A_24] : memref<160000x128xf32, #tpu.memory_space<hbm>> -> memref<40x128xf32, #tpu.memory_space<hbm>>
        tpu.wait_dma2 semaphore(%run_scoped3A_19 : memref<!tpu.dma_semaphore, #tpu.memory_space<semaphore_mem>>) src(%dma_wait3A_25 : memref<40x128xf32, #tpu.memory_space<hbm>>) dst(%arg7 : memref<40x128xf32, #tpu.memory_space<vmem>>)
        tpu.yield
      }) : () -> ()
      %run_scoped3A_18 = arith.constant 0 : i32
      "tpu.region"() ({
        %run_scoped3A_19 = tpu.sem_alloc : memref<!tpu.dma_semaphore, #tpu.memory_space<semaphore_mem>>
        %dma_start3A = arith.constant 0 : i32
        %dma_start3A_20 = tpu.memref_slice %arg6[%run_scoped3A_18, %dma_start3A] : memref<1x40xi32, #tpu.memory_space<vmem>> -> memref<1x40xi32, #tpu.memory_space<vmem>>
        %dma_start3A_21 = tpu.memref_squeeze %dma_start3A_20 : memref<1x40xi32, #tpu.memory_space<vmem>> -> memref<40xi32, #tpu.memory_space<vmem>>
        %dma_start3A_22 = arith.constant 0 : i32
        %dma_start3A_23 = arith.constant 0 : i32
        %dma_start3A_24 = tpu.memref_slice %arg8[%dma_start3A_22, %dma_start3A_23] : memref<10000x128xf32, #tpu.memory_space<vmem_shared>> -> memref<10000x128xf32, #tpu.memory_space<vmem_shared>>
        tpu.enqueue_indirect_dma source(%arg7 : memref<40x128xf32, #tpu.memory_space<vmem>>) target(%dma_start3A_24 : memref<10000x128xf32, #tpu.memory_space<vmem_shared>>) offsets(%dma_start3A_21 : memref<40xi32, #tpu.memory_space<vmem>>) semaphore(%run_scoped3A_19 : memref<!tpu.dma_semaphore, #tpu.memory_space<semaphore_mem>>) {add = true}
        %dma_wait3A = arith.constant 0 : i32
        %dma_wait3A_25 = tpu.memref_slice %arg6[%run_scoped3A_18, %dma_wait3A] : memref<1x40xi32, #tpu.memory_space<vmem>> -> memref<1x40xi32, #tpu.memory_space<vmem>>
        %dma_wait3A_26 = tpu.memref_squeeze %dma_wait3A_25 : memref<1x40xi32, #tpu.memory_space<vmem>> -> memref<40xi32, #tpu.memory_space<vmem>>
        %dma_wait3A_27 = arith.constant 0 : i32
        %dma_wait3A_28 = arith.constant 0 : i32
        %dma_wait3A_29 = tpu.memref_slice %arg8[%dma_wait3A_27, %dma_wait3A_28] : memref<10000x128xf32, #tpu.memory_space<vmem_shared>> -> memref<10000x128xf32, #tpu.memory_space<vmem_shared>>
        tpu.wait_indirect_dma semaphore(%run_scoped3A_19 : memref<!tpu.dma_semaphore, #tpu.memory_space<semaphore_mem>>) src(%arg7 : memref<40x128xf32, #tpu.memory_space<vmem>>) dst(%dma_wait3A_29 : memref<10000x128xf32, #tpu.memory_space<vmem_shared>>)
        tpu.yield
      }) : () -> ()
    }
    %scan3A_8 = arith.constant 125 : i32
    %barrier3A_9 = arith.constant 0 : index
    tpu.barrier barrier_id(%barrier3A_9)
    "tpu.region"() ({
      %run_scoped3A = tpu.sem_alloc : memref<!tpu.dma_semaphore, #tpu.memory_space<semaphore_mem>>
      %dma_start3A = arith.constant 0 : i32
      %dma_start3A_10 = tpu.memref_slice %arg5[%arg0, %mul3A_2, %dma_start3A] : memref<2x10000x128xf32, #tpu.memory_space<hbm>> -> memref<1x640x128xf32, #tpu.memory_space<hbm>>
      %dma_start3A_11 = tpu.memref_squeeze %dma_start3A_10 : memref<1x640x128xf32, #tpu.memory_space<hbm>> -> memref<640x128xf32, #tpu.memory_space<hbm>>
      %dma_start3A_12 = arith.constant 0 : i32
      %dma_start3A_13 = tpu.memref_slice %arg8[%mul3A_2, %dma_start3A_12] : memref<10000x128xf32, #tpu.memory_space<vmem_shared>> -> memref<640x128xf32, #tpu.memory_space<vmem_shared>>
      tpu.enqueue_dma source(%dma_start3A_13 : memref<640x128xf32, #tpu.memory_space<vmem_shared>>) target(%dma_start3A_11 : memref<640x128xf32, #tpu.memory_space<hbm>>) target_semaphore(%run_scoped3A : memref<!tpu.dma_semaphore, #tpu.memory_space<semaphore_mem>>)
      %dma_wait3A = arith.constant 0 : i32
      %dma_wait3A_14 = tpu.memref_slice %arg5[%arg0, %mul3A_2, %dma_wait3A] : memref<2x10000x128xf32, #tpu.memory_space<hbm>> -> memref<1x640x128xf32, #tpu.memory_space<hbm>>
      %dma_wait3A_15 = tpu.memref_squeeze %dma_wait3A_14 : memref<1x640x128xf32, #tpu.memory_space<hbm>> -> memref<640x128xf32, #tpu.memory_space<hbm>>
      %dma_wait3A_16 = arith.constant 0 : i32
      %dma_wait3A_17 = tpu.memref_slice %arg8[%mul3A_2, %dma_wait3A_16] : memref<10000x128xf32, #tpu.memory_space<vmem_shared>> -> memref<640x128xf32, #tpu.memory_space<vmem_shared>>
      tpu.wait_dma2 semaphore(%run_scoped3A : memref<!tpu.dma_semaphore, #tpu.memory_space<semaphore_mem>>) src(%dma_wait3A_17 : memref<640x128xf32, #tpu.memory_space<vmem_shared>>) dst(%dma_wait3A_15 : memref<640x128xf32, #tpu.memory_space<hbm>>)
      tpu.yield
    }) : () -> ()
    return
  }
}

#map = affine_map<(d0, d1) -> (0, 0)>
#map1 = affine_map<(d0, d1) -> (0)>
#map2 = affine_map<(d0, d1) -> (0, 0, 0)>
module attributes {stable_mosaic.version = 14 : i64} {
  func.func @k(%arg0: i32, %arg1: i32, %arg2: memref<160000x128xf32, #tpu.memory_space<hbm>>, %arg3: memref<160000xi32, #tpu.memory_space<hbm>>, %arg4: memref<10000x128xf32, #tpu.memory_space<hbm>>, %arg5: memref<2x10000x128xf32, #tpu.memory_space<hbm>>, %arg6: memref<1x40xi32, #tpu.memory_space<vmem>>, %arg7: memref<40x128xf32, #tpu.memory_space<vmem>>, %arg8: memref<10000x128xf32, #tpu.memory_space<vmem_shared>>) attributes {dimension_semantics = [#tpu.dimension_semantics<core_parallel>, #tpu.dimension_semantics<subcore_parallel>], iteration_bounds = array<i64: 2, 16>, scalar_prefetch = 0 : i64, scratch_operands = 3 : i64, tpu.core_type = #tpu.core_type<sc_vector_subcore>, window_params = [{transform_indices = #map}, {transform_indices = #map1}, {transform_indices = #map}, {transform_indices = #map2}]} {
    %mul3A = arith.constant 2 : i32
    %mul3A_0 = arith.muli %arg1, %mul3A : i32
    %add3A = arith.addi %mul3A_0, %arg0 : i32
    %mul3A_1 = arith.constant 624 : i32
    %mul3A_2 = arith.muli %arg1, %mul3A_1 : i32
    "tpu.region"() ({
      %run_scoped3A = tpu.sem_alloc : memref<!tpu.dma_semaphore, #tpu.memory_space<semaphore_mem>>
      %dma_start3A = arith.constant 0 : i32
      %dma_start3A_10 = tpu.memref_slice %arg8[%mul3A_2, %dma_start3A] : memref<10000x128xf32, #tpu.memory_space<vmem_shared>> -> memref<640x128xf32, #tpu.memory_space<vmem_shared>>
      %dma_start3A_11 = arith.constant 0 : i32
      %dma_start3A_12 = tpu.memref_slice %arg4[%mul3A_2, %dma_start3A_11] : memref<10000x128xf32, #tpu.memory_space<hbm>> -> memref<640x128xf32, #tpu.memory_space<hbm>>
      tpu.enqueue_dma source(%dma_start3A_12 : memref<640x128xf32, #tpu.memory_space<hbm>>) target(%dma_start3A_10 : memref<640x128xf32, #tpu.memory_space<vmem_shared>>) target_semaphore(%run_scoped3A : memref<!tpu.dma_semaphore, #tpu.memory_space<semaphore_mem>>)
      %dma_wait3A = arith.constant 0 : i32
      %dma_wait3A_13 = tpu.memref_slice %arg8[%mul3A_2, %dma_wait3A] : memref<10000x128xf32, #tpu.memory_space<vmem_shared>> -> memref<640x128xf32, #tpu.memory_space<vmem_shared>>
      %dma_wait3A_14 = arith.constant 0 : i32
      %dma_wait3A_15 = tpu.memref_slice %arg4[%mul3A_2, %dma_wait3A_14] : memref<10000x128xf32, #tpu.memory_space<hbm>> -> memref<640x128xf32, #tpu.memory_space<hbm>>
      tpu.wait_dma2 semaphore(%run_scoped3A : memref<!tpu.dma_semaphore, #tpu.memory_space<semaphore_mem>>) src(%dma_wait3A_15 : memref<640x128xf32, #tpu.memory_space<hbm>>) dst(%dma_wait3A_13 : memref<640x128xf32, #tpu.memory_space<vmem_shared>>)
      tpu.yield
    }) : () -> ()
    %barrier3A = arith.constant 0 : index
    tpu.barrier barrier_id(%barrier3A)
    %mul3A_3 = arith.constant 5000 : i32
    %mul3A_4 = arith.muli %add3A, %mul3A_3 : i32
    %scan3A = arith.constant 0 : i32
    %scan3A_5 = arith.constant 125 : i32
    %scan3A_6 = arith.addi %scan3A, %scan3A_5 : i32
    %scan3A_7 = arith.constant 1 : i32
    scf.for %scan3A_10 = %scan3A to %scan3A_6 step %scan3A_7  : i32 {
      %mul3A_11 = arith.constant 1 : i32
      %mul3A_12 = arith.muli %scan3A_10, %mul3A_11 : i32
      %add3A_13 = arith.constant 0 : i32
      %add3A_14 = arith.addi %add3A_13, %mul3A_12 : i32
      %mul3A_15 = arith.constant 40 : i32
      %mul3A_16 = arith.muli %add3A_14, %mul3A_15 : i32
      %add3A_17 = arith.addi %mul3A_4, %mul3A_16 : i32
      %run_scoped3A = arith.constant 0 : i32
      "tpu.region"() ({
        %run_scoped3A_19 = tpu.sem_alloc : memref<!tpu.dma_semaphore, #tpu.memory_space<semaphore_mem>>
        %dma_start3A = arith.constant 0 : i32
        %dma_start3A_20 = tpu.memref_slice %arg6[%run_scoped3A, %dma_start3A] : memref<1x40xi32, #tpu.memory_space<vmem>> -> memref<1x40xi32, #tpu.memory_space<vmem>>
        %dma_start3A_21 = tpu.memref_squeeze %dma_start3A_20 : memref<1x40xi32, #tpu.memory_space<vmem>> -> memref<40xi32, #tpu.memory_space<vmem>>
        %dma_start3A_22 = tpu.memref_slice %arg3[%add3A_17] : memref<160000xi32, #tpu.memory_space<hbm>> -> memref<40xi32, #tpu.memory_space<hbm>>
        %dma_start3A_23 = arith.constant 0 : i32
        %dma_start3A_24 = tpu.memref_slice %arg6[%run_scoped3A, %dma_start3A_23] : memref<1x40xi32, #tpu.memory_space<vmem>> -> memref<1x40xi32, #tpu.memory_space<vmem>>
        %dma_start3A_25 = tpu.memref_squeeze %dma_start3A_24 : memref<1x40xi32, #tpu.memory_space<vmem>> -> memref<40xi32, #tpu.memory_space<vmem>>
        %dma_start3A_26 = tpu.memref_slice %arg3[%add3A_17] : memref<160000xi32, #tpu.memory_space<hbm>> -> memref<40xi32, #tpu.memory_space<hbm>>
        tpu.enqueue_dma source(%dma_start3A_26 : memref<40xi32, #tpu.memory_space<hbm>>) target(%dma_start3A_25 : memref<40xi32, #tpu.memory_space<vmem>>) target_semaphore(%run_scoped3A_19 : memref<!tpu.dma_semaphore, #tpu.memory_space<semaphore_mem>>)
        %dma_wait3A = arith.constant 0 : i32
        %dma_wait3A_27 = tpu.memref_slice %arg6[%run_scoped3A, %dma_wait3A] : memref<1x40xi32, #tpu.memory_space<vmem>> -> memref<1x40xi32, #tpu.memory_space<vmem>>
        %dma_wait3A_28 = tpu.memref_squeeze %dma_wait3A_27 : memref<1x40xi32, #tpu.memory_space<vmem>> -> memref<40xi32, #tpu.memory_space<vmem>>
        %dma_wait3A_29 = tpu.memref_slice %arg3[%add3A_17] : memref<160000xi32, #tpu.memory_space<hbm>> -> memref<40xi32, #tpu.memory_space<hbm>>
        %dma_wait3A_30 = arith.constant 0 : i32
        %dma_wait3A_31 = tpu.memref_slice %arg6[%run_scoped3A, %dma_wait3A_30] : memref<1x40xi32, #tpu.memory_space<vmem>> -> memref<1x40xi32, #tpu.memory_space<vmem>>
        %dma_wait3A_32 = tpu.memref_squeeze %dma_wait3A_31 : memref<1x40xi32, #tpu.memory_space<vmem>> -> memref<40xi32, #tpu.memory_space<vmem>>
        %dma_wait3A_33 = tpu.memref_slice %arg3[%add3A_17] : memref<160000xi32, #tpu.memory_space<hbm>> -> memref<40xi32, #tpu.memory_space<hbm>>
        tpu.wait_dma2 semaphore(%run_scoped3A_19 : memref<!tpu.dma_semaphore, #tpu.memory_space<semaphore_mem>>) src(%dma_wait3A_33 : memref<40xi32, #tpu.memory_space<hbm>>) dst(%dma_wait3A_32 : memref<40xi32, #tpu.memory_space<vmem>>)
        tpu.yield
      }) : () -> ()
      "tpu.region"() ({
        %run_scoped3A_19 = tpu.sem_alloc : memref<!tpu.dma_semaphore, #tpu.memory_space<semaphore_mem>>
        %dma_start3A = arith.constant 0 : i32
        %dma_start3A_20 = tpu.memref_slice %arg2[%add3A_17, %dma_start3A] : memref<160000x128xf32, #tpu.memory_space<hbm>> -> memref<40x128xf32, #tpu.memory_space<hbm>>
        %dma_start3A_21 = arith.constant 0 : i32
        %dma_start3A_22 = tpu.memref_slice %arg2[%add3A_17, %dma_start3A_21] : memref<160000x128xf32, #tpu.memory_space<hbm>> -> memref<40x128xf32, #tpu.memory_space<hbm>>
        tpu.enqueue_dma source(%dma_start3A_22 : memref<40x128xf32, #tpu.memory_space<hbm>>) target(%arg7 : memref<40x128xf32, #tpu.memory_space<vmem>>) target_semaphore(%run_scoped3A_19 : memref<!tpu.dma_semaphore, #tpu.memory_space<semaphore_mem>>)
        %dma_wait3A = arith.constant 0 : i32
        %dma_wait3A_23 = tpu.memref_slice %arg2[%add3A_17, %dma_wait3A] : memref<160000x128xf32, #tpu.memory_space<hbm>> -> memref<40x128xf32, #tpu.memory_space<hbm>>
        %dma_wait3A_24 = arith.constant 0 : i32
        %dma_wait3A_25 = tpu.memref_slice %arg2[%add3A_17, %dma_wait3A_24] : memref<160000x128xf32, #tpu.memory_space<hbm>> -> memref<40x128xf32, #tpu.memory_space<hbm>>
        tpu.wait_dma2 semaphore(%run_scoped3A_19 : memref<!tpu.dma_semaphore, #tpu.memory_space<semaphore_mem>>) src(%dma_wait3A_25 : memref<40x128xf32, #tpu.memory_space<hbm>>) dst(%arg7 : memref<40x128xf32, #tpu.memory_space<vmem>>)
        tpu.yield
      }) : () -> ()
      %run_scoped3A_18 = arith.constant 0 : i32
      "tpu.region"() ({
        %run_scoped3A_19 = tpu.sem_alloc : memref<!tpu.dma_semaphore, #tpu.memory_space<semaphore_mem>>
        %dma_start3A = arith.constant 0 : i32
        %dma_start3A_20 = tpu.memref_slice %arg6[%run_scoped3A_18, %dma_start3A] : memref<1x40xi32, #tpu.memory_space<vmem>> -> memref<1x40xi32, #tpu.memory_space<vmem>>
        %dma_start3A_21 = tpu.memref_squeeze %dma_start3A_20 : memref<1x40xi32, #tpu.memory_space<vmem>> -> memref<40xi32, #tpu.memory_space<vmem>>
        %dma_start3A_22 = arith.constant 0 : i32
        %dma_start3A_23 = arith.constant 0 : i32
        %dma_start3A_24 = tpu.memref_slice %arg8[%dma_start3A_22, %dma_start3A_23] : memref<10000x128xf32, #tpu.memory_space<vmem_shared>> -> memref<10000x128xf32, #tpu.memory_space<vmem_shared>>
        tpu.enqueue_indirect_dma source(%arg7 : memref<40x128xf32, #tpu.memory_space<vmem>>) target(%dma_start3A_24 : memref<10000x128xf32, #tpu.memory_space<vmem_shared>>) offsets(%dma_start3A_21 : memref<40xi32, #tpu.memory_space<vmem>>) semaphore(%run_scoped3A_19 : memref<!tpu.dma_semaphore, #tpu.memory_space<semaphore_mem>>) {add = true}
        %dma_wait3A = arith.constant 0 : i32
        %dma_wait3A_25 = tpu.memref_slice %arg6[%run_scoped3A_18, %dma_wait3A] : memref<1x40xi32, #tpu.memory_space<vmem>> -> memref<1x40xi32, #tpu.memory_space<vmem>>
        %dma_wait3A_26 = tpu.memref_squeeze %dma_wait3A_25 : memref<1x40xi32, #tpu.memory_space<vmem>> -> memref<40xi32, #tpu.memory_space<vmem>>
        %dma_wait3A_27 = arith.constant 0 : i32
        %dma_wait3A_28 = arith.constant 0 : i32
        %dma_wait3A_29 = tpu.memref_slice %arg8[%dma_wait3A_27, %dma_wait3A_28] : memref<10000x128xf32, #tpu.memory_space<vmem_shared>> -> memref<10000x128xf32, #tpu.memory_space<vmem_shared>>
        tpu.wait_indirect_dma semaphore(%run_scoped3A_19 : memref<!tpu.dma_semaphore, #tpu.memory_space<semaphore_mem>>) src(%arg7 : memref<40x128xf32, #tpu.memory_space<vmem>>) dst(%dma_wait3A_29 : memref<10000x128xf32, #tpu.memory_space<vmem_shared>>)
        tpu.yield
      }) : () -> ()
    }
    %scan3A_8 = arith.constant 125 : i32
    %barrier3A_9 = arith.constant 0 : index
    tpu.barrier barrier_id(%barrier3A_9)
    "tpu.region"() ({
      %run_scoped3A = tpu.sem_alloc : memref<!tpu.dma_semaphore, #tpu.memory_space<semaphore_mem>>
      %dma_start3A = arith.constant 0 : i32
      %dma_start3A_10 = tpu.memref_slice %arg5[%arg0, %mul3A_2, %dma_start3A] : memref<2x10000x128xf32, #tpu.memory_space<hbm>> -> memref<1x640x128xf32, #tpu.memory_space<hbm>>
      %dma_start3A_11 = tpu.memref_squeeze %dma_start3A_10 : memref<1x640x128xf32, #tpu.memory_space<hbm>> -> memref<640x128xf32, #tpu.memory_space<hbm>>
      %dma_start3A_12 = arith.constant 0 : i32
      %dma_start3A_13 = tpu.memref_slice %arg8[%mul3A_2, %dma_start3A_12] : memref<10000x128xf32, #tpu.memory_space<vmem_shared>> -> memref<640x128xf32, #tpu.memory_space<vmem_shared>>
      tpu.enqueue_dma source(%dma_start3A_13 : memref<640x128xf32, #tpu.memory_space<vmem_shared>>) target(%dma_start3A_11 : memref<640x128xf32, #tpu.memory_space<hbm>>) target_semaphore(%run_scoped3A : memref<!tpu.dma_semaphore, #tpu.memory_space<semaphore_mem>>)
      %dma_wait3A = arith.constant 0 : i32
      %dma_wait3A_14 = tpu.memref_slice %arg5[%arg0, %mul3A_2, %dma_wait3A] : memref<2x10000x128xf32, #tpu.memory_space<hbm>> -> memref<1x640x128xf32, #tpu.memory_space<hbm>>
      %dma_wait3A_15 = tpu.memref_squeeze %dma_wait3A_14 : memref<1x640x128xf32, #tpu.memory_space<hbm>> -> memref<640x128xf32, #tpu.memory_space<hbm>>
      %dma_wait3A_16 = arith.constant 0 : i32
      %dma_wait3A_17 = tpu.memref_slice %arg8[%mul3A_2, %dma_wait3A_16] : memref<10000x128xf32, #tpu.memory_space<vmem_shared>> -> memref<640x128xf32, #tpu.memory_space<vmem_shared>>
      tpu.wait_dma2 semaphore(%run_scoped3A : memref<!tpu.dma_semaphore, #tpu.memory_space<semaphore_mem>>) src(%dma_wait3A_17 : memref<640x128xf32, #tpu.memory_space<vmem_shared>>) dst(%dma_wait3A_15 : memref<640x128xf32, #tpu.memory_space<hbm>>)
      tpu.yield
    }) : () -> ()
    return
  }
}

#map = affine_map<(d0, d1) -> (0, 0)>
#map1 = affine_map<(d0, d1) -> (0)>
module attributes {stable_mosaic.version = 14 : i64} {
  func.func @k(%arg0: i32, %arg1: i32, %arg2: memref<10000x128xf32, #tpu.memory_space<hbm>>, %arg3: memref<10000x256xf32, #tpu.memory_space<hbm>>, %arg4: memref<160000xi32, #tpu.memory_space<hbm>>, %arg5: memref<160000xi32, #tpu.memory_space<hbm>>, %arg6: memref<160000x128xf32, #tpu.memory_space<hbm>>, %arg7: memref<160000x256xf32, #tpu.memory_space<hbm>>, %arg8: memref<40xi32, #tpu.memory_space<vmem>>, %arg9: memref<40xi32, #tpu.memory_space<vmem>>, %arg10: memref<40x128xf32, #tpu.memory_space<vmem>>, %arg11: memref<40x256xf32, #tpu.memory_space<vmem>>) attributes {dimension_semantics = [#tpu.dimension_semantics<core_parallel>, #tpu.dimension_semantics<subcore_parallel>], iteration_bounds = array<i64: 2, 16>, scalar_prefetch = 0 : i64, scratch_operands = 4 : i64, tpu.core_type = #tpu.core_type<sc_vector_subcore>, window_params = [{transform_indices = #map}, {transform_indices = #map}, {transform_indices = #map1}, {transform_indices = #map1}, {transform_indices = #map}, {transform_indices = #map}]} {
    %mul3A = arith.constant 2 : i32
    %mul3A_0 = arith.muli %arg1, %mul3A : i32
    %add3A = arith.addi %mul3A_0, %arg0 : i32
    %mul3A_1 = arith.constant 5000 : i32
    %mul3A_2 = arith.muli %add3A, %mul3A_1 : i32
    %scan3A = arith.constant 0 : i32
    %scan3A_3 = arith.constant 125 : i32
    %scan3A_4 = arith.addi %scan3A, %scan3A_3 : i32
    %scan3A_5 = arith.constant 1 : i32
    scf.for %scan3A_7 = %scan3A to %scan3A_4 step %scan3A_5  : i32 {
      %mul3A_8 = arith.constant 1 : i32
      %mul3A_9 = arith.muli %scan3A_7, %mul3A_8 : i32
      %add3A_10 = arith.constant 0 : i32
      %add3A_11 = arith.addi %add3A_10, %mul3A_9 : i32
      %mul3A_12 = arith.constant 40 : i32
      %mul3A_13 = arith.muli %add3A_11, %mul3A_12 : i32
      %add3A_14 = arith.addi %mul3A_2, %mul3A_13 : i32
      "tpu.region"() ({
        %run_scoped3A = tpu.sem_alloc : memref<!tpu.dma_semaphore, #tpu.memory_space<semaphore_mem>>
        %dma_start3A = tpu.memref_slice %arg4[%add3A_14] : memref<160000xi32, #tpu.memory_space<hbm>> -> memref<40xi32, #tpu.memory_space<hbm>>
        %dma_start3A_15 = tpu.memref_slice %arg4[%add3A_14] : memref<160000xi32, #tpu.memory_space<hbm>> -> memref<40xi32, #tpu.memory_space<hbm>>
        tpu.enqueue_dma source(%dma_start3A_15 : memref<40xi32, #tpu.memory_space<hbm>>) target(%arg8 : memref<40xi32, #tpu.memory_space<vmem>>) target_semaphore(%run_scoped3A : memref<!tpu.dma_semaphore, #tpu.memory_space<semaphore_mem>>)
        %dma_wait3A = tpu.memref_slice %arg4[%add3A_14] : memref<160000xi32, #tpu.memory_space<hbm>> -> memref<40xi32, #tpu.memory_space<hbm>>
        %dma_wait3A_16 = tpu.memref_slice %arg4[%add3A_14] : memref<160000xi32, #tpu.memory_space<hbm>> -> memref<40xi32, #tpu.memory_space<hbm>>
        tpu.wait_dma2 semaphore(%run_scoped3A : memref<!tpu.dma_semaphore, #tpu.memory_space<semaphore_mem>>) src(%dma_wait3A_16 : memref<40xi32, #tpu.memory_space<hbm>>) dst(%arg8 : memref<40xi32, #tpu.memory_space<vmem>>)
        tpu.yield
      }) : () -> ()
      "tpu.region"() ({
        %run_scoped3A = tpu.sem_alloc : memref<!tpu.dma_semaphore, #tpu.memory_space<semaphore_mem>>
        %dma_start3A = tpu.memref_slice %arg5[%add3A_14] : memref<160000xi32, #tpu.memory_space<hbm>> -> memref<40xi32, #tpu.memory_space<hbm>>
        %dma_start3A_15 = tpu.memref_slice %arg5[%add3A_14] : memref<160000xi32, #tpu.memory_space<hbm>> -> memref<40xi32, #tpu.memory_space<hbm>>
        tpu.enqueue_dma source(%dma_start3A_15 : memref<40xi32, #tpu.memory_space<hbm>>) target(%arg9 : memref<40xi32, #tpu.memory_space<vmem>>) target_semaphore(%run_scoped3A : memref<!tpu.dma_semaphore, #tpu.memory_space<semaphore_mem>>)
        %dma_wait3A = tpu.memref_slice %arg5[%add3A_14] : memref<160000xi32, #tpu.memory_space<hbm>> -> memref<40xi32, #tpu.memory_space<hbm>>
        %dma_wait3A_16 = tpu.memref_slice %arg5[%add3A_14] : memref<160000xi32, #tpu.memory_space<hbm>> -> memref<40xi32, #tpu.memory_space<hbm>>
        tpu.wait_dma2 semaphore(%run_scoped3A : memref<!tpu.dma_semaphore, #tpu.memory_space<semaphore_mem>>) src(%dma_wait3A_16 : memref<40xi32, #tpu.memory_space<hbm>>) dst(%arg9 : memref<40xi32, #tpu.memory_space<vmem>>)
        tpu.yield
      }) : () -> ()
      "tpu.region"() ({
        %run_scoped3A = tpu.sem_alloc : memref<!tpu.dma_semaphore, #tpu.memory_space<semaphore_mem>>
        %dma_start3A = arith.constant 0 : i32
        %dma_start3A_15 = arith.constant 0 : i32
        %dma_start3A_16 = tpu.memref_slice %arg2[%dma_start3A, %dma_start3A_15] : memref<10000x128xf32, #tpu.memory_space<hbm>> -> memref<10000x128xf32, #tpu.memory_space<hbm>>
        tpu.enqueue_indirect_dma source(%dma_start3A_16 : memref<10000x128xf32, #tpu.memory_space<hbm>>) target(%arg10 : memref<40x128xf32, #tpu.memory_space<vmem>>) offsets(%arg8 : memref<40xi32, #tpu.memory_space<vmem>>) semaphore(%run_scoped3A : memref<!tpu.dma_semaphore, #tpu.memory_space<semaphore_mem>>)
        %dma_wait3A = arith.constant 0 : i32
        %dma_wait3A_17 = arith.constant 0 : i32
        %dma_wait3A_18 = tpu.memref_slice %arg2[%dma_wait3A, %dma_wait3A_17] : memref<10000x128xf32, #tpu.memory_space<hbm>> -> memref<10000x128xf32, #tpu.memory_space<hbm>>
        tpu.wait_indirect_dma semaphore(%run_scoped3A : memref<!tpu.dma_semaphore, #tpu.memory_space<semaphore_mem>>) src(%dma_wait3A_18 : memref<10000x128xf32, #tpu.memory_space<hbm>>) dst(%arg10 : memref<40x128xf32, #tpu.memory_space<vmem>>)
        tpu.yield
      }) : () -> ()
      "tpu.region"() ({
        %run_scoped3A = tpu.sem_alloc : memref<!tpu.dma_semaphore, #tpu.memory_space<semaphore_mem>>
        %dma_start3A = arith.constant 0 : i32
        %dma_start3A_15 = arith.constant 0 : i32
        %dma_start3A_16 = tpu.memref_slice %arg3[%dma_start3A, %dma_start3A_15] : memref<10000x256xf32, #tpu.memory_space<hbm>> -> memref<10000x256xf32, #tpu.memory_space<hbm>>
        tpu.enqueue_indirect_dma source(%dma_start3A_16 : memref<10000x256xf32, #tpu.memory_space<hbm>>) target(%arg11 : memref<40x256xf32, #tpu.memory_space<vmem>>) offsets(%arg9 : memref<40xi32, #tpu.memory_space<vmem>>) semaphore(%run_scoped3A : memref<!tpu.dma_semaphore, #tpu.memory_space<semaphore_mem>>)
        %dma_wait3A = arith.constant 0 : i32
        %dma_wait3A_17 = arith.constant 0 : i32
        %dma_wait3A_18 = tpu.memref_slice %arg3[%dma_wait3A, %dma_wait3A_17] : memref<10000x256xf32, #tpu.memory_space<hbm>> -> memref<10000x256xf32, #tpu.memory_space<hbm>>
        tpu.wait_indirect_dma semaphore(%run_scoped3A : memref<!tpu.dma_semaphore, #tpu.memory_space<semaphore_mem>>) src(%dma_wait3A_18 : memref<10000x256xf32, #tpu.memory_space<hbm>>) dst(%arg11 : memref<40x256xf32, #tpu.memory_space<vmem>>)
        tpu.yield
      }) : () -> ()
      "tpu.region"() ({
        %run_scoped3A = tpu.sem_alloc : memref<!tpu.dma_semaphore, #tpu.memory_space<semaphore_mem>>
        %dma_start3A = arith.constant 0 : i32
        %dma_start3A_15 = tpu.memref_slice %arg6[%add3A_14, %dma_start3A] : memref<160000x128xf32, #tpu.memory_space<hbm>> -> memref<40x128xf32, #tpu.memory_space<hbm>>
        %dma_start3A_16 = arith.constant 0 : i32
        %dma_start3A_17 = tpu.memref_slice %arg6[%add3A_14, %dma_start3A_16] : memref<160000x128xf32, #tpu.memory_space<hbm>> -> memref<40x128xf32, #tpu.memory_space<hbm>>
        tpu.enqueue_dma source(%arg10 : memref<40x128xf32, #tpu.memory_space<vmem>>) target(%dma_start3A_17 : memref<40x128xf32, #tpu.memory_space<hbm>>) target_semaphore(%run_scoped3A : memref<!tpu.dma_semaphore, #tpu.memory_space<semaphore_mem>>)
        %dma_wait3A = arith.constant 0 : i32
        %dma_wait3A_18 = tpu.memref_slice %arg6[%add3A_14, %dma_wait3A] : memref<160000x128xf32, #tpu.memory_space<hbm>> -> memref<40x128xf32, #tpu.memory_space<hbm>>
        %dma_wait3A_19 = arith.constant 0 : i32
        %dma_wait3A_20 = tpu.memref_slice %arg6[%add3A_14, %dma_wait3A_19] : memref<160000x128xf32, #tpu.memory_space<hbm>> -> memref<40x128xf32, #tpu.memory_space<hbm>>
        tpu.wait_dma2 semaphore(%run_scoped3A : memref<!tpu.dma_semaphore, #tpu.memory_space<semaphore_mem>>) src(%arg10 : memref<40x128xf32, #tpu.memory_space<vmem>>) dst(%dma_wait3A_20 : memref<40x128xf32, #tpu.memory_space<hbm>>)
        tpu.yield
      }) : () -> ()
      "tpu.region"() ({
        %run_scoped3A = tpu.sem_alloc : memref<!tpu.dma_semaphore, #tpu.memory_space<semaphore_mem>>
        %dma_start3A = arith.constant 0 : i32
        %dma_start3A_15 = tpu.memref_slice %arg7[%add3A_14, %dma_start3A] : memref<160000x256xf32, #tpu.memory_space<hbm>> -> memref<40x256xf32, #tpu.memory_space<hbm>>
        %dma_start3A_16 = arith.constant 0 : i32
        %dma_start3A_17 = tpu.memref_slice %arg7[%add3A_14, %dma_start3A_16] : memref<160000x256xf32, #tpu.memory_space<hbm>> -> memref<40x256xf32, #tpu.memory_space<hbm>>
        tpu.enqueue_dma source(%arg11 : memref<40x256xf32, #tpu.memory_space<vmem>>) target(%dma_start3A_17 : memref<40x256xf32, #tpu.memory_space<hbm>>) target_semaphore(%run_scoped3A : memref<!tpu.dma_semaphore, #tpu.memory_space<semaphore_mem>>)
        %dma_wait3A = arith.constant 0 : i32
        %dma_wait3A_18 = tpu.memref_slice %arg7[%add3A_14, %dma_wait3A] : memref<160000x256xf32, #tpu.memory_space<hbm>> -> memref<40x256xf32, #tpu.memory_space<hbm>>
        %dma_wait3A_19 = arith.constant 0 : i32
        %dma_wait3A_20 = tpu.memref_slice %arg7[%add3A_14, %dma_wait3A_19] : memref<160000x256xf32, #tpu.memory_space<hbm>> -> memref<40x256xf32, #tpu.memory_space<hbm>>
        tpu.wait_dma2 semaphore(%run_scoped3A : memref<!tpu.dma_semaphore, #tpu.memory_space<semaphore_mem>>) src(%arg11 : memref<40x256xf32, #tpu.memory_space<vmem>>) dst(%dma_wait3A_20 : memref<40x256xf32, #tpu.memory_space<hbm>>)
        tpu.yield
      }) : () -> ()
    }
    %scan3A_6 = arith.constant 125 : i32
    return
  }
}

#map = affine_map<(d0, d1) -> (0, 0)>
#map1 = affine_map<(d0, d1) -> (0)>
#map2 = affine_map<(d0, d1) -> (0, 0, 0)>
module attributes {stable_mosaic.version = 14 : i64} {
  func.func @k(%arg0: i32, %arg1: i32, %arg2: memref<160000x128xf32, #tpu.memory_space<hbm>>, %arg3: memref<160000xi32, #tpu.memory_space<hbm>>, %arg4: memref<10000x128xf32, #tpu.memory_space<hbm>>, %arg5: memref<2x10000x128xf32, #tpu.memory_space<hbm>>, %arg6: memref<1x40xi32, #tpu.memory_space<vmem>>, %arg7: memref<40x128xf32, #tpu.memory_space<vmem>>, %arg8: memref<10000x128xf32, #tpu.memory_space<vmem_shared>>) attributes {dimension_semantics = [#tpu.dimension_semantics<core_parallel>, #tpu.dimension_semantics<subcore_parallel>], iteration_bounds = array<i64: 2, 16>, scalar_prefetch = 0 : i64, scratch_operands = 3 : i64, tpu.core_type = #tpu.core_type<sc_vector_subcore>, window_params = [{transform_indices = #map}, {transform_indices = #map1}, {transform_indices = #map}, {transform_indices = #map2}]} {
    %mul3A = arith.constant 2 : i32
    %mul3A_0 = arith.muli %arg1, %mul3A : i32
    %add3A = arith.addi %mul3A_0, %arg0 : i32
    %mul3A_1 = arith.constant 624 : i32
    %mul3A_2 = arith.muli %arg1, %mul3A_1 : i32
    "tpu.region"() ({
      %run_scoped3A = tpu.sem_alloc : memref<!tpu.dma_semaphore, #tpu.memory_space<semaphore_mem>>
      %dma_start3A = arith.constant 0 : i32
      %dma_start3A_10 = tpu.memref_slice %arg8[%mul3A_2, %dma_start3A] : memref<10000x128xf32, #tpu.memory_space<vmem_shared>> -> memref<640x128xf32, #tpu.memory_space<vmem_shared>>
      %dma_start3A_11 = arith.constant 0 : i32
      %dma_start3A_12 = tpu.memref_slice %arg4[%mul3A_2, %dma_start3A_11] : memref<10000x128xf32, #tpu.memory_space<hbm>> -> memref<640x128xf32, #tpu.memory_space<hbm>>
      tpu.enqueue_dma source(%dma_start3A_12 : memref<640x128xf32, #tpu.memory_space<hbm>>) target(%dma_start3A_10 : memref<640x128xf32, #tpu.memory_space<vmem_shared>>) target_semaphore(%run_scoped3A : memref<!tpu.dma_semaphore, #tpu.memory_space<semaphore_mem>>)
      %dma_wait3A = arith.constant 0 : i32
      %dma_wait3A_13 = tpu.memref_slice %arg8[%mul3A_2, %dma_wait3A] : memref<10000x128xf32, #tpu.memory_space<vmem_shared>> -> memref<640x128xf32, #tpu.memory_space<vmem_shared>>
      %dma_wait3A_14 = arith.constant 0 : i32
      %dma_wait3A_15 = tpu.memref_slice %arg4[%mul3A_2, %dma_wait3A_14] : memref<10000x128xf32, #tpu.memory_space<hbm>> -> memref<640x128xf32, #tpu.memory_space<hbm>>
      tpu.wait_dma2 semaphore(%run_scoped3A : memref<!tpu.dma_semaphore, #tpu.memory_space<semaphore_mem>>) src(%dma_wait3A_15 : memref<640x128xf32, #tpu.memory_space<hbm>>) dst(%dma_wait3A_13 : memref<640x128xf32, #tpu.memory_space<vmem_shared>>)
      tpu.yield
    }) : () -> ()
    %barrier3A = arith.constant 0 : index
    tpu.barrier barrier_id(%barrier3A)
    %mul3A_3 = arith.constant 5000 : i32
    %mul3A_4 = arith.muli %add3A, %mul3A_3 : i32
    %scan3A = arith.constant 0 : i32
    %scan3A_5 = arith.constant 125 : i32
    %scan3A_6 = arith.addi %scan3A, %scan3A_5 : i32
    %scan3A_7 = arith.constant 1 : i32
    scf.for %scan3A_10 = %scan3A to %scan3A_6 step %scan3A_7  : i32 {
      %mul3A_11 = arith.constant 1 : i32
      %mul3A_12 = arith.muli %scan3A_10, %mul3A_11 : i32
      %add3A_13 = arith.constant 0 : i32
      %add3A_14 = arith.addi %add3A_13, %mul3A_12 : i32
      %mul3A_15 = arith.constant 40 : i32
      %mul3A_16 = arith.muli %add3A_14, %mul3A_15 : i32
      %add3A_17 = arith.addi %mul3A_4, %mul3A_16 : i32
      %run_scoped3A = arith.constant 0 : i32
      "tpu.region"() ({
        %run_scoped3A_19 = tpu.sem_alloc : memref<!tpu.dma_semaphore, #tpu.memory_space<semaphore_mem>>
        %dma_start3A = arith.constant 0 : i32
        %dma_start3A_20 = tpu.memref_slice %arg6[%run_scoped3A, %dma_start3A] : memref<1x40xi32, #tpu.memory_space<vmem>> -> memref<1x40xi32, #tpu.memory_space<vmem>>
        %dma_start3A_21 = tpu.memref_squeeze %dma_start3A_20 : memref<1x40xi32, #tpu.memory_space<vmem>> -> memref<40xi32, #tpu.memory_space<vmem>>
        %dma_start3A_22 = tpu.memref_slice %arg3[%add3A_17] : memref<160000xi32, #tpu.memory_space<hbm>> -> memref<40xi32, #tpu.memory_space<hbm>>
        %dma_start3A_23 = arith.constant 0 : i32
        %dma_start3A_24 = tpu.memref_slice %arg6[%run_scoped3A, %dma_start3A_23] : memref<1x40xi32, #tpu.memory_space<vmem>> -> memref<1x40xi32, #tpu.memory_space<vmem>>
        %dma_start3A_25 = tpu.memref_squeeze %dma_start3A_24 : memref<1x40xi32, #tpu.memory_space<vmem>> -> memref<40xi32, #tpu.memory_space<vmem>>
        %dma_start3A_26 = tpu.memref_slice %arg3[%add3A_17] : memref<160000xi32, #tpu.memory_space<hbm>> -> memref<40xi32, #tpu.memory_space<hbm>>
        tpu.enqueue_dma source(%dma_start3A_26 : memref<40xi32, #tpu.memory_space<hbm>>) target(%dma_start3A_25 : memref<40xi32, #tpu.memory_space<vmem>>) target_semaphore(%run_scoped3A_19 : memref<!tpu.dma_semaphore, #tpu.memory_space<semaphore_mem>>)
        %dma_wait3A = arith.constant 0 : i32
        %dma_wait3A_27 = tpu.memref_slice %arg6[%run_scoped3A, %dma_wait3A] : memref<1x40xi32, #tpu.memory_space<vmem>> -> memref<1x40xi32, #tpu.memory_space<vmem>>
        %dma_wait3A_28 = tpu.memref_squeeze %dma_wait3A_27 : memref<1x40xi32, #tpu.memory_space<vmem>> -> memref<40xi32, #tpu.memory_space<vmem>>
        %dma_wait3A_29 = tpu.memref_slice %arg3[%add3A_17] : memref<160000xi32, #tpu.memory_space<hbm>> -> memref<40xi32, #tpu.memory_space<hbm>>
        %dma_wait3A_30 = arith.constant 0 : i32
        %dma_wait3A_31 = tpu.memref_slice %arg6[%run_scoped3A, %dma_wait3A_30] : memref<1x40xi32, #tpu.memory_space<vmem>> -> memref<1x40xi32, #tpu.memory_space<vmem>>
        %dma_wait3A_32 = tpu.memref_squeeze %dma_wait3A_31 : memref<1x40xi32, #tpu.memory_space<vmem>> -> memref<40xi32, #tpu.memory_space<vmem>>
        %dma_wait3A_33 = tpu.memref_slice %arg3[%add3A_17] : memref<160000xi32, #tpu.memory_space<hbm>> -> memref<40xi32, #tpu.memory_space<hbm>>
        tpu.wait_dma2 semaphore(%run_scoped3A_19 : memref<!tpu.dma_semaphore, #tpu.memory_space<semaphore_mem>>) src(%dma_wait3A_33 : memref<40xi32, #tpu.memory_space<hbm>>) dst(%dma_wait3A_32 : memref<40xi32, #tpu.memory_space<vmem>>)
        tpu.yield
      }) : () -> ()
      "tpu.region"() ({
        %run_scoped3A_19 = tpu.sem_alloc : memref<!tpu.dma_semaphore, #tpu.memory_space<semaphore_mem>>
        %dma_start3A = arith.constant 0 : i32
        %dma_start3A_20 = tpu.memref_slice %arg2[%add3A_17, %dma_start3A] : memref<160000x128xf32, #tpu.memory_space<hbm>> -> memref<40x128xf32, #tpu.memory_space<hbm>>
        %dma_start3A_21 = arith.constant 0 : i32
        %dma_start3A_22 = tpu.memref_slice %arg2[%add3A_17, %dma_start3A_21] : memref<160000x128xf32, #tpu.memory_space<hbm>> -> memref<40x128xf32, #tpu.memory_space<hbm>>
        tpu.enqueue_dma source(%dma_start3A_22 : memref<40x128xf32, #tpu.memory_space<hbm>>) target(%arg7 : memref<40x128xf32, #tpu.memory_space<vmem>>) target_semaphore(%run_scoped3A_19 : memref<!tpu.dma_semaphore, #tpu.memory_space<semaphore_mem>>)
        %dma_wait3A = arith.constant 0 : i32
        %dma_wait3A_23 = tpu.memref_slice %arg2[%add3A_17, %dma_wait3A] : memref<160000x128xf32, #tpu.memory_space<hbm>> -> memref<40x128xf32, #tpu.memory_space<hbm>>
        %dma_wait3A_24 = arith.constant 0 : i32
        %dma_wait3A_25 = tpu.memref_slice %arg2[%add3A_17, %dma_wait3A_24] : memref<160000x128xf32, #tpu.memory_space<hbm>> -> memref<40x128xf32, #tpu.memory_space<hbm>>
        tpu.wait_dma2 semaphore(%run_scoped3A_19 : memref<!tpu.dma_semaphore, #tpu.memory_space<semaphore_mem>>) src(%dma_wait3A_25 : memref<40x128xf32, #tpu.memory_space<hbm>>) dst(%arg7 : memref<40x128xf32, #tpu.memory_space<vmem>>)
        tpu.yield
      }) : () -> ()
      %run_scoped3A_18 = arith.constant 0 : i32
      "tpu.region"() ({
        %run_scoped3A_19 = tpu.sem_alloc : memref<!tpu.dma_semaphore, #tpu.memory_space<semaphore_mem>>
        %dma_start3A = arith.constant 0 : i32
        %dma_start3A_20 = tpu.memref_slice %arg6[%run_scoped3A_18, %dma_start3A] : memref<1x40xi32, #tpu.memory_space<vmem>> -> memref<1x40xi32, #tpu.memory_space<vmem>>
        %dma_start3A_21 = tpu.memref_squeeze %dma_start3A_20 : memref<1x40xi32, #tpu.memory_space<vmem>> -> memref<40xi32, #tpu.memory_space<vmem>>
        %dma_start3A_22 = arith.constant 0 : i32
        %dma_start3A_23 = arith.constant 0 : i32
        %dma_start3A_24 = tpu.memref_slice %arg8[%dma_start3A_22, %dma_start3A_23] : memref<10000x128xf32, #tpu.memory_space<vmem_shared>> -> memref<10000x128xf32, #tpu.memory_space<vmem_shared>>
        tpu.enqueue_indirect_dma source(%arg7 : memref<40x128xf32, #tpu.memory_space<vmem>>) target(%dma_start3A_24 : memref<10000x128xf32, #tpu.memory_space<vmem_shared>>) offsets(%dma_start3A_21 : memref<40xi32, #tpu.memory_space<vmem>>) semaphore(%run_scoped3A_19 : memref<!tpu.dma_semaphore, #tpu.memory_space<semaphore_mem>>) {add = true}
        %dma_wait3A = arith.constant 0 : i32
        %dma_wait3A_25 = tpu.memref_slice %arg6[%run_scoped3A_18, %dma_wait3A] : memref<1x40xi32, #tpu.memory_space<vmem>> -> memref<1x40xi32, #tpu.memory_space<vmem>>
        %dma_wait3A_26 = tpu.memref_squeeze %dma_wait3A_25 : memref<1x40xi32, #tpu.memory_space<vmem>> -> memref<40xi32, #tpu.memory_space<vmem>>
        %dma_wait3A_27 = arith.constant 0 : i32
        %dma_wait3A_28 = arith.constant 0 : i32
        %dma_wait3A_29 = tpu.memref_slice %arg8[%dma_wait3A_27, %dma_wait3A_28] : memref<10000x128xf32, #tpu.memory_space<vmem_shared>> -> memref<10000x128xf32, #tpu.memory_space<vmem_shared>>
        tpu.wait_indirect_dma semaphore(%run_scoped3A_19 : memref<!tpu.dma_semaphore, #tpu.memory_space<semaphore_mem>>) src(%arg7 : memref<40x128xf32, #tpu.memory_space<vmem>>) dst(%dma_wait3A_29 : memref<10000x128xf32, #tpu.memory_space<vmem_shared>>)
        tpu.yield
      }) : () -> ()
    }
    %scan3A_8 = arith.constant 125 : i32
    %barrier3A_9 = arith.constant 0 : index
    tpu.barrier barrier_id(%barrier3A_9)
    "tpu.region"() ({
      %run_scoped3A = tpu.sem_alloc : memref<!tpu.dma_semaphore, #tpu.memory_space<semaphore_mem>>
      %dma_start3A = arith.constant 0 : i32
      %dma_start3A_10 = tpu.memref_slice %arg5[%arg0, %mul3A_2, %dma_start3A] : memref<2x10000x128xf32, #tpu.memory_space<hbm>> -> memref<1x640x128xf32, #tpu.memory_space<hbm>>
      %dma_start3A_11 = tpu.memref_squeeze %dma_start3A_10 : memref<1x640x128xf32, #tpu.memory_space<hbm>> -> memref<640x128xf32, #tpu.memory_space<hbm>>
      %dma_start3A_12 = arith.constant 0 : i32
      %dma_start3A_13 = tpu.memref_slice %arg8[%mul3A_2, %dma_start3A_12] : memref<10000x128xf32, #tpu.memory_space<vmem_shared>> -> memref<640x128xf32, #tpu.memory_space<vmem_shared>>
      tpu.enqueue_dma source(%dma_start3A_13 : memref<640x128xf32, #tpu.memory_space<vmem_shared>>) target(%dma_start3A_11 : memref<640x128xf32, #tpu.memory_space<hbm>>) target_semaphore(%run_scoped3A : memref<!tpu.dma_semaphore, #tpu.memory_space<semaphore_mem>>)
      %dma_wait3A = arith.constant 0 : i32
      %dma_wait3A_14 = tpu.memref_slice %arg5[%arg0, %mul3A_2, %dma_wait3A] : memref<2x10000x128xf32, #tpu.memory_space<hbm>> -> memref<1x640x128xf32, #tpu.memory_space<hbm>>
      %dma_wait3A_15 = tpu.memref_squeeze %dma_wait3A_14 : memref<1x640x128xf32, #tpu.memory_space<hbm>> -> memref<640x128xf32, #tpu.memory_space<hbm>>
      %dma_wait3A_16 = arith.constant 0 : i32
      %dma_wait3A_17 = tpu.memref_slice %arg8[%mul3A_2, %dma_wait3A_16] : memref<10000x128xf32, #tpu.memory_space<vmem_shared>> -> memref<640x128xf32, #tpu.memory_space<vmem_shared>>
      tpu.wait_dma2 semaphore(%run_scoped3A : memref<!tpu.dma_semaphore, #tpu.memory_space<semaphore_mem>>) src(%dma_wait3A_17 : memref<640x128xf32, #tpu.memory_space<vmem_shared>>) dst(%dma_wait3A_15 : memref<640x128xf32, #tpu.memory_space<hbm>>)
      tpu.yield
    }) : () -> ()
    return
  }
}

#map = affine_map<(d0, d1) -> (0, 0)>
#map1 = affine_map<(d0, d1) -> (0)>
#map2 = affine_map<(d0, d1) -> (0, 0, 0)>
module attributes {stable_mosaic.version = 14 : i64} {
  func.func @k(%arg0: i32, %arg1: i32, %arg2: memref<160000x128xf32, #tpu.memory_space<hbm>>, %arg3: memref<160000xi32, #tpu.memory_space<hbm>>, %arg4: memref<10000x128xf32, #tpu.memory_space<hbm>>, %arg5: memref<2x10000x128xf32, #tpu.memory_space<hbm>>, %arg6: memref<1x40xi32, #tpu.memory_space<vmem>>, %arg7: memref<40x128xf32, #tpu.memory_space<vmem>>, %arg8: memref<10000x128xf32, #tpu.memory_space<vmem_shared>>) attributes {dimension_semantics = [#tpu.dimension_semantics<core_parallel>, #tpu.dimension_semantics<subcore_parallel>], iteration_bounds = array<i64: 2, 16>, scalar_prefetch = 0 : i64, scratch_operands = 3 : i64, tpu.core_type = #tpu.core_type<sc_vector_subcore>, window_params = [{transform_indices = #map}, {transform_indices = #map1}, {transform_indices = #map}, {transform_indices = #map2}]} {
    %mul3A = arith.constant 2 : i32
    %mul3A_0 = arith.muli %arg1, %mul3A : i32
    %add3A = arith.addi %mul3A_0, %arg0 : i32
    %mul3A_1 = arith.constant 624 : i32
    %mul3A_2 = arith.muli %arg1, %mul3A_1 : i32
    "tpu.region"() ({
      %run_scoped3A = tpu.sem_alloc : memref<!tpu.dma_semaphore, #tpu.memory_space<semaphore_mem>>
      %dma_start3A = arith.constant 0 : i32
      %dma_start3A_10 = tpu.memref_slice %arg8[%mul3A_2, %dma_start3A] : memref<10000x128xf32, #tpu.memory_space<vmem_shared>> -> memref<640x128xf32, #tpu.memory_space<vmem_shared>>
      %dma_start3A_11 = arith.constant 0 : i32
      %dma_start3A_12 = tpu.memref_slice %arg4[%mul3A_2, %dma_start3A_11] : memref<10000x128xf32, #tpu.memory_space<hbm>> -> memref<640x128xf32, #tpu.memory_space<hbm>>
      tpu.enqueue_dma source(%dma_start3A_12 : memref<640x128xf32, #tpu.memory_space<hbm>>) target(%dma_start3A_10 : memref<640x128xf32, #tpu.memory_space<vmem_shared>>) target_semaphore(%run_scoped3A : memref<!tpu.dma_semaphore, #tpu.memory_space<semaphore_mem>>)
      %dma_wait3A = arith.constant 0 : i32
      %dma_wait3A_13 = tpu.memref_slice %arg8[%mul3A_2, %dma_wait3A] : memref<10000x128xf32, #tpu.memory_space<vmem_shared>> -> memref<640x128xf32, #tpu.memory_space<vmem_shared>>
      %dma_wait3A_14 = arith.constant 0 : i32
      %dma_wait3A_15 = tpu.memref_slice %arg4[%mul3A_2, %dma_wait3A_14] : memref<10000x128xf32, #tpu.memory_space<hbm>> -> memref<640x128xf32, #tpu.memory_space<hbm>>
      tpu.wait_dma2 semaphore(%run_scoped3A : memref<!tpu.dma_semaphore, #tpu.memory_space<semaphore_mem>>) src(%dma_wait3A_15 : memref<640x128xf32, #tpu.memory_space<hbm>>) dst(%dma_wait3A_13 : memref<640x128xf32, #tpu.memory_space<vmem_shared>>)
      tpu.yield
    }) : () -> ()
    %barrier3A = arith.constant 0 : index
    tpu.barrier barrier_id(%barrier3A)
    %mul3A_3 = arith.constant 5000 : i32
    %mul3A_4 = arith.muli %add3A, %mul3A_3 : i32
    %scan3A = arith.constant 0 : i32
    %scan3A_5 = arith.constant 125 : i32
    %scan3A_6 = arith.addi %scan3A, %scan3A_5 : i32
    %scan3A_7 = arith.constant 1 : i32
    scf.for %scan3A_10 = %scan3A to %scan3A_6 step %scan3A_7  : i32 {
      %mul3A_11 = arith.constant 1 : i32
      %mul3A_12 = arith.muli %scan3A_10, %mul3A_11 : i32
      %add3A_13 = arith.constant 0 : i32
      %add3A_14 = arith.addi %add3A_13, %mul3A_12 : i32
      %mul3A_15 = arith.constant 40 : i32
      %mul3A_16 = arith.muli %add3A_14, %mul3A_15 : i32
      %add3A_17 = arith.addi %mul3A_4, %mul3A_16 : i32
      %run_scoped3A = arith.constant 0 : i32
      "tpu.region"() ({
        %run_scoped3A_19 = tpu.sem_alloc : memref<!tpu.dma_semaphore, #tpu.memory_space<semaphore_mem>>
        %dma_start3A = arith.constant 0 : i32
        %dma_start3A_20 = tpu.memref_slice %arg6[%run_scoped3A, %dma_start3A] : memref<1x40xi32, #tpu.memory_space<vmem>> -> memref<1x40xi32, #tpu.memory_space<vmem>>
        %dma_start3A_21 = tpu.memref_squeeze %dma_start3A_20 : memref<1x40xi32, #tpu.memory_space<vmem>> -> memref<40xi32, #tpu.memory_space<vmem>>
        %dma_start3A_22 = tpu.memref_slice %arg3[%add3A_17] : memref<160000xi32, #tpu.memory_space<hbm>> -> memref<40xi32, #tpu.memory_space<hbm>>
        %dma_start3A_23 = arith.constant 0 : i32
        %dma_start3A_24 = tpu.memref_slice %arg6[%run_scoped3A, %dma_start3A_23] : memref<1x40xi32, #tpu.memory_space<vmem>> -> memref<1x40xi32, #tpu.memory_space<vmem>>
        %dma_start3A_25 = tpu.memref_squeeze %dma_start3A_24 : memref<1x40xi32, #tpu.memory_space<vmem>> -> memref<40xi32, #tpu.memory_space<vmem>>
        %dma_start3A_26 = tpu.memref_slice %arg3[%add3A_17] : memref<160000xi32, #tpu.memory_space<hbm>> -> memref<40xi32, #tpu.memory_space<hbm>>
        tpu.enqueue_dma source(%dma_start3A_26 : memref<40xi32, #tpu.memory_space<hbm>>) target(%dma_start3A_25 : memref<40xi32, #tpu.memory_space<vmem>>) target_semaphore(%run_scoped3A_19 : memref<!tpu.dma_semaphore, #tpu.memory_space<semaphore_mem>>)
        %dma_wait3A = arith.constant 0 : i32
        %dma_wait3A_27 = tpu.memref_slice %arg6[%run_scoped3A, %dma_wait3A] : memref<1x40xi32, #tpu.memory_space<vmem>> -> memref<1x40xi32, #tpu.memory_space<vmem>>
        %dma_wait3A_28 = tpu.memref_squeeze %dma_wait3A_27 : memref<1x40xi32, #tpu.memory_space<vmem>> -> memref<40xi32, #tpu.memory_space<vmem>>
        %dma_wait3A_29 = tpu.memref_slice %arg3[%add3A_17] : memref<160000xi32, #tpu.memory_space<hbm>> -> memref<40xi32, #tpu.memory_space<hbm>>
        %dma_wait3A_30 = arith.constant 0 : i32
        %dma_wait3A_31 = tpu.memref_slice %arg6[%run_scoped3A, %dma_wait3A_30] : memref<1x40xi32, #tpu.memory_space<vmem>> -> memref<1x40xi32, #tpu.memory_space<vmem>>
        %dma_wait3A_32 = tpu.memref_squeeze %dma_wait3A_31 : memref<1x40xi32, #tpu.memory_space<vmem>> -> memref<40xi32, #tpu.memory_space<vmem>>
        %dma_wait3A_33 = tpu.memref_slice %arg3[%add3A_17] : memref<160000xi32, #tpu.memory_space<hbm>> -> memref<40xi32, #tpu.memory_space<hbm>>
        tpu.wait_dma2 semaphore(%run_scoped3A_19 : memref<!tpu.dma_semaphore, #tpu.memory_space<semaphore_mem>>) src(%dma_wait3A_33 : memref<40xi32, #tpu.memory_space<hbm>>) dst(%dma_wait3A_32 : memref<40xi32, #tpu.memory_space<vmem>>)
        tpu.yield
      }) : () -> ()
      "tpu.region"() ({
        %run_scoped3A_19 = tpu.sem_alloc : memref<!tpu.dma_semaphore, #tpu.memory_space<semaphore_mem>>
        %dma_start3A = arith.constant 0 : i32
        %dma_start3A_20 = tpu.memref_slice %arg2[%add3A_17, %dma_start3A] : memref<160000x128xf32, #tpu.memory_space<hbm>> -> memref<40x128xf32, #tpu.memory_space<hbm>>
        %dma_start3A_21 = arith.constant 0 : i32
        %dma_start3A_22 = tpu.memref_slice %arg2[%add3A_17, %dma_start3A_21] : memref<160000x128xf32, #tpu.memory_space<hbm>> -> memref<40x128xf32, #tpu.memory_space<hbm>>
        tpu.enqueue_dma source(%dma_start3A_22 : memref<40x128xf32, #tpu.memory_space<hbm>>) target(%arg7 : memref<40x128xf32, #tpu.memory_space<vmem>>) target_semaphore(%run_scoped3A_19 : memref<!tpu.dma_semaphore, #tpu.memory_space<semaphore_mem>>)
        %dma_wait3A = arith.constant 0 : i32
        %dma_wait3A_23 = tpu.memref_slice %arg2[%add3A_17, %dma_wait3A] : memref<160000x128xf32, #tpu.memory_space<hbm>> -> memref<40x128xf32, #tpu.memory_space<hbm>>
        %dma_wait3A_24 = arith.constant 0 : i32
        %dma_wait3A_25 = tpu.memref_slice %arg2[%add3A_17, %dma_wait3A_24] : memref<160000x128xf32, #tpu.memory_space<hbm>> -> memref<40x128xf32, #tpu.memory_space<hbm>>
        tpu.wait_dma2 semaphore(%run_scoped3A_19 : memref<!tpu.dma_semaphore, #tpu.memory_space<semaphore_mem>>) src(%dma_wait3A_25 : memref<40x128xf32, #tpu.memory_space<hbm>>) dst(%arg7 : memref<40x128xf32, #tpu.memory_space<vmem>>)
        tpu.yield
      }) : () -> ()
      %run_scoped3A_18 = arith.constant 0 : i32
      "tpu.region"() ({
        %run_scoped3A_19 = tpu.sem_alloc : memref<!tpu.dma_semaphore, #tpu.memory_space<semaphore_mem>>
        %dma_start3A = arith.constant 0 : i32
        %dma_start3A_20 = tpu.memref_slice %arg6[%run_scoped3A_18, %dma_start3A] : memref<1x40xi32, #tpu.memory_space<vmem>> -> memref<1x40xi32, #tpu.memory_space<vmem>>
        %dma_start3A_21 = tpu.memref_squeeze %dma_start3A_20 : memref<1x40xi32, #tpu.memory_space<vmem>> -> memref<40xi32, #tpu.memory_space<vmem>>
        %dma_start3A_22 = arith.constant 0 : i32
        %dma_start3A_23 = arith.constant 0 : i32
        %dma_start3A_24 = tpu.memref_slice %arg8[%dma_start3A_22, %dma_start3A_23] : memref<10000x128xf32, #tpu.memory_space<vmem_shared>> -> memref<10000x128xf32, #tpu.memory_space<vmem_shared>>
        tpu.enqueue_indirect_dma source(%arg7 : memref<40x128xf32, #tpu.memory_space<vmem>>) target(%dma_start3A_24 : memref<10000x128xf32, #tpu.memory_space<vmem_shared>>) offsets(%dma_start3A_21 : memref<40xi32, #tpu.memory_space<vmem>>) semaphore(%run_scoped3A_19 : memref<!tpu.dma_semaphore, #tpu.memory_space<semaphore_mem>>) {add = true}
        %dma_wait3A = arith.constant 0 : i32
        %dma_wait3A_25 = tpu.memref_slice %arg6[%run_scoped3A_18, %dma_wait3A] : memref<1x40xi32, #tpu.memory_space<vmem>> -> memref<1x40xi32, #tpu.memory_space<vmem>>
        %dma_wait3A_26 = tpu.memref_squeeze %dma_wait3A_25 : memref<1x40xi32, #tpu.memory_space<vmem>> -> memref<40xi32, #tpu.memory_space<vmem>>
        %dma_wait3A_27 = arith.constant 0 : i32
        %dma_wait3A_28 = arith.constant 0 : i32
        %dma_wait3A_29 = tpu.memref_slice %arg8[%dma_wait3A_27, %dma_wait3A_28] : memref<10000x128xf32, #tpu.memory_space<vmem_shared>> -> memref<10000x128xf32, #tpu.memory_space<vmem_shared>>
        tpu.wait_indirect_dma semaphore(%run_scoped3A_19 : memref<!tpu.dma_semaphore, #tpu.memory_space<semaphore_mem>>) src(%arg7 : memref<40x128xf32, #tpu.memory_space<vmem>>) dst(%dma_wait3A_29 : memref<10000x128xf32, #tpu.memory_space<vmem_shared>>)
        tpu.yield
      }) : () -> ()
    }
    %scan3A_8 = arith.constant 125 : i32
    %barrier3A_9 = arith.constant 0 : index
    tpu.barrier barrier_id(%barrier3A_9)
    "tpu.region"() ({
      %run_scoped3A = tpu.sem_alloc : memref<!tpu.dma_semaphore, #tpu.memory_space<semaphore_mem>>
      %dma_start3A = arith.constant 0 : i32
      %dma_start3A_10 = tpu.memref_slice %arg5[%arg0, %mul3A_2, %dma_start3A] : memref<2x10000x128xf32, #tpu.memory_space<hbm>> -> memref<1x640x128xf32, #tpu.memory_space<hbm>>
      %dma_start3A_11 = tpu.memref_squeeze %dma_start3A_10 : memref<1x640x128xf32, #tpu.memory_space<hbm>> -> memref<640x128xf32, #tpu.memory_space<hbm>>
      %dma_start3A_12 = arith.constant 0 : i32
      %dma_start3A_13 = tpu.memref_slice %arg8[%mul3A_2, %dma_start3A_12] : memref<10000x128xf32, #tpu.memory_space<vmem_shared>> -> memref<640x128xf32, #tpu.memory_space<vmem_shared>>
      tpu.enqueue_dma source(%dma_start3A_13 : memref<640x128xf32, #tpu.memory_space<vmem_shared>>) target(%dma_start3A_11 : memref<640x128xf32, #tpu.memory_space<hbm>>) target_semaphore(%run_scoped3A : memref<!tpu.dma_semaphore, #tpu.memory_space<semaphore_mem>>)
      %dma_wait3A = arith.constant 0 : i32
      %dma_wait3A_14 = tpu.memref_slice %arg5[%arg0, %mul3A_2, %dma_wait3A] : memref<2x10000x128xf32, #tpu.memory_space<hbm>> -> memref<1x640x128xf32, #tpu.memory_space<hbm>>
      %dma_wait3A_15 = tpu.memref_squeeze %dma_wait3A_14 : memref<1x640x128xf32, #tpu.memory_space<hbm>> -> memref<640x128xf32, #tpu.memory_space<hbm>>
      %dma_wait3A_16 = arith.constant 0 : i32
      %dma_wait3A_17 = tpu.memref_slice %arg8[%mul3A_2, %dma_wait3A_16] : memref<10000x128xf32, #tpu.memory_space<vmem_shared>> -> memref<640x128xf32, #tpu.memory_space<vmem_shared>>
      tpu.wait_dma2 semaphore(%run_scoped3A : memref<!tpu.dma_semaphore, #tpu.memory_space<semaphore_mem>>) src(%dma_wait3A_17 : memref<640x128xf32, #tpu.memory_space<vmem_shared>>) dst(%dma_wait3A_15 : memref<640x128xf32, #tpu.memory_space<hbm>>)
      tpu.yield
    }) : () -> ()
    return
  }
}

module attributes {stable_mosaic.version = 14 : i64} {
  func.func @body(%arg0: i32, %arg1: memref<2000x128xf32, #tpu.memory_space<vmem>>, %arg2: memref<128x128xf32, #tpu.memory_space<vmem>>, %arg3: memref<1x128xf32, #tpu.memory_space<vmem>>, %arg4: memref<2000x128xf32, #tpu.memory_space<vmem>>) attributes {dimension_semantics = [#tpu.dimension_semantics<arbitrary>], iteration_bounds = array<i64: 5>, scalar_prefetch = 0 : i64, scratch_operands = 0 : i64, tpu.core_type = #tpu.core_type<tc>, window_params = [{transform_indices = @transform_0, window_bounds = array<i64: 2000, 128>}, {pipeline_mode = #tpu.pipeline_mode<synchronous>, transform_indices = @transform_1, window_bounds = array<i64: 128, 128>}, {pipeline_mode = #tpu.pipeline_mode<synchronous>, transform_indices = @transform_2, window_bounds = array<i64: 1, 128>}, {transform_indices = @transform_3, window_bounds = array<i64: 2000, 128>}]} {
    %get3A = arith.constant 0 : index
    %get3A_0 = arith.constant 0 : index
    %get3A_1 = vector.load %arg1[%get3A, %get3A_0] : memref<2000x128xf32, #tpu.memory_space<vmem>>, vector<2000x128xf32>
    %get3A_2 = arith.constant 0 : index
    %get3A_3 = arith.constant 0 : index
    %get3A_4 = vector.load %arg2[%get3A_2, %get3A_3] : memref<128x128xf32, #tpu.memory_space<vmem>>, vector<128x128xf32>
    %dot_general3A = arith.constant dense<0.000000e+00> : vector<2000x128xf32>
    %dot_general3A_5 = tpu.matmul %get3A_1, %get3A_4, %dot_general3A {dimension_numbers = #tpu.dot_dimension_numbers<[1], [0], [0], [1], [0, 0, 1, 1], [], []>, transpose_lhs_hint = false} : vector<2000x128xf32>, vector<128x128xf32>, vector<2000x128xf32> -> vector<2000x128xf32>
    %get3A_6 = arith.constant 0 : index
    %get3A_7 = arith.constant 0 : index
    %get3A_8 = vector.load %arg3[%get3A_6, %get3A_7] : memref<1x128xf32, #tpu.memory_space<vmem>>, vector<1x128xf32>
    %add3A = vector.broadcast %get3A_8 : vector<1x128xf32> to vector<2000x128xf32>
    %add3A_9 = arith.addf %dot_general3A_5, %add3A : vector<2000x128xf32>
    %swap3A = arith.constant 0 : index
    %swap3A_10 = arith.constant 0 : index
    %swap3A_11 = vector.load %arg4[%swap3A, %swap3A_10] : memref<2000x128xf32, #tpu.memory_space<vmem>>, vector<2000x128xf32>
    tpu.vector_store %arg4[%swap3A, %swap3A_10], %add3A_9 {strides = array<i32>} : memref<2000x128xf32, #tpu.memory_space<vmem>>, vector<2000x128xf32>,
    return
  }
  func.func @transform_0(%arg0: i32) -> (i32, i32) {
    %c0_i32 = arith.constant 0 : i32
    %c0_i32_0 = arith.constant 0 : i32
    return %arg0, %c0_i32 : i32, i32
  }
  func.func @transform_1(%arg0: i32) -> (i32, i32) {
    %c0_i32 = arith.constant 0 : i32
    %c0_i32_0 = arith.constant 0 : i32
    %c0_i32_1 = arith.constant 0 : i32
    return %c0_i32, %c0_i32_0 : i32, i32
  }
  func.func @transform_2(%arg0: i32) -> (i32, i32) {
    %c0_i32 = arith.constant 0 : i32
    %c0_i32_0 = arith.constant 0 : i32
    %c0_i32_1 = arith.constant 0 : i32
    return %c0_i32, %c0_i32_0 : i32, i32
  }
  func.func @transform_3(%arg0: i32) -> (i32, i32) {
    %c0_i32 = arith.constant 0 : i32
    %c0_i32_0 = arith.constant 0 : i32
    return %arg0, %c0_i32 : i32, i32
  }
}

module attributes {stable_mosaic.version = 14 : i64} {
  func.func @body(%arg0: i32, %arg1: memref<2000x128xf32, #tpu.memory_space<vmem>>, %arg2: memref<128x512xf32, #tpu.memory_space<vmem>>, %arg3: memref<1x512xf32, #tpu.memory_space<vmem>>, %arg4: memref<2000x128xf32, #tpu.memory_space<vmem>>, %arg5: memref<2000x256xf32, #tpu.memory_space<vmem>>, %arg6: memref<2000x128xf32, #tpu.memory_space<vmem>>) attributes {dimension_semantics = [#tpu.dimension_semantics<arbitrary>], iteration_bounds = array<i64: 5>, scalar_prefetch = 0 : i64, scratch_operands = 0 : i64, tpu.core_type = #tpu.core_type<tc>, window_params = [{transform_indices = @transform_0, window_bounds = array<i64: 2000, 128>}, {pipeline_mode = #tpu.pipeline_mode<synchronous>, transform_indices = @transform_1, window_bounds = array<i64: 128, 512>}, {pipeline_mode = #tpu.pipeline_mode<synchronous>, transform_indices = @transform_2, window_bounds = array<i64: 1, 512>}, {transform_indices = @transform_3, window_bounds = array<i64: 2000, 128>}, {transform_indices = @transform_4, window_bounds = array<i64: 2000, 256>}, {transform_indices = @transform_5, window_bounds = array<i64: 2000, 128>}]} {
    %get3A = arith.constant 0 : index
    %get3A_0 = arith.constant 0 : index
    %get3A_1 = vector.load %arg1[%get3A, %get3A_0] : memref<2000x128xf32, #tpu.memory_space<vmem>>, vector<2000x128xf32>
    %get3A_2 = arith.constant 0 : index
    %get3A_3 = arith.constant 0 : index
    %get3A_4 = vector.load %arg2[%get3A_2, %get3A_3] : memref<128x512xf32, #tpu.memory_space<vmem>>, vector<128x512xf32>
    %dot_general3A = arith.constant dense<0.000000e+00> : vector<2000x512xf32>
    %dot_general3A_5 = tpu.matmul %get3A_1, %get3A_4, %dot_general3A {dimension_numbers = #tpu.dot_dimension_numbers<[1], [0], [0], [1], [0, 0, 1, 1], [], []>, transpose_lhs_hint = false} : vector<2000x128xf32>, vector<128x512xf32>, vector<2000x512xf32> -> vector<2000x512xf32>
    %get3A_6 = arith.constant 0 : index
    %get3A_7 = arith.constant 0 : index
    %get3A_8 = vector.load %arg3[%get3A_6, %get3A_7] : memref<1x512xf32, #tpu.memory_space<vmem>>, vector<1x512xf32>
    %add3A = vector.broadcast %get3A_8 : vector<1x512xf32> to vector<2000x512xf32>
    %add3A_9 = arith.addf %dot_general3A_5, %add3A : vector<2000x512xf32>
    %slice3A = vector.extract_strided_slice %add3A_9 {offsets = [0, 0], sizes = [2000, 128], strides = [1, 1]} : vector<2000x512xf32> to vector<2000x128xf32>
    %swap3A = arith.constant 0 : index
    %swap3A_10 = arith.constant 0 : index
    %swap3A_11 = vector.load %arg4[%swap3A, %swap3A_10] : memref<2000x128xf32, #tpu.memory_space<vmem>>, vector<2000x128xf32>
    tpu.vector_store %arg4[%swap3A, %swap3A_10], %slice3A {strides = array<i32>} : memref<2000x128xf32, #tpu.memory_space<vmem>>, vector<2000x128xf32>,
    %slice3A_12 = vector.extract_strided_slice %add3A_9 {offsets = [0, 128], sizes = [2000, 256], strides = [1, 1]} : vector<2000x512xf32> to vector<2000x256xf32>
    %swap3A_13 = arith.constant 0 : index
    %swap3A_14 = arith.constant 0 : index
    %swap3A_15 = vector.load %arg5[%swap3A_13, %swap3A_14] : memref<2000x256xf32, #tpu.memory_space<vmem>>, vector<2000x256xf32>
    tpu.vector_store %arg5[%swap3A_13, %swap3A_14], %slice3A_12 {strides = array<i32>} : memref<2000x256xf32, #tpu.memory_space<vmem>>, vector<2000x256xf32>,
    %slice3A_16 = vector.extract_strided_slice %add3A_9 {offsets = [0, 384], sizes = [2000, 128], strides = [1, 1]} : vector<2000x512xf32> to vector<2000x128xf32>
    %swap3A_17 = arith.constant 0 : index
    %swap3A_18 = arith.constant 0 : index
    %swap3A_19 = vector.load %arg6[%swap3A_17, %swap3A_18] : memref<2000x128xf32, #tpu.memory_space<vmem>>, vector<2000x128xf32>
    tpu.vector_store %arg6[%swap3A_17, %swap3A_18], %slice3A_16 {strides = array<i32>} : memref<2000x128xf32, #tpu.memory_space<vmem>>, vector<2000x128xf32>,
    return
  }
  func.func @transform_0(%arg0: i32) -> (i32, i32) {
    %c0_i32 = arith.constant 0 : i32
    %c0_i32_0 = arith.constant 0 : i32
    return %arg0, %c0_i32 : i32, i32
  }
  func.func @transform_1(%arg0: i32) -> (i32, i32) {
    %c0_i32 = arith.constant 0 : i32
    %c0_i32_0 = arith.constant 0 : i32
    %c0_i32_1 = arith.constant 0 : i32
    return %c0_i32, %c0_i32_0 : i32, i32
  }
  func.func @transform_2(%arg0: i32) -> (i32, i32) {
    %c0_i32 = arith.constant 0 : i32
    %c0_i32_0 = arith.constant 0 : i32
    %c0_i32_1 = arith.constant 0 : i32
    return %c0_i32, %c0_i32_0 : i32, i32
  }
  func.func @transform_3(%arg0: i32) -> (i32, i32) {
    %c0_i32 = arith.constant 0 : i32
    %c0_i32_0 = arith.constant 0 : i32
    return %arg0, %c0_i32 : i32, i32
  }
  func.func @transform_4(%arg0: i32) -> (i32, i32) {
    %c0_i32 = arith.constant 0 : i32
    %c0_i32_0 = arith.constant 0 : i32
    return %arg0, %c0_i32 : i32, i32
  }
  func.func @transform_5(%arg0: i32) -> (i32, i32) {
    %c0_i32 = arith.constant 0 : i32
    %c0_i32_0 = arith.constant 0 : i32
    return %arg0, %c0_i32 : i32, i32
  }
}

module attributes {stable_mosaic.version = 14 : i64} {
  func.func @body(%arg0: i32, %arg1: memref<2000x128xf32, #tpu.memory_space<vmem>>, %arg2: memref<2000x256xf32, #tpu.memory_space<vmem>>, %arg3: memref<2000x16xf32, #tpu.memory_space<vmem>>, %arg4: memref<16x128xf32, #tpu.memory_space<vmem>>, %arg5: memref<2000x128xf32, #tpu.memory_space<vmem>>, %arg6: memref<2000x128xf32, #tpu.memory_space<vmem>>) attributes {dimension_semantics = [#tpu.dimension_semantics<arbitrary>], iteration_bounds = array<i64: 80>, scalar_prefetch = 0 : i64, scratch_operands = 0 : i64, tpu.core_type = #tpu.core_type<tc>, window_params = [{transform_indices = @transform_0, window_bounds = array<i64: 2000, 128>}, {transform_indices = @transform_1, window_bounds = array<i64: 2000, 256>}, {transform_indices = @transform_2, window_bounds = array<i64: 2000, 16>}, {pipeline_mode = #tpu.pipeline_mode<synchronous>, transform_indices = @transform_3, window_bounds = array<i64: 16, 128>}, {transform_indices = @transform_4, window_bounds = array<i64: 2000, 128>}, {transform_indices = @transform_5, window_bounds = array<i64: 2000, 128>}]} {
    %get3A = arith.constant 0 : index
    %get3A_0 = arith.constant 0 : index
    %get3A_1 = vector.load %arg1[%get3A, %get3A_0] : memref<2000x128xf32, #tpu.memory_space<vmem>>, vector<2000x128xf32>
    %get3A_2 = arith.constant 0 : index
    %get3A_3 = arith.constant 0 : index
    %get3A_4 = vector.load %arg2[%get3A_2, %get3A_3] : memref<2000x256xf32, #tpu.memory_space<vmem>>, vector<2000x128xf32>
    %get3A_5 = arith.constant 0 : index
    %get3A_6 = arith.constant 128 : index
    %get3A_7 = vector.load %arg2[%get3A_5, %get3A_6] : memref<2000x256xf32, #tpu.memory_space<vmem>>, vector<2000x128xf32>
    %get3A_8 = arith.constant 0 : index
    %get3A_9 = arith.constant 0 : index
    %get3A_10 = vector.load %arg3[%get3A_8, %get3A_9] : memref<2000x16xf32, #tpu.memory_space<vmem>>, vector<2000x16xf32>
    %get3A_11 = arith.constant 0 : index
    %get3A_12 = arith.constant 0 : index
    %get3A_13 = vector.load %arg4[%get3A_11, %get3A_12] : memref<16x128xf32, #tpu.memory_space<vmem>>, vector<16x128xf32>
    %dot_general3A = arith.constant dense<0.000000e+00> : vector<2000x128xf32>
    %dot_general3A_14 = tpu.matmul %get3A_10, %get3A_13, %dot_general3A {dimension_numbers = #tpu.dot_dimension_numbers<[1], [0], [0], [1], [0, 0, 1, 1], [], []>, transpose_lhs_hint = false} : vector<2000x16xf32>, vector<16x128xf32>, vector<2000x128xf32> -> vector<2000x128xf32>
    %add3A = arith.addf %get3A_4, %dot_general3A_14 : vector<2000x128xf32>
    %add3A_15 = arith.addf %get3A_7, %dot_general3A_14 : vector<2000x128xf32>
    %mul3A = arith.mulf %get3A_1, %add3A : vector<2000x128xf32>
    %iota3A = tpu.iota {dimensions = array<i32: 0>} : vector<128x128xi32>
    %iota3A_16 = tpu.iota {dimensions = array<i32: 1>} : vector<128x128xi32>
    %jit3A = arith.constant 16 : i32
    %div3A = vector.broadcast %jit3A : i32 to vector<128x128xi32>
    %div3A_17 = arith.divsi %iota3A, %div3A : vector<128x128xi32>
    %sign3A = arith.constant 0 : i32
    %sign3A_18 = vector.broadcast %sign3A : i32 to vector<128x128xi32>
    %sign3A_19 = arith.cmpi sgt, %iota3A, %sign3A_18 : vector<128x128xi32>
    %sign3A_20 = arith.extui %sign3A_19 : vector<128x128xi1> to vector<128x128xi32>
    %sign3A_21 = arith.constant 0 : i32
    %sign3A_22 = vector.broadcast %sign3A_21 : i32 to vector<128x128xi32>
    %sign3A_23 = arith.cmpi slt, %iota3A, %sign3A_22 : vector<128x128xi32>
    %sign3A_24 = arith.extui %sign3A_23 : vector<128x128xi1> to vector<128x128xi32>
    %sign3A_25 = arith.subi %sign3A_20, %sign3A_24 : vector<128x128xi32>
    %sign3A_26 = arith.constant 0 : i32
    %sign3A_27 = arith.cmpi sgt, %jit3A, %sign3A_26 : i32
    %sign3A_28 = arith.extui %sign3A_27 : i1 to i32
    %sign3A_29 = arith.constant 0 : i32
    %sign3A_30 = arith.cmpi slt, %jit3A, %sign3A_29 : i32
    %sign3A_31 = arith.extui %sign3A_30 : i1 to i32
    %sign3A_32 = arith.subi %sign3A_28, %sign3A_31 : i32
    %ne3A = vector.broadcast %sign3A_32 : i32 to vector<128x128xi32>
    %ne3A_33 = arith.cmpi ne, %sign3A_25, %ne3A : vector<128x128xi32>
    %rem3A = vector.broadcast %jit3A : i32 to vector<128x128xi32>
    %rem3A_34 = arith.remsi %iota3A, %rem3A : vector<128x128xi32>
    %ne3A_35 = arith.constant 0 : i32
    %ne3A_36 = vector.broadcast %ne3A_35 : i32 to vector<128x128xi32>
    %ne3A_37 = arith.cmpi ne, %rem3A_34, %ne3A_36 : vector<128x128xi32>
    %and3A = arith.andi %ne3A_33, %ne3A_37 : vector<128x128xi1>
    %sub3A = arith.constant 1 : i32
    %sub3A_38 = vector.broadcast %sub3A : i32 to vector<128x128xi32>
    %sub3A_39 = arith.subi %div3A_17, %sub3A_38 : vector<128x128xi32>
    %select_n3A = arith.select %and3A, %sub3A_39, %div3A_17 : vector<128x128xi1>, vector<128x128xi32>
    %jit3A_40 = arith.constant 16 : i32
    %div3A_41 = vector.broadcast %jit3A_40 : i32 to vector<128x128xi32>
    %div3A_42 = arith.divsi %iota3A_16, %div3A_41 : vector<128x128xi32>
    %sign3A_43 = arith.constant 0 : i32
    %sign3A_44 = vector.broadcast %sign3A_43 : i32 to vector<128x128xi32>
    %sign3A_45 = arith.cmpi sgt, %iota3A_16, %sign3A_44 : vector<128x128xi32>
    %sign3A_46 = arith.extui %sign3A_45 : vector<128x128xi1> to vector<128x128xi32>
    %sign3A_47 = arith.constant 0 : i32
    %sign3A_48 = vector.broadcast %sign3A_47 : i32 to vector<128x128xi32>
    %sign3A_49 = arith.cmpi slt, %iota3A_16, %sign3A_48 : vector<128x128xi32>
    %sign3A_50 = arith.extui %sign3A_49 : vector<128x128xi1> to vector<128x128xi32>
    %sign3A_51 = arith.subi %sign3A_46, %sign3A_50 : vector<128x128xi32>
    %sign3A_52 = arith.constant 0 : i32
    %sign3A_53 = arith.cmpi sgt, %jit3A_40, %sign3A_52 : i32
    %sign3A_54 = arith.extui %sign3A_53 : i1 to i32
    %sign3A_55 = arith.constant 0 : i32
    %sign3A_56 = arith.cmpi slt, %jit3A_40, %sign3A_55 : i32
    %sign3A_57 = arith.extui %sign3A_56 : i1 to i32
    %sign3A_58 = arith.subi %sign3A_54, %sign3A_57 : i32
    %ne3A_59 = vector.broadcast %sign3A_58 : i32 to vector<128x128xi32>
    %ne3A_60 = arith.cmpi ne, %sign3A_51, %ne3A_59 : vector<128x128xi32>
    %rem3A_61 = vector.broadcast %jit3A_40 : i32 to vector<128x128xi32>
    %rem3A_62 = arith.remsi %iota3A_16, %rem3A_61 : vector<128x128xi32>
    %ne3A_63 = arith.constant 0 : i32
    %ne3A_64 = vector.broadcast %ne3A_63 : i32 to vector<128x128xi32>
    %ne3A_65 = arith.cmpi ne, %rem3A_62, %ne3A_64 : vector<128x128xi32>
    %and3A_66 = arith.andi %ne3A_60, %ne3A_65 : vector<128x128xi1>
    %sub3A_67 = arith.constant 1 : i32
    %sub3A_68 = vector.broadcast %sub3A_67 : i32 to vector<128x128xi32>
    %sub3A_69 = arith.subi %div3A_42, %sub3A_68 : vector<128x128xi32>
    %select_n3A_70 = arith.select %and3A_66, %sub3A_69, %div3A_42 : vector<128x128xi1>, vector<128x128xi32>
    %eq3A = arith.cmpi eq, %select_n3A, %select_n3A_70 : vector<128x128xi32>
    %convert_element_type3A = arith.extui %eq3A : vector<128x128xi1> to vector<128x128xi32>
    %convert_element_type3A_71 = arith.sitofp %convert_element_type3A : vector<128x128xi32> to vector<128x128xf32>
    %dot_general3A_72 = arith.constant dense<0.000000e+00> : vector<2000x128xf32>
    %dot_general3A_73 = tpu.matmul %mul3A, %convert_element_type3A_71, %dot_general3A_72 {dimension_numbers = #tpu.dot_dimension_numbers<[1], [0], [0], [1], [0, 0, 1, 1], [], []>, transpose_lhs_hint = false} : vector<2000x128xf32>, vector<128x128xf32>, vector<2000x128xf32> -> vector<2000x128xf32>
    %mul3A_74 = arith.constant 2.500000e-01 : f32
    %mul3A_75 = vector.broadcast %mul3A_74 : f32 to vector<2000x128xf32>
    %mul3A_76 = arith.mulf %dot_general3A_73, %mul3A_75 : vector<2000x128xf32>
    %exp3A = math.exp %mul3A_76 : vector<2000x128xf32>
    %mul3A_77 = arith.mulf %exp3A, %add3A_15 : vector<2000x128xf32>
    %swap3A = arith.constant 0 : index
    %swap3A_78 = arith.constant 0 : index
    %swap3A_79 = vector.load %arg5[%swap3A, %swap3A_78] : memref<2000x128xf32, #tpu.memory_space<vmem>>, vector<2000x128xf32>
    tpu.vector_store %arg5[%swap3A, %swap3A_78], %mul3A_77 {strides = array<i32>} : memref<2000x128xf32, #tpu.memory_space<vmem>>, vector<2000x128xf32>,
    %swap3A_80 = arith.constant 0 : index
    %swap3A_81 = arith.constant 0 : index
    %swap3A_82 = vector.load %arg6[%swap3A_80, %swap3A_81] : memref<2000x128xf32, #tpu.memory_space<vmem>>, vector<2000x128xf32>
    tpu.vector_store %arg6[%swap3A_80, %swap3A_81], %exp3A {strides = array<i32>} : memref<2000x128xf32, #tpu.memory_space<vmem>>, vector<2000x128xf32>,
    return
  }
  func.func @transform_0(%arg0: i32) -> (i32, i32) {
    %c0_i32 = arith.constant 0 : i32
    %c0_i32_0 = arith.constant 0 : i32
    return %arg0, %c0_i32 : i32, i32
  }
  func.func @transform_1(%arg0: i32) -> (i32, i32) {
    %c0_i32 = arith.constant 0 : i32
    %c0_i32_0 = arith.constant 0 : i32
    return %arg0, %c0_i32 : i32, i32
  }
  func.func @transform_2(%arg0: i32) -> (i32, i32) {
    %c0_i32 = arith.constant 0 : i32
    %c0_i32_0 = arith.constant 0 : i32
    return %arg0, %c0_i32 : i32, i32
  }
  func.func @transform_3(%arg0: i32) -> (i32, i32) {
    %c0_i32 = arith.constant 0 : i32
    %c0_i32_0 = arith.constant 0 : i32
    %c0_i32_1 = arith.constant 0 : i32
    return %c0_i32, %c0_i32_0 : i32, i32
  }
  func.func @transform_4(%arg0: i32) -> (i32, i32) {
    %c0_i32 = arith.constant 0 : i32
    %c0_i32_0 = arith.constant 0 : i32
    return %arg0, %c0_i32 : i32, i32
  }
  func.func @transform_5(%arg0: i32) -> (i32, i32) {
    %c0_i32 = arith.constant 0 : i32
    %c0_i32_0 = arith.constant 0 : i32
    return %arg0, %c0_i32 : i32, i32
  }
}

module attributes {stable_mosaic.version = 14 : i64} {
  func.func @body(%arg0: i32, %arg1: memref<2000x128xf32, #tpu.memory_space<vmem>>, %arg2: memref<2000x128xf32, #tpu.memory_space<vmem>>, %arg3: memref<2000x128xf32, #tpu.memory_space<vmem>>, %arg4: memref<2000x128xf32, #tpu.memory_space<vmem>>, %arg5: memref<2000x128xf32, #tpu.memory_space<vmem>>, %arg6: memref<2000x128xf32, #tpu.memory_space<vmem>>, %arg7: memref<1x128xf32, #tpu.memory_space<vmem>>, %arg8: memref<1x128xf32, #tpu.memory_space<vmem>>, %arg9: memref<1x128xf32, #tpu.memory_space<vmem>>, %arg10: memref<1x128xf32, #tpu.memory_space<vmem>>, %arg11: memref<2000x128xf32, #tpu.memory_space<vmem>>) attributes {dimension_semantics = [#tpu.dimension_semantics<arbitrary>], iteration_bounds = array<i64: 5>, scalar_prefetch = 0 : i64, scratch_operands = 0 : i64, tpu.core_type = #tpu.core_type<tc>, window_params = [{transform_indices = @transform_0, window_bounds = array<i64: 2000, 128>}, {transform_indices = @transform_1, window_bounds = array<i64: 2000, 128>}, {transform_indices = @transform_2, window_bounds = array<i64: 2000, 128>}, {transform_indices = @transform_3, window_bounds = array<i64: 2000, 128>}, {transform_indices = @transform_4, window_bounds = array<i64: 2000, 128>}, {transform_indices = @transform_5, window_bounds = array<i64: 2000, 128>}, {pipeline_mode = #tpu.pipeline_mode<synchronous>, transform_indices = @transform_6, window_bounds = array<i64: 1, 128>}, {pipeline_mode = #tpu.pipeline_mode<synchronous>, transform_indices = @transform_7, window_bounds = array<i64: 1, 128>}, {pipeline_mode = #tpu.pipeline_mode<synchronous>, transform_indices = @transform_8, window_bounds = array<i64: 1, 128>}, {pipeline_mode = #tpu.pipeline_mode<synchronous>, transform_indices = @transform_9, window_bounds = array<i64: 1, 128>}, {transform_indices = @transform_10, window_bounds = array<i64: 2000, 128>}]} {
    %get3A = arith.constant 0 : index
    %get3A_0 = arith.constant 0 : index
    %get3A_1 = vector.load %arg3[%get3A, %get3A_0] : memref<2000x128xf32, #tpu.memory_space<vmem>>, vector<2000x128xf32>
    %get3A_2 = arith.constant 0 : index
    %get3A_3 = arith.constant 0 : index
    %get3A_4 = vector.load %arg4[%get3A_2, %get3A_3] : memref<2000x128xf32, #tpu.memory_space<vmem>>, vector<2000x128xf32>
    %add3A = arith.addf %get3A_1, %get3A_4 : vector<2000x128xf32>
    %get3A_5 = arith.constant 0 : index
    %get3A_6 = arith.constant 0 : index
    %get3A_7 = vector.load %arg1[%get3A_5, %get3A_6] : memref<2000x128xf32, #tpu.memory_space<vmem>>, vector<2000x128xf32>
    %get3A_8 = arith.constant 0 : index
    %get3A_9 = arith.constant 0 : index
    %get3A_10 = vector.load %arg2[%get3A_8, %get3A_9] : memref<2000x128xf32, #tpu.memory_space<vmem>>, vector<2000x128xf32>
    %add3A_11 = arith.addf %get3A_7, %get3A_10 : vector<2000x128xf32>
    %max3A = arith.constant 1.000000e-30 : f32
    %max3A_12 = vector.broadcast %max3A : f32 to vector<2000x128xf32>
    %max3A_13 = arith.maximumf %add3A, %max3A_12 : vector<2000x128xf32>
    %div3A = arith.divf %add3A_11, %max3A_13 : vector<2000x128xf32>
    %get3A_14 = arith.constant 0 : index
    %get3A_15 = arith.constant 0 : index
    %get3A_16 = vector.load %arg5[%get3A_14, %get3A_15] : memref<2000x128xf32, #tpu.memory_space<vmem>>, vector<2000x128xf32>
    %get3A_17 = arith.constant 0 : index
    %get3A_18 = arith.constant 0 : index
    %get3A_19 = vector.load %arg7[%get3A_17, %get3A_18] : memref<1x128xf32, #tpu.memory_space<vmem>>, vector<1x128xf32>
    %mul3A = vector.broadcast %get3A_19 : vector<1x128xf32> to vector<2000x128xf32>
    %mul3A_20 = arith.mulf %div3A, %mul3A : vector<2000x128xf32>
    %reduce_sum3A = arith.constant dense<0.000000e+00> : vector<2000xf32>
    %reduce_sum3A_21 = vector.multi_reduction <add>, %mul3A_20, %reduce_sum3A [1] : vector<2000x128xf32> to vector<2000xf32>
    %broadcast_in_dim3A = vector.shape_cast %reduce_sum3A_21 : vector<2000xf32> to vector<2000x1xf32>
    %get3A_22 = arith.constant 0 : index
    %get3A_23 = arith.constant 0 : index
    %get3A_24 = vector.load %arg8[%get3A_22, %get3A_23] : memref<1x128xf32, #tpu.memory_space<vmem>>, vector<1x128xf32>
    %mul3A_25 = vector.broadcast %get3A_24 : vector<1x128xf32> to vector<2000x128xf32>
    %mul3A_26 = arith.mulf %get3A_16, %mul3A_25 : vector<2000x128xf32>
    %reduce_sum3A_27 = arith.constant dense<0.000000e+00> : vector<2000xf32>
    %reduce_sum3A_28 = vector.multi_reduction <add>, %mul3A_26, %reduce_sum3A_27 [1] : vector<2000x128xf32> to vector<2000xf32>
    %broadcast_in_dim3A_29 = vector.shape_cast %reduce_sum3A_28 : vector<2000xf32> to vector<2000x1xf32>
    %add3A_30 = arith.addf %broadcast_in_dim3A, %broadcast_in_dim3A_29 : vector<2000x1xf32>
    %logistic3A = arith.negf %add3A_30 : vector<2000x1xf32>
    %logistic3A_31 = math.exp %logistic3A : vector<2000x1xf32>
    %logistic3A_32 = arith.constant 1.000000e+00 : f32
    %logistic3A_33 = vector.broadcast %logistic3A_32 : f32 to vector<2000x1xf32>
    %logistic3A_34 = arith.addf %logistic3A_33, %logistic3A_31 : vector<2000x1xf32>
    %logistic3A_35 = arith.divf %logistic3A_33, %logistic3A_34 : vector<2000x1xf32>
    %mul3A_36 = vector.broadcast %logistic3A_35 : vector<2000x1xf32> to vector<2000x128xf32>
    %mul3A_37 = arith.mulf %mul3A_36, %get3A_16 : vector<2000x128xf32>
    %sub3A = arith.constant 1.000000e+00 : f32
    %sub3A_38 = vector.broadcast %sub3A : f32 to vector<2000x1xf32>
    %sub3A_39 = arith.subf %sub3A_38, %logistic3A_35 : vector<2000x1xf32>
    %mul3A_40 = vector.broadcast %sub3A_39 : vector<2000x1xf32> to vector<2000x128xf32>
    %mul3A_41 = arith.mulf %mul3A_40, %div3A : vector<2000x128xf32>
    %add3A_42 = arith.addf %mul3A_37, %mul3A_41 : vector<2000x128xf32>
    %get3A_43 = arith.constant 0 : index
    %get3A_44 = arith.constant 0 : index
    %get3A_45 = vector.load %arg6[%get3A_43, %get3A_44] : memref<2000x128xf32, #tpu.memory_space<vmem>>, vector<2000x128xf32>
    %add3A_46 = arith.addf %add3A_42, %get3A_45 : vector<2000x128xf32>
    %reduce_sum3A_47 = arith.constant dense<0.000000e+00> : vector<2000xf32>
    %reduce_sum3A_48 = vector.multi_reduction <add>, %add3A_46, %reduce_sum3A_47 [1] : vector<2000x128xf32> to vector<2000xf32>
    %broadcast_in_dim3A_49 = vector.shape_cast %reduce_sum3A_48 : vector<2000xf32> to vector<2000x1xf32>
    %div3A_50 = arith.constant 1.280000e+02 : f32
    %div3A_51 = vector.broadcast %div3A_50 : f32 to vector<2000x1xf32>
    %div3A_52 = arith.divf %broadcast_in_dim3A_49, %div3A_51 : vector<2000x1xf32>
    %sub3A_53 = vector.broadcast %div3A_52 : vector<2000x1xf32> to vector<2000x128xf32>
    %sub3A_54 = arith.subf %add3A_46, %sub3A_53 : vector<2000x128xf32>
    %mul3A_55 = arith.mulf %sub3A_54, %sub3A_54 : vector<2000x128xf32>
    %reduce_sum3A_56 = arith.constant dense<0.000000e+00> : vector<2000xf32>
    %reduce_sum3A_57 = vector.multi_reduction <add>, %mul3A_55, %reduce_sum3A_56 [1] : vector<2000x128xf32> to vector<2000xf32>
    %broadcast_in_dim3A_58 = vector.shape_cast %reduce_sum3A_57 : vector<2000xf32> to vector<2000x1xf32>
    %div3A_59 = arith.constant 1.280000e+02 : f32
    %div3A_60 = vector.broadcast %div3A_59 : f32 to vector<2000x1xf32>
    %div3A_61 = arith.divf %broadcast_in_dim3A_58, %div3A_60 : vector<2000x1xf32>
    %add3A_62 = arith.constant 9.99999974E-6 : f32
    %add3A_63 = vector.broadcast %add3A_62 : f32 to vector<2000x1xf32>
    %add3A_64 = arith.addf %div3A_61, %add3A_63 : vector<2000x1xf32>
    %rsqrt3A = math.rsqrt %add3A_64 : vector<2000x1xf32>
    %mul3A_65 = vector.broadcast %rsqrt3A : vector<2000x1xf32> to vector<2000x128xf32>
    %mul3A_66 = arith.mulf %sub3A_54, %mul3A_65 : vector<2000x128xf32>
    %get3A_67 = arith.constant 0 : index
    %get3A_68 = arith.constant 0 : index
    %get3A_69 = vector.load %arg9[%get3A_67, %get3A_68] : memref<1x128xf32, #tpu.memory_space<vmem>>, vector<1x128xf32>
    %mul3A_70 = vector.broadcast %get3A_69 : vector<1x128xf32> to vector<2000x128xf32>
    %mul3A_71 = arith.mulf %mul3A_66, %mul3A_70 : vector<2000x128xf32>
    %get3A_72 = arith.constant 0 : index
    %get3A_73 = arith.constant 0 : index
    %get3A_74 = vector.load %arg10[%get3A_72, %get3A_73] : memref<1x128xf32, #tpu.memory_space<vmem>>, vector<1x128xf32>
    %add3A_75 = vector.broadcast %get3A_74 : vector<1x128xf32> to vector<2000x128xf32>
    %add3A_76 = arith.addf %mul3A_71, %add3A_75 : vector<2000x128xf32>
    %swap3A = arith.constant 0 : index
    %swap3A_77 = arith.constant 0 : index
    %swap3A_78 = vector.load %arg11[%swap3A, %swap3A_77] : memref<2000x128xf32, #tpu.memory_space<vmem>>, vector<2000x128xf32>
    tpu.vector_store %arg11[%swap3A, %swap3A_77], %add3A_76 {strides = array<i32>} : memref<2000x128xf32, #tpu.memory_space<vmem>>, vector<2000x128xf32>,
    return
  }
  func.func @transform_0(%arg0: i32) -> (i32, i32) {
    %c0_i32 = arith.constant 0 : i32
    %c0_i32_0 = arith.constant 0 : i32
    return %arg0, %c0_i32 : i32, i32
  }
  func.func @transform_1(%arg0: i32) -> (i32, i32) {
    %c0_i32 = arith.constant 0 : i32
    %c0_i32_0 = arith.constant 0 : i32
    return %arg0, %c0_i32 : i32, i32
  }
  func.func @transform_2(%arg0: i32) -> (i32, i32) {
    %c0_i32 = arith.constant 0 : i32
    %c0_i32_0 = arith.constant 0 : i32
    return %arg0, %c0_i32 : i32, i32
  }
  func.func @transform_3(%arg0: i32) -> (i32, i32) {
    %c0_i32 = arith.constant 0 : i32
    %c0_i32_0 = arith.constant 0 : i32
    return %arg0, %c0_i32 : i32, i32
  }
  func.func @transform_4(%arg0: i32) -> (i32, i32) {
    %c0_i32 = arith.constant 0 : i32
    %c0_i32_0 = arith.constant 0 : i32
    return %arg0, %c0_i32 : i32, i32
  }
  func.func @transform_5(%arg0: i32) -> (i32, i32) {
    %c0_i32 = arith.constant 0 : i32
    %c0_i32_0 = arith.constant 0 : i32
    return %arg0, %c0_i32 : i32, i32
  }
  func.func @transform_6(%arg0: i32) -> (i32, i32) {
    %c0_i32 = arith.constant 0 : i32
    %c0_i32_0 = arith.constant 0 : i32
    %c0_i32_1 = arith.constant 0 : i32
    return %c0_i32, %c0_i32_0 : i32, i32
  }
  func.func @transform_7(%arg0: i32) -> (i32, i32) {
    %c0_i32 = arith.constant 0 : i32
    %c0_i32_0 = arith.constant 0 : i32
    %c0_i32_1 = arith.constant 0 : i32
    return %c0_i32, %c0_i32_0 : i32, i32
  }
  func.func @transform_8(%arg0: i32) -> (i32, i32) {
    %c0_i32 = arith.constant 0 : i32
    %c0_i32_0 = arith.constant 0 : i32
    %c0_i32_1 = arith.constant 0 : i32
    return %c0_i32, %c0_i32_0 : i32, i32
  }
  func.func @transform_9(%arg0: i32) -> (i32, i32) {
    %c0_i32 = arith.constant 0 : i32
    %c0_i32_0 = arith.constant 0 : i32
    %c0_i32_1 = arith.constant 0 : i32
    return %c0_i32, %c0_i32_0 : i32, i32
  }
  func.func @transform_10(%arg0: i32) -> (i32, i32) {
    %c0_i32 = arith.constant 0 : i32
    %c0_i32_0 = arith.constant 0 : i32
    return %arg0, %c0_i32 : i32, i32
  }
}

module attributes {stable_mosaic.version = 14 : i64} {
  func.func @body(%arg0: i32, %arg1: memref<2000x128xf32, #tpu.memory_space<vmem>>, %arg2: memref<128x512xf32, #tpu.memory_space<vmem>>, %arg3: memref<1x512xf32, #tpu.memory_space<vmem>>, %arg4: memref<512x128xf32, #tpu.memory_space<vmem>>, %arg5: memref<1x128xf32, #tpu.memory_space<vmem>>, %arg6: memref<1x128xf32, #tpu.memory_space<vmem>>, %arg7: memref<1x128xf32, #tpu.memory_space<vmem>>, %arg8: memref<2000x128xf32, #tpu.memory_space<vmem>>) attributes {dimension_semantics = [#tpu.dimension_semantics<arbitrary>], iteration_bounds = array<i64: 5>, scalar_prefetch = 0 : i64, scratch_operands = 0 : i64, tpu.core_type = #tpu.core_type<tc>, window_params = [{transform_indices = @transform_0, window_bounds = array<i64: 2000, 128>}, {pipeline_mode = #tpu.pipeline_mode<synchronous>, transform_indices = @transform_1, window_bounds = array<i64: 128, 512>}, {pipeline_mode = #tpu.pipeline_mode<synchronous>, transform_indices = @transform_2, window_bounds = array<i64: 1, 512>}, {pipeline_mode = #tpu.pipeline_mode<synchronous>, transform_indices = @transform_3, window_bounds = array<i64: 512, 128>}, {pipeline_mode = #tpu.pipeline_mode<synchronous>, transform_indices = @transform_4, window_bounds = array<i64: 1, 128>}, {pipeline_mode = #tpu.pipeline_mode<synchronous>, transform_indices = @transform_5, window_bounds = array<i64: 1, 128>}, {pipeline_mode = #tpu.pipeline_mode<synchronous>, transform_indices = @transform_6, window_bounds = array<i64: 1, 128>}, {transform_indices = @transform_7, window_bounds = array<i64: 2000, 128>}]} {
    %get3A = arith.constant 0 : index
    %get3A_0 = arith.constant 0 : index
    %get3A_1 = vector.load %arg1[%get3A, %get3A_0] : memref<2000x128xf32, #tpu.memory_space<vmem>>, vector<2000x128xf32>
    %get3A_2 = arith.constant 0 : index
    %get3A_3 = arith.constant 0 : index
    %get3A_4 = vector.load %arg2[%get3A_2, %get3A_3] : memref<128x512xf32, #tpu.memory_space<vmem>>, vector<128x512xf32>
    %dot_general3A = arith.constant dense<0.000000e+00> : vector<2000x512xf32>
    %dot_general3A_5 = tpu.matmul %get3A_1, %get3A_4, %dot_general3A {dimension_numbers = #tpu.dot_dimension_numbers<[1], [0], [0], [1], [0, 0, 1, 1], [], []>, transpose_lhs_hint = false} : vector<2000x128xf32>, vector<128x512xf32>, vector<2000x512xf32> -> vector<2000x512xf32>
    %get3A_6 = arith.constant 0 : index
    %get3A_7 = arith.constant 0 : index
    %get3A_8 = vector.load %arg3[%get3A_6, %get3A_7] : memref<1x512xf32, #tpu.memory_space<vmem>>, vector<1x512xf32>
    %add3A = vector.broadcast %get3A_8 : vector<1x512xf32> to vector<2000x512xf32>
    %add3A_9 = arith.addf %dot_general3A_5, %add3A : vector<2000x512xf32>
    %max3A = arith.constant 0.000000e+00 : f32
    %max3A_10 = vector.broadcast %max3A : f32 to vector<2000x512xf32>
    %max3A_11 = arith.maximumf %add3A_9, %max3A_10 : vector<2000x512xf32>
    %get3A_12 = arith.constant 0 : index
    %get3A_13 = arith.constant 0 : index
    %get3A_14 = vector.load %arg4[%get3A_12, %get3A_13] : memref<512x128xf32, #tpu.memory_space<vmem>>, vector<512x128xf32>
    %dot_general3A_15 = arith.constant dense<0.000000e+00> : vector<2000x128xf32>
    %dot_general3A_16 = tpu.matmul %max3A_11, %get3A_14, %dot_general3A_15 {dimension_numbers = #tpu.dot_dimension_numbers<[1], [0], [0], [1], [0, 0, 1, 1], [], []>, transpose_lhs_hint = false} : vector<2000x512xf32>, vector<512x128xf32>, vector<2000x128xf32> -> vector<2000x128xf32>
    %get3A_17 = arith.constant 0 : index
    %get3A_18 = arith.constant 0 : index
    %get3A_19 = vector.load %arg5[%get3A_17, %get3A_18] : memref<1x128xf32, #tpu.memory_space<vmem>>, vector<1x128xf32>
    %add3A_20 = vector.broadcast %get3A_19 : vector<1x128xf32> to vector<2000x128xf32>
    %add3A_21 = arith.addf %dot_general3A_16, %add3A_20 : vector<2000x128xf32>
    %add3A_22 = arith.addf %add3A_21, %get3A_1 : vector<2000x128xf32>
    %reduce_sum3A = arith.constant dense<0.000000e+00> : vector<2000xf32>
    %reduce_sum3A_23 = vector.multi_reduction <add>, %add3A_22, %reduce_sum3A [1] : vector<2000x128xf32> to vector<2000xf32>
    %broadcast_in_dim3A = vector.shape_cast %reduce_sum3A_23 : vector<2000xf32> to vector<2000x1xf32>
    %div3A = arith.constant 1.280000e+02 : f32
    %div3A_24 = vector.broadcast %div3A : f32 to vector<2000x1xf32>
    %div3A_25 = arith.divf %broadcast_in_dim3A, %div3A_24 : vector<2000x1xf32>
    %sub3A = vector.broadcast %div3A_25 : vector<2000x1xf32> to vector<2000x128xf32>
    %sub3A_26 = arith.subf %add3A_22, %sub3A : vector<2000x128xf32>
    %mul3A = arith.mulf %sub3A_26, %sub3A_26 : vector<2000x128xf32>
    %reduce_sum3A_27 = arith.constant dense<0.000000e+00> : vector<2000xf32>
    %reduce_sum3A_28 = vector.multi_reduction <add>, %mul3A, %reduce_sum3A_27 [1] : vector<2000x128xf32> to vector<2000xf32>
    %broadcast_in_dim3A_29 = vector.shape_cast %reduce_sum3A_28 : vector<2000xf32> to vector<2000x1xf32>
    %div3A_30 = arith.constant 1.280000e+02 : f32
    %div3A_31 = vector.broadcast %div3A_30 : f32 to vector<2000x1xf32>
    %div3A_32 = arith.divf %broadcast_in_dim3A_29, %div3A_31 : vector<2000x1xf32>
    %add3A_33 = arith.constant 9.99999974E-6 : f32
    %add3A_34 = vector.broadcast %add3A_33 : f32 to vector<2000x1xf32>
    %add3A_35 = arith.addf %div3A_32, %add3A_34 : vector<2000x1xf32>
    %rsqrt3A = math.rsqrt %add3A_35 : vector<2000x1xf32>
    %mul3A_36 = vector.broadcast %rsqrt3A : vector<2000x1xf32> to vector<2000x128xf32>
    %mul3A_37 = arith.mulf %sub3A_26, %mul3A_36 : vector<2000x128xf32>
    %get3A_38 = arith.constant 0 : index
    %get3A_39 = arith.constant 0 : index
    %get3A_40 = vector.load %arg6[%get3A_38, %get3A_39] : memref<1x128xf32, #tpu.memory_space<vmem>>, vector<1x128xf32>
    %mul3A_41 = vector.broadcast %get3A_40 : vector<1x128xf32> to vector<2000x128xf32>
    %mul3A_42 = arith.mulf %mul3A_37, %mul3A_41 : vector<2000x128xf32>
    %get3A_43 = arith.constant 0 : index
    %get3A_44 = arith.constant 0 : index
    %get3A_45 = vector.load %arg7[%get3A_43, %get3A_44] : memref<1x128xf32, #tpu.memory_space<vmem>>, vector<1x128xf32>
    %add3A_46 = vector.broadcast %get3A_45 : vector<1x128xf32> to vector<2000x128xf32>
    %add3A_47 = arith.addf %mul3A_42, %add3A_46 : vector<2000x128xf32>
    %swap3A = arith.constant 0 : index
    %swap3A_48 = arith.constant 0 : index
    %swap3A_49 = vector.load %arg8[%swap3A, %swap3A_48] : memref<2000x128xf32, #tpu.memory_space<vmem>>, vector<2000x128xf32>
    tpu.vector_store %arg8[%swap3A, %swap3A_48], %add3A_47 {strides = array<i32>} : memref<2000x128xf32, #tpu.memory_space<vmem>>, vector<2000x128xf32>,
    return
  }
  func.func @transform_0(%arg0: i32) -> (i32, i32) {
    %c0_i32 = arith.constant 0 : i32
    %c0_i32_0 = arith.constant 0 : i32
    return %arg0, %c0_i32 : i32, i32
  }
  func.func @transform_1(%arg0: i32) -> (i32, i32) {
    %c0_i32 = arith.constant 0 : i32
    %c0_i32_0 = arith.constant 0 : i32
    %c0_i32_1 = arith.constant 0 : i32
    return %c0_i32, %c0_i32_0 : i32, i32
  }
  func.func @transform_2(%arg0: i32) -> (i32, i32) {
    %c0_i32 = arith.constant 0 : i32
    %c0_i32_0 = arith.constant 0 : i32
    %c0_i32_1 = arith.constant 0 : i32
    return %c0_i32, %c0_i32_0 : i32, i32
  }
  func.func @transform_3(%arg0: i32) -> (i32, i32) {
    %c0_i32 = arith.constant 0 : i32
    %c0_i32_0 = arith.constant 0 : i32
    %c0_i32_1 = arith.constant 0 : i32
    return %c0_i32, %c0_i32_0 : i32, i32
  }
  func.func @transform_4(%arg0: i32) -> (i32, i32) {
    %c0_i32 = arith.constant 0 : i32
    %c0_i32_0 = arith.constant 0 : i32
    %c0_i32_1 = arith.constant 0 : i32
    return %c0_i32, %c0_i32_0 : i32, i32
  }
  func.func @transform_5(%arg0: i32) -> (i32, i32) {
    %c0_i32 = arith.constant 0 : i32
    %c0_i32_0 = arith.constant 0 : i32
    %c0_i32_1 = arith.constant 0 : i32
    return %c0_i32, %c0_i32_0 : i32, i32
  }
  func.func @transform_6(%arg0: i32) -> (i32, i32) {
    %c0_i32 = arith.constant 0 : i32
    %c0_i32_0 = arith.constant 0 : i32
    %c0_i32_1 = arith.constant 0 : i32
    return %c0_i32, %c0_i32_0 : i32, i32
  }
  func.func @transform_7(%arg0: i32) -> (i32, i32) {
    %c0_i32 = arith.constant 0 : i32
    %c0_i32_0 = arith.constant 0 : i32
    return %arg0, %c0_i32 : i32, i32
  }
}

module attributes {stable_mosaic.version = 14 : i64} {
  func.func @body(%arg0: i32, %arg1: memref<1x1x2000xi32, #tpu.memory_space<vmem>>, %arg2: memref<2000x128xf32, #tpu.memory_space<vmem>>, %arg3: memref<64x128xf32, #tpu.memory_space<vmem>>, %arg4: memref<64x128xf32, #tpu.memory_space<vmem>>) attributes {dimension_semantics = [#tpu.dimension_semantics<arbitrary>], iteration_bounds = array<i64: 5>, scalar_prefetch = 0 : i64, scratch_operands = 0 : i64, tpu.core_type = #tpu.core_type<tc>, window_params = [{transform_indices = @transform_0, window_bounds = array<i64: 1, 1, 2000>}, {transform_indices = @transform_1, window_bounds = array<i64: 2000, 128>}, {pipeline_mode = #tpu.pipeline_mode<synchronous>, transform_indices = @transform_2, window_bounds = array<i64: 64, 128>}, {pipeline_mode = #tpu.pipeline_mode<synchronous>, transform_indices = @transform_3, window_bounds = array<i64: 64, 128>}]} {
    %eq3A = arith.constant 0 : i32
    %eq3A_0 = arith.cmpi eq, %arg0, %eq3A : i32
    %convert_element_type3A = arith.extui %eq3A_0 : i1 to i32
    %cond3A = arith.constant 0 : i32
    %cond3A_1 = arith.cmpi ne, %convert_element_type3A, %cond3A : i32
    scf.if %cond3A_1 {
      %broadcast_in_dim3A_30 = arith.constant 0.000000e+00 : f32
      %broadcast_in_dim3A_31 = vector.broadcast %broadcast_in_dim3A_30 : f32 to vector<64x128xf32>
      %swap3A_32 = arith.constant 0 : index
      %swap3A_33 = arith.constant 0 : index
      %swap3A_34 = vector.load %arg3[%swap3A_32, %swap3A_33] : memref<64x128xf32, #tpu.memory_space<vmem>>, vector<64x128xf32>
      tpu.vector_store %arg3[%swap3A_32, %swap3A_33], %broadcast_in_dim3A_31 {strides = array<i32>} : memref<64x128xf32, #tpu.memory_space<vmem>>, vector<64x128xf32>,
      %broadcast_in_dim3A_35 = arith.constant 0.000000e+00 : f32
      %broadcast_in_dim3A_36 = vector.broadcast %broadcast_in_dim3A_35 : f32 to vector<64x128xf32>
      %swap3A_37 = arith.constant 0 : index
      %swap3A_38 = arith.constant 0 : index
      %swap3A_39 = vector.load %arg4[%swap3A_37, %swap3A_38] : memref<64x128xf32, #tpu.memory_space<vmem>>, vector<64x128xf32>
      tpu.vector_store %arg4[%swap3A_37, %swap3A_38], %broadcast_in_dim3A_36 {strides = array<i32>} : memref<64x128xf32, #tpu.memory_space<vmem>>, vector<64x128xf32>,
    } else {
    }
    %get3A = arith.constant 0 : index
    %get3A_2 = arith.constant 0 : index
    %get3A_3 = arith.constant 0 : index
    %get3A_4 = vector.load %arg1[%get3A, %get3A_2, %get3A_3] : memref<1x1x2000xi32, #tpu.memory_space<vmem>>, vector<1x1x2000xi32>
    %get3A_5 = vector.shape_cast %get3A_4 : vector<1x1x2000xi32> to vector<2000xi32>
    %iota3A = tpu.iota {dimensions = array<i32: 0>} : vector<64x2000xi32>
    %broadcast_in_dim3A = vector.shape_cast %get3A_5 : vector<2000xi32> to vector<1x2000xi32>
    %eq3A_6 = vector.broadcast %broadcast_in_dim3A : vector<1x2000xi32> to vector<64x2000xi32>
    %eq3A_7 = arith.cmpi eq, %iota3A, %eq3A_6 : vector<64x2000xi32>
    %convert_element_type3A_8 = arith.extui %eq3A_7 : vector<64x2000xi1> to vector<64x2000xi32>
    %convert_element_type3A_9 = arith.sitofp %convert_element_type3A_8 : vector<64x2000xi32> to vector<64x2000xf32>
    %get3A_10 = arith.constant 0 : index
    %get3A_11 = arith.constant 0 : index
    %get3A_12 = vector.load %arg3[%get3A_10, %get3A_11] : memref<64x128xf32, #tpu.memory_space<vmem>>, vector<64x128xf32>
    %get3A_13 = arith.constant 0 : index
    %get3A_14 = arith.constant 0 : index
    %get3A_15 = vector.load %arg2[%get3A_13, %get3A_14] : memref<2000x128xf32, #tpu.memory_space<vmem>>, vector<2000x128xf32>
    %dot_general3A = arith.constant dense<0.000000e+00> : vector<64x128xf32>
    %dot_general3A_16 = tpu.matmul %convert_element_type3A_9, %get3A_15, %dot_general3A {dimension_numbers = #tpu.dot_dimension_numbers<[1], [0], [0], [1], [0, 0, 1, 1], [], []>, transpose_lhs_hint = false} : vector<64x2000xf32>, vector<2000x128xf32>, vector<64x128xf32> -> vector<64x128xf32>
    %add3A = arith.addf %get3A_12, %dot_general3A_16 : vector<64x128xf32>
    %swap3A = arith.constant 0 : index
    %swap3A_17 = arith.constant 0 : index
    %swap3A_18 = vector.load %arg3[%swap3A, %swap3A_17] : memref<64x128xf32, #tpu.memory_space<vmem>>, vector<64x128xf32>
    tpu.vector_store %arg3[%swap3A, %swap3A_17], %add3A {strides = array<i32>} : memref<64x128xf32, #tpu.memory_space<vmem>>, vector<64x128xf32>,
    %reduce_sum3A = arith.constant dense<0.000000e+00> : vector<64xf32>
    %reduce_sum3A_19 = vector.multi_reduction <add>, %convert_element_type3A_9, %reduce_sum3A [1] : vector<64x2000xf32> to vector<64xf32>
    %broadcast_in_dim3A_20 = vector.shape_cast %reduce_sum3A_19 : vector<64xf32> to vector<64x1xf32>
    %get3A_21 = arith.constant 0 : index
    %get3A_22 = arith.constant 0 : index
    %get3A_23 = vector.load %arg4[%get3A_21, %get3A_22] : memref<64x128xf32, #tpu.memory_space<vmem>>, vector<64x128xf32>
    %broadcast_in_dim3A_24 = vector.shape_cast %broadcast_in_dim3A_20 : vector<64x1xf32> to vector<64x1xf32>
    %broadcast_in_dim3A_25 = vector.broadcast %broadcast_in_dim3A_24 : vector<64x1xf32> to vector<64x128xf32>
    %add3A_26 = arith.addf %get3A_23, %broadcast_in_dim3A_25 : vector<64x128xf32>
    %swap3A_27 = arith.constant 0 : index
    %swap3A_28 = arith.constant 0 : index
    %swap3A_29 = vector.load %arg4[%swap3A_27, %swap3A_28] : memref<64x128xf32, #tpu.memory_space<vmem>>, vector<64x128xf32>
    tpu.vector_store %arg4[%swap3A_27, %swap3A_28], %add3A_26 {strides = array<i32>} : memref<64x128xf32, #tpu.memory_space<vmem>>, vector<64x128xf32>,
    return
  }
  func.func @transform_0(%arg0: i32) -> (i32, i32, i32) {
    %c0_i32 = arith.constant 0 : i32
    %c0_i32_0 = arith.constant 0 : i32
    %c0_i32_1 = arith.constant 0 : i32
    return %arg0, %c0_i32, %c0_i32_0 : i32, i32, i32
  }
  func.func @transform_1(%arg0: i32) -> (i32, i32) {
    %c0_i32 = arith.constant 0 : i32
    %c0_i32_0 = arith.constant 0 : i32
    return %arg0, %c0_i32 : i32, i32
  }
  func.func @transform_2(%arg0: i32) -> (i32, i32) {
    %c0_i32 = arith.constant 0 : i32
    %c0_i32_0 = arith.constant 0 : i32
    %c0_i32_1 = arith.constant 0 : i32
    return %c0_i32, %c0_i32_0 : i32, i32
  }
  func.func @transform_3(%arg0: i32) -> (i32, i32) {
    %c0_i32 = arith.constant 0 : i32
    %c0_i32_0 = arith.constant 0 : i32
    %c0_i32_1 = arith.constant 0 : i32
    return %c0_i32, %c0_i32_0 : i32, i32
  }
}

module attributes {stable_mosaic.version = 14 : i64} {
  func.func @body(%arg0: memref<64x128xf32, #tpu.memory_space<vmem>>, %arg1: memref<64x128xf32, #tpu.memory_space<vmem>>, %arg2: memref<128x128xf32, #tpu.memory_space<vmem>>, %arg3: memref<1x128xf32, #tpu.memory_space<vmem>>, %arg4: memref<64x128xf32, #tpu.memory_space<vmem>>) attributes {dimension_semantics = [], scalar_prefetch = 0 : i64, scratch_operands = 0 : i64, tpu.core_type = #tpu.core_type<tc>} {
    %get3A = arith.constant 0 : index
    %get3A_0 = arith.constant 0 : index
    %get3A_1 = vector.load %arg0[%get3A, %get3A_0] : memref<64x128xf32, #tpu.memory_space<vmem>>, vector<64x128xf32>
    %get3A_2 = arith.constant 0 : index
    %get3A_3 = arith.constant 0 : index
    %get3A_4 = vector.load %arg1[%get3A_2, %get3A_3] : memref<64x128xf32, #tpu.memory_space<vmem>>, vector<64x128xf32>
    %max3A = arith.constant 1.000000e+00 : f32
    %max3A_5 = vector.broadcast %max3A : f32 to vector<64x128xf32>
    %max3A_6 = arith.maximumf %get3A_4, %max3A_5 : vector<64x128xf32>
    %div3A = arith.divf %get3A_1, %max3A_6 : vector<64x128xf32>
    %get3A_7 = arith.constant 0 : index
    %get3A_8 = arith.constant 0 : index
    %get3A_9 = vector.load %arg2[%get3A_7, %get3A_8] : memref<128x128xf32, #tpu.memory_space<vmem>>, vector<128x128xf32>
    %dot_general3A = arith.constant dense<0.000000e+00> : vector<64x128xf32>
    %dot_general3A_10 = tpu.matmul %div3A, %get3A_9, %dot_general3A {dimension_numbers = #tpu.dot_dimension_numbers<[1], [0], [0], [1], [0, 0, 1, 1], [], []>, transpose_lhs_hint = false} : vector<64x128xf32>, vector<128x128xf32>, vector<64x128xf32> -> vector<64x128xf32>
    %get3A_11 = arith.constant 0 : index
    %get3A_12 = arith.constant 0 : index
    %get3A_13 = vector.load %arg3[%get3A_11, %get3A_12] : memref<1x128xf32, #tpu.memory_space<vmem>>, vector<1x128xf32>
    %add3A = vector.broadcast %get3A_13 : vector<1x128xf32> to vector<64x128xf32>
    %add3A_14 = arith.addf %dot_general3A_10, %add3A : vector<64x128xf32>
    %swap3A = arith.constant 0 : index
    %swap3A_15 = arith.constant 0 : index
    %swap3A_16 = vector.load %arg4[%swap3A, %swap3A_15] : memref<64x128xf32, #tpu.memory_space<vmem>>, vector<64x128xf32>
    tpu.vector_store %arg4[%swap3A, %swap3A_15], %add3A_14 {strides = array<i32>} : memref<64x128xf32, #tpu.memory_space<vmem>>, vector<64x128xf32>,
    return
  }
}

</mosaic_0001>

<sc_bundles>
// kernel: kernel.33.cloned.1.call-start
scs
__scs_entry_jumppad:
0x0: {  	(pc) =	sbr.rel $0x88, $3  }
0x1: {  	(tag) =	ssettag $0x0;
	lr =	simm.s32 $0x1  }
0x2: {  	[smem:$0x3F87] =	sst lr;
	_ =	strace $0xD0000000  }
0x3: {  	_ = 	snop  }
0x4: {  	_ = 	snop  }
0x5: {  	_ = 	snop  }
0x6: {  	_ = 	snop  }
0x7: {  	_ = 	snop  }
__scs_overlays_trampoline_lowered:
0x8: {  	[smem:$0x3F96] =	sst s0  }
0x9: {  	[smem:$0x3F97] =	sst s1  }
0xa: {  	[smem:$0x3F98] =	sst s2  }
0xb: {  	[smem:$0x3F99] =	sst s3  }
0xc: {  	[smem:$0x3F9A] =	sst s4  }
0xd: {  	[smem:$0x3F9B] =	sst s5  }
0xe: {  	[smem:$0x3F9C] =	sst s6  }
0xf: {  	[smem:$0x3F9D] =	sst s7  }
0x10: {  	[smem:$0x3F9E] =	sst s8  }
0x11: {  	[smem:$0x3F9F] =	sst s9;
	s0 =	simm.s32 @!p0 $0x0  }
0x12: {  	s1 =	sld [smem:$0x3F85];
	s0 =	simm.s32 @p0 $0x1  }
0x13: {  	[smem:$0x3FA0] =	sst s0;
	s0 =	simm.s32 @!p1 $0x0  }
0x14: {  	s2 =	sld [smem:$0x3F84];
	s0 =	simm.s32 @p1 $0x1  }
0x15: {  	[smem:$0x3FA1] =	sst s0;
	s0 =	simm.s32 @!p2 $0x0  }
0x16: {  	s3 =	sld [smem:$0x3FDB];
	s0 =	simm.s32 @p2 $0x1  }
0x17: {  	s4 =	simm.s32 $0x1BF5;
	[smem:$0x3FA3] =	sst s0  }
0x18: {  	s0 =	sld [smem:$0x3F86];
	_ =	swait.ge [sflag:s4], $0x0  }
0x19: {  	s7 =	sld [smem:$0x3F87]  }
0x1a: {  	s8 =	sadd.s32 $0xFFFFE003, lr  }
0x1b: {  	s9 =	sadd.s32 $0xFFFFFEF7, lr;
	s5 =	simm.s32 $0xFFFFFFFF;
	p2 =	slt.u32 s8, $0xFFFFF086  }
0x1c: {  	p1 =	slt.u32 s9, $0xF7A;
	s5 =	simm.s32 @!p2 $0x0  }
0x1d: {  	s5 =	simm.s32 @p1 $0x1;
	p0 =	seq.s32 s7, s2  }
0x1e: {  	s7 =	smul.u32 @!p0 $0xF7A, s2;
	p2 =	seq.s32 @!p0 s5, $0x0  }
0x1f: {  	s9 =	smul.u32 $0xF7A, s1;
	s8 =	simm.s32 @!p0 $0x1BF5;
	p2 =	por !p2, p0  }
0x20: {  	[sflag:s8] =	ssyncset.s32 @!p0 $0xFFFFF086;
	s6 =	sadd.s32 @!p0 s3, s7;
	s7 =	simm.s32 @!p0 $0x108  }
0x21: {  	s3 =	sadd.s32 s3, s9;
	s6 =	sadd.s32 @!p0 $0x88, s6;
	s7 =	simm.s32 @p2 $0x1082  }
0x22: {  	[simem:s7], [sflag:s8] =	dma.local @!p0 [hbm:s6], $0xF7A  }
0x23: {  	s9 =	sor.u32 $0xD0000000, s2;
	s6 =	simm.s32 $0x108;
	_ =	swait.ge @!p0 [sflag:s8], $0x0  }
0x24: {  	s3 =	sadd.s32 $0x88, s3;
	s6 =	simm.s32 @!p1 $0x1082;
	[sflag:s4] =	ssyncset.s32 $0xFFFFF086  }
0x25: {  	[simem:s6], [sflag:s4] =	dma.local [hbm:s3], $0xF7A  }
0x26: {  	[smem:$0x3F87] =	sst s1;
	(tag) =	ssettag s2;
	_ =	strace s9  }
0x27: {  	s1 =	sld [smem:$0x3F97]  }
0x28: {  	s2 =	sld [smem:$0x3F98]  }
0x29: {  	s4 =	sld [smem:$0x3F9A]  }
0x2a: {  	p0 =	seq.s32 s5, $0x0;
	s5 =	sld [smem:$0x3F9B]  }
0x2b: {  	s6 =	sld [smem:$0x3F9C]  }
0x2c: {  	s7 =	sld [smem:$0x3F9D]  }
0x2d: {  	s3 =	simm.s32 $0x108;
	s8 =	sld [smem:$0x3F9E]  }
0x2e: {  	s3 =	simm.s32 @!p0 $0x1082;
	s9 =	sld [smem:$0x3F9F]  }
0x2f: {  	lr =	sadd.s32 s0, s3;
	s0 =	sld [smem:$0x3F96]  }
0x30: {  	s3 =	sld [smem:$0x3F99]  }
0x31: {  	[smem:$0x3FA2] =	sst s10  }
0x32: {  	s10 =	sld [smem:$0x3FA0];
	_ =	sdelay $0x3  }
0x33: {  	p0 =	seq.s32 s10, $0x1;
	s10 =	sld [smem:$0x3FA2];
	_ =	sdelay $0x3  }
0x34: {  	[smem:$0x3FA2] =	sst s10  }
0x35: {  	s10 =	sld [smem:$0x3FA1];
	_ =	sdelay $0x3  }
0x36: {  	p1 =	seq.s32 s10, $0x1;
	s10 =	sld [smem:$0x3FA2];
	_ =	sdelay $0x3  }
0x37: {  	[smem:$0x3FA2] =	sst s10  }
0x38: {  	s10 =	sld [smem:$0x3FA3]  }
0x39: {  	_ = 	snop;
	(pc) =	sbr.ind lr, $3  }
0x3a: {  	_ = 	snop  }
0x3b: {  	_ = 	snop  }
0x3c: {  	p2 =	seq.s32 s10, $0x1;
	s10 =	sld [smem:$0x3FA2]  }
0x3d: {  	_ =	shalt  }
0x3e: {  	_ =	shalt  }
0x3f: {  	_ =	shalt  }
0x40: {  	_ =	shalt  }
0x41: {  	_ =	shalt  }
0x42: {  	_ =	shalt  }
0x43: {  	_ =	shalt  }
0x44: {  	_ =	shalt  }
0x45: {  	_ =	shalt  }
0x46: {  	_ =	shalt  }
0x47: {  	_ =	shalt  }
0x48: {  	_ =	shalt  }
0x49: {  	_ =	shalt  }
0x4a: {  	_ =	shalt  }
0x4b: {  	_ =	shalt  }
0x4c: {  	_ =	shalt  }
0x4d: {  	_ =	shalt  }
0x4e: {  	_ =	shalt  }
0x4f: {  	_ =	shalt  }
0x50: {  	_ =	shalt  }
0x51: {  	_ =	shalt  }
0x52: {  	_ =	shalt  }
0x53: {  	_ =	shalt  }
0x54: {  	_ =	shalt  }
0x55: {  	_ =	shalt  }
0x56: {  	_ =	shalt  }
0x57: {  	_ =	shalt  }
0x58: {  	_ =	shalt  }
0x59: {  	_ =	shalt  }
0x5a: {  	_ =	shalt  }
0x5b: {  	_ =	shalt  }
0x5c: {  	_ =	shalt  }
0x5d: {  	_ =	shalt  }
0x5e: {  	_ =	shalt  }
0x5f: {  	_ =	shalt  }
0x60: {  	_ =	shalt  }
0x61: {  	_ =	shalt  }
0x62: {  	_ =	shalt  }
0x63: {  	_ =	shalt  }
0x64: {  	_ =	shalt  }
0x65: {  	_ =	shalt  }
0x66: {  	_ =	shalt  }
0x67: {  	_ =	shalt  }
0x68: {  	_ =	shalt  }
0x69: {  	_ =	shalt  }
0x6a: {  	_ =	shalt  }
0x6b: {  	_ =	shalt  }
0x6c: {  	_ =	shalt  }
0x6d: {  	_ =	shalt  }
0x6e: {  	_ =	shalt  }
0x6f: {  	_ =	shalt  }
0x70: {  	_ =	shalt  }
0x71: {  	_ =	shalt  }
0x72: {  	_ =	shalt  }
0x73: {  	_ =	shalt  }
0x74: {  	_ =	shalt  }
0x75: {  	_ =	shalt  }
0x76: {  	_ =	shalt  }
0x77: {  	_ =	shalt  }
0x78: {  	_ =	shalt  }
0x79: {  	_ =	shalt  }
0x7a: {  	_ =	shalt  }
0x7b: {  	_ =	shalt  }
0x7c: {  	_ =	shalt  }
0x7d: {  	_ =	shalt  }
0x7e: {  	_ =	shalt  }
0x7f: {  	_ =	shalt  }
0x80: {  	_ =	shalt  }
0x81: {  	_ =	shalt  }
0x82: {  	_ =	shalt  }
0x83: {  	_ =	shalt  }
0x84: {  	_ =	shalt  }
0x85: {  	_ =	shalt  }
0x86: {  	_ =	shalt  }
0x87: {  	_ =	shalt  }
.Lfunc_end0:
.L_simem_size_0:
called_computation_lowered:
.L_overlay_start_0:
0x88: {  	s2 =	sld [smem:$0x3FD9]  }
0x89: {  	s3 =	sld [smem:$0x3FFE];
	_ =	sdelay $0x1  }
0x8a: {  	s1 =	srdreg.scid  }
0x8b: {  	s0 =	sand.u32 $0x1, s1  }
0x8c: {  	s16 =	sshll.u32 s0, $0xA;
	s2 =	sadd.s32 s3, s2  }
0x8d: {  	s2 =	sadd.s32 s2, s16  }
0x8e: {  	[smem:$0x3FAE] =	sst s2  }
0x8f: {  	_ = 	snop  }
0x90: {  	(tm) =	ssettm $0x1  }
0x91: {  	s17 =	sld [smem:$0x3FFB];
	_ =	sdelay $0x3  }
0x92: {  	_ =	strace s17  }
0x93: {  	s2 =	sld [smem:$0x3FFC];
	_ =	sdelay $0x3  }
0x94: {  	_ =	strace s2  }
0x95: {  	s2 =	sld [smem:$0x3FFD];
	_ =	sdelay $0x3  }
0x96: {  	_ =	strace s2  }
0x97: {  	_ =	strace $0x8FFFFFFF  }
0x98: {  	s18 =	sld [smem:$0x3FDB];
	_ =	sdelay $0x1  }
0x99: {  	s19 =	simm.s32 $_scs_section_size  }
0x9a: {  	s4 =	simm.s32 $_size__tile_overlayer_lowered;
	s5 =	simm.s32 $_tile_overlayer_lowered  }
0x9b: {  	s22 =	simm.s32 $0x1BFF;
	s21 =	sshll.u32 s5, $0x1;
	s2 =	sadd.s32 s19, s18  }
0x9c: {  	s6 =	simm.s32 $0x0;
	s20 =	sshll.u32 s4, $0x1;
	s4 =	sadd.s32 s21, s2  }
0x9d: {  	[timem:s6], [sflag:s22] =	dma.local [hbm:s4], s20  }
0x9e: {  	_ =	swait.ge [sflag:s22], s20  }
0x9f: {  	s3 =	ssub.s32 $0x0, s20;
	[sflag:s22] =	ssyncset.done $0x0  }
0xa0: {  	[sflag:s22] =	ssyncadd.s32 s3;
	_ =	sdelay $0x1  }
0xa1: {  	s23 =	simm.s32 $0x1B8B  }
0xa2: {  	_ =	swait.ge [sflag:s23], $0x1  }
0xa3: {  	[sflag:s23] =	ssyncset.done $0x0  }
0xa4: {  	s25 =	simm.s32 $0x1B8E;
	s24 =	sld [smem:$0x3FFE];
	[sflag:s23] =	ssyncadd.s32 $0xFFFFFFFF  }
0xa5: {  	s26 =	simm.s32 $execute0_lowered;
	[smem:$0x3FD2] =	sst s25  }
0xa6: {  	s4 =	sshll.u32 s26, $0x1;
	_ =	strace $0x80000046;
	[dreg:$0x1] =	wrdreg $0xFFFFFFFF  }
0xa7: {  	s28 =	simm.s32 $_size_execute0_lowered;
	s2 =	sadd.s32 s2, s4;
	[dreg:$0x0] =	wrdreg $0x0  }
0xa8: {  	s4 =	sshll.u32 s28, $0x1;
	[dreg:$0x2] =	wrdreg s2  }
0xa9: {  	[dreg:$0x3] =	wrdreg s4  }
0xaa: {  	[dreg:$0x4] =	wrdreg $0xC0  }
0xab: {  	_ =	task [dreg:s6], $0x5FFFF  }
0xac: {  	[dreg:$0x1] =	wrdreg $0xFFFFFFFF  }
0xad: {  	[dreg:$0x0] =	wrdreg $0x60  }
0xae: {  	[dreg:$0x2] =	wrdreg s24  }
0xaf: {  	[dreg:$0x3] =	wrdreg $0x9  }
0xb0: {  	_ =	task.clear_ibuf [dreg:s6], $0x4FFFF;
	_ =	strace $0x90000046  }
0xb1: {  	s29 =	simm.s32 $0x9;
	_ =	strace $0x80000048  }
0xb2: {  	_ =	swait.ge [sflag:s29], $0x1  }
0xb3: {  	[sflag:s29] =	ssyncadd.s32 $0xFFFFFFFF  }
0xb4: {  	_ =	strace $0x90000048  }
0xb5: {  	_ =	sfence  }
0xb6: {  	s30 =	sld [smem:$0x0];
	_ =	sdelay $0x2  }
0xb7: {  	s31 =	sshll.u32 s1, $0xD;
	s1 =	sshrl.u32 s1, $0x2  }
0xb8: {  	s3 =	sand.u32 $0x4000, s31;
	s1 =	sadd.s32 s1, s30  }
0xb9: {  	s0 =	sor.u32 s3, s0;
	s1 =	sshll.u32 s1, $0x11  }
0xba: {  	s0 =	sor.u32 s1, s0  }
0xbb: {  	s0 =	sadd.s32 $0x8F2B, s0  }
0xbc: {  	[sflag:s0] =	ssyncadd.remote.s32 $0x1  }
0xbd: {  	_ =	sfence.sel $0xFFFF  }
0xbe: {  	[dreg:$0x0] =	wrdreg $0xFFFFFFFF;
	(pc) =	sbr.abs _section_cstart, $3  }
0xbf: {  	[dreg:$0x1] =	wrdreg $0xFFFFFFFF  }
0xc0: {  	_ =	task.clear_ibuf [dreg:s6], $0x2FFFF;
	_ =	strace $0x9FFFFFFF  }
0xc1: {  	(tm) =	ssettm $0x7FFFFFFF  }
tec
execute0_lowered:
.L_overlay_start_1:
0x0: {  	(tag) =	ssettag $0x1  }
0x1: {  	s5 =	rddreg [dreg:$0x0]  }
0x2: {  	s0 =	rddreg [dreg:$0x1]  }
0x3: {  	s3 =	srdreg.scid;
	s1 =	stileid.u32;
	s2 =	simm.s32 $0x0  }
0x4: {  	s12 =	simm.s32 $0x28;
	s13 =	simm.s32 $0x100;
	s14 =	simm.s32 $0x1500  }
0x5: {  	s15 =	simm.s32 $0x1D00;
	s16 =	simm.s32 $0x2500;
	s4 =	smul.u32 $0x2710, s1  }
0x6: {  	s17 =	simm.s32 $0x2D00;
	s18 =	simm.s32 $0x3500;
	s8 =	smul.u32 $0x27100, s1  }
0x7: {  	s19 =	simm.s32 $0x0;
	s6 =	sand.u32 $0x1, s3;
	s9 =	smul.u32 $0x4E200, s1  }
0x8: {  	[smem:$0x7FF] =	sst s2;
	s3 =	sadd.s32 $0x9C600, s5;
	s7 =	smul.u32 $0x1388, s6  }
0x9: {  	_ =	strace $0x80000047;
	s10 =	smul.u32 $0x27100, s6;
	s29 =	ssub.s32 $0x2, s6  }
0xa: {  	s6 =	smul.u32 $0x13880, s6;
	s8 =	sadd.s32 s8, s5;
	s7 =	sadd.s32 s7, s4  }
0xb: {  	s30 =	sshrl.u32 s29, $0x1;
	s4 =	sadd.s32 $0x4E400, s5;
	s7 =	sshrl.u32 s7, $0x3  }
0xc: {  	s11 =	sadd.s32 s7, s5;
	s5 =	sadd.s32 s9, s5;
	s7 =	ssub.s32 s29, s30  }
0xd: {  	v2 =	vlaneseq.u32;
	s8 =	sadd.s32 s6, s8;
	s31 =	sadd.s32 s10, s5;
	s5 =	smax.u32 s7, $0x1  }
0xe: {  	vm0 =	vmmov $0xffff;
	v1 =	vshrl.u32 v2, $0x3;
	s7 =	sadd.s32 $0xEAA00, s8;
	s8 =	sadd.s32 $0x1B000, s11;
	s9 =	sadd.s32 $0x20000, s11  }
0xf: {  	v0 =	vand.u32 $0x7, v2;
	v2 =	vor.u32 $0x8, v2;
	v1 =	vmul.u32 $0x8, v1;
	s10 =	simm.s32 $0x1;
	s11 =	simm.s32 $0x80;
	s6 =	sadd.s32 $0x35BA00, s31  }
.LBB2_1:
0x10: {  	s20 =	smov.u32 s7;
	s21 =	smov.u32 s6;
	s22 =	simm.s32 $0x0  }
.LBB2_2:
0x11: {  	s23 =	sadd.s32 s22, s9  }
0x12: {  	[tilespmem:s2], [sflag:$0x1] =	stream.linear.gather [hbm4b:s23+s2], $0x28, $0x38;
	[tilespmem:$0x3D00] =	vst v63  }
0x13: {  	_ =	swait.ge [sflag:s10], $0x28  }
0x14: {  	[sflag:s10] =	ssyncset.done $0x0  }
0x15: {  	s31 =	sadd.s32 s22, s8;
	[sflag:s10] =	ssyncadd.s32 $0xFFFFFFD8  }
0x16: {  	[tilespmem:s11], [sflag:$0x1] =	stream.linear.gather [hbm4b:s31+s2], $0x28, $0x38;
	[tilespmem:$0x3D00] =	vst v63  }
0x17: {  	_ =	swait.ge [sflag:s10], $0x28  }
0x18: {  	[sflag:s10] =	ssyncset.done $0x0  }
0x19: {  	[sflag:s10] =	ssyncadd.s32 $0xFFFFFFD8  }
0x1a: {  	[tilespmem:s13], [sflag:$0x1] =	stream.indirect.gather [hbm4b:s3+s12], $0x80, s2, s12, $0xb8;
	[tilespmem:$0x3D00] =	vst v63  }
0x1b: {  	_ =	swait.ge [sflag:s10], $0x1400  }
0x1c: {  	[sflag:s10] =	ssyncset.done $0x0  }
0x1d: {  	[sflag:s10] =	ssyncadd.s32 $0xFFFFEC00  }
0x1e: {  	v3 =	vld [tilespmem:$0x80];
	_ =	sdelay $0x4  }
0x1f: {  	v4 =	vshll.u32 v3, $0x1  }
0x20: {  	v3 =	vand.u32 $0x7, v3;
	v4 =	vand.u32 $0xFFFFFFF0, v4  }
0x21: {  	v3 =	vor.u32 v3, v4  }
0x22: {  	v4 =	vperm.xlane v3, v0;
	_ =	sdelay $0x1  }
0x23: {  	v3 =	vperm.xlane v3, v2;
	v4 =	vadd.s32 v1, v4;
	_ =	sdelay $0x1  }
0x24: {  	v3 =	vadd.s32 v1, v3;
	_ =	sdelay $0x2  }
0x25: {  	[tilespmem:s14], [sflag:$0x1] =	stream.indirect_vreg.gather [hbm4b:s4+s2], $0x80, v4, vm0, $0xb8;
	[tilespmem:$0x3D00] =	vst v63  }
0x26: {  	_ = 	snop  }
0x27: {  	[tilespmem:s15], [sflag:$0x1] =	stream.indirect_vreg.gather [hbm4b:s4+s2], $0x80, v3, vm0, $0xb8;
	[tilespmem:$0x3D00] =	vst v63  }
0x28: {  	v3 =	vld [tilespmem:$0x90];
	_ =	sdelay $0x4  }
0x29: {  	v62 =	vshll.u32 v3, $0x1  }
0x2a: {  	v3 =	vand.u32 $0x7, v3;
	v4 =	vand.u32 $0xFFFFFFF0, v62  }
0x2b: {  	v3 =	vor.u32 v3, v4  }
0x2c: {  	v4 =	vperm.xlane v3, v0;
	_ =	sdelay $0x1  }
0x2d: {  	v3 =	vperm.xlane v3, v2;
	v4 =	vadd.s32 v1, v4;
	_ =	sdelay $0x1  }
0x2e: {  	v3 =	vadd.s32 v1, v3;
	_ =	sdelay $0x2  }
0x2f: {  	[tilespmem:s16], [sflag:$0x1] =	stream.indirect_vreg.gather [hbm4b:s4+s2], $0x80, v4, vm0, $0xb8;
	[tilespmem:$0x3D00] =	vst v63  }
0x30: {  	_ = 	snop  }
0x31: {  	[tilespmem:s17], [sflag:$0x1] =	stream.indirect_vreg.gather [hbm4b:s4+s2], $0x80, v3, vm0, $0xb8;
	[tilespmem:$0x3D00] =	vst v63  }
0x32: {  	v3 =	vld.msk [tilespmem:$0xA0], $0xff;
	_ =	sdelay $0x4  }
0x33: {  	v63 =	vshll.u32 v3, $0x1  }
0x34: {  	v3 =	vand.u32 $0x7, v3;
	v4 =	vand.u32 $0xFFFFFFF0, v63  }
0x35: {  	v3 =	vor.u32 v3, v4  }
0x36: {  	v3 =	vperm.xlane v3, v0;
	_ =	sdelay $0x1  }
0x37: {  	v3 =	vadd.s32 v1, v3;
	_ =	sdelay $0x4  }
0x38: {  	[tilespmem:s18], [sflag:$0x1] =	stream.indirect_vreg.gather [hbm4b:s4+s2], $0x80, v3, vm0, $0xb8;
	[tilespmem:$0x3D00] =	vst v63  }
0x39: {  	_ =	swait.ge [sflag:s10], $0x2800  }
0x3a: {  	[sflag:s10] =	ssyncset.done $0x0  }
0x3b: {  	[sflag:s10] =	ssyncadd.s32 $0xFFFFD800  }
0x3c: {  	[hbm4b:s20+s2] =	stream.linear.scatter [tilespmem:s13], [sflag:$0x1], $0x1400, $0x38;
	[tilespmem:$0x3D00] =	vst v63  }
0x3d: {  	_ =	swait.ge [sflag:s10], $0x1400  }
0x3e: {  	p0 =	sne.s32 s22, $0x26C;
	[sflag:s10] =	ssyncset.done $0x0  }
.Ltmp0:
0x3f: {  	[sflag:s10] =	ssyncadd.s32 $0xFFFFEC00;
	(pc) =	sbr.rel @p0 .LBB2_2-.Ltmp0, $4  }
0x40: {  	[hbm4b:s21+s2] =	stream.linear.scatter [tilespmem:s14], [sflag:$0x1], $0x2800, $0x38;
	[tilespmem:$0x3D00] =	vst v63  }
0x41: {  	_ =	swait.ge [sflag:s10], $0x2800  }
0x42: {  	s22 =	sadd.s32 $0x5, s22;
	[sflag:s10] =	ssyncset.done $0x0  }
0x43: {  	s20 =	sadd.s32 $0x280, s20;
	s21 =	sadd.s32 $0x500, s21;
	[sflag:s10] =	ssyncadd.s32 $0xFFFFD800  }
0x44: {  	s19 =	sadd.s32 $0x1, s19  }
0x45: {  	p0 =	sne.s32 s19, s5  }
.Ltmp1:
0x46: {  	_ = 	snop;
	(pc) =	sbr.rel @p0 .LBB2_1-.Ltmp1, $1  }
0x47: {  	_ =	sdelay $0x3  }
0x48: {  	_ =	sfence.sel $0x180000  }
0x49: {  	[bflag:$0x0] =	sbarrier.arrive $0xFFFF  }
0x4a: {  	p0 =	sne.s32 s1, $0x0;
	_ =	strace $0x90000047  }
0x4b: {  	s0 =	sadd.s32 @!p0 $0x100000, s0;
	[bflag:$0x2] =	sbarrier.arrive $0xFFFF  }
0x4c: {  	[sflag:s0] =	ssyncadd.tile.s32 @!p0 $0x1;
	_ =	shalt  }
.Lfunc_end2:
_tile_overlayer_lowered:
.L_overlay_start_2:
0x4d: {  	(tag) =	ssettag $0x2  }
0x4e: {  	s0 =	rddreg [dreg:$0x0];
	s2 =	stileid.u32  }
0x4f: {  	s1 =	rddreg [dreg:$0x1];
	p0 =	sne.s32 s2, $0x0  }
0x50: {  	s3 =	rddreg [dreg:$0x2];
	[bflag:$0x3] =	sbarrier.arrive $0xFFFF;
	s2 =	simm.s32 @!p0 $0x1C01  }
0x51: {  	[timem:s3], [sflag:s2] =	dma.local @!p0 [hbm:s0], s1  }
0x52: {  	s0 =	simm.s32 @!p0 $0x1  }
0x53: {  	_ =	swait.ge @!p0 [sflag:s0], s1  }
0x54: {  	s1 =	ssub.s32 @!p0 $0x0, s1;
	[sflag:s0] =	ssyncset.done @!p0 $0x0  }
0x55: {  	[sflag:s0] =	ssyncadd.s32 @!p0 s1  }
0x56: {  	[bflag:$0x3] =	sbarrier.arrive $0xFFFF  }
0x57: {  	_ =	shalt  }

// kernel: kernel.36.cloned.1.call-start
scs
__scs_entry_jumppad:
0x0: {  	(pc) =	sbr.rel $0x88, $3  }
0x1: {  	(tag) =	ssettag $0x0;
	lr =	simm.s32 $0x1  }
0x2: {  	[smem:$0x3F87] =	sst lr;
	_ =	strace $0xD0000000  }
0x3: {  	_ = 	snop  }
0x4: {  	_ = 	snop  }
0x5: {  	_ = 	snop  }
0x6: {  	_ = 	snop  }
0x7: {  	_ = 	snop  }
__scs_overlays_trampoline_lowered:
0x8: {  	[smem:$0x3F96] =	sst s0  }
0x9: {  	[smem:$0x3F97] =	sst s1  }
0xa: {  	[smem:$0x3F98] =	sst s2  }
0xb: {  	[smem:$0x3F99] =	sst s3  }
0xc: {  	[smem:$0x3F9A] =	sst s4  }
0xd: {  	[smem:$0x3F9B] =	sst s5  }
0xe: {  	[smem:$0x3F9C] =	sst s6  }
0xf: {  	[smem:$0x3F9D] =	sst s7  }
0x10: {  	[smem:$0x3F9E] =	sst s8  }
0x11: {  	[smem:$0x3F9F] =	sst s9;
	s0 =	simm.s32 @!p0 $0x0  }
0x12: {  	s1 =	sld [smem:$0x3F85];
	s0 =	simm.s32 @p0 $0x1  }
0x13: {  	[smem:$0x3FA0] =	sst s0;
	s0 =	simm.s32 @!p1 $0x0  }
0x14: {  	s2 =	sld [smem:$0x3F84];
	s0 =	simm.s32 @p1 $0x1  }
0x15: {  	[smem:$0x3FA1] =	sst s0;
	s0 =	simm.s32 @!p2 $0x0  }
0x16: {  	s3 =	sld [smem:$0x3FDB];
	s0 =	simm.s32 @p2 $0x1  }
0x17: {  	s4 =	simm.s32 $0x1BF5;
	[smem:$0x3FA3] =	sst s0  }
0x18: {  	s0 =	sld [smem:$0x3F86];
	_ =	swait.ge [sflag:s4], $0x0  }
0x19: {  	s7 =	sld [smem:$0x3F87]  }
0x1a: {  	s8 =	sadd.s32 $0xFFFFE003, lr  }
0x1b: {  	s9 =	sadd.s32 $0xFFFFFEF7, lr;
	s5 =	simm.s32 $0xFFFFFFFF;
	p2 =	slt.u32 s8, $0xFFFFF086  }
0x1c: {  	p1 =	slt.u32 s9, $0xF7A;
	s5 =	simm.s32 @!p2 $0x0  }
0x1d: {  	s5 =	simm.s32 @p1 $0x1;
	p0 =	seq.s32 s7, s2  }
0x1e: {  	s7 =	smul.u32 @!p0 $0xF7A, s2;
	p2 =	seq.s32 @!p0 s5, $0x0  }
0x1f: {  	s9 =	smul.u32 $0xF7A, s1;
	s8 =	simm.s32 @!p0 $0x1BF5;
	p2 =	por !p2, p0  }
0x20: {  	[sflag:s8] =	ssyncset.s32 @!p0 $0xFFFFF086;
	s6 =	sadd.s32 @!p0 s3, s7;
	s7 =	simm.s32 @!p0 $0x108  }
0x21: {  	s3 =	sadd.s32 s3, s9;
	s6 =	sadd.s32 @!p0 $0x88, s6;
	s7 =	simm.s32 @p2 $0x1082  }
0x22: {  	[simem:s7], [sflag:s8] =	dma.local @!p0 [hbm:s6], $0xF7A  }
0x23: {  	s9 =	sor.u32 $0xD0000000, s2;
	s6 =	simm.s32 $0x108;
	_ =	swait.ge @!p0 [sflag:s8], $0x0  }
0x24: {  	s3 =	sadd.s32 $0x88, s3;
	s6 =	simm.s32 @!p1 $0x1082;
	[sflag:s4] =	ssyncset.s32 $0xFFFFF086  }
0x25: {  	[simem:s6], [sflag:s4] =	dma.local [hbm:s3], $0xF7A  }
0x26: {  	[smem:$0x3F87] =	sst s1;
	(tag) =	ssettag s2;
	_ =	strace s9  }
0x27: {  	s1 =	sld [smem:$0x3F97]  }
0x28: {  	s2 =	sld [smem:$0x3F98]  }
0x29: {  	s4 =	sld [smem:$0x3F9A]  }
0x2a: {  	p0 =	seq.s32 s5, $0x0;
	s5 =	sld [smem:$0x3F9B]  }
0x2b: {  	s6 =	sld [smem:$0x3F9C]  }
0x2c: {  	s7 =	sld [smem:$0x3F9D]  }
0x2d: {  	s3 =	simm.s32 $0x108;
	s8 =	sld [smem:$0x3F9E]  }
0x2e: {  	s3 =	simm.s32 @!p0 $0x1082;
	s9 =	sld [smem:$0x3F9F]  }
0x2f: {  	lr =	sadd.s32 s0, s3;
	s0 =	sld [smem:$0x3F96]  }
0x30: {  	s3 =	sld [smem:$0x3F99]  }
0x31: {  	[smem:$0x3FA2] =	sst s10  }
0x32: {  	s10 =	sld [smem:$0x3FA0];
	_ =	sdelay $0x3  }
0x33: {  	p0 =	seq.s32 s10, $0x1;
	s10 =	sld [smem:$0x3FA2];
	_ =	sdelay $0x3  }
0x34: {  	[smem:$0x3FA2] =	sst s10  }
0x35: {  	s10 =	sld [smem:$0x3FA1];
	_ =	sdelay $0x3  }
0x36: {  	p1 =	seq.s32 s10, $0x1;
	s10 =	sld [smem:$0x3FA2];
	_ =	sdelay $0x3  }
0x37: {  	[smem:$0x3FA2] =	sst s10  }
0x38: {  	s10 =	sld [smem:$0x3FA3]  }
0x39: {  	_ = 	snop;
	(pc) =	sbr.ind lr, $3  }
0x3a: {  	_ = 	snop  }
0x3b: {  	_ = 	snop  }
0x3c: {  	p2 =	seq.s32 s10, $0x1;
	s10 =	sld [smem:$0x3FA2]  }
0x3d: {  	_ =	shalt  }
0x3e: {  	_ =	shalt  }
0x3f: {  	_ =	shalt  }
0x40: {  	_ =	shalt  }
0x41: {  	_ =	shalt  }
0x42: {  	_ =	shalt  }
0x43: {  	_ =	shalt  }
0x44: {  	_ =	shalt  }
0x45: {  	_ =	shalt  }
0x46: {  	_ =	shalt  }
0x47: {  	_ =	shalt  }
0x48: {  	_ =	shalt  }
0x49: {  	_ =	shalt  }
0x4a: {  	_ =	shalt  }
0x4b: {  	_ =	shalt  }
0x4c: {  	_ =	shalt  }
0x4d: {  	_ =	shalt  }
0x4e: {  	_ =	shalt  }
0x4f: {  	_ =	shalt  }
0x50: {  	_ =	shalt  }
0x51: {  	_ =	shalt  }
0x52: {  	_ =	shalt  }
0x53: {  	_ =	shalt  }
0x54: {  	_ =	shalt  }
0x55: {  	_ =	shalt  }
0x56: {  	_ =	shalt  }
0x57: {  	_ =	shalt  }
0x58: {  	_ =	shalt  }
0x59: {  	_ =	shalt  }
0x5a: {  	_ =	shalt  }
0x5b: {  	_ =	shalt  }
0x5c: {  	_ =	shalt  }
0x5d: {  	_ =	shalt  }
0x5e: {  	_ =	shalt  }
0x5f: {  	_ =	shalt  }
0x60: {  	_ =	shalt  }
0x61: {  	_ =	shalt  }
0x62: {  	_ =	shalt  }
0x63: {  	_ =	shalt  }
0x64: {  	_ =	shalt  }
0x65: {  	_ =	shalt  }
0x66: {  	_ =	shalt  }
0x67: {  	_ =	shalt  }
0x68: {  	_ =	shalt  }
0x69: {  	_ =	shalt  }
0x6a: {  	_ =	shalt  }
0x6b: {  	_ =	shalt  }
0x6c: {  	_ =	shalt  }
0x6d: {  	_ =	shalt  }
0x6e: {  	_ =	shalt  }
0x6f: {  	_ =	shalt  }
0x70: {  	_ =	shalt  }
0x71: {  	_ =	shalt  }
0x72: {  	_ =	shalt  }
0x73: {  	_ =	shalt  }
0x74: {  	_ =	shalt  }
0x75: {  	_ =	shalt  }
0x76: {  	_ =	shalt  }
0x77: {  	_ =	shalt  }
0x78: {  	_ =	shalt  }
0x79: {  	_ =	shalt  }
0x7a: {  	_ =	shalt  }
0x7b: {  	_ =	shalt  }
0x7c: {  	_ =	shalt  }
0x7d: {  	_ =	shalt  }
0x7e: {  	_ =	shalt  }
0x7f: {  	_ =	shalt  }
0x80: {  	_ =	shalt  }
0x81: {  	_ =	shalt  }
0x82: {  	_ =	shalt  }
0x83: {  	_ =	shalt  }
0x84: {  	_ =	shalt  }
0x85: {  	_ =	shalt  }
0x86: {  	_ =	shalt  }
0x87: {  	_ =	shalt  }
.Lfunc_end0:
.L_simem_size_0:
called_computation.1_lowered:
.L_overlay_start_0:
0x88: {  	s2 =	sld [smem:$0x3FD9]  }
0x89: {  	s3 =	sld [smem:$0x3FFE];
	_ =	sdelay $0x1  }
0x8a: {  	s1 =	srdreg.scid  }
0x8b: {  	s0 =	sand.u32 $0x1, s1  }
0x8c: {  	s16 =	sshll.u32 s0, $0xA;
	s2 =	sadd.s32 s3, s2  }
0x8d: {  	s2 =	sadd.s32 s2, s16  }
0x8e: {  	[smem:$0x3FAE] =	sst s2  }
0x8f: {  	_ = 	snop  }
0x90: {  	(tm) =	ssettm $0x1  }
0x91: {  	s17 =	sld [smem:$0x3FFB];
	_ =	sdelay $0x3  }
0x92: {  	_ =	strace s17  }
0x93: {  	s2 =	sld [smem:$0x3FFC];
	_ =	sdelay $0x3  }
0x94: {  	_ =	strace s2  }
0x95: {  	s2 =	sld [smem:$0x3FFD];
	_ =	sdelay $0x3  }
0x96: {  	_ =	strace s2  }
0x97: {  	_ =	strace $0x8FFFFFFF  }
0x98: {  	s18 =	sld [smem:$0x3FDB];
	_ =	sdelay $0x1  }
0x99: {  	s19 =	simm.s32 $_scs_section_size  }
0x9a: {  	s4 =	simm.s32 $_size__tile_overlayer_lowered;
	s5 =	simm.s32 $_tile_overlayer_lowered  }
0x9b: {  	s22 =	simm.s32 $0x1BFF;
	s21 =	sshll.u32 s5, $0x1;
	s2 =	sadd.s32 s19, s18  }
0x9c: {  	s6 =	simm.s32 $0x0;
	s20 =	sshll.u32 s4, $0x1;
	s4 =	sadd.s32 s21, s2  }
0x9d: {  	[timem:s6], [sflag:s22] =	dma.local [hbm:s4], s20  }
0x9e: {  	_ =	swait.ge [sflag:s22], s20  }
0x9f: {  	s3 =	ssub.s32 $0x0, s20;
	[sflag:s22] =	ssyncset.done $0x0  }
0xa0: {  	[sflag:s22] =	ssyncadd.s32 s3;
	_ =	sdelay $0x1  }
0xa1: {  	s23 =	simm.s32 $0x1B8B  }
0xa2: {  	_ =	swait.ge [sflag:s23], $0x1  }
0xa3: {  	[sflag:s23] =	ssyncset.done $0x0  }
0xa4: {  	s25 =	simm.s32 $0x1B8E;
	s24 =	sld [smem:$0x3FFE];
	[sflag:s23] =	ssyncadd.s32 $0xFFFFFFFF  }
0xa5: {  	s26 =	simm.s32 $execute0_lowered;
	[smem:$0x3FD2] =	sst s25  }
0xa6: {  	s4 =	sshll.u32 s26, $0x1;
	_ =	strace $0x80000049;
	[dreg:$0x1] =	wrdreg $0xFFFFFFFF  }
0xa7: {  	s28 =	simm.s32 $_size_execute0_lowered;
	s2 =	sadd.s32 s2, s4;
	[dreg:$0x0] =	wrdreg $0x0  }
0xa8: {  	s4 =	sshll.u32 s28, $0x1;
	[dreg:$0x2] =	wrdreg s2  }
0xa9: {  	[dreg:$0x3] =	wrdreg s4  }
0xaa: {  	[dreg:$0x4] =	wrdreg $0xC0  }
0xab: {  	_ =	task [dreg:s6], $0x5FFFF  }
0xac: {  	[dreg:$0x1] =	wrdreg $0xFFFFFFFF  }
0xad: {  	[dreg:$0x0] =	wrdreg $0x60  }
0xae: {  	[dreg:$0x2] =	wrdreg s24  }
0xaf: {  	[dreg:$0x3] =	wrdreg $0x14800  }
0xb0: {  	[dreg:$0x4] =	wrdreg $0x9  }
0xb1: {  	_ =	task.clear_ibuf [dreg:s6], $0x5FFFF;
	_ =	strace $0x90000049  }
0xb2: {  	s29 =	simm.s32 $0x9;
	_ =	strace $0x8000004B  }
0xb3: {  	_ =	swait.ge [sflag:s29], $0x1  }
0xb4: {  	[sflag:s29] =	ssyncadd.s32 $0xFFFFFFFF  }
0xb5: {  	_ =	strace $0x9000004B  }
0xb6: {  	_ =	sfence  }
0xb7: {  	s30 =	sld [smem:$0x0];
	_ =	sdelay $0x2  }
0xb8: {  	s31 =	sshll.u32 s1, $0xD;
	s1 =	sshrl.u32 s1, $0x2  }
0xb9: {  	s3 =	sand.u32 $0x4000, s31;
	s1 =	sadd.s32 s1, s30  }
0xba: {  	s0 =	sor.u32 s3, s0;
	s1 =	sshll.u32 s1, $0x11  }
0xbb: {  	s0 =	sor.u32 s1, s0  }
0xbc: {  	s0 =	sadd.s32 $0x8F2B, s0  }
0xbd: {  	[sflag:s0] =	ssyncadd.remote.s32 $0x1  }
0xbe: {  	_ =	sfence.sel $0xFFFF  }
0xbf: {  	[dreg:$0x0] =	wrdreg $0xFFFFFFFF;
	(pc) =	sbr.abs _section_cstart, $3  }
0xc0: {  	[dreg:$0x1] =	wrdreg $0xFFFFFFFF  }
0xc1: {  	_ =	task.clear_ibuf [dreg:s6], $0x2FFFF;
	_ =	strace $0x9FFFFFFF  }
0xc2: {  	(tm) =	ssettm $0x7FFFFFFF  }
0xc3: {  	_ =	shalt  }
tec
execute0_lowered:
.L_overlay_start_1:
0x0: {  	(tag) =	ssettag $0x1  }
0x1: {  	s0 =	stileid.u32  }
0x2: {  	s1 =	srdreg.scid;
	s4 =	smul.u32 $0x27100, s0  }
0x3: {  	s5 =	rddreg [dreg:$0x0];
	s7 =	smul.u32 $0x2710, s0  }
0x4: {  	s2 =	rddreg [dreg:$0x1];
	s9 =	smul.u32 $0x13800, s0  }
0x5: {  	s3 =	simm.s32 $0x0;
	s6 =	sand.u32 $0x1, s1;
	s25 =	smul.u32 $0x4E000, s0  }
0x6: {  	s14 =	simm.s32 $0x0;
	s1 =	rddreg [dreg:$0x2];
	s8 =	smul.u32 $0x1388, s6  }
0x7: {  	[smem:$0x7FF] =	sst s3;
	s30 =	sshll.u32 s0, $0x6;
	s22 =	smul.u32 $0x138800, s6  }
0x8: {  	_ =	strace $0x8000004A;
	s28 =	ssub.s32 $0x2, s6;
	s6 =	smul.u32 $0x13880, s6  }
0x9: {  	s10 =	sadd.s32 s4, s5;
	s24 =	sshrl.u32 s9, $0x3;
	s29 =	sshrl.u32 s28, $0x1  }
0xa: {  	s7 =	sadd.s32 s8, s7;
	s23 =	sadd.s32 s9, s22;
	s8 =	sshrl.u32 s25, $0x2  }
0xb: {  	s12 =	ssub.s32 s28, s29;
	s31 =	sadd.s32 s6, s10;
	s7 =	sshrl.u32 s7, $0x3  }
0xc: {  	s4 =	sshrl.u32 s23, $0x3;
	s13 =	sadd.s32 s8, s2;
	s8 =	sadd.s32 $0xAAEE00, s31  }
0xd: {  	s11 =	sadd.s32 s7, s5;
	s7 =	sadd.s32 s24, s5;
	s26 =	sadd.s32 s4, s5  }
0xe: {  	s5 =	sor.u32 $0x1C01, s30;
	s10 =	sshrl.u32 s13, $0x3;
	s13 =	simm.s32 $0x28  }
0xf: {  	s4 =	sadd.s32 $0x4E400, s7;
	s6 =	sadd.s32 $0xEAA00, s26;
	s7 =	smax.u32 s12, $0x1  }
0x10: {  	s9 =	sadd.s32 $0x20000, s11;
	s11 =	simm.s32 $0x1;
	s12 =	simm.s32 $0x80  }
.LBB2_1:
0x11: {  	[spmem:s10], [sflag:s5] =	dma.local [hbm:s4], $0x2800  }
0x12: {  	_ =	swait.ge [sflag:s11], $0x2800  }
0x13: {  	[sflag:s11] =	ssyncset.done $0x0  }
0x14: {  	[sflag:s11] =	ssyncadd.s32 $0xFFFFD800  }
0x15: {  	s15 =	sadd.s32 $0x0, s9;
	[bflag:$0x0] =	sbarrier.arrive $0xFFFF  }
0x16: {  	[tilespmem:s3], [sflag:$0x1] =	stream.linear.gather [hbm4b:s15+s3], $0x28, $0x38;
	[tilespmem:$0x14D00] =	vst v63  }
0x17: {  	_ =	swait.ge [sflag:s11], $0x28  }
0x18: {  	[sflag:s11] =	ssyncset.done $0x0  }
0x19: {  	[sflag:s11] =	ssyncadd.s32 $0xFFFFFFD8  }
0x1a: {  	[tilespmem:s12], [sflag:$0x1] =	stream.linear.gather [hbm4b:s8+s3], $0x1400, $0x38;
	[tilespmem:$0x14D00] =	vst v63  }
0x1b: {  	_ =	swait.ge [sflag:s11], $0x1400  }
0x1c: {  	[sflag:s11] =	ssyncset.done $0x0  }
0x1d: {  	[sflag:s11] =	ssyncadd.s32 $0xFFFFEC00  }
0x1e: {  	[spmem:s2] =	stream.indirect.scatter.add.f32 [tilespmem:s12], [sflag:$0x1], $0x80, s3, s13, $0xb8;
	[tilespmem:$0x14D00] =	vst v63  }
0x1f: {  	s16 =	simm.s32 $0x5;
	_ =	swait.ge [sflag:s11], $0x1400  }
0x20: {  	s17 =	simm.s32 $0xA;
	s15 =	sadd.s32 $0x280, s8;
	[sflag:s11] =	ssyncset.done $0x0  }
.LBB2_2:
0x21: {  	s18 =	sadd.s32 s16, s9  }
0x22: {  	[sflag:s11] =	ssyncadd.s32 $0xFFFFEC00;
	s16 =	smov.u32 s17;
	s19 =	sadd.s32 $0x5, s17  }
0x23: {  	[tilespmem:s3], [sflag:$0x1] =	stream.linear.gather [hbm4b:s18+s3], $0x28, $0x38;
	[tilespmem:$0x14D00] =	vst v63  }
0x24: {  	p0 =	sne.s32 s17, $0x26C;
	_ =	swait.ge [sflag:s11], $0x28  }
0x25: {  	[sflag:s11] =	ssyncset.done $0x0  }
0x26: {  	[sflag:s11] =	ssyncadd.s32 $0xFFFFFFD8  }
0x27: {  	[tilespmem:s12], [sflag:$0x1] =	stream.linear.gather [hbm4b:s15+s3], $0x1400, $0x38;
	[tilespmem:$0x14D00] =	vst v63  }
0x28: {  	_ =	swait.ge [sflag:s11], $0x1400  }
.Ltmp0:
0x29: {  	[sflag:s11] =	ssyncset.done $0x0;
	(pc) =	sbr.rel @p0 .LBB2_2-.Ltmp0, $4  }
0x2a: {  	[sflag:s11] =	ssyncadd.s32 $0xFFFFEC00  }
0x2b: {  	[spmem:s2] =	stream.indirect.scatter.add.f32 [tilespmem:s12], [sflag:$0x1], $0x80, s3, s13, $0xb8;
	[tilespmem:$0x14D00] =	vst v63  }
0x2c: {  	_ =	swait.ge [sflag:s11], $0x1400  }
0x2d: {  	s17 =	smov.u32 s19;
	s15 =	sadd.s32 $0x280, s15;
	[sflag:s11] =	ssyncset.done $0x0  }
0x2e: {  	s16 =	sadd.s32 s16, s9;
	[sflag:s11] =	ssyncadd.s32 $0xFFFFEC00  }
0x2f: {  	[tilespmem:s3], [sflag:$0x1] =	stream.linear.gather [hbm4b:s16+s3], $0x28, $0x38;
	[tilespmem:$0x14D00] =	vst v63  }
0x30: {  	_ =	swait.ge [sflag:s11], $0x28  }
0x31: {  	[sflag:s11] =	ssyncset.done $0x0  }
0x32: {  	[sflag:s11] =	ssyncadd.s32 $0xFFFFFFD8  }
0x33: {  	[tilespmem:s12], [sflag:$0x1] =	stream.linear.gather [hbm4b:s15+s3], $0x1400, $0x38;
	[tilespmem:$0x14D00] =	vst v63  }
0x34: {  	_ =	swait.ge [sflag:s11], $0x1400  }
0x35: {  	[sflag:s11] =	ssyncset.done $0x0  }
0x36: {  	[sflag:s11] =	ssyncadd.s32 $0xFFFFEC00  }
0x37: {  	[spmem:s2] =	stream.indirect.scatter.add.f32 [tilespmem:s12], [sflag:$0x1], $0x80, s3, s13, $0xb8;
	[tilespmem:$0x14D00] =	vst v63  }
0x38: {  	_ =	swait.ge [sflag:s11], $0x1400  }
0x39: {  	s14 =	sadd.s32 $0x1, s14;
	[sflag:s11] =	ssyncset.done $0x0  }
0x3a: {  	p0 =	sne.s32 s14, s7;
	[sflag:s11] =	ssyncadd.s32 $0xFFFFEC00  }
.Ltmp1:
0x3b: {  	[bflag:$0x0] =	sbarrier.arrive $0xFFFF;
	(pc) =	sbr.rel @p0 .LBB2_1-.Ltmp1, $4  }
0x3c: {  	[hbm:s6], [sflag:s5] =	dma.local [spmem:s10], $0x2800  }
0x3d: {  	_ =	swait.ge [sflag:s11], $0x2800  }
0x3e: {  	[sflag:s11] =	ssyncset.done $0x0  }
0x3f: {  	[sflag:s11] =	ssyncadd.s32 $0xFFFFD800  }
0x40: {  	_ =	sfence.sel $0x180000  }
0x41: {  	[bflag:$0x0] =	sbarrier.arrive $0xFFFF  }
0x42: {  	p0 =	sne.s32 s0, $0x0;
	_ =	strace $0x9000004A  }
0x43: {  	s0 =	sadd.s32 @!p0 $0x100000, s1;
	[bflag:$0x2] =	sbarrier.arrive $0xFFFF  }
0x44: {  	[sflag:s0] =	ssyncadd.tile.s32 @!p0 $0x1;
	_ =	shalt  }
.Lfunc_end2:
_tile_overlayer_lowered:
.L_overlay_start_2:
0x45: {  	(tag) =	ssettag $0x2  }
0x46: {  	s0 =	rddreg [dreg:$0x0];
	s2 =	stileid.u32  }
0x47: {  	s1 =	rddreg [dreg:$0x1];
	p0 =	sne.s32 s2, $0x0  }
0x48: {  	s3 =	rddreg [dreg:$0x2];
	[bflag:$0x3] =	sbarrier.arrive $0xFFFF;
	s2 =	simm.s32 @!p0 $0x1C01  }
0x49: {  	[timem:s3], [sflag:s2] =	dma.local @!p0 [hbm:s0], s1  }
0x4a: {  	s0 =	simm.s32 @!p0 $0x1  }
0x4b: {  	_ =	swait.ge @!p0 [sflag:s0], s1  }
0x4c: {  	s1 =	ssub.s32 @!p0 $0x0, s1;
	[sflag:s0] =	ssyncset.done @!p0 $0x0  }
0x4d: {  	[sflag:s0] =	ssyncadd.s32 @!p0 s1  }
0x4e: {  	[bflag:$0x3] =	sbarrier.arrive $0xFFFF  }
0x4f: {  	_ =	shalt  }

// kernel: kernel.39.cloned.1.call-start
scs
__scs_entry_jumppad:
0x0: {  	(pc) =	sbr.rel $0x88, $3  }
0x1: {  	(tag) =	ssettag $0x0;
	lr =	simm.s32 $0x1  }
0x2: {  	[smem:$0x3F87] =	sst lr;
	_ =	strace $0xD0000000  }
0x3: {  	_ = 	snop  }
0x4: {  	_ = 	snop  }
0x5: {  	_ = 	snop  }
0x6: {  	_ = 	snop  }
0x7: {  	_ = 	snop  }
__scs_overlays_trampoline_lowered:
0x8: {  	[smem:$0x3F96] =	sst s0  }
0x9: {  	[smem:$0x3F97] =	sst s1  }
0xa: {  	[smem:$0x3F98] =	sst s2  }
0xb: {  	[smem:$0x3F99] =	sst s3  }
0xc: {  	[smem:$0x3F9A] =	sst s4  }
0xd: {  	[smem:$0x3F9B] =	sst s5  }
0xe: {  	[smem:$0x3F9C] =	sst s6  }
0xf: {  	[smem:$0x3F9D] =	sst s7  }
0x10: {  	[smem:$0x3F9E] =	sst s8  }
0x11: {  	[smem:$0x3F9F] =	sst s9;
	s0 =	simm.s32 @!p0 $0x0  }
0x12: {  	s1 =	sld [smem:$0x3F85];
	s0 =	simm.s32 @p0 $0x1  }
0x13: {  	[smem:$0x3FA0] =	sst s0;
	s0 =	simm.s32 @!p1 $0x0  }
0x14: {  	s2 =	sld [smem:$0x3F84];
	s0 =	simm.s32 @p1 $0x1  }
0x15: {  	[smem:$0x3FA1] =	sst s0;
	s0 =	simm.s32 @!p2 $0x0  }
0x16: {  	s3 =	sld [smem:$0x3FDB];
	s0 =	simm.s32 @p2 $0x1  }
0x17: {  	s4 =	simm.s32 $0x1BF5;
	[smem:$0x3FA3] =	sst s0  }
0x18: {  	s0 =	sld [smem:$0x3F86];
	_ =	swait.ge [sflag:s4], $0x0  }
0x19: {  	s7 =	sld [smem:$0x3F87]  }
0x1a: {  	s8 =	sadd.s32 $0xFFFFE003, lr  }
0x1b: {  	s9 =	sadd.s32 $0xFFFFFEF7, lr;
	s5 =	simm.s32 $0xFFFFFFFF;
	p2 =	slt.u32 s8, $0xFFFFF086  }
0x1c: {  	p1 =	slt.u32 s9, $0xF7A;
	s5 =	simm.s32 @!p2 $0x0  }
0x1d: {  	s5 =	simm.s32 @p1 $0x1;
	p0 =	seq.s32 s7, s2  }
0x1e: {  	s7 =	smul.u32 @!p0 $0xF7A, s2;
	p2 =	seq.s32 @!p0 s5, $0x0  }
0x1f: {  	s9 =	smul.u32 $0xF7A, s1;
	s8 =	simm.s32 @!p0 $0x1BF5;
	p2 =	por !p2, p0  }
0x20: {  	[sflag:s8] =	ssyncset.s32 @!p0 $0xFFFFF086;
	s6 =	sadd.s32 @!p0 s3, s7;
	s7 =	simm.s32 @!p0 $0x108  }
0x21: {  	s3 =	sadd.s32 s3, s9;
	s6 =	sadd.s32 @!p0 $0x88, s6;
	s7 =	simm.s32 @p2 $0x1082  }
0x22: {  	[simem:s7], [sflag:s8] =	dma.local @!p0 [hbm:s6], $0xF7A  }
0x23: {  	s9 =	sor.u32 $0xD0000000, s2;
	s6 =	simm.s32 $0x108;
	_ =	swait.ge @!p0 [sflag:s8], $0x0  }
0x24: {  	s3 =	sadd.s32 $0x88, s3;
	s6 =	simm.s32 @!p1 $0x1082;
	[sflag:s4] =	ssyncset.s32 $0xFFFFF086  }
0x25: {  	[simem:s6], [sflag:s4] =	dma.local [hbm:s3], $0xF7A  }
0x26: {  	[smem:$0x3F87] =	sst s1;
	(tag) =	ssettag s2;
	_ =	strace s9  }
0x27: {  	s1 =	sld [smem:$0x3F97]  }
0x28: {  	s2 =	sld [smem:$0x3F98]  }
0x29: {  	s4 =	sld [smem:$0x3F9A]  }
0x2a: {  	p0 =	seq.s32 s5, $0x0;
	s5 =	sld [smem:$0x3F9B]  }
0x2b: {  	s6 =	sld [smem:$0x3F9C]  }
0x2c: {  	s7 =	sld [smem:$0x3F9D]  }
0x2d: {  	s3 =	simm.s32 $0x108;
	s8 =	sld [smem:$0x3F9E]  }
0x2e: {  	s3 =	simm.s32 @!p0 $0x1082;
	s9 =	sld [smem:$0x3F9F]  }
0x2f: {  	lr =	sadd.s32 s0, s3;
	s0 =	sld [smem:$0x3F96]  }
0x30: {  	s3 =	sld [smem:$0x3F99]  }
0x31: {  	[smem:$0x3FA2] =	sst s10  }
0x32: {  	s10 =	sld [smem:$0x3FA0];
	_ =	sdelay $0x3  }
0x33: {  	p0 =	seq.s32 s10, $0x1;
	s10 =	sld [smem:$0x3FA2];
	_ =	sdelay $0x3  }
0x34: {  	[smem:$0x3FA2] =	sst s10  }
0x35: {  	s10 =	sld [smem:$0x3FA1];
	_ =	sdelay $0x3  }
0x36: {  	p1 =	seq.s32 s10, $0x1;
	s10 =	sld [smem:$0x3FA2];
	_ =	sdelay $0x3  }
0x37: {  	[smem:$0x3FA2] =	sst s10  }
0x38: {  	s10 =	sld [smem:$0x3FA3]  }
0x39: {  	_ = 	snop;
	(pc) =	sbr.ind lr, $3  }
0x3a: {  	_ = 	snop  }
0x3b: {  	_ = 	snop  }
0x3c: {  	p2 =	seq.s32 s10, $0x1;
	s10 =	sld [smem:$0x3FA2]  }
0x3d: {  	_ =	shalt  }
0x3e: {  	_ =	shalt  }
0x3f: {  	_ =	shalt  }
0x40: {  	_ =	shalt  }
0x41: {  	_ =	shalt  }
0x42: {  	_ =	shalt  }
0x43: {  	_ =	shalt  }
0x44: {  	_ =	shalt  }
0x45: {  	_ =	shalt  }
0x46: {  	_ =	shalt  }
0x47: {  	_ =	shalt  }
0x48: {  	_ =	shalt  }
0x49: {  	_ =	shalt  }
0x4a: {  	_ =	shalt  }
0x4b: {  	_ =	shalt  }
0x4c: {  	_ =	shalt  }
0x4d: {  	_ =	shalt  }
0x4e: {  	_ =	shalt  }
0x4f: {  	_ =	shalt  }
0x50: {  	_ =	shalt  }
0x51: {  	_ =	shalt  }
0x52: {  	_ =	shalt  }
0x53: {  	_ =	shalt  }
0x54: {  	_ =	shalt  }
0x55: {  	_ =	shalt  }
0x56: {  	_ =	shalt  }
0x57: {  	_ =	shalt  }
0x58: {  	_ =	shalt  }
0x59: {  	_ =	shalt  }
0x5a: {  	_ =	shalt  }
0x5b: {  	_ =	shalt  }
0x5c: {  	_ =	shalt  }
0x5d: {  	_ =	shalt  }
0x5e: {  	_ =	shalt  }
0x5f: {  	_ =	shalt  }
0x60: {  	_ =	shalt  }
0x61: {  	_ =	shalt  }
0x62: {  	_ =	shalt  }
0x63: {  	_ =	shalt  }
0x64: {  	_ =	shalt  }
0x65: {  	_ =	shalt  }
0x66: {  	_ =	shalt  }
0x67: {  	_ =	shalt  }
0x68: {  	_ =	shalt  }
0x69: {  	_ =	shalt  }
0x6a: {  	_ =	shalt  }
0x6b: {  	_ =	shalt  }
0x6c: {  	_ =	shalt  }
0x6d: {  	_ =	shalt  }
0x6e: {  	_ =	shalt  }
0x6f: {  	_ =	shalt  }
0x70: {  	_ =	shalt  }
0x71: {  	_ =	shalt  }
0x72: {  	_ =	shalt  }
0x73: {  	_ =	shalt  }
0x74: {  	_ =	shalt  }
0x75: {  	_ =	shalt  }
0x76: {  	_ =	shalt  }
0x77: {  	_ =	shalt  }
0x78: {  	_ =	shalt  }
0x79: {  	_ =	shalt  }
0x7a: {  	_ =	shalt  }
0x7b: {  	_ =	shalt  }
0x7c: {  	_ =	shalt  }
0x7d: {  	_ =	shalt  }
0x7e: {  	_ =	shalt  }
0x7f: {  	_ =	shalt  }
0x80: {  	_ =	shalt  }
0x81: {  	_ =	shalt  }
0x82: {  	_ =	shalt  }
0x83: {  	_ =	shalt  }
0x84: {  	_ =	shalt  }
0x85: {  	_ =	shalt  }
0x86: {  	_ =	shalt  }
0x87: {  	_ =	shalt  }
.Lfunc_end0:
.L_simem_size_0:
called_computation.2_lowered:
.L_overlay_start_0:
0x88: {  	s2 =	sld [smem:$0x3FD9]  }
0x89: {  	s3 =	sld [smem:$0x3FFE];
	_ =	sdelay $0x1  }
0x8a: {  	s1 =	srdreg.scid  }
0x8b: {  	s0 =	sand.u32 $0x1, s1  }
0x8c: {  	s16 =	sshll.u32 s0, $0xA;
	s2 =	sadd.s32 s3, s2  }
0x8d: {  	s2 =	sadd.s32 s2, s16  }
0x8e: {  	[smem:$0x3FAE] =	sst s2  }
0x8f: {  	_ = 	snop  }
0x90: {  	(tm) =	ssettm $0x1  }
0x91: {  	s17 =	sld [smem:$0x3FFB];
	_ =	sdelay $0x3  }
0x92: {  	_ =	strace s17  }
0x93: {  	s2 =	sld [smem:$0x3FFC];
	_ =	sdelay $0x3  }
0x94: {  	_ =	strace s2  }
0x95: {  	s2 =	sld [smem:$0x3FFD];
	_ =	sdelay $0x3  }
0x96: {  	_ =	strace s2  }
0x97: {  	_ =	strace $0x8FFFFFFF  }
0x98: {  	s18 =	sld [smem:$0x3FDB];
	_ =	sdelay $0x1  }
0x99: {  	s19 =	simm.s32 $_scs_section_size  }
0x9a: {  	s4 =	simm.s32 $_size__tile_overlayer_lowered;
	s5 =	simm.s32 $_tile_overlayer_lowered  }
0x9b: {  	s22 =	simm.s32 $0x1BFF;
	s21 =	sshll.u32 s5, $0x1;
	s2 =	sadd.s32 s19, s18  }
0x9c: {  	s6 =	simm.s32 $0x0;
	s20 =	sshll.u32 s4, $0x1;
	s4 =	sadd.s32 s21, s2  }
0x9d: {  	[timem:s6], [sflag:s22] =	dma.local [hbm:s4], s20  }
0x9e: {  	_ =	swait.ge [sflag:s22], s20  }
0x9f: {  	s3 =	ssub.s32 $0x0, s20;
	[sflag:s22] =	ssyncset.done $0x0  }
0xa0: {  	[sflag:s22] =	ssyncadd.s32 s3;
	_ =	sdelay $0x1  }
0xa1: {  	s23 =	simm.s32 $0x1B8B  }
0xa2: {  	_ =	swait.ge [sflag:s23], $0x1  }
0xa3: {  	[sflag:s23] =	ssyncset.done $0x0  }
0xa4: {  	s25 =	simm.s32 $0x1B8E;
	s24 =	sld [smem:$0x3FFE];
	[sflag:s23] =	ssyncadd.s32 $0xFFFFFFFF  }
0xa5: {  	s26 =	simm.s32 $execute0_lowered;
	[smem:$0x3FD2] =	sst s25  }
0xa6: {  	s4 =	sshll.u32 s26, $0x1;
	_ =	strace $0x8000004C;
	[dreg:$0x1] =	wrdreg $0xFFFFFFFF  }
0xa7: {  	s28 =	simm.s32 $_size_execute0_lowered;
	s2 =	sadd.s32 s2, s4;
	[dreg:$0x0] =	wrdreg $0x0  }
0xa8: {  	s4 =	sshll.u32 s28, $0x1;
	[dreg:$0x2] =	wrdreg s2  }
0xa9: {  	[dreg:$0x3] =	wrdreg s4  }
0xaa: {  	[dreg:$0x4] =	wrdreg $0xC0  }
0xab: {  	_ =	task [dreg:s6], $0x5FFFF  }
0xac: {  	[dreg:$0x1] =	wrdreg $0xFFFFFFFF  }
0xad: {  	[dreg:$0x0] =	wrdreg $0x60  }
0xae: {  	[dreg:$0x2] =	wrdreg s24  }
0xaf: {  	[dreg:$0x3] =	wrdreg $0x14800  }
0xb0: {  	[dreg:$0x4] =	wrdreg $0x9  }
0xb1: {  	_ =	task.clear_ibuf [dreg:s6], $0x5FFFF;
	_ =	strace $0x9000004C  }
0xb2: {  	s29 =	simm.s32 $0x9;
	_ =	strace $0x8000004E  }
0xb3: {  	_ =	swait.ge [sflag:s29], $0x1  }
0xb4: {  	[sflag:s29] =	ssyncadd.s32 $0xFFFFFFFF  }
0xb5: {  	_ =	strace $0x9000004E  }
0xb6: {  	_ =	sfence  }
0xb7: {  	s30 =	sld [smem:$0x0];
	_ =	sdelay $0x2  }
0xb8: {  	s31 =	sshll.u32 s1, $0xD;
	s1 =	sshrl.u32 s1, $0x2  }
0xb9: {  	s3 =	sand.u32 $0x4000, s31;
	s1 =	sadd.s32 s1, s30  }
0xba: {  	s0 =	sor.u32 s3, s0;
	s1 =	sshll.u32 s1, $0x11  }
0xbb: {  	s0 =	sor.u32 s1, s0  }
0xbc: {  	s0 =	sadd.s32 $0x8F2B, s0  }
0xbd: {  	[sflag:s0] =	ssyncadd.remote.s32 $0x1  }
0xbe: {  	_ =	sfence.sel $0xFFFF  }
0xbf: {  	[dreg:$0x0] =	wrdreg $0xFFFFFFFF;
	(pc) =	sbr.abs _section_cstart, $3  }
0xc0: {  	[dreg:$0x1] =	wrdreg $0xFFFFFFFF  }
0xc1: {  	_ =	task.clear_ibuf [dreg:s6], $0x2FFFF;
	_ =	strace $0x9FFFFFFF  }
0xc2: {  	(tm) =	ssettm $0x7FFFFFFF  }
0xc3: {  	_ =	shalt  }
tec
execute0_lowered:
.L_overlay_start_1:
0x0: {  	(tag) =	ssettag $0x1  }
0x1: {  	s0 =	stileid.u32  }
0x2: {  	s1 =	srdreg.scid;
	s4 =	smul.u32 $0x27100, s0  }
0x3: {  	s5 =	rddreg [dreg:$0x0];
	s7 =	smul.u32 $0x2710, s0  }
0x4: {  	s2 =	rddreg [dreg:$0x1];
	s9 =	smul.u32 $0x13800, s0  }
0x5: {  	s3 =	simm.s32 $0x0;
	s6 =	sand.u32 $0x1, s1;
	s25 =	smul.u32 $0x4E000, s0  }
0x6: {  	s14 =	simm.s32 $0x0;
	s1 =	rddreg [dreg:$0x2];
	s8 =	smul.u32 $0x1388, s6  }
0x7: {  	[smem:$0x7FF] =	sst s3;
	s30 =	sshll.u32 s0, $0x6;
	s22 =	smul.u32 $0x138800, s6  }
0x8: {  	_ =	strace $0x8000004D;
	s28 =	ssub.s32 $0x2, s6;
	s6 =	smul.u32 $0x13880, s6  }
0x9: {  	s10 =	sadd.s32 s4, s5;
	s24 =	sshrl.u32 s9, $0x3;
	s29 =	sshrl.u32 s28, $0x1  }
0xa: {  	s7 =	sadd.s32 s8, s7;
	s23 =	sadd.s32 s9, s22;
	s8 =	sshrl.u32 s25, $0x2  }
0xb: {  	s12 =	ssub.s32 s28, s29;
	s31 =	sadd.s32 s6, s10;
	s7 =	sshrl.u32 s7, $0x3  }
0xc: {  	s4 =	sshrl.u32 s23, $0x3;
	s13 =	sadd.s32 s8, s2;
	s8 =	sadd.s32 $0xD1FE00, s31  }
0xd: {  	s11 =	sadd.s32 s7, s5;
	s7 =	sadd.s32 s24, s5;
	s26 =	sadd.s32 s4, s5  }
0xe: {  	s5 =	sor.u32 $0x1C01, s30;
	s10 =	sshrl.u32 s13, $0x3;
	s13 =	simm.s32 $0x28  }
0xf: {  	s4 =	sadd.s32 $0x75800, s7;
	s6 =	sadd.s32 $0xAAEE00, s26;
	s7 =	smax.u32 s12, $0x1  }
0x10: {  	s9 =	sadd.s32 $0x20000, s11;
	s11 =	simm.s32 $0x1;
	s12 =	simm.s32 $0x80  }
.LBB2_1:
0x11: {  	[spmem:s10], [sflag:s5] =	dma.local [hbm:s4], $0x2800  }
0x12: {  	_ =	swait.ge [sflag:s11], $0x2800  }
0x13: {  	[sflag:s11] =	ssyncset.done $0x0  }
0x14: {  	[sflag:s11] =	ssyncadd.s32 $0xFFFFD800  }
0x15: {  	s15 =	sadd.s32 $0x0, s9;
	[bflag:$0x0] =	sbarrier.arrive $0xFFFF  }
0x16: {  	[tilespmem:s3], [sflag:$0x1] =	stream.linear.gather [hbm4b:s15+s3], $0x28, $0x38;
	[tilespmem:$0x14D00] =	vst v63  }
0x17: {  	_ =	swait.ge [sflag:s11], $0x28  }
0x18: {  	[sflag:s11] =	ssyncset.done $0x0  }
0x19: {  	[sflag:s11] =	ssyncadd.s32 $0xFFFFFFD8  }
0x1a: {  	[tilespmem:s12], [sflag:$0x1] =	stream.linear.gather [hbm4b:s8+s3], $0x1400, $0x38;
	[tilespmem:$0x14D00] =	vst v63  }
0x1b: {  	_ =	swait.ge [sflag:s11], $0x1400  }
0x1c: {  	[sflag:s11] =	ssyncset.done $0x0  }
0x1d: {  	[sflag:s11] =	ssyncadd.s32 $0xFFFFEC00  }
0x1e: {  	[spmem:s2] =	stream.indirect.scatter.add.f32 [tilespmem:s12], [sflag:$0x1], $0x80, s3, s13, $0xb8;
	[tilespmem:$0x14D00] =	vst v63  }
0x1f: {  	s16 =	simm.s32 $0x5;
	_ =	swait.ge [sflag:s11], $0x1400  }
0x20: {  	s17 =	simm.s32 $0xA;
	s15 =	sadd.s32 $0x280, s8;
	[sflag:s11] =	ssyncset.done $0x0  }
.LBB2_2:
0x21: {  	s18 =	sadd.s32 s16, s9  }
0x22: {  	[sflag:s11] =	ssyncadd.s32 $0xFFFFEC00;
	s16 =	smov.u32 s17;
	s19 =	sadd.s32 $0x5, s17  }
0x23: {  	[tilespmem:s3], [sflag:$0x1] =	stream.linear.gather [hbm4b:s18+s3], $0x28, $0x38;
	[tilespmem:$0x14D00] =	vst v63  }
0x24: {  	p0 =	sne.s32 s17, $0x26C;
	_ =	swait.ge [sflag:s11], $0x28  }
0x25: {  	[sflag:s11] =	ssyncset.done $0x0  }
0x26: {  	[sflag:s11] =	ssyncadd.s32 $0xFFFFFFD8  }
0x27: {  	[tilespmem:s12], [sflag:$0x1] =	stream.linear.gather [hbm4b:s15+s3], $0x1400, $0x38;
	[tilespmem:$0x14D00] =	vst v63  }
0x28: {  	_ =	swait.ge [sflag:s11], $0x1400  }
.Ltmp0:
0x29: {  	[sflag:s11] =	ssyncset.done $0x0;
	(pc) =	sbr.rel @p0 .LBB2_2-.Ltmp0, $4  }
0x2a: {  	[sflag:s11] =	ssyncadd.s32 $0xFFFFEC00  }
0x2b: {  	[spmem:s2] =	stream.indirect.scatter.add.f32 [tilespmem:s12], [sflag:$0x1], $0x80, s3, s13, $0xb8;
	[tilespmem:$0x14D00] =	vst v63  }
0x2c: {  	_ =	swait.ge [sflag:s11], $0x1400  }
0x2d: {  	s17 =	smov.u32 s19;
	s15 =	sadd.s32 $0x280, s15;
	[sflag:s11] =	ssyncset.done $0x0  }
0x2e: {  	s16 =	sadd.s32 s16, s9;
	[sflag:s11] =	ssyncadd.s32 $0xFFFFEC00  }
0x2f: {  	[tilespmem:s3], [sflag:$0x1] =	stream.linear.gather [hbm4b:s16+s3], $0x28, $0x38;
	[tilespmem:$0x14D00] =	vst v63  }
0x30: {  	_ =	swait.ge [sflag:s11], $0x28  }
0x31: {  	[sflag:s11] =	ssyncset.done $0x0  }
0x32: {  	[sflag:s11] =	ssyncadd.s32 $0xFFFFFFD8  }
0x33: {  	[tilespmem:s12], [sflag:$0x1] =	stream.linear.gather [hbm4b:s15+s3], $0x1400, $0x38;
	[tilespmem:$0x14D00] =	vst v63  }
0x34: {  	_ =	swait.ge [sflag:s11], $0x1400  }
0x35: {  	[sflag:s11] =	ssyncset.done $0x0  }
0x36: {  	[sflag:s11] =	ssyncadd.s32 $0xFFFFEC00  }
0x37: {  	[spmem:s2] =	stream.indirect.scatter.add.f32 [tilespmem:s12], [sflag:$0x1], $0x80, s3, s13, $0xb8;
	[tilespmem:$0x14D00] =	vst v63  }
0x38: {  	_ =	swait.ge [sflag:s11], $0x1400  }
0x39: {  	s14 =	sadd.s32 $0x1, s14;
	[sflag:s11] =	ssyncset.done $0x0  }
0x3a: {  	p0 =	sne.s32 s14, s7;
	[sflag:s11] =	ssyncadd.s32 $0xFFFFEC00  }
.Ltmp1:
0x3b: {  	[bflag:$0x0] =	sbarrier.arrive $0xFFFF;
	(pc) =	sbr.rel @p0 .LBB2_1-.Ltmp1, $4  }
0x3c: {  	[hbm:s6], [sflag:s5] =	dma.local [spmem:s10], $0x2800  }
0x3d: {  	_ =	swait.ge [sflag:s11], $0x2800  }
0x3e: {  	[sflag:s11] =	ssyncset.done $0x0  }
0x3f: {  	[sflag:s11] =	ssyncadd.s32 $0xFFFFD800  }
0x40: {  	_ =	sfence.sel $0x180000  }
0x41: {  	[bflag:$0x0] =	sbarrier.arrive $0xFFFF  }
0x42: {  	p0 =	sne.s32 s0, $0x0;
	_ =	strace $0x9000004D  }
0x43: {  	s0 =	sadd.s32 @!p0 $0x100000, s1;
	[bflag:$0x2] =	sbarrier.arrive $0xFFFF  }
0x44: {  	[sflag:s0] =	ssyncadd.tile.s32 @!p0 $0x1;
	_ =	shalt  }
.Lfunc_end2:
_tile_overlayer_lowered:
.L_overlay_start_2:
0x45: {  	(tag) =	ssettag $0x2  }
0x46: {  	s0 =	rddreg [dreg:$0x0];
	s2 =	stileid.u32  }
0x47: {  	s1 =	rddreg [dreg:$0x1];
	p0 =	sne.s32 s2, $0x0  }
0x48: {  	s3 =	rddreg [dreg:$0x2];
	[bflag:$0x3] =	sbarrier.arrive $0xFFFF;
	s2 =	simm.s32 @!p0 $0x1C01  }
0x49: {  	[timem:s3], [sflag:s2] =	dma.local @!p0 [hbm:s0], s1  }
0x4a: {  	s0 =	simm.s32 @!p0 $0x1  }
0x4b: {  	_ =	swait.ge @!p0 [sflag:s0], s1  }
0x4c: {  	s1 =	ssub.s32 @!p0 $0x0, s1;
	[sflag:s0] =	ssyncset.done @!p0 $0x0  }
0x4d: {  	[sflag:s0] =	ssyncadd.s32 @!p0 s1  }
0x4e: {  	[bflag:$0x3] =	sbarrier.arrive $0xFFFF  }
0x4f: {  	_ =	shalt  }

// kernel: kernel.42.cloned.1.call-start
scs
__scs_entry_jumppad:
0x0: {  	(pc) =	sbr.rel $0x88, $3  }
0x1: {  	(tag) =	ssettag $0x0;
	lr =	simm.s32 $0x1  }
0x2: {  	[smem:$0x3F87] =	sst lr;
	_ =	strace $0xD0000000  }
0x3: {  	_ = 	snop  }
0x4: {  	_ = 	snop  }
0x5: {  	_ = 	snop  }
0x6: {  	_ = 	snop  }
0x7: {  	_ = 	snop  }
__scs_overlays_trampoline_lowered:
0x8: {  	[smem:$0x3F96] =	sst s0  }
0x9: {  	[smem:$0x3F97] =	sst s1  }
0xa: {  	[smem:$0x3F98] =	sst s2  }
0xb: {  	[smem:$0x3F99] =	sst s3  }
0xc: {  	[smem:$0x3F9A] =	sst s4  }
0xd: {  	[smem:$0x3F9B] =	sst s5  }
0xe: {  	[smem:$0x3F9C] =	sst s6  }
0xf: {  	[smem:$0x3F9D] =	sst s7  }
0x10: {  	[smem:$0x3F9E] =	sst s8  }
0x11: {  	[smem:$0x3F9F] =	sst s9;
	s0 =	simm.s32 @!p0 $0x0  }
0x12: {  	s1 =	sld [smem:$0x3F85];
	s0 =	simm.s32 @p0 $0x1  }
0x13: {  	[smem:$0x3FA0] =	sst s0;
	s0 =	simm.s32 @!p1 $0x0  }
0x14: {  	s2 =	sld [smem:$0x3F84];
	s0 =	simm.s32 @p1 $0x1  }
0x15: {  	[smem:$0x3FA1] =	sst s0;
	s0 =	simm.s32 @!p2 $0x0  }
0x16: {  	s3 =	sld [smem:$0x3FDB];
	s0 =	simm.s32 @p2 $0x1  }
0x17: {  	s4 =	simm.s32 $0x1BF5;
	[smem:$0x3FA3] =	sst s0  }
0x18: {  	s0 =	sld [smem:$0x3F86];
	_ =	swait.ge [sflag:s4], $0x0  }
0x19: {  	s7 =	sld [smem:$0x3F87]  }
0x1a: {  	s8 =	sadd.s32 $0xFFFFE003, lr  }
0x1b: {  	s9 =	sadd.s32 $0xFFFFFEF7, lr;
	s5 =	simm.s32 $0xFFFFFFFF;
	p2 =	slt.u32 s8, $0xFFFFF086  }
0x1c: {  	p1 =	slt.u32 s9, $0xF7A;
	s5 =	simm.s32 @!p2 $0x0  }
0x1d: {  	s5 =	simm.s32 @p1 $0x1;
	p0 =	seq.s32 s7, s2  }
0x1e: {  	s7 =	smul.u32 @!p0 $0xF7A, s2;
	p2 =	seq.s32 @!p0 s5, $0x0  }
0x1f: {  	s9 =	smul.u32 $0xF7A, s1;
	s8 =	simm.s32 @!p0 $0x1BF5;
	p2 =	por !p2, p0  }
0x20: {  	[sflag:s8] =	ssyncset.s32 @!p0 $0xFFFFF086;
	s6 =	sadd.s32 @!p0 s3, s7;
	s7 =	simm.s32 @!p0 $0x108  }
0x21: {  	s3 =	sadd.s32 s3, s9;
	s6 =	sadd.s32 @!p0 $0x88, s6;
	s7 =	simm.s32 @p2 $0x1082  }
0x22: {  	[simem:s7], [sflag:s8] =	dma.local @!p0 [hbm:s6], $0xF7A  }
0x23: {  	s9 =	sor.u32 $0xD0000000, s2;
	s6 =	simm.s32 $0x108;
	_ =	swait.ge @!p0 [sflag:s8], $0x0  }
0x24: {  	s3 =	sadd.s32 $0x88, s3;
	s6 =	simm.s32 @!p1 $0x1082;
	[sflag:s4] =	ssyncset.s32 $0xFFFFF086  }
0x25: {  	[simem:s6], [sflag:s4] =	dma.local [hbm:s3], $0xF7A  }
0x26: {  	[smem:$0x3F87] =	sst s1;
	(tag) =	ssettag s2;
	_ =	strace s9  }
0x27: {  	s1 =	sld [smem:$0x3F97]  }
0x28: {  	s2 =	sld [smem:$0x3F98]  }
0x29: {  	s4 =	sld [smem:$0x3F9A]  }
0x2a: {  	p0 =	seq.s32 s5, $0x0;
	s5 =	sld [smem:$0x3F9B]  }
0x2b: {  	s6 =	sld [smem:$0x3F9C]  }
0x2c: {  	s7 =	sld [smem:$0x3F9D]  }
0x2d: {  	s3 =	simm.s32 $0x108;
	s8 =	sld [smem:$0x3F9E]  }
0x2e: {  	s3 =	simm.s32 @!p0 $0x1082;
	s9 =	sld [smem:$0x3F9F]  }
0x2f: {  	lr =	sadd.s32 s0, s3;
	s0 =	sld [smem:$0x3F96]  }
0x30: {  	s3 =	sld [smem:$0x3F99]  }
0x31: {  	[smem:$0x3FA2] =	sst s10  }
0x32: {  	s10 =	sld [smem:$0x3FA0];
	_ =	sdelay $0x3  }
0x33: {  	p0 =	seq.s32 s10, $0x1;
	s10 =	sld [smem:$0x3FA2];
	_ =	sdelay $0x3  }
0x34: {  	[smem:$0x3FA2] =	sst s10  }
0x35: {  	s10 =	sld [smem:$0x3FA1];
	_ =	sdelay $0x3  }
0x36: {  	p1 =	seq.s32 s10, $0x1;
	s10 =	sld [smem:$0x3FA2];
	_ =	sdelay $0x3  }
0x37: {  	[smem:$0x3FA2] =	sst s10  }
0x38: {  	s10 =	sld [smem:$0x3FA3]  }
0x39: {  	_ = 	snop;
	(pc) =	sbr.ind lr, $3  }
0x3a: {  	_ = 	snop  }
0x3b: {  	_ = 	snop  }
0x3c: {  	p2 =	seq.s32 s10, $0x1;
	s10 =	sld [smem:$0x3FA2]  }
0x3d: {  	_ =	shalt  }
0x3e: {  	_ =	shalt  }
0x3f: {  	_ =	shalt  }
0x40: {  	_ =	shalt  }
0x41: {  	_ =	shalt  }
0x42: {  	_ =	shalt  }
0x43: {  	_ =	shalt  }
0x44: {  	_ =	shalt  }
0x45: {  	_ =	shalt  }
0x46: {  	_ =	shalt  }
0x47: {  	_ =	shalt  }
0x48: {  	_ =	shalt  }
0x49: {  	_ =	shalt  }
0x4a: {  	_ =	shalt  }
0x4b: {  	_ =	shalt  }
0x4c: {  	_ =	shalt  }
0x4d: {  	_ =	shalt  }
0x4e: {  	_ =	shalt  }
0x4f: {  	_ =	shalt  }
0x50: {  	_ =	shalt  }
0x51: {  	_ =	shalt  }
0x52: {  	_ =	shalt  }
0x53: {  	_ =	shalt  }
0x54: {  	_ =	shalt  }
0x55: {  	_ =	shalt  }
0x56: {  	_ =	shalt  }
0x57: {  	_ =	shalt  }
0x58: {  	_ =	shalt  }
0x59: {  	_ =	shalt  }
0x5a: {  	_ =	shalt  }
0x5b: {  	_ =	shalt  }
0x5c: {  	_ =	shalt  }
0x5d: {  	_ =	shalt  }
0x5e: {  	_ =	shalt  }
0x5f: {  	_ =	shalt  }
0x60: {  	_ =	shalt  }
0x61: {  	_ =	shalt  }
0x62: {  	_ =	shalt  }
0x63: {  	_ =	shalt  }
0x64: {  	_ =	shalt  }
0x65: {  	_ =	shalt  }
0x66: {  	_ =	shalt  }
0x67: {  	_ =	shalt  }
0x68: {  	_ =	shalt  }
0x69: {  	_ =	shalt  }
0x6a: {  	_ =	shalt  }
0x6b: {  	_ =	shalt  }
0x6c: {  	_ =	shalt  }
0x6d: {  	_ =	shalt  }
0x6e: {  	_ =	shalt  }
0x6f: {  	_ =	shalt  }
0x70: {  	_ =	shalt  }
0x71: {  	_ =	shalt  }
0x72: {  	_ =	shalt  }
0x73: {  	_ =	shalt  }
0x74: {  	_ =	shalt  }
0x75: {  	_ =	shalt  }
0x76: {  	_ =	shalt  }
0x77: {  	_ =	shalt  }
0x78: {  	_ =	shalt  }
0x79: {  	_ =	shalt  }
0x7a: {  	_ =	shalt  }
0x7b: {  	_ =	shalt  }
0x7c: {  	_ =	shalt  }
0x7d: {  	_ =	shalt  }
0x7e: {  	_ =	shalt  }
0x7f: {  	_ =	shalt  }
0x80: {  	_ =	shalt  }
0x81: {  	_ =	shalt  }
0x82: {  	_ =	shalt  }
0x83: {  	_ =	shalt  }
0x84: {  	_ =	shalt  }
0x85: {  	_ =	shalt  }
0x86: {  	_ =	shalt  }
0x87: {  	_ =	shalt  }
.Lfunc_end0:
.L_simem_size_0:
called_computation.3_lowered:
.L_overlay_start_0:
0x88: {  	s2 =	sld [smem:$0x3FD9]  }
0x89: {  	s3 =	sld [smem:$0x3FFE];
	_ =	sdelay $0x1  }
0x8a: {  	s1 =	srdreg.scid  }
0x8b: {  	s0 =	sand.u32 $0x1, s1  }
0x8c: {  	s16 =	sshll.u32 s0, $0xA;
	s2 =	sadd.s32 s3, s2  }
0x8d: {  	s2 =	sadd.s32 s2, s16  }
0x8e: {  	[smem:$0x3FAE] =	sst s2  }
0x8f: {  	_ = 	snop  }
0x90: {  	(tm) =	ssettm $0x1  }
0x91: {  	s17 =	sld [smem:$0x3FFB];
	_ =	sdelay $0x3  }
0x92: {  	_ =	strace s17  }
0x93: {  	s2 =	sld [smem:$0x3FFC];
	_ =	sdelay $0x3  }
0x94: {  	_ =	strace s2  }
0x95: {  	s2 =	sld [smem:$0x3FFD];
	_ =	sdelay $0x3  }
0x96: {  	_ =	strace s2  }
0x97: {  	_ =	strace $0x8FFFFFFF  }
0x98: {  	s18 =	sld [smem:$0x3FDB];
	_ =	sdelay $0x1  }
0x99: {  	s19 =	simm.s32 $_scs_section_size  }
0x9a: {  	s4 =	simm.s32 $_size__tile_overlayer_lowered;
	s5 =	simm.s32 $_tile_overlayer_lowered  }
0x9b: {  	s22 =	simm.s32 $0x1BFF;
	s21 =	sshll.u32 s5, $0x1;
	s2 =	sadd.s32 s19, s18  }
0x9c: {  	s6 =	simm.s32 $0x0;
	s20 =	sshll.u32 s4, $0x1;
	s4 =	sadd.s32 s21, s2  }
0x9d: {  	[timem:s6], [sflag:s22] =	dma.local [hbm:s4], s20  }
0x9e: {  	_ =	swait.ge [sflag:s22], s20  }
0x9f: {  	s3 =	ssub.s32 $0x0, s20;
	[sflag:s22] =	ssyncset.done $0x0  }
0xa0: {  	[sflag:s22] =	ssyncadd.s32 s3;
	_ =	sdelay $0x1  }
0xa1: {  	s23 =	simm.s32 $0x1B8B  }
0xa2: {  	_ =	swait.ge [sflag:s23], $0x1  }
0xa3: {  	[sflag:s23] =	ssyncset.done $0x0  }
0xa4: {  	s25 =	simm.s32 $0x1B8E;
	s24 =	sld [smem:$0x3FFE];
	[sflag:s23] =	ssyncadd.s32 $0xFFFFFFFF  }
0xa5: {  	s26 =	simm.s32 $execute0_lowered;
	[smem:$0x3FD2] =	sst s25  }
0xa6: {  	s4 =	sshll.u32 s26, $0x1;
	_ =	strace $0x8000004F;
	[dreg:$0x1] =	wrdreg $0xFFFFFFFF  }
0xa7: {  	s28 =	simm.s32 $_size_execute0_lowered;
	s2 =	sadd.s32 s2, s4;
	[dreg:$0x0] =	wrdreg $0x0  }
0xa8: {  	s4 =	sshll.u32 s28, $0x1;
	[dreg:$0x2] =	wrdreg s2  }
0xa9: {  	[dreg:$0x3] =	wrdreg s4  }
0xaa: {  	[dreg:$0x4] =	wrdreg $0xC0  }
0xab: {  	_ =	task [dreg:s6], $0x5FFFF  }
0xac: {  	[dreg:$0x1] =	wrdreg $0xFFFFFFFF  }
0xad: {  	[dreg:$0x0] =	wrdreg $0x60  }
0xae: {  	[dreg:$0x2] =	wrdreg s24  }
0xaf: {  	[dreg:$0x3] =	wrdreg $0x9  }
0xb0: {  	_ =	task.clear_ibuf [dreg:s6], $0x4FFFF;
	_ =	strace $0x9000004F  }
0xb1: {  	s29 =	simm.s32 $0x9;
	_ =	strace $0x80000051  }
0xb2: {  	_ =	swait.ge [sflag:s29], $0x1  }
0xb3: {  	[sflag:s29] =	ssyncadd.s32 $0xFFFFFFFF  }
0xb4: {  	_ =	strace $0x90000051  }
0xb5: {  	_ =	sfence  }
0xb6: {  	s30 =	sld [smem:$0x0];
	_ =	sdelay $0x2  }
0xb7: {  	s31 =	sshll.u32 s1, $0xD;
	s1 =	sshrl.u32 s1, $0x2  }
0xb8: {  	s3 =	sand.u32 $0x4000, s31;
	s1 =	sadd.s32 s1, s30  }
0xb9: {  	s0 =	sor.u32 s3, s0;
	s1 =	sshll.u32 s1, $0x11  }
0xba: {  	s0 =	sor.u32 s1, s0  }
0xbb: {  	s0 =	sadd.s32 $0x8F2B, s0  }
0xbc: {  	[sflag:s0] =	ssyncadd.remote.s32 $0x1  }
0xbd: {  	_ =	sfence.sel $0xFFFF  }
0xbe: {  	[dreg:$0x0] =	wrdreg $0xFFFFFFFF;
	(pc) =	sbr.abs _section_cstart, $3  }
0xbf: {  	[dreg:$0x1] =	wrdreg $0xFFFFFFFF  }
0xc0: {  	_ =	task.clear_ibuf [dreg:s6], $0x2FFFF;
	_ =	strace $0x9FFFFFFF  }
0xc1: {  	(tm) =	ssettm $0x7FFFFFFF  }
tec
execute0_lowered:
.L_overlay_start_1:
0x0: {  	(tag) =	ssettag $0x1  }
0x1: {  	s5 =	rddreg [dreg:$0x0]  }
0x2: {  	s0 =	rddreg [dreg:$0x1]  }
0x3: {  	s3 =	srdreg.scid;
	s1 =	stileid.u32;
	s2 =	simm.s32 $0x0  }
0x4: {  	s12 =	simm.s32 $0x28;
	s13 =	simm.s32 $0x100;
	s14 =	simm.s32 $0x1500  }
0x5: {  	s15 =	simm.s32 $0x1D00;
	s16 =	simm.s32 $0x2500;
	s4 =	smul.u32 $0x2710, s1  }
0x6: {  	s17 =	simm.s32 $0x2D00;
	s18 =	simm.s32 $0x3500;
	s8 =	smul.u32 $0x27100, s1  }
0x7: {  	s19 =	simm.s32 $0x0;
	s6 =	sand.u32 $0x1, s3;
	s9 =	smul.u32 $0x4E200, s1  }
0x8: {  	[smem:$0x7FF] =	sst s2;
	s3 =	sadd.s32 $0x75800, s5;
	s7 =	smul.u32 $0x1388, s6  }
0x9: {  	_ =	strace $0x80000050;
	s10 =	smul.u32 $0x27100, s6;
	s29 =	ssub.s32 $0x2, s6  }
0xa: {  	s6 =	smul.u32 $0x13880, s6;
	s8 =	sadd.s32 s8, s5;
	s7 =	sadd.s32 s7, s4  }
0xb: {  	s30 =	sshrl.u32 s29, $0x1;
	s4 =	sadd.s32 $0xAB800, s5;
	s7 =	sshrl.u32 s7, $0x3  }
0xc: {  	s11 =	sadd.s32 s7, s5;
	s5 =	sadd.s32 s9, s5;
	s7 =	ssub.s32 s29, s30  }
0xd: {  	v2 =	vlaneseq.u32;
	s8 =	sadd.s32 s6, s8;
	s31 =	sadd.s32 s10, s5;
	s5 =	smax.u32 s7, $0x1  }
0xe: {  	vm0 =	vmmov $0xffff;
	v1 =	vshrl.u32 v2, $0x3;
	s7 =	sadd.s32 $0x120C00, s8;
	s8 =	sadd.s32 $0x1B000, s11;
	s9 =	sadd.s32 $0x20000, s11  }
0xf: {  	v0 =	vand.u32 $0x7, v2;
	v2 =	vor.u32 $0x8, v2;
	v1 =	vmul.u32 $0x8, v1;
	s10 =	simm.s32 $0x1;
	s11 =	simm.s32 $0x80;
	s6 =	sadd.s32 $0xAAEE00, s31  }
.LBB2_1:
0x10: {  	s20 =	smov.u32 s7;
	s21 =	smov.u32 s6;
	s22 =	simm.s32 $0x0  }
.LBB2_2:
0x11: {  	s23 =	sadd.s32 s22, s9  }
0x12: {  	[tilespmem:s2], [sflag:$0x1] =	stream.linear.gather [hbm4b:s23+s2], $0x28, $0x38;
	[tilespmem:$0x3D00] =	vst v63  }
0x13: {  	_ =	swait.ge [sflag:s10], $0x28  }
0x14: {  	[sflag:s10] =	ssyncset.done $0x0  }
0x15: {  	s31 =	sadd.s32 s22, s8;
	[sflag:s10] =	ssyncadd.s32 $0xFFFFFFD8  }
0x16: {  	[tilespmem:s11], [sflag:$0x1] =	stream.linear.gather [hbm4b:s31+s2], $0x28, $0x38;
	[tilespmem:$0x3D00] =	vst v63  }
0x17: {  	_ =	swait.ge [sflag:s10], $0x28  }
0x18: {  	[sflag:s10] =	ssyncset.done $0x0  }
0x19: {  	[sflag:s10] =	ssyncadd.s32 $0xFFFFFFD8  }
0x1a: {  	[tilespmem:s13], [sflag:$0x1] =	stream.indirect.gather [hbm4b:s3+s12], $0x80, s2, s12, $0xb8;
	[tilespmem:$0x3D00] =	vst v63  }
0x1b: {  	_ =	swait.ge [sflag:s10], $0x1400  }
0x1c: {  	[sflag:s10] =	ssyncset.done $0x0  }
0x1d: {  	[sflag:s10] =	ssyncadd.s32 $0xFFFFEC00  }
0x1e: {  	v3 =	vld [tilespmem:$0x80];
	_ =	sdelay $0x4  }
0x1f: {  	v4 =	vshll.u32 v3, $0x1  }
0x20: {  	v3 =	vand.u32 $0x7, v3;
	v4 =	vand.u32 $0xFFFFFFF0, v4  }
0x21: {  	v3 =	vor.u32 v3, v4  }
0x22: {  	v4 =	vperm.xlane v3, v0;
	_ =	sdelay $0x1  }
0x23: {  	v3 =	vperm.xlane v3, v2;
	v4 =	vadd.s32 v1, v4;
	_ =	sdelay $0x1  }
0x24: {  	v3 =	vadd.s32 v1, v3;
	_ =	sdelay $0x2  }
0x25: {  	[tilespmem:s14], [sflag:$0x1] =	stream.indirect_vreg.gather [hbm4b:s4+s2], $0x80, v4, vm0, $0xb8;
	[tilespmem:$0x3D00] =	vst v63  }
0x26: {  	_ = 	snop  }
0x27: {  	[tilespmem:s15], [sflag:$0x1] =	stream.indirect_vreg.gather [hbm4b:s4+s2], $0x80, v3, vm0, $0xb8;
	[tilespmem:$0x3D00] =	vst v63  }
0x28: {  	v3 =	vld [tilespmem:$0x90];
	_ =	sdelay $0x4  }
0x29: {  	v62 =	vshll.u32 v3, $0x1  }
0x2a: {  	v3 =	vand.u32 $0x7, v3;
	v4 =	vand.u32 $0xFFFFFFF0, v62  }
0x2b: {  	v3 =	vor.u32 v3, v4  }
0x2c: {  	v4 =	vperm.xlane v3, v0;
	_ =	sdelay $0x1  }
0x2d: {  	v3 =	vperm.xlane v3, v2;
	v4 =	vadd.s32 v1, v4;
	_ =	sdelay $0x1  }
0x2e: {  	v3 =	vadd.s32 v1, v3;
	_ =	sdelay $0x2  }
0x2f: {  	[tilespmem:s16], [sflag:$0x1] =	stream.indirect_vreg.gather [hbm4b:s4+s2], $0x80, v4, vm0, $0xb8;
	[tilespmem:$0x3D00] =	vst v63  }
0x30: {  	_ = 	snop  }
0x31: {  	[tilespmem:s17], [sflag:$0x1] =	stream.indirect_vreg.gather [hbm4b:s4+s2], $0x80, v3, vm0, $0xb8;
	[tilespmem:$0x3D00] =	vst v63  }
0x32: {  	v3 =	vld.msk [tilespmem:$0xA0], $0xff;
	_ =	sdelay $0x4  }
0x33: {  	v63 =	vshll.u32 v3, $0x1  }
0x34: {  	v3 =	vand.u32 $0x7, v3;
	v4 =	vand.u32 $0xFFFFFFF0, v63  }
0x35: {  	v3 =	vor.u32 v3, v4  }
0x36: {  	v3 =	vperm.xlane v3, v0;
	_ =	sdelay $0x1  }
0x37: {  	v3 =	vadd.s32 v1, v3;
	_ =	sdelay $0x4  }
0x38: {  	[tilespmem:s18], [sflag:$0x1] =	stream.indirect_vreg.gather [hbm4b:s4+s2], $0x80, v3, vm0, $0xb8;
	[tilespmem:$0x3D00] =	vst v63  }
0x39: {  	_ =	swait.ge [sflag:s10], $0x2800  }
0x3a: {  	[sflag:s10] =	ssyncset.done $0x0  }
0x3b: {  	[sflag:s10] =	ssyncadd.s32 $0xFFFFD800  }
0x3c: {  	[hbm4b:s20+s2] =	stream.linear.scatter [tilespmem:s13], [sflag:$0x1], $0x1400, $0x38;
	[tilespmem:$0x3D00] =	vst v63  }
0x3d: {  	_ =	swait.ge [sflag:s10], $0x1400  }
0x3e: {  	p0 =	sne.s32 s22, $0x26C;
	[sflag:s10] =	ssyncset.done $0x0  }
.Ltmp0:
0x3f: {  	[sflag:s10] =	ssyncadd.s32 $0xFFFFEC00;
	(pc) =	sbr.rel @p0 .LBB2_2-.Ltmp0, $4  }
0x40: {  	[hbm4b:s21+s2] =	stream.linear.scatter [tilespmem:s14], [sflag:$0x1], $0x2800, $0x38;
	[tilespmem:$0x3D00] =	vst v63  }
0x41: {  	_ =	swait.ge [sflag:s10], $0x2800  }
0x42: {  	s22 =	sadd.s32 $0x5, s22;
	[sflag:s10] =	ssyncset.done $0x0  }
0x43: {  	s20 =	sadd.s32 $0x280, s20;
	s21 =	sadd.s32 $0x500, s21;
	[sflag:s10] =	ssyncadd.s32 $0xFFFFD800  }
0x44: {  	s19 =	sadd.s32 $0x1, s19  }
0x45: {  	p0 =	sne.s32 s19, s5  }
.Ltmp1:
0x46: {  	_ = 	snop;
	(pc) =	sbr.rel @p0 .LBB2_1-.Ltmp1, $1  }
0x47: {  	_ =	sdelay $0x3  }
0x48: {  	_ =	sfence.sel $0x180000  }
0x49: {  	[bflag:$0x0] =	sbarrier.arrive $0xFFFF  }
0x4a: {  	p0 =	sne.s32 s1, $0x0;
	_ =	strace $0x90000050  }
0x4b: {  	s0 =	sadd.s32 @!p0 $0x100000, s0;
	[bflag:$0x2] =	sbarrier.arrive $0xFFFF  }
0x4c: {  	[sflag:s0] =	ssyncadd.tile.s32 @!p0 $0x1;
	_ =	shalt  }
.Lfunc_end2:
_tile_overlayer_lowered:
.L_overlay_start_2:
0x4d: {  	(tag) =	ssettag $0x2  }
0x4e: {  	s0 =	rddreg [dreg:$0x0];
	s2 =	stileid.u32  }
0x4f: {  	s1 =	rddreg [dreg:$0x1];
	p0 =	sne.s32 s2, $0x0  }
0x50: {  	s3 =	rddreg [dreg:$0x2];
	[bflag:$0x3] =	sbarrier.arrive $0xFFFF;
	s2 =	simm.s32 @!p0 $0x1C01  }
0x51: {  	[timem:s3], [sflag:s2] =	dma.local @!p0 [hbm:s0], s1  }
0x52: {  	s0 =	simm.s32 @!p0 $0x1  }
0x53: {  	_ =	swait.ge @!p0 [sflag:s0], s1  }
0x54: {  	s1 =	ssub.s32 @!p0 $0x0, s1;
	[sflag:s0] =	ssyncset.done @!p0 $0x0  }
0x55: {  	[sflag:s0] =	ssyncadd.s32 @!p0 s1  }
0x56: {  	[bflag:$0x3] =	sbarrier.arrive $0xFFFF  }
0x57: {  	_ =	shalt  }

// kernel: kernel.45.cloned.1.call-start
scs
__scs_entry_jumppad:
0x0: {  	(pc) =	sbr.rel $0x88, $3  }
0x1: {  	(tag) =	ssettag $0x0;
	lr =	simm.s32 $0x1  }
0x2: {  	[smem:$0x3F87] =	sst lr;
	_ =	strace $0xD0000000  }
0x3: {  	_ = 	snop  }
0x4: {  	_ = 	snop  }
0x5: {  	_ = 	snop  }
0x6: {  	_ = 	snop  }
0x7: {  	_ = 	snop  }
__scs_overlays_trampoline_lowered:
0x8: {  	[smem:$0x3F96] =	sst s0  }
0x9: {  	[smem:$0x3F97] =	sst s1  }
0xa: {  	[smem:$0x3F98] =	sst s2  }
0xb: {  	[smem:$0x3F99] =	sst s3  }
0xc: {  	[smem:$0x3F9A] =	sst s4  }
0xd: {  	[smem:$0x3F9B] =	sst s5  }
0xe: {  	[smem:$0x3F9C] =	sst s6  }
0xf: {  	[smem:$0x3F9D] =	sst s7  }
0x10: {  	[smem:$0x3F9E] =	sst s8  }
0x11: {  	[smem:$0x3F9F] =	sst s9;
	s0 =	simm.s32 @!p0 $0x0  }
0x12: {  	s1 =	sld [smem:$0x3F85];
	s0 =	simm.s32 @p0 $0x1  }
0x13: {  	[smem:$0x3FA0] =	sst s0;
	s0 =	simm.s32 @!p1 $0x0  }
0x14: {  	s2 =	sld [smem:$0x3F84];
	s0 =	simm.s32 @p1 $0x1  }
0x15: {  	[smem:$0x3FA1] =	sst s0;
	s0 =	simm.s32 @!p2 $0x0  }
0x16: {  	s3 =	sld [smem:$0x3FDB];
	s0 =	simm.s32 @p2 $0x1  }
0x17: {  	s4 =	simm.s32 $0x1BF5;
	[smem:$0x3FA3] =	sst s0  }
0x18: {  	s0 =	sld [smem:$0x3F86];
	_ =	swait.ge [sflag:s4], $0x0  }
0x19: {  	s7 =	sld [smem:$0x3F87]  }
0x1a: {  	s8 =	sadd.s32 $0xFFFFE003, lr  }
0x1b: {  	s9 =	sadd.s32 $0xFFFFFEF7, lr;
	s5 =	simm.s32 $0xFFFFFFFF;
	p2 =	slt.u32 s8, $0xFFFFF086  }
0x1c: {  	p1 =	slt.u32 s9, $0xF7A;
	s5 =	simm.s32 @!p2 $0x0  }
0x1d: {  	s5 =	simm.s32 @p1 $0x1;
	p0 =	seq.s32 s7, s2  }
0x1e: {  	s7 =	smul.u32 @!p0 $0xF7A, s2;
	p2 =	seq.s32 @!p0 s5, $0x0  }
0x1f: {  	s9 =	smul.u32 $0xF7A, s1;
	s8 =	simm.s32 @!p0 $0x1BF5;
	p2 =	por !p2, p0  }
0x20: {  	[sflag:s8] =	ssyncset.s32 @!p0 $0xFFFFF086;
	s6 =	sadd.s32 @!p0 s3, s7;
	s7 =	simm.s32 @!p0 $0x108  }
0x21: {  	s3 =	sadd.s32 s3, s9;
	s6 =	sadd.s32 @!p0 $0x88, s6;
	s7 =	simm.s32 @p2 $0x1082  }
0x22: {  	[simem:s7], [sflag:s8] =	dma.local @!p0 [hbm:s6], $0xF7A  }
0x23: {  	s9 =	sor.u32 $0xD0000000, s2;
	s6 =	simm.s32 $0x108;
	_ =	swait.ge @!p0 [sflag:s8], $0x0  }
0x24: {  	s3 =	sadd.s32 $0x88, s3;
	s6 =	simm.s32 @!p1 $0x1082;
	[sflag:s4] =	ssyncset.s32 $0xFFFFF086  }
0x25: {  	[simem:s6], [sflag:s4] =	dma.local [hbm:s3], $0xF7A  }
0x26: {  	[smem:$0x3F87] =	sst s1;
	(tag) =	ssettag s2;
	_ =	strace s9  }
0x27: {  	s1 =	sld [smem:$0x3F97]  }
0x28: {  	s2 =	sld [smem:$0x3F98]  }
0x29: {  	s4 =	sld [smem:$0x3F9A]  }
0x2a: {  	p0 =	seq.s32 s5, $0x0;
	s5 =	sld [smem:$0x3F9B]  }
0x2b: {  	s6 =	sld [smem:$0x3F9C]  }
0x2c: {  	s7 =	sld [smem:$0x3F9D]  }
0x2d: {  	s3 =	simm.s32 $0x108;
	s8 =	sld [smem:$0x3F9E]  }
0x2e: {  	s3 =	simm.s32 @!p0 $0x1082;
	s9 =	sld [smem:$0x3F9F]  }
0x2f: {  	lr =	sadd.s32 s0, s3;
	s0 =	sld [smem:$0x3F96]  }
0x30: {  	s3 =	sld [smem:$0x3F99]  }
0x31: {  	[smem:$0x3FA2] =	sst s10  }
0x32: {  	s10 =	sld [smem:$0x3FA0];
	_ =	sdelay $0x3  }
0x33: {  	p0 =	seq.s32 s10, $0x1;
	s10 =	sld [smem:$0x3FA2];
	_ =	sdelay $0x3  }
0x34: {  	[smem:$0x3FA2] =	sst s10  }
0x35: {  	s10 =	sld [smem:$0x3FA1];
	_ =	sdelay $0x3  }
0x36: {  	p1 =	seq.s32 s10, $0x1;
	s10 =	sld [smem:$0x3FA2];
	_ =	sdelay $0x3  }
0x37: {  	[smem:$0x3FA2] =	sst s10  }
0x38: {  	s10 =	sld [smem:$0x3FA3]  }
0x39: {  	_ = 	snop;
	(pc) =	sbr.ind lr, $3  }
0x3a: {  	_ = 	snop  }
0x3b: {  	_ = 	snop  }
0x3c: {  	p2 =	seq.s32 s10, $0x1;
	s10 =	sld [smem:$0x3FA2]  }
0x3d: {  	_ =	shalt  }
0x3e: {  	_ =	shalt  }
0x3f: {  	_ =	shalt  }
0x40: {  	_ =	shalt  }
0x41: {  	_ =	shalt  }
0x42: {  	_ =	shalt  }
0x43: {  	_ =	shalt  }
0x44: {  	_ =	shalt  }
0x45: {  	_ =	shalt  }
0x46: {  	_ =	shalt  }
0x47: {  	_ =	shalt  }
0x48: {  	_ =	shalt  }
0x49: {  	_ =	shalt  }
0x4a: {  	_ =	shalt  }
0x4b: {  	_ =	shalt  }
0x4c: {  	_ =	shalt  }
0x4d: {  	_ =	shalt  }
0x4e: {  	_ =	shalt  }
0x4f: {  	_ =	shalt  }
0x50: {  	_ =	shalt  }
0x51: {  	_ =	shalt  }
0x52: {  	_ =	shalt  }
0x53: {  	_ =	shalt  }
0x54: {  	_ =	shalt  }
0x55: {  	_ =	shalt  }
0x56: {  	_ =	shalt  }
0x57: {  	_ =	shalt  }
0x58: {  	_ =	shalt  }
0x59: {  	_ =	shalt  }
0x5a: {  	_ =	shalt  }
0x5b: {  	_ =	shalt  }
0x5c: {  	_ =	shalt  }
0x5d: {  	_ =	shalt  }
0x5e: {  	_ =	shalt  }
0x5f: {  	_ =	shalt  }
0x60: {  	_ =	shalt  }
0x61: {  	_ =	shalt  }
0x62: {  	_ =	shalt  }
0x63: {  	_ =	shalt  }
0x64: {  	_ =	shalt  }
0x65: {  	_ =	shalt  }
0x66: {  	_ =	shalt  }
0x67: {  	_ =	shalt  }
0x68: {  	_ =	shalt  }
0x69: {  	_ =	shalt  }
0x6a: {  	_ =	shalt  }
0x6b: {  	_ =	shalt  }
0x6c: {  	_ =	shalt  }
0x6d: {  	_ =	shalt  }
0x6e: {  	_ =	shalt  }
0x6f: {  	_ =	shalt  }
0x70: {  	_ =	shalt  }
0x71: {  	_ =	shalt  }
0x72: {  	_ =	shalt  }
0x73: {  	_ =	shalt  }
0x74: {  	_ =	shalt  }
0x75: {  	_ =	shalt  }
0x76: {  	_ =	shalt  }
0x77: {  	_ =	shalt  }
0x78: {  	_ =	shalt  }
0x79: {  	_ =	shalt  }
0x7a: {  	_ =	shalt  }
0x7b: {  	_ =	shalt  }
0x7c: {  	_ =	shalt  }
0x7d: {  	_ =	shalt  }
0x7e: {  	_ =	shalt  }
0x7f: {  	_ =	shalt  }
0x80: {  	_ =	shalt  }
0x81: {  	_ =	shalt  }
0x82: {  	_ =	shalt  }
0x83: {  	_ =	shalt  }
0x84: {  	_ =	shalt  }
0x85: {  	_ =	shalt  }
0x86: {  	_ =	shalt  }
0x87: {  	_ =	shalt  }
.Lfunc_end0:
.L_simem_size_0:
called_computation.4_lowered:
.L_overlay_start_0:
0x88: {  	s2 =	sld [smem:$0x3FD9]  }
0x89: {  	s3 =	sld [smem:$0x3FFE];
	_ =	sdelay $0x1  }
0x8a: {  	s1 =	srdreg.scid  }
0x8b: {  	s0 =	sand.u32 $0x1, s1  }
0x8c: {  	s16 =	sshll.u32 s0, $0xA;
	s2 =	sadd.s32 s3, s2  }
0x8d: {  	s2 =	sadd.s32 s2, s16  }
0x8e: {  	[smem:$0x3FAE] =	sst s2  }
0x8f: {  	_ = 	snop  }
0x90: {  	(tm) =	ssettm $0x1  }
0x91: {  	s17 =	sld [smem:$0x3FFB];
	_ =	sdelay $0x3  }
0x92: {  	_ =	strace s17  }
0x93: {  	s2 =	sld [smem:$0x3FFC];
	_ =	sdelay $0x3  }
0x94: {  	_ =	strace s2  }
0x95: {  	s2 =	sld [smem:$0x3FFD];
	_ =	sdelay $0x3  }
0x96: {  	_ =	strace s2  }
0x97: {  	_ =	strace $0x8FFFFFFF  }
0x98: {  	s18 =	sld [smem:$0x3FDB];
	_ =	sdelay $0x1  }
0x99: {  	s19 =	simm.s32 $_scs_section_size  }
0x9a: {  	s4 =	simm.s32 $_size__tile_overlayer_lowered;
	s5 =	simm.s32 $_tile_overlayer_lowered  }
0x9b: {  	s22 =	simm.s32 $0x1BFF;
	s21 =	sshll.u32 s5, $0x1;
	s2 =	sadd.s32 s19, s18  }
0x9c: {  	s6 =	simm.s32 $0x0;
	s20 =	sshll.u32 s4, $0x1;
	s4 =	sadd.s32 s21, s2  }
0x9d: {  	[timem:s6], [sflag:s22] =	dma.local [hbm:s4], s20  }
0x9e: {  	_ =	swait.ge [sflag:s22], s20  }
0x9f: {  	s3 =	ssub.s32 $0x0, s20;
	[sflag:s22] =	ssyncset.done $0x0  }
0xa0: {  	[sflag:s22] =	ssyncadd.s32 s3;
	_ =	sdelay $0x1  }
0xa1: {  	s23 =	simm.s32 $0x1B8B  }
0xa2: {  	_ =	swait.ge [sflag:s23], $0x1  }
0xa3: {  	[sflag:s23] =	ssyncset.done $0x0  }
0xa4: {  	s25 =	simm.s32 $0x1B8E;
	s24 =	sld [smem:$0x3FFE];
	[sflag:s23] =	ssyncadd.s32 $0xFFFFFFFF  }
0xa5: {  	s26 =	simm.s32 $execute0_lowered;
	[smem:$0x3FD2] =	sst s25  }
0xa6: {  	s4 =	sshll.u32 s26, $0x1;
	_ =	strace $0x80000052;
	[dreg:$0x1] =	wrdreg $0xFFFFFFFF  }
0xa7: {  	s28 =	simm.s32 $_size_execute0_lowered;
	s2 =	sadd.s32 s2, s4;
	[dreg:$0x0] =	wrdreg $0x0  }
0xa8: {  	s4 =	sshll.u32 s28, $0x1;
	[dreg:$0x2] =	wrdreg s2  }
0xa9: {  	[dreg:$0x3] =	wrdreg s4  }
0xaa: {  	[dreg:$0x4] =	wrdreg $0xC0  }
0xab: {  	_ =	task [dreg:s6], $0x5FFFF  }
0xac: {  	[dreg:$0x1] =	wrdreg $0xFFFFFFFF  }
0xad: {  	[dreg:$0x0] =	wrdreg $0x60  }
0xae: {  	[dreg:$0x2] =	wrdreg s24  }
0xaf: {  	[dreg:$0x3] =	wrdreg $0x14800  }
0xb0: {  	[dreg:$0x4] =	wrdreg $0x9  }
0xb1: {  	_ =	task.clear_ibuf [dreg:s6], $0x5FFFF;
	_ =	strace $0x90000052  }
0xb2: {  	s29 =	simm.s32 $0x9;
	_ =	strace $0x80000054  }
0xb3: {  	_ =	swait.ge [sflag:s29], $0x1  }
0xb4: {  	[sflag:s29] =	ssyncadd.s32 $0xFFFFFFFF  }
0xb5: {  	_ =	strace $0x90000054  }
0xb6: {  	_ =	sfence  }
0xb7: {  	s30 =	sld [smem:$0x0];
	_ =	sdelay $0x2  }
0xb8: {  	s31 =	sshll.u32 s1, $0xD;
	s1 =	sshrl.u32 s1, $0x2  }
0xb9: {  	s3 =	sand.u32 $0x4000, s31;
	s1 =	sadd.s32 s1, s30  }
0xba: {  	s0 =	sor.u32 s3, s0;
	s1 =	sshll.u32 s1, $0x11  }
0xbb: {  	s0 =	sor.u32 s1, s0  }
0xbc: {  	s0 =	sadd.s32 $0x8F2B, s0  }
0xbd: {  	[sflag:s0] =	ssyncadd.remote.s32 $0x1  }
0xbe: {  	_ =	sfence.sel $0xFFFF  }
0xbf: {  	[dreg:$0x0] =	wrdreg $0xFFFFFFFF;
	(pc) =	sbr.abs _section_cstart, $3  }
0xc0: {  	[dreg:$0x1] =	wrdreg $0xFFFFFFFF  }
0xc1: {  	_ =	task.clear_ibuf [dreg:s6], $0x2FFFF;
	_ =	strace $0x9FFFFFFF  }
0xc2: {  	(tm) =	ssettm $0x7FFFFFFF  }
0xc3: {  	_ =	shalt  }
tec
execute0_lowered:
.L_overlay_start_1:
0x0: {  	(tag) =	ssettag $0x1  }
0x1: {  	s0 =	stileid.u32  }
0x2: {  	s1 =	srdreg.scid;
	s4 =	smul.u32 $0x27100, s0  }
0x3: {  	s5 =	rddreg [dreg:$0x0];
	s7 =	smul.u32 $0x2710, s0  }
0x4: {  	s2 =	rddreg [dreg:$0x1];
	s9 =	smul.u32 $0x13800, s0  }
0x5: {  	s3 =	simm.s32 $0x0;
	s6 =	sand.u32 $0x1, s1;
	s25 =	smul.u32 $0x4E000, s0  }
0x6: {  	s14 =	simm.s32 $0x0;
	s1 =	rddreg [dreg:$0x2];
	s8 =	smul.u32 $0x1388, s6  }
0x7: {  	[smem:$0x7FF] =	sst s3;
	s30 =	sshll.u32 s0, $0x6;
	s22 =	smul.u32 $0x138800, s6  }
0x8: {  	_ =	strace $0x80000053;
	s28 =	ssub.s32 $0x2, s6;
	s6 =	smul.u32 $0x13880, s6  }
0x9: {  	s10 =	sadd.s32 s4, s5;
	s24 =	sshrl.u32 s9, $0x3;
	s29 =	sshrl.u32 s28, $0x1  }
0xa: {  	s7 =	sadd.s32 s8, s7;
	s23 =	sadd.s32 s9, s22;
	s8 =	sshrl.u32 s25, $0x2  }
0xb: {  	s12 =	ssub.s32 s28, s29;
	s31 =	sadd.s32 s6, s10;
	s7 =	sshrl.u32 s7, $0x3  }
0xc: {  	s4 =	sshrl.u32 s23, $0x3;
	s13 =	sadd.s32 s8, s2;
	s8 =	sadd.s32 $0x391C00, s31  }
0xd: {  	s11 =	sadd.s32 s7, s5;
	s7 =	sadd.s32 s24, s5;
	s26 =	sadd.s32 s4, s5  }
0xe: {  	s5 =	sor.u32 $0x1C01, s30;
	s10 =	sshrl.u32 s13, $0x3;
	s13 =	simm.s32 $0x28  }
0xf: {  	s4 =	sadd.s32 $0x4E400, s7;
	s6 =	sadd.s32 $0xAB800, s26;
	s7 =	smax.u32 s12, $0x1  }
0x10: {  	s9 =	sadd.s32 $0x20000, s11;
	s11 =	simm.s32 $0x1;
	s12 =	simm.s32 $0x80  }
.LBB2_1:
0x11: {  	[spmem:s10], [sflag:s5] =	dma.local [hbm:s4], $0x2800  }
0x12: {  	_ =	swait.ge [sflag:s11], $0x2800  }
0x13: {  	[sflag:s11] =	ssyncset.done $0x0  }
0x14: {  	[sflag:s11] =	ssyncadd.s32 $0xFFFFD800  }
0x15: {  	s15 =	sadd.s32 $0x0, s9;
	[bflag:$0x0] =	sbarrier.arrive $0xFFFF  }
0x16: {  	[tilespmem:s3], [sflag:$0x1] =	stream.linear.gather [hbm4b:s15+s3], $0x28, $0x38;
	[tilespmem:$0x14D00] =	vst v63  }
0x17: {  	_ =	swait.ge [sflag:s11], $0x28  }
0x18: {  	[sflag:s11] =	ssyncset.done $0x0  }
0x19: {  	[sflag:s11] =	ssyncadd.s32 $0xFFFFFFD8  }
0x1a: {  	[tilespmem:s12], [sflag:$0x1] =	stream.linear.gather [hbm4b:s8+s3], $0x1400, $0x38;
	[tilespmem:$0x14D00] =	vst v63  }
0x1b: {  	_ =	swait.ge [sflag:s11], $0x1400  }
0x1c: {  	[sflag:s11] =	ssyncset.done $0x0  }
0x1d: {  	[sflag:s11] =	ssyncadd.s32 $0xFFFFEC00  }
0x1e: {  	[spmem:s2] =	stream.indirect.scatter.add.f32 [tilespmem:s12], [sflag:$0x1], $0x80, s3, s13, $0xb8;
	[tilespmem:$0x14D00] =	vst v63  }
0x1f: {  	s16 =	simm.s32 $0x5;
	_ =	swait.ge [sflag:s11], $0x1400  }
0x20: {  	s17 =	simm.s32 $0xA;
	s15 =	sadd.s32 $0x280, s8;
	[sflag:s11] =	ssyncset.done $0x0  }
.LBB2_2:
0x21: {  	s18 =	sadd.s32 s16, s9  }
0x22: {  	[sflag:s11] =	ssyncadd.s32 $0xFFFFEC00;
	s16 =	smov.u32 s17;
	s19 =	sadd.s32 $0x5, s17  }
0x23: {  	[tilespmem:s3], [sflag:$0x1] =	stream.linear.gather [hbm4b:s18+s3], $0x28, $0x38;
	[tilespmem:$0x14D00] =	vst v63  }
0x24: {  	p0 =	sne.s32 s17, $0x26C;
	_ =	swait.ge [sflag:s11], $0x28  }
0x25: {  	[sflag:s11] =	ssyncset.done $0x0  }
0x26: {  	[sflag:s11] =	ssyncadd.s32 $0xFFFFFFD8  }
0x27: {  	[tilespmem:s12], [sflag:$0x1] =	stream.linear.gather [hbm4b:s15+s3], $0x1400, $0x38;
	[tilespmem:$0x14D00] =	vst v63  }
0x28: {  	_ =	swait.ge [sflag:s11], $0x1400  }
.Ltmp0:
0x29: {  	[sflag:s11] =	ssyncset.done $0x0;
	(pc) =	sbr.rel @p0 .LBB2_2-.Ltmp0, $4  }
0x2a: {  	[sflag:s11] =	ssyncadd.s32 $0xFFFFEC00  }
0x2b: {  	[spmem:s2] =	stream.indirect.scatter.add.f32 [tilespmem:s12], [sflag:$0x1], $0x80, s3, s13, $0xb8;
	[tilespmem:$0x14D00] =	vst v63  }
0x2c: {  	_ =	swait.ge [sflag:s11], $0x1400  }
0x2d: {  	s17 =	smov.u32 s19;
	s15 =	sadd.s32 $0x280, s15;
	[sflag:s11] =	ssyncset.done $0x0  }
0x2e: {  	s16 =	sadd.s32 s16, s9;
	[sflag:s11] =	ssyncadd.s32 $0xFFFFEC00  }
0x2f: {  	[tilespmem:s3], [sflag:$0x1] =	stream.linear.gather [hbm4b:s16+s3], $0x28, $0x38;
	[tilespmem:$0x14D00] =	vst v63  }
0x30: {  	_ =	swait.ge [sflag:s11], $0x28  }
0x31: {  	[sflag:s11] =	ssyncset.done $0x0  }
0x32: {  	[sflag:s11] =	ssyncadd.s32 $0xFFFFFFD8  }
0x33: {  	[tilespmem:s12], [sflag:$0x1] =	stream.linear.gather [hbm4b:s15+s3], $0x1400, $0x38;
	[tilespmem:$0x14D00] =	vst v63  }
0x34: {  	_ =	swait.ge [sflag:s11], $0x1400  }
0x35: {  	[sflag:s11] =	ssyncset.done $0x0  }
0x36: {  	[sflag:s11] =	ssyncadd.s32 $0xFFFFEC00  }
0x37: {  	[spmem:s2] =	stream.indirect.scatter.add.f32 [tilespmem:s12], [sflag:$0x1], $0x80, s3, s13, $0xb8;
	[tilespmem:$0x14D00] =	vst v63  }
0x38: {  	_ =	swait.ge [sflag:s11], $0x1400  }
0x39: {  	s14 =	sadd.s32 $0x1, s14;
	[sflag:s11] =	ssyncset.done $0x0  }
0x3a: {  	p0 =	sne.s32 s14, s7;
	[sflag:s11] =	ssyncadd.s32 $0xFFFFEC00  }
.Ltmp1:
0x3b: {  	[bflag:$0x0] =	sbarrier.arrive $0xFFFF;
	(pc) =	sbr.rel @p0 .LBB2_1-.Ltmp1, $4  }
0x3c: {  	[hbm:s6], [sflag:s5] =	dma.local [spmem:s10], $0x2800  }
0x3d: {  	_ =	swait.ge [sflag:s11], $0x2800  }
0x3e: {  	[sflag:s11] =	ssyncset.done $0x0  }
0x3f: {  	[sflag:s11] =	ssyncadd.s32 $0xFFFFD800  }
0x40: {  	_ =	sfence.sel $0x180000  }
0x41: {  	[bflag:$0x0] =	sbarrier.arrive $0xFFFF  }
0x42: {  	p0 =	sne.s32 s0, $0x0;
	_ =	strace $0x90000053  }
0x43: {  	s0 =	sadd.s32 @!p0 $0x100000, s1;
	[bflag:$0x2] =	sbarrier.arrive $0xFFFF  }
0x44: {  	[sflag:s0] =	ssyncadd.tile.s32 @!p0 $0x1;
	_ =	shalt  }
.Lfunc_end2:
_tile_overlayer_lowered:
.L_overlay_start_2:
0x45: {  	(tag) =	ssettag $0x2  }
0x46: {  	s0 =	rddreg [dreg:$0x0];
	s2 =	stileid.u32  }
0x47: {  	s1 =	rddreg [dreg:$0x1];
	p0 =	sne.s32 s2, $0x0  }
0x48: {  	s3 =	rddreg [dreg:$0x2];
	[bflag:$0x3] =	sbarrier.arrive $0xFFFF;
	s2 =	simm.s32 @!p0 $0x1C01  }
0x49: {  	[timem:s3], [sflag:s2] =	dma.local @!p0 [hbm:s0], s1  }
0x4a: {  	s0 =	simm.s32 @!p0 $0x1  }
0x4b: {  	_ =	swait.ge @!p0 [sflag:s0], s1  }
0x4c: {  	s1 =	ssub.s32 @!p0 $0x0, s1;
	[sflag:s0] =	ssyncset.done @!p0 $0x0  }
0x4d: {  	[sflag:s0] =	ssyncadd.s32 @!p0 s1  }
0x4e: {  	[bflag:$0x3] =	sbarrier.arrive $0xFFFF  }
0x4f: {  	_ =	shalt  }

// kernel: kernel.48.cloned.1.call-start
scs
__scs_entry_jumppad:
0x0: {  	(pc) =	sbr.rel $0x88, $3  }
0x1: {  	(tag) =	ssettag $0x0;
	lr =	simm.s32 $0x1  }
0x2: {  	[smem:$0x3F87] =	sst lr;
	_ =	strace $0xD0000000  }
0x3: {  	_ = 	snop  }
0x4: {  	_ = 	snop  }
0x5: {  	_ = 	snop  }
0x6: {  	_ = 	snop  }
0x7: {  	_ = 	snop  }
__scs_overlays_trampoline_lowered:
0x8: {  	[smem:$0x3F96] =	sst s0  }
0x9: {  	[smem:$0x3F97] =	sst s1  }
0xa: {  	[smem:$0x3F98] =	sst s2  }
0xb: {  	[smem:$0x3F99] =	sst s3  }
0xc: {  	[smem:$0x3F9A] =	sst s4  }
0xd: {  	[smem:$0x3F9B] =	sst s5  }
0xe: {  	[smem:$0x3F9C] =	sst s6  }
0xf: {  	[smem:$0x3F9D] =	sst s7  }
0x10: {  	[smem:$0x3F9E] =	sst s8  }
0x11: {  	[smem:$0x3F9F] =	sst s9;
	s0 =	simm.s32 @!p0 $0x0  }
0x12: {  	s1 =	sld [smem:$0x3F85];
	s0 =	simm.s32 @p0 $0x1  }
0x13: {  	[smem:$0x3FA0] =	sst s0;
	s0 =	simm.s32 @!p1 $0x0  }
0x14: {  	s2 =	sld [smem:$0x3F84];
	s0 =	simm.s32 @p1 $0x1  }
0x15: {  	[smem:$0x3FA1] =	sst s0;
	s0 =	simm.s32 @!p2 $0x0  }
0x16: {  	s3 =	sld [smem:$0x3FDB];
	s0 =	simm.s32 @p2 $0x1  }
0x17: {  	s4 =	simm.s32 $0x1BF5;
	[smem:$0x3FA3] =	sst s0  }
0x18: {  	s0 =	sld [smem:$0x3F86];
	_ =	swait.ge [sflag:s4], $0x0  }
0x19: {  	s7 =	sld [smem:$0x3F87]  }
0x1a: {  	s8 =	sadd.s32 $0xFFFFE003, lr  }
0x1b: {  	s9 =	sadd.s32 $0xFFFFFEF7, lr;
	s5 =	simm.s32 $0xFFFFFFFF;
	p2 =	slt.u32 s8, $0xFFFFF086  }
0x1c: {  	p1 =	slt.u32 s9, $0xF7A;
	s5 =	simm.s32 @!p2 $0x0  }
0x1d: {  	s5 =	simm.s32 @p1 $0x1;
	p0 =	seq.s32 s7, s2  }
0x1e: {  	s7 =	smul.u32 @!p0 $0xF7A, s2;
	p2 =	seq.s32 @!p0 s5, $0x0  }
0x1f: {  	s9 =	smul.u32 $0xF7A, s1;
	s8 =	simm.s32 @!p0 $0x1BF5;
	p2 =	por !p2, p0  }
0x20: {  	[sflag:s8] =	ssyncset.s32 @!p0 $0xFFFFF086;
	s6 =	sadd.s32 @!p0 s3, s7;
	s7 =	simm.s32 @!p0 $0x108  }
0x21: {  	s3 =	sadd.s32 s3, s9;
	s6 =	sadd.s32 @!p0 $0x88, s6;
	s7 =	simm.s32 @p2 $0x1082  }
0x22: {  	[simem:s7], [sflag:s8] =	dma.local @!p0 [hbm:s6], $0xF7A  }
0x23: {  	s9 =	sor.u32 $0xD0000000, s2;
	s6 =	simm.s32 $0x108;
	_ =	swait.ge @!p0 [sflag:s8], $0x0  }
0x24: {  	s3 =	sadd.s32 $0x88, s3;
	s6 =	simm.s32 @!p1 $0x1082;
	[sflag:s4] =	ssyncset.s32 $0xFFFFF086  }
0x25: {  	[simem:s6], [sflag:s4] =	dma.local [hbm:s3], $0xF7A  }
0x26: {  	[smem:$0x3F87] =	sst s1;
	(tag) =	ssettag s2;
	_ =	strace s9  }
0x27: {  	s1 =	sld [smem:$0x3F97]  }
0x28: {  	s2 =	sld [smem:$0x3F98]  }
0x29: {  	s4 =	sld [smem:$0x3F9A]  }
0x2a: {  	p0 =	seq.s32 s5, $0x0;
	s5 =	sld [smem:$0x3F9B]  }
0x2b: {  	s6 =	sld [smem:$0x3F9C]  }
0x2c: {  	s7 =	sld [smem:$0x3F9D]  }
0x2d: {  	s3 =	simm.s32 $0x108;
	s8 =	sld [smem:$0x3F9E]  }
0x2e: {  	s3 =	simm.s32 @!p0 $0x1082;
	s9 =	sld [smem:$0x3F9F]  }
0x2f: {  	lr =	sadd.s32 s0, s3;
	s0 =	sld [smem:$0x3F96]  }
0x30: {  	s3 =	sld [smem:$0x3F99]  }
0x31: {  	[smem:$0x3FA2] =	sst s10  }
0x32: {  	s10 =	sld [smem:$0x3FA0];
	_ =	sdelay $0x3  }
0x33: {  	p0 =	seq.s32 s10, $0x1;
	s10 =	sld [smem:$0x3FA2];
	_ =	sdelay $0x3  }
0x34: {  	[smem:$0x3FA2] =	sst s10  }
0x35: {  	s10 =	sld [smem:$0x3FA1];
	_ =	sdelay $0x3  }
0x36: {  	p1 =	seq.s32 s10, $0x1;
	s10 =	sld [smem:$0x3FA2];
	_ =	sdelay $0x3  }
0x37: {  	[smem:$0x3FA2] =	sst s10  }
0x38: {  	s10 =	sld [smem:$0x3FA3]  }
0x39: {  	_ = 	snop;
	(pc) =	sbr.ind lr, $3  }
0x3a: {  	_ = 	snop  }
0x3b: {  	_ = 	snop  }
0x3c: {  	p2 =	seq.s32 s10, $0x1;
	s10 =	sld [smem:$0x3FA2]  }
0x3d: {  	_ =	shalt  }
0x3e: {  	_ =	shalt  }
0x3f: {  	_ =	shalt  }
0x40: {  	_ =	shalt  }
0x41: {  	_ =	shalt  }
0x42: {  	_ =	shalt  }
0x43: {  	_ =	shalt  }
0x44: {  	_ =	shalt  }
0x45: {  	_ =	shalt  }
0x46: {  	_ =	shalt  }
0x47: {  	_ =	shalt  }
0x48: {  	_ =	shalt  }
0x49: {  	_ =	shalt  }
0x4a: {  	_ =	shalt  }
0x4b: {  	_ =	shalt  }
0x4c: {  	_ =	shalt  }
0x4d: {  	_ =	shalt  }
0x4e: {  	_ =	shalt  }
0x4f: {  	_ =	shalt  }
0x50: {  	_ =	shalt  }
0x51: {  	_ =	shalt  }
0x52: {  	_ =	shalt  }
0x53: {  	_ =	shalt  }
0x54: {  	_ =	shalt  }
0x55: {  	_ =	shalt  }
0x56: {  	_ =	shalt  }
0x57: {  	_ =	shalt  }
0x58: {  	_ =	shalt  }
0x59: {  	_ =	shalt  }
0x5a: {  	_ =	shalt  }
0x5b: {  	_ =	shalt  }
0x5c: {  	_ =	shalt  }
0x5d: {  	_ =	shalt  }
0x5e: {  	_ =	shalt  }
0x5f: {  	_ =	shalt  }
0x60: {  	_ =	shalt  }
0x61: {  	_ =	shalt  }
0x62: {  	_ =	shalt  }
0x63: {  	_ =	shalt  }
0x64: {  	_ =	shalt  }
0x65: {  	_ =	shalt  }
0x66: {  	_ =	shalt  }
0x67: {  	_ =	shalt  }
0x68: {  	_ =	shalt  }
0x69: {  	_ =	shalt  }
0x6a: {  	_ =	shalt  }
0x6b: {  	_ =	shalt  }
0x6c: {  	_ =	shalt  }
0x6d: {  	_ =	shalt  }
0x6e: {  	_ =	shalt  }
0x6f: {  	_ =	shalt  }
0x70: {  	_ =	shalt  }
0x71: {  	_ =	shalt  }
0x72: {  	_ =	shalt  }
0x73: {  	_ =	shalt  }
0x74: {  	_ =	shalt  }
0x75: {  	_ =	shalt  }
0x76: {  	_ =	shalt  }
0x77: {  	_ =	shalt  }
0x78: {  	_ =	shalt  }
0x79: {  	_ =	shalt  }
0x7a: {  	_ =	shalt  }
0x7b: {  	_ =	shalt  }
0x7c: {  	_ =	shalt  }
0x7d: {  	_ =	shalt  }
0x7e: {  	_ =	shalt  }
0x7f: {  	_ =	shalt  }
0x80: {  	_ =	shalt  }
0x81: {  	_ =	shalt  }
0x82: {  	_ =	shalt  }
0x83: {  	_ =	shalt  }
0x84: {  	_ =	shalt  }
0x85: {  	_ =	shalt  }
0x86: {  	_ =	shalt  }
0x87: {  	_ =	shalt  }
.Lfunc_end0:
.L_simem_size_0:
called_computation.5_lowered:
.L_overlay_start_0:
0x88: {  	s2 =	sld [smem:$0x3FD9]  }
0x89: {  	s3 =	sld [smem:$0x3FFE];
	_ =	sdelay $0x1  }
0x8a: {  	s1 =	srdreg.scid  }
0x8b: {  	s0 =	sand.u32 $0x1, s1  }
0x8c: {  	s16 =	sshll.u32 s0, $0xA;
	s2 =	sadd.s32 s3, s2  }
0x8d: {  	s2 =	sadd.s32 s2, s16  }
0x8e: {  	[smem:$0x3FAE] =	sst s2  }
0x8f: {  	_ = 	snop  }
0x90: {  	(tm) =	ssettm $0x1  }
0x91: {  	s17 =	sld [smem:$0x3FFB];
	_ =	sdelay $0x3  }
0x92: {  	_ =	strace s17  }
0x93: {  	s2 =	sld [smem:$0x3FFC];
	_ =	sdelay $0x3  }
0x94: {  	_ =	strace s2  }
0x95: {  	s2 =	sld [smem:$0x3FFD];
	_ =	sdelay $0x3  }
0x96: {  	_ =	strace s2  }
0x97: {  	_ =	strace $0x8FFFFFFF  }
0x98: {  	s18 =	sld [smem:$0x3FDB];
	_ =	sdelay $0x1  }
0x99: {  	s19 =	simm.s32 $_scs_section_size  }
0x9a: {  	s4 =	simm.s32 $_size__tile_overlayer_lowered;
	s5 =	simm.s32 $_tile_overlayer_lowered  }
0x9b: {  	s22 =	simm.s32 $0x1BFF;
	s21 =	sshll.u32 s5, $0x1;
	s2 =	sadd.s32 s19, s18  }
0x9c: {  	s6 =	simm.s32 $0x0;
	s20 =	sshll.u32 s4, $0x1;
	s4 =	sadd.s32 s21, s2  }
0x9d: {  	[timem:s6], [sflag:s22] =	dma.local [hbm:s4], s20  }
0x9e: {  	_ =	swait.ge [sflag:s22], s20  }
0x9f: {  	s3 =	ssub.s32 $0x0, s20;
	[sflag:s22] =	ssyncset.done $0x0  }
0xa0: {  	[sflag:s22] =	ssyncadd.s32 s3;
	_ =	sdelay $0x1  }
0xa1: {  	s23 =	simm.s32 $0x1B8B  }
0xa2: {  	_ =	swait.ge [sflag:s23], $0x1  }
0xa3: {  	[sflag:s23] =	ssyncset.done $0x0  }
0xa4: {  	s25 =	simm.s32 $0x1B8E;
	s24 =	sld [smem:$0x3FFE];
	[sflag:s23] =	ssyncadd.s32 $0xFFFFFFFF  }
0xa5: {  	s26 =	simm.s32 $execute0_lowered;
	[smem:$0x3FD2] =	sst s25  }
0xa6: {  	s4 =	sshll.u32 s26, $0x1;
	_ =	strace $0x80000055;
	[dreg:$0x1] =	wrdreg $0xFFFFFFFF  }
0xa7: {  	s28 =	simm.s32 $_size_execute0_lowered;
	s2 =	sadd.s32 s2, s4;
	[dreg:$0x0] =	wrdreg $0x0  }
0xa8: {  	s4 =	sshll.u32 s28, $0x1;
	[dreg:$0x2] =	wrdreg s2  }
0xa9: {  	[dreg:$0x3] =	wrdreg s4  }
0xaa: {  	[dreg:$0x4] =	wrdreg $0xC0  }
0xab: {  	_ =	task [dreg:s6], $0x5FFFF  }
0xac: {  	[dreg:$0x1] =	wrdreg $0xFFFFFFFF  }
0xad: {  	[dreg:$0x0] =	wrdreg $0x60  }
0xae: {  	[dreg:$0x2] =	wrdreg s24  }
0xaf: {  	[dreg:$0x3] =	wrdreg $0x14800  }
0xb0: {  	[dreg:$0x4] =	wrdreg $0x9  }
0xb1: {  	_ =	task.clear_ibuf [dreg:s6], $0x5FFFF;
	_ =	strace $0x90000055  }
0xb2: {  	s29 =	simm.s32 $0x9;
	_ =	strace $0x80000057  }
0xb3: {  	_ =	swait.ge [sflag:s29], $0x1  }
0xb4: {  	[sflag:s29] =	ssyncadd.s32 $0xFFFFFFFF  }
0xb5: {  	_ =	strace $0x90000057  }
0xb6: {  	_ =	sfence  }
0xb7: {  	s30 =	sld [smem:$0x0];
	_ =	sdelay $0x2  }
0xb8: {  	s31 =	sshll.u32 s1, $0xD;
	s1 =	sshrl.u32 s1, $0x2  }
0xb9: {  	s3 =	sand.u32 $0x4000, s31;
	s1 =	sadd.s32 s1, s30  }
0xba: {  	s0 =	sor.u32 s3, s0;
	s1 =	sshll.u32 s1, $0x11  }
0xbb: {  	s0 =	sor.u32 s1, s0  }
0xbc: {  	s0 =	sadd.s32 $0x8F2B, s0  }
0xbd: {  	[sflag:s0] =	ssyncadd.remote.s32 $0x1  }
0xbe: {  	_ =	sfence.sel $0xFFFF  }
0xbf: {  	[dreg:$0x0] =	wrdreg $0xFFFFFFFF;
	(pc) =	sbr.abs _section_cstart, $3  }
0xc0: {  	[dreg:$0x1] =	wrdreg $0xFFFFFFFF  }
0xc1: {  	_ =	task.clear_ibuf [dreg:s6], $0x2FFFF;
	_ =	strace $0x9FFFFFFF  }
0xc2: {  	(tm) =	ssettm $0x7FFFFFFF  }
0xc3: {  	_ =	shalt  }
tec
execute0_lowered:
.L_overlay_start_1:
0x0: {  	(tag) =	ssettag $0x1  }
0x1: {  	s0 =	stileid.u32  }
0x2: {  	s1 =	srdreg.scid;
	s4 =	smul.u32 $0x27100, s0  }
0x3: {  	s5 =	rddreg [dreg:$0x0];
	s7 =	smul.u32 $0x2710, s0  }
0x4: {  	s2 =	rddreg [dreg:$0x1];
	s9 =	smul.u32 $0x13800, s0  }
0x5: {  	s3 =	simm.s32 $0x0;
	s6 =	sand.u32 $0x1, s1;
	s25 =	smul.u32 $0x4E000, s0  }
0x6: {  	s14 =	simm.s32 $0x0;
	s1 =	rddreg [dreg:$0x2];
	s8 =	smul.u32 $0x1388, s6  }
0x7: {  	[smem:$0x7FF] =	sst s3;
	s30 =	sshll.u32 s0, $0x6;
	s22 =	smul.u32 $0x138800, s6  }
0x8: {  	_ =	strace $0x80000056;
	s28 =	ssub.s32 $0x2, s6;
	s6 =	smul.u32 $0x13880, s6  }
0x9: {  	s10 =	sadd.s32 s4, s5;
	s24 =	sshrl.u32 s9, $0x3;
	s29 =	sshrl.u32 s28, $0x1  }
0xa: {  	s7 =	sadd.s32 s8, s7;
	s23 =	sadd.s32 s9, s22;
	s8 =	sshrl.u32 s25, $0x2  }
0xb: {  	s12 =	ssub.s32 s28, s29;
	s31 =	sadd.s32 s6, s10;
	s7 =	sshrl.u32 s7, $0x3  }
0xc: {  	s4 =	sshrl.u32 s23, $0x3;
	s13 =	sadd.s32 s8, s2;
	s8 =	sadd.s32 $0xF90E00, s31  }
0xd: {  	s11 =	sadd.s32 s7, s5;
	s7 =	sadd.s32 s24, s5;
	s26 =	sadd.s32 s4, s5  }
0xe: {  	s5 =	sor.u32 $0x1C01, s30;
	s10 =	sshrl.u32 s13, $0x3;
	s13 =	simm.s32 $0x28  }
0xf: {  	s4 =	sadd.s32 $0x75800, s7;
	s6 =	sadd.s32 $0xAAEE00, s26;
	s7 =	smax.u32 s12, $0x1  }
0x10: {  	s9 =	sadd.s32 $0x20000, s11;
	s11 =	simm.s32 $0x1;
	s12 =	simm.s32 $0x80  }
.LBB2_1:
0x11: {  	[spmem:s10], [sflag:s5] =	dma.local [hbm:s4], $0x2800  }
0x12: {  	_ =	swait.ge [sflag:s11], $0x2800  }
0x13: {  	[sflag:s11] =	ssyncset.done $0x0  }
0x14: {  	[sflag:s11] =	ssyncadd.s32 $0xFFFFD800  }
0x15: {  	s15 =	sadd.s32 $0x0, s9;
	[bflag:$0x0] =	sbarrier.arrive $0xFFFF  }
0x16: {  	[tilespmem:s3], [sflag:$0x1] =	stream.linear.gather [hbm4b:s15+s3], $0x28, $0x38;
	[tilespmem:$0x14D00] =	vst v63  }
0x17: {  	_ =	swait.ge [sflag:s11], $0x28  }
0x18: {  	[sflag:s11] =	ssyncset.done $0x0  }
0x19: {  	[sflag:s11] =	ssyncadd.s32 $0xFFFFFFD8  }
0x1a: {  	[tilespmem:s12], [sflag:$0x1] =	stream.linear.gather [hbm4b:s8+s3], $0x1400, $0x38;
	[tilespmem:$0x14D00] =	vst v63  }
0x1b: {  	_ =	swait.ge [sflag:s11], $0x1400  }
0x1c: {  	[sflag:s11] =	ssyncset.done $0x0  }
0x1d: {  	[sflag:s11] =	ssyncadd.s32 $0xFFFFEC00  }
0x1e: {  	[spmem:s2] =	stream.indirect.scatter.add.f32 [tilespmem:s12], [sflag:$0x1], $0x80, s3, s13, $0xb8;
	[tilespmem:$0x14D00] =	vst v63  }
0x1f: {  	s16 =	simm.s32 $0x5;
	_ =	swait.ge [sflag:s11], $0x1400  }
0x20: {  	s17 =	simm.s32 $0xA;
	s15 =	sadd.s32 $0x280, s8;
	[sflag:s11] =	ssyncset.done $0x0  }
.LBB2_2:
0x21: {  	s18 =	sadd.s32 s16, s9  }
0x22: {  	[sflag:s11] =	ssyncadd.s32 $0xFFFFEC00;
	s16 =	smov.u32 s17;
	s19 =	sadd.s32 $0x5, s17  }
0x23: {  	[tilespmem:s3], [sflag:$0x1] =	stream.linear.gather [hbm4b:s18+s3], $0x28, $0x38;
	[tilespmem:$0x14D00] =	vst v63  }
0x24: {  	p0 =	sne.s32 s17, $0x26C;
	_ =	swait.ge [sflag:s11], $0x28  }
0x25: {  	[sflag:s11] =	ssyncset.done $0x0  }
0x26: {  	[sflag:s11] =	ssyncadd.s32 $0xFFFFFFD8  }
0x27: {  	[tilespmem:s12], [sflag:$0x1] =	stream.linear.gather [hbm4b:s15+s3], $0x1400, $0x38;
	[tilespmem:$0x14D00] =	vst v63  }
0x28: {  	_ =	swait.ge [sflag:s11], $0x1400  }
.Ltmp0:
0x29: {  	[sflag:s11] =	ssyncset.done $0x0;
	(pc) =	sbr.rel @p0 .LBB2_2-.Ltmp0, $4  }
0x2a: {  	[sflag:s11] =	ssyncadd.s32 $0xFFFFEC00  }
0x2b: {  	[spmem:s2] =	stream.indirect.scatter.add.f32 [tilespmem:s12], [sflag:$0x1], $0x80, s3, s13, $0xb8;
	[tilespmem:$0x14D00] =	vst v63  }
0x2c: {  	_ =	swait.ge [sflag:s11], $0x1400  }
0x2d: {  	s17 =	smov.u32 s19;
	s15 =	sadd.s32 $0x280, s15;
	[sflag:s11] =	ssyncset.done $0x0  }
0x2e: {  	s16 =	sadd.s32 s16, s9;
	[sflag:s11] =	ssyncadd.s32 $0xFFFFEC00  }
0x2f: {  	[tilespmem:s3], [sflag:$0x1] =	stream.linear.gather [hbm4b:s16+s3], $0x28, $0x38;
	[tilespmem:$0x14D00] =	vst v63  }
0x30: {  	_ =	swait.ge [sflag:s11], $0x28  }
0x31: {  	[sflag:s11] =	ssyncset.done $0x0  }
0x32: {  	[sflag:s11] =	ssyncadd.s32 $0xFFFFFFD8  }
0x33: {  	[tilespmem:s12], [sflag:$0x1] =	stream.linear.gather [hbm4b:s15+s3], $0x1400, $0x38;
	[tilespmem:$0x14D00] =	vst v63  }
0x34: {  	_ =	swait.ge [sflag:s11], $0x1400  }
0x35: {  	[sflag:s11] =	ssyncset.done $0x0  }
0x36: {  	[sflag:s11] =	ssyncadd.s32 $0xFFFFEC00  }
0x37: {  	[spmem:s2] =	stream.indirect.scatter.add.f32 [tilespmem:s12], [sflag:$0x1], $0x80, s3, s13, $0xb8;
	[tilespmem:$0x14D00] =	vst v63  }
0x38: {  	_ =	swait.ge [sflag:s11], $0x1400  }
0x39: {  	s14 =	sadd.s32 $0x1, s14;
	[sflag:s11] =	ssyncset.done $0x0  }
0x3a: {  	p0 =	sne.s32 s14, s7;
	[sflag:s11] =	ssyncadd.s32 $0xFFFFEC00  }
.Ltmp1:
0x3b: {  	[bflag:$0x0] =	sbarrier.arrive $0xFFFF;
	(pc) =	sbr.rel @p0 .LBB2_1-.Ltmp1, $4  }
0x3c: {  	[hbm:s6], [sflag:s5] =	dma.local [spmem:s10], $0x2800  }
0x3d: {  	_ =	swait.ge [sflag:s11], $0x2800  }
0x3e: {  	[sflag:s11] =	ssyncset.done $0x0  }
0x3f: {  	[sflag:s11] =	ssyncadd.s32 $0xFFFFD800  }
0x40: {  	_ =	sfence.sel $0x180000  }
0x41: {  	[bflag:$0x0] =	sbarrier.arrive $0xFFFF  }
0x42: {  	p0 =	sne.s32 s0, $0x0;
	_ =	strace $0x90000056  }
0x43: {  	s0 =	sadd.s32 @!p0 $0x100000, s1;
	[bflag:$0x2] =	sbarrier.arrive $0xFFFF  }
0x44: {  	[sflag:s0] =	ssyncadd.tile.s32 @!p0 $0x1;
	_ =	shalt  }
.Lfunc_end2:
_tile_overlayer_lowered:
.L_overlay_start_2:
0x45: {  	(tag) =	ssettag $0x2  }
0x46: {  	s0 =	rddreg [dreg:$0x0];
	s2 =	stileid.u32  }
0x47: {  	s1 =	rddreg [dreg:$0x1];
	p0 =	sne.s32 s2, $0x0  }
0x48: {  	s3 =	rddreg [dreg:$0x2];
	[bflag:$0x3] =	sbarrier.arrive $0xFFFF;
	s2 =	simm.s32 @!p0 $0x1C01  }
0x49: {  	[timem:s3], [sflag:s2] =	dma.local @!p0 [hbm:s0], s1  }
0x4a: {  	s0 =	simm.s32 @!p0 $0x1  }
0x4b: {  	_ =	swait.ge @!p0 [sflag:s0], s1  }
0x4c: {  	s1 =	ssub.s32 @!p0 $0x0, s1;
	[sflag:s0] =	ssyncset.done @!p0 $0x0  }
0x4d: {  	[sflag:s0] =	ssyncadd.s32 @!p0 s1  }
0x4e: {  	[bflag:$0x3] =	sbarrier.arrive $0xFFFF  }
0x4f: {  	_ =	shalt  }

// kernel: kernel.51.cloned.1.call-start
scs
__scs_entry_jumppad:
0x0: {  	(pc) =	sbr.rel $0x88, $3  }
0x1: {  	(tag) =	ssettag $0x0;
	lr =	simm.s32 $0x1  }
0x2: {  	[smem:$0x3F87] =	sst lr;
	_ =	strace $0xD0000000  }
0x3: {  	_ = 	snop  }
0x4: {  	_ = 	snop  }
0x5: {  	_ = 	snop  }
0x6: {  	_ = 	snop  }
0x7: {  	_ = 	snop  }
__scs_overlays_trampoline_lowered:
0x8: {  	[smem:$0x3F96] =	sst s0  }
0x9: {  	[smem:$0x3F97] =	sst s1  }
0xa: {  	[smem:$0x3F98] =	sst s2  }
0xb: {  	[smem:$0x3F99] =	sst s3  }
0xc: {  	[smem:$0x3F9A] =	sst s4  }
0xd: {  	[smem:$0x3F9B] =	sst s5  }
0xe: {  	[smem:$0x3F9C] =	sst s6  }
0xf: {  	[smem:$0x3F9D] =	sst s7  }
0x10: {  	[smem:$0x3F9E] =	sst s8  }
0x11: {  	[smem:$0x3F9F] =	sst s9;
	s0 =	simm.s32 @!p0 $0x0  }
0x12: {  	s1 =	sld [smem:$0x3F85];
	s0 =	simm.s32 @p0 $0x1  }
0x13: {  	[smem:$0x3FA0] =	sst s0;
	s0 =	simm.s32 @!p1 $0x0  }
0x14: {  	s2 =	sld [smem:$0x3F84];
	s0 =	simm.s32 @p1 $0x1  }
0x15: {  	[smem:$0x3FA1] =	sst s0;
	s0 =	simm.s32 @!p2 $0x0  }
0x16: {  	s3 =	sld [smem:$0x3FDB];
	s0 =	simm.s32 @p2 $0x1  }
0x17: {  	s4 =	simm.s32 $0x1BF5;
	[smem:$0x3FA3] =	sst s0  }
0x18: {  	s0 =	sld [smem:$0x3F86];
	_ =	swait.ge [sflag:s4], $0x0  }
0x19: {  	s7 =	sld [smem:$0x3F87]  }
0x1a: {  	s8 =	sadd.s32 $0xFFFFE003, lr  }
0x1b: {  	s9 =	sadd.s32 $0xFFFFFEF7, lr;
	s5 =	simm.s32 $0xFFFFFFFF;
	p2 =	slt.u32 s8, $0xFFFFF086  }
0x1c: {  	p1 =	slt.u32 s9, $0xF7A;
	s5 =	simm.s32 @!p2 $0x0  }
0x1d: {  	s5 =	simm.s32 @p1 $0x1;
	p0 =	seq.s32 s7, s2  }
0x1e: {  	s7 =	smul.u32 @!p0 $0xF7A, s2;
	p2 =	seq.s32 @!p0 s5, $0x0  }
0x1f: {  	s9 =	smul.u32 $0xF7A, s1;
	s8 =	simm.s32 @!p0 $0x1BF5;
	p2 =	por !p2, p0  }
0x20: {  	[sflag:s8] =	ssyncset.s32 @!p0 $0xFFFFF086;
	s6 =	sadd.s32 @!p0 s3, s7;
	s7 =	simm.s32 @!p0 $0x108  }
0x21: {  	s3 =	sadd.s32 s3, s9;
	s6 =	sadd.s32 @!p0 $0x88, s6;
	s7 =	simm.s32 @p2 $0x1082  }
0x22: {  	[simem:s7], [sflag:s8] =	dma.local @!p0 [hbm:s6], $0xF7A  }
0x23: {  	s9 =	sor.u32 $0xD0000000, s2;
	s6 =	simm.s32 $0x108;
	_ =	swait.ge @!p0 [sflag:s8], $0x0  }
0x24: {  	s3 =	sadd.s32 $0x88, s3;
	s6 =	simm.s32 @!p1 $0x1082;
	[sflag:s4] =	ssyncset.s32 $0xFFFFF086  }
0x25: {  	[simem:s6], [sflag:s4] =	dma.local [hbm:s3], $0xF7A  }
0x26: {  	[smem:$0x3F87] =	sst s1;
	(tag) =	ssettag s2;
	_ =	strace s9  }
0x27: {  	s1 =	sld [smem:$0x3F97]  }
0x28: {  	s2 =	sld [smem:$0x3F98]  }
0x29: {  	s4 =	sld [smem:$0x3F9A]  }
0x2a: {  	p0 =	seq.s32 s5, $0x0;
	s5 =	sld [smem:$0x3F9B]  }
0x2b: {  	s6 =	sld [smem:$0x3F9C]  }
0x2c: {  	s7 =	sld [smem:$0x3F9D]  }
0x2d: {  	s3 =	simm.s32 $0x108;
	s8 =	sld [smem:$0x3F9E]  }
0x2e: {  	s3 =	simm.s32 @!p0 $0x1082;
	s9 =	sld [smem:$0x3F9F]  }
0x2f: {  	lr =	sadd.s32 s0, s3;
	s0 =	sld [smem:$0x3F96]  }
0x30: {  	s3 =	sld [smem:$0x3F99]  }
0x31: {  	[smem:$0x3FA2] =	sst s10  }
0x32: {  	s10 =	sld [smem:$0x3FA0];
	_ =	sdelay $0x3  }
0x33: {  	p0 =	seq.s32 s10, $0x1;
	s10 =	sld [smem:$0x3FA2];
	_ =	sdelay $0x3  }
0x34: {  	[smem:$0x3FA2] =	sst s10  }
0x35: {  	s10 =	sld [smem:$0x3FA1];
	_ =	sdelay $0x3  }
0x36: {  	p1 =	seq.s32 s10, $0x1;
	s10 =	sld [smem:$0x3FA2];
	_ =	sdelay $0x3  }
0x37: {  	[smem:$0x3FA2] =	sst s10  }
0x38: {  	s10 =	sld [smem:$0x3FA3]  }
0x39: {  	_ = 	snop;
	(pc) =	sbr.ind lr, $3  }
0x3a: {  	_ = 	snop  }
0x3b: {  	_ = 	snop  }
0x3c: {  	p2 =	seq.s32 s10, $0x1;
	s10 =	sld [smem:$0x3FA2]  }
0x3d: {  	_ =	shalt  }
0x3e: {  	_ =	shalt  }
0x3f: {  	_ =	shalt  }
0x40: {  	_ =	shalt  }
0x41: {  	_ =	shalt  }
0x42: {  	_ =	shalt  }
0x43: {  	_ =	shalt  }
0x44: {  	_ =	shalt  }
0x45: {  	_ =	shalt  }
0x46: {  	_ =	shalt  }
0x47: {  	_ =	shalt  }
0x48: {  	_ =	shalt  }
0x49: {  	_ =	shalt  }
0x4a: {  	_ =	shalt  }
0x4b: {  	_ =	shalt  }
0x4c: {  	_ =	shalt  }
0x4d: {  	_ =	shalt  }
0x4e: {  	_ =	shalt  }
0x4f: {  	_ =	shalt  }
0x50: {  	_ =	shalt  }
0x51: {  	_ =	shalt  }
0x52: {  	_ =	shalt  }
0x53: {  	_ =	shalt  }
0x54: {  	_ =	shalt  }
0x55: {  	_ =	shalt  }
0x56: {  	_ =	shalt  }
0x57: {  	_ =	shalt  }
0x58: {  	_ =	shalt  }
0x59: {  	_ =	shalt  }
0x5a: {  	_ =	shalt  }
0x5b: {  	_ =	shalt  }
0x5c: {  	_ =	shalt  }
0x5d: {  	_ =	shalt  }
0x5e: {  	_ =	shalt  }
0x5f: {  	_ =	shalt  }
0x60: {  	_ =	shalt  }
0x61: {  	_ =	shalt  }
0x62: {  	_ =	shalt  }
0x63: {  	_ =	shalt  }
0x64: {  	_ =	shalt  }
0x65: {  	_ =	shalt  }
0x66: {  	_ =	shalt  }
0x67: {  	_ =	shalt  }
0x68: {  	_ =	shalt  }
0x69: {  	_ =	shalt  }
0x6a: {  	_ =	shalt  }
0x6b: {  	_ =	shalt  }
0x6c: {  	_ =	shalt  }
0x6d: {  	_ =	shalt  }
0x6e: {  	_ =	shalt  }
0x6f: {  	_ =	shalt  }
0x70: {  	_ =	shalt  }
0x71: {  	_ =	shalt  }
0x72: {  	_ =	shalt  }
0x73: {  	_ =	shalt  }
0x74: {  	_ =	shalt  }
0x75: {  	_ =	shalt  }
0x76: {  	_ =	shalt  }
0x77: {  	_ =	shalt  }
0x78: {  	_ =	shalt  }
0x79: {  	_ =	shalt  }
0x7a: {  	_ =	shalt  }
0x7b: {  	_ =	shalt  }
0x7c: {  	_ =	shalt  }
0x7d: {  	_ =	shalt  }
0x7e: {  	_ =	shalt  }
0x7f: {  	_ =	shalt  }
0x80: {  	_ =	shalt  }
0x81: {  	_ =	shalt  }
0x82: {  	_ =	shalt  }
0x83: {  	_ =	shalt  }
0x84: {  	_ =	shalt  }
0x85: {  	_ =	shalt  }
0x86: {  	_ =	shalt  }
0x87: {  	_ =	shalt  }
.Lfunc_end0:
.L_simem_size_0:
called_computation.6_lowered:
.L_overlay_start_0:
0x88: {  	s2 =	sld [smem:$0x3FD9]  }
0x89: {  	s3 =	sld [smem:$0x3FFE];
	_ =	sdelay $0x1  }
0x8a: {  	s1 =	srdreg.scid  }
0x8b: {  	s0 =	sand.u32 $0x1, s1  }
0x8c: {  	s16 =	sshll.u32 s0, $0xA;
	s2 =	sadd.s32 s3, s2  }
0x8d: {  	s2 =	sadd.s32 s2, s16  }
0x8e: {  	[smem:$0x3FAE] =	sst s2  }
0x8f: {  	_ = 	snop  }
0x90: {  	(tm) =	ssettm $0x1  }
0x91: {  	s17 =	sld [smem:$0x3FFB];
	_ =	sdelay $0x3  }
0x92: {  	_ =	strace s17  }
0x93: {  	s2 =	sld [smem:$0x3FFC];
	_ =	sdelay $0x3  }
0x94: {  	_ =	strace s2  }
0x95: {  	s2 =	sld [smem:$0x3FFD];
	_ =	sdelay $0x3  }
0x96: {  	_ =	strace s2  }
0x97: {  	_ =	strace $0x8FFFFFFF  }
0x98: {  	s18 =	sld [smem:$0x3FDB];
	_ =	sdelay $0x1  }
0x99: {  	s19 =	simm.s32 $_scs_section_size  }
0x9a: {  	s4 =	simm.s32 $_size__tile_overlayer_lowered;
	s5 =	simm.s32 $_tile_overlayer_lowered  }
0x9b: {  	s22 =	simm.s32 $0x1BFF;
	s21 =	sshll.u32 s5, $0x1;
	s2 =	sadd.s32 s19, s18  }
0x9c: {  	s6 =	simm.s32 $0x0;
	s20 =	sshll.u32 s4, $0x1;
	s4 =	sadd.s32 s21, s2  }
0x9d: {  	[timem:s6], [sflag:s22] =	dma.local [hbm:s4], s20  }
0x9e: {  	_ =	swait.ge [sflag:s22], s20  }
0x9f: {  	s3 =	ssub.s32 $0x0, s20;
	[sflag:s22] =	ssyncset.done $0x0  }
0xa0: {  	[sflag:s22] =	ssyncadd.s32 s3;
	_ =	sdelay $0x1  }
0xa1: {  	s23 =	simm.s32 $0x1B8B  }
0xa2: {  	_ =	swait.ge [sflag:s23], $0x1  }
0xa3: {  	[sflag:s23] =	ssyncset.done $0x0  }
0xa4: {  	s25 =	simm.s32 $0x1B8E;
	s24 =	sld [smem:$0x3FFE];
	[sflag:s23] =	ssyncadd.s32 $0xFFFFFFFF  }
0xa5: {  	s26 =	simm.s32 $execute0_lowered;
	[smem:$0x3FD2] =	sst s25  }
0xa6: {  	s4 =	sshll.u32 s26, $0x1;
	_ =	strace $0x80000058;
	[dreg:$0x1] =	wrdreg $0xFFFFFFFF  }
0xa7: {  	s28 =	simm.s32 $_size_execute0_lowered;
	s2 =	sadd.s32 s2, s4;
	[dreg:$0x0] =	wrdreg $0x0  }
0xa8: {  	s4 =	sshll.u32 s28, $0x1;
	[dreg:$0x2] =	wrdreg s2  }
0xa9: {  	[dreg:$0x3] =	wrdreg s4  }
0xaa: {  	[dreg:$0x4] =	wrdreg $0xC0  }
0xab: {  	_ =	task [dreg:s6], $0x5FFFF  }
0xac: {  	[dreg:$0x1] =	wrdreg $0xFFFFFFFF  }
0xad: {  	[dreg:$0x0] =	wrdreg $0x60  }
0xae: {  	[dreg:$0x2] =	wrdreg s24  }
0xaf: {  	[dreg:$0x3] =	wrdreg $0x9  }
0xb0: {  	_ =	task.clear_ibuf [dreg:s6], $0x4FFFF;
	_ =	strace $0x90000058  }
0xb1: {  	s29 =	simm.s32 $0x9;
	_ =	strace $0x8000005A  }
0xb2: {  	_ =	swait.ge [sflag:s29], $0x1  }
0xb3: {  	[sflag:s29] =	ssyncadd.s32 $0xFFFFFFFF  }
0xb4: {  	_ =	strace $0x9000005A  }
0xb5: {  	_ =	sfence  }
0xb6: {  	s30 =	sld [smem:$0x0];
	_ =	sdelay $0x2  }
0xb7: {  	s31 =	sshll.u32 s1, $0xD;
	s1 =	sshrl.u32 s1, $0x2  }
0xb8: {  	s3 =	sand.u32 $0x4000, s31;
	s1 =	sadd.s32 s1, s30  }
0xb9: {  	s0 =	sor.u32 s3, s0;
	s1 =	sshll.u32 s1, $0x11  }
0xba: {  	s0 =	sor.u32 s1, s0  }
0xbb: {  	s0 =	sadd.s32 $0x8F2B, s0  }
0xbc: {  	[sflag:s0] =	ssyncadd.remote.s32 $0x1  }
0xbd: {  	_ =	sfence.sel $0xFFFF  }
0xbe: {  	[dreg:$0x0] =	wrdreg $0xFFFFFFFF;
	(pc) =	sbr.abs _section_cstart, $3  }
0xbf: {  	[dreg:$0x1] =	wrdreg $0xFFFFFFFF  }
0xc0: {  	_ =	task.clear_ibuf [dreg:s6], $0x2FFFF;
	_ =	strace $0x9FFFFFFF  }
0xc1: {  	(tm) =	ssettm $0x7FFFFFFF  }
tec
execute0_lowered:
.L_overlay_start_1:
0x0: {  	(tag) =	ssettag $0x1  }
0x1: {  	s5 =	rddreg [dreg:$0x0]  }
0x2: {  	s0 =	rddreg [dreg:$0x1]  }
0x3: {  	s3 =	srdreg.scid;
	s1 =	stileid.u32;
	s2 =	simm.s32 $0x0  }
0x4: {  	s12 =	simm.s32 $0x28;
	s13 =	simm.s32 $0x100;
	s14 =	simm.s32 $0x1500  }
0x5: {  	s15 =	simm.s32 $0x1D00;
	s16 =	simm.s32 $0x2500;
	s4 =	smul.u32 $0x2710, s1  }
0x6: {  	s17 =	simm.s32 $0x2D00;
	s18 =	simm.s32 $0x3500;
	s8 =	smul.u32 $0x27100, s1  }
0x7: {  	s19 =	simm.s32 $0x0;
	s6 =	sand.u32 $0x1, s3;
	s9 =	smul.u32 $0x4E200, s1  }
0x8: {  	[smem:$0x7FF] =	sst s2;
	s3 =	sadd.s32 $0x75600, s5;
	s7 =	smul.u32 $0x1388, s6  }
0x9: {  	_ =	strace $0x80000059;
	s10 =	smul.u32 $0x27100, s6;
	s29 =	ssub.s32 $0x2, s6  }
0xa: {  	s6 =	smul.u32 $0x13880, s6;
	s8 =	sadd.s32 s8, s5;
	s7 =	sadd.s32 s7, s4  }
0xb: {  	s30 =	sshrl.u32 s29, $0x1;
	s4 =	sadd.s32 $0xAB800, s5;
	s7 =	sshrl.u32 s7, $0x3  }
0xc: {  	s11 =	sadd.s32 s7, s5;
	s5 =	sadd.s32 s9, s5;
	s7 =	ssub.s32 s29, s30  }
0xd: {  	v2 =	vlaneseq.u32;
	s8 =	sadd.s32 s6, s8;
	s31 =	sadd.s32 s10, s5;
	s5 =	smax.u32 s7, $0x1  }
0xe: {  	vm0 =	vmmov $0xffff;
	v1 =	vshrl.u32 v2, $0x3;
	s7 =	sadd.s32 $0x120C00, s8;
	s8 =	sadd.s32 $0x1B000, s11;
	s9 =	sadd.s32 $0x20000, s11  }
0xf: {  	v0 =	vand.u32 $0x7, v2;
	v2 =	vor.u32 $0x8, v2;
	v1 =	vmul.u32 $0x8, v1;
	s10 =	simm.s32 $0x1;
	s11 =	simm.s32 $0x80;
	s6 =	sadd.s32 $0xAAEE00, s31  }
.LBB2_1:
0x10: {  	s20 =	smov.u32 s7;
	s21 =	smov.u32 s6;
	s22 =	simm.s32 $0x0  }
.LBB2_2:
0x11: {  	s23 =	sadd.s32 s22, s9  }
0x12: {  	[tilespmem:s2], [sflag:$0x1] =	stream.linear.gather [hbm4b:s23+s2], $0x28, $0x38;
	[tilespmem:$0x3D00] =	vst v63  }
0x13: {  	_ =	swait.ge [sflag:s10], $0x28  }
0x14: {  	[sflag:s10] =	ssyncset.done $0x0  }
0x15: {  	s31 =	sadd.s32 s22, s8;
	[sflag:s10] =	ssyncadd.s32 $0xFFFFFFD8  }
0x16: {  	[tilespmem:s11], [sflag:$0x1] =	stream.linear.gather [hbm4b:s31+s2], $0x28, $0x38;
	[tilespmem:$0x3D00] =	vst v63  }
0x17: {  	_ =	swait.ge [sflag:s10], $0x28  }
0x18: {  	[sflag:s10] =	ssyncset.done $0x0  }
0x19: {  	[sflag:s10] =	ssyncadd.s32 $0xFFFFFFD8  }
0x1a: {  	[tilespmem:s13], [sflag:$0x1] =	stream.indirect.gather [hbm4b:s3+s12], $0x80, s2, s12, $0xb8;
	[tilespmem:$0x3D00] =	vst v63  }
0x1b: {  	_ =	swait.ge [sflag:s10], $0x1400  }
0x1c: {  	[sflag:s10] =	ssyncset.done $0x0  }
0x1d: {  	[sflag:s10] =	ssyncadd.s32 $0xFFFFEC00  }
0x1e: {  	v3 =	vld [tilespmem:$0x80];
	_ =	sdelay $0x4  }
0x1f: {  	v4 =	vshll.u32 v3, $0x1  }
0x20: {  	v3 =	vand.u32 $0x7, v3;
	v4 =	vand.u32 $0xFFFFFFF0, v4  }
0x21: {  	v3 =	vor.u32 v3, v4  }
0x22: {  	v4 =	vperm.xlane v3, v0;
	_ =	sdelay $0x1  }
0x23: {  	v3 =	vperm.xlane v3, v2;
	v4 =	vadd.s32 v1, v4;
	_ =	sdelay $0x1  }
0x24: {  	v3 =	vadd.s32 v1, v3;
	_ =	sdelay $0x2  }
0x25: {  	[tilespmem:s14], [sflag:$0x1] =	stream.indirect_vreg.gather [hbm4b:s4+s2], $0x80, v4, vm0, $0xb8;
	[tilespmem:$0x3D00] =	vst v63  }
0x26: {  	_ = 	snop  }
0x27: {  	[tilespmem:s15], [sflag:$0x1] =	stream.indirect_vreg.gather [hbm4b:s4+s2], $0x80, v3, vm0, $0xb8;
	[tilespmem:$0x3D00] =	vst v63  }
0x28: {  	v3 =	vld [tilespmem:$0x90];
	_ =	sdelay $0x4  }
0x29: {  	v62 =	vshll.u32 v3, $0x1  }
0x2a: {  	v3 =	vand.u32 $0x7, v3;
	v4 =	vand.u32 $0xFFFFFFF0, v62  }
0x2b: {  	v3 =	vor.u32 v3, v4  }
0x2c: {  	v4 =	vperm.xlane v3, v0;
	_ =	sdelay $0x1  }
0x2d: {  	v3 =	vperm.xlane v3, v2;
	v4 =	vadd.s32 v1, v4;
	_ =	sdelay $0x1  }
0x2e: {  	v3 =	vadd.s32 v1, v3;
	_ =	sdelay $0x2  }
0x2f: {  	[tilespmem:s16], [sflag:$0x1] =	stream.indirect_vreg.gather [hbm4b:s4+s2], $0x80, v4, vm0, $0xb8;
	[tilespmem:$0x3D00] =	vst v63  }
0x30: {  	_ = 	snop  }
0x31: {  	[tilespmem:s17], [sflag:$0x1] =	stream.indirect_vreg.gather [hbm4b:s4+s2], $0x80, v3, vm0, $0xb8;
	[tilespmem:$0x3D00] =	vst v63  }
0x32: {  	v3 =	vld.msk [tilespmem:$0xA0], $0xff;
	_ =	sdelay $0x4  }
0x33: {  	v63 =	vshll.u32 v3, $0x1  }
0x34: {  	v3 =	vand.u32 $0x7, v3;
	v4 =	vand.u32 $0xFFFFFFF0, v63  }
0x35: {  	v3 =	vor.u32 v3, v4  }
0x36: {  	v3 =	vperm.xlane v3, v0;
	_ =	sdelay $0x1  }
0x37: {  	v3 =	vadd.s32 v1, v3;
	_ =	sdelay $0x4  }
0x38: {  	[tilespmem:s18], [sflag:$0x1] =	stream.indirect_vreg.gather [hbm4b:s4+s2], $0x80, v3, vm0, $0xb8;
	[tilespmem:$0x3D00] =	vst v63  }
0x39: {  	_ =	swait.ge [sflag:s10], $0x2800  }
0x3a: {  	[sflag:s10] =	ssyncset.done $0x0  }
0x3b: {  	[sflag:s10] =	ssyncadd.s32 $0xFFFFD800  }
0x3c: {  	[hbm4b:s20+s2] =	stream.linear.scatter [tilespmem:s13], [sflag:$0x1], $0x1400, $0x38;
	[tilespmem:$0x3D00] =	vst v63  }
0x3d: {  	_ =	swait.ge [sflag:s10], $0x1400  }
0x3e: {  	p0 =	sne.s32 s22, $0x26C;
	[sflag:s10] =	ssyncset.done $0x0  }
.Ltmp0:
0x3f: {  	[sflag:s10] =	ssyncadd.s32 $0xFFFFEC00;
	(pc) =	sbr.rel @p0 .LBB2_2-.Ltmp0, $4  }
0x40: {  	[hbm4b:s21+s2] =	stream.linear.scatter [tilespmem:s14], [sflag:$0x1], $0x2800, $0x38;
	[tilespmem:$0x3D00] =	vst v63  }
0x41: {  	_ =	swait.ge [sflag:s10], $0x2800  }
0x42: {  	s22 =	sadd.s32 $0x5, s22;
	[sflag:s10] =	ssyncset.done $0x0  }
0x43: {  	s20 =	sadd.s32 $0x280, s20;
	s21 =	sadd.s32 $0x500, s21;
	[sflag:s10] =	ssyncadd.s32 $0xFFFFD800  }
0x44: {  	s19 =	sadd.s32 $0x1, s19  }
0x45: {  	p0 =	sne.s32 s19, s5  }
.Ltmp1:
0x46: {  	_ = 	snop;
	(pc) =	sbr.rel @p0 .LBB2_1-.Ltmp1, $1  }
0x47: {  	_ =	sdelay $0x3  }
0x48: {  	_ =	sfence.sel $0x180000  }
0x49: {  	[bflag:$0x0] =	sbarrier.arrive $0xFFFF  }
0x4a: {  	p0 =	sne.s32 s1, $0x0;
	_ =	strace $0x90000059  }
0x4b: {  	s0 =	sadd.s32 @!p0 $0x100000, s0;
	[bflag:$0x2] =	sbarrier.arrive $0xFFFF  }
0x4c: {  	[sflag:s0] =	ssyncadd.tile.s32 @!p0 $0x1;
	_ =	shalt  }
.Lfunc_end2:
_tile_overlayer_lowered:
.L_overlay_start_2:
0x4d: {  	(tag) =	ssettag $0x2  }
0x4e: {  	s0 =	rddreg [dreg:$0x0];
	s2 =	stileid.u32  }
0x4f: {  	s1 =	rddreg [dreg:$0x1];
	p0 =	sne.s32 s2, $0x0  }
0x50: {  	s3 =	rddreg [dreg:$0x2];
	[bflag:$0x3] =	sbarrier.arrive $0xFFFF;
	s2 =	simm.s32 @!p0 $0x1C01  }
0x51: {  	[timem:s3], [sflag:s2] =	dma.local @!p0 [hbm:s0], s1  }
0x52: {  	s0 =	simm.s32 @!p0 $0x1  }
0x53: {  	_ =	swait.ge @!p0 [sflag:s0], s1  }
0x54: {  	s1 =	ssub.s32 @!p0 $0x0, s1;
	[sflag:s0] =	ssyncset.done @!p0 $0x0  }
0x55: {  	[sflag:s0] =	ssyncadd.s32 @!p0 s1  }
0x56: {  	[bflag:$0x3] =	sbarrier.arrive $0xFFFF  }
0x57: {  	_ =	shalt  }

// kernel: kernel.54.cloned.1.call-start
scs
__scs_entry_jumppad:
0x0: {  	(pc) =	sbr.rel $0x88, $3  }
0x1: {  	(tag) =	ssettag $0x0;
	lr =	simm.s32 $0x1  }
0x2: {  	[smem:$0x3F87] =	sst lr;
	_ =	strace $0xD0000000  }
0x3: {  	_ = 	snop  }
0x4: {  	_ = 	snop  }
0x5: {  	_ = 	snop  }
0x6: {  	_ = 	snop  }
0x7: {  	_ = 	snop  }
__scs_overlays_trampoline_lowered:
0x8: {  	[smem:$0x3F96] =	sst s0  }
0x9: {  	[smem:$0x3F97] =	sst s1  }
0xa: {  	[smem:$0x3F98] =	sst s2  }
0xb: {  	[smem:$0x3F99] =	sst s3  }
0xc: {  	[smem:$0x3F9A] =	sst s4  }
0xd: {  	[smem:$0x3F9B] =	sst s5  }
0xe: {  	[smem:$0x3F9C] =	sst s6  }
0xf: {  	[smem:$0x3F9D] =	sst s7  }
0x10: {  	[smem:$0x3F9E] =	sst s8  }
0x11: {  	[smem:$0x3F9F] =	sst s9;
	s0 =	simm.s32 @!p0 $0x0  }
0x12: {  	s1 =	sld [smem:$0x3F85];
	s0 =	simm.s32 @p0 $0x1  }
0x13: {  	[smem:$0x3FA0] =	sst s0;
	s0 =	simm.s32 @!p1 $0x0  }
0x14: {  	s2 =	sld [smem:$0x3F84];
	s0 =	simm.s32 @p1 $0x1  }
0x15: {  	[smem:$0x3FA1] =	sst s0;
	s0 =	simm.s32 @!p2 $0x0  }
0x16: {  	s3 =	sld [smem:$0x3FDB];
	s0 =	simm.s32 @p2 $0x1  }
0x17: {  	s4 =	simm.s32 $0x1BF5;
	[smem:$0x3FA3] =	sst s0  }
0x18: {  	s0 =	sld [smem:$0x3F86];
	_ =	swait.ge [sflag:s4], $0x0  }
0x19: {  	s7 =	sld [smem:$0x3F87]  }
0x1a: {  	s8 =	sadd.s32 $0xFFFFE003, lr  }
0x1b: {  	s9 =	sadd.s32 $0xFFFFFEF7, lr;
	s5 =	simm.s32 $0xFFFFFFFF;
	p2 =	slt.u32 s8, $0xFFFFF086  }
0x1c: {  	p1 =	slt.u32 s9, $0xF7A;
	s5 =	simm.s32 @!p2 $0x0  }
0x1d: {  	s5 =	simm.s32 @p1 $0x1;
	p0 =	seq.s32 s7, s2  }
0x1e: {  	s7 =	smul.u32 @!p0 $0xF7A, s2;
	p2 =	seq.s32 @!p0 s5, $0x0  }
0x1f: {  	s9 =	smul.u32 $0xF7A, s1;
	s8 =	simm.s32 @!p0 $0x1BF5;
	p2 =	por !p2, p0  }
0x20: {  	[sflag:s8] =	ssyncset.s32 @!p0 $0xFFFFF086;
	s6 =	sadd.s32 @!p0 s3, s7;
	s7 =	simm.s32 @!p0 $0x108  }
0x21: {  	s3 =	sadd.s32 s3, s9;
	s6 =	sadd.s32 @!p0 $0x88, s6;
	s7 =	simm.s32 @p2 $0x1082  }
0x22: {  	[simem:s7], [sflag:s8] =	dma.local @!p0 [hbm:s6], $0xF7A  }
0x23: {  	s9 =	sor.u32 $0xD0000000, s2;
	s6 =	simm.s32 $0x108;
	_ =	swait.ge @!p0 [sflag:s8], $0x0  }
0x24: {  	s3 =	sadd.s32 $0x88, s3;
	s6 =	simm.s32 @!p1 $0x1082;
	[sflag:s4] =	ssyncset.s32 $0xFFFFF086  }
0x25: {  	[simem:s6], [sflag:s4] =	dma.local [hbm:s3], $0xF7A  }
0x26: {  	[smem:$0x3F87] =	sst s1;
	(tag) =	ssettag s2;
	_ =	strace s9  }
0x27: {  	s1 =	sld [smem:$0x3F97]  }
0x28: {  	s2 =	sld [smem:$0x3F98]  }
0x29: {  	s4 =	sld [smem:$0x3F9A]  }
0x2a: {  	p0 =	seq.s32 s5, $0x0;
	s5 =	sld [smem:$0x3F9B]  }
0x2b: {  	s6 =	sld [smem:$0x3F9C]  }
0x2c: {  	s7 =	sld [smem:$0x3F9D]  }
0x2d: {  	s3 =	simm.s32 $0x108;
	s8 =	sld [smem:$0x3F9E]  }
0x2e: {  	s3 =	simm.s32 @!p0 $0x1082;
	s9 =	sld [smem:$0x3F9F]  }
0x2f: {  	lr =	sadd.s32 s0, s3;
	s0 =	sld [smem:$0x3F96]  }
0x30: {  	s3 =	sld [smem:$0x3F99]  }
0x31: {  	[smem:$0x3FA2] =	sst s10  }
0x32: {  	s10 =	sld [smem:$0x3FA0];
	_ =	sdelay $0x3  }
0x33: {  	p0 =	seq.s32 s10, $0x1;
	s10 =	sld [smem:$0x3FA2];
	_ =	sdelay $0x3  }
0x34: {  	[smem:$0x3FA2] =	sst s10  }
0x35: {  	s10 =	sld [smem:$0x3FA1];
	_ =	sdelay $0x3  }
0x36: {  	p1 =	seq.s32 s10, $0x1;
	s10 =	sld [smem:$0x3FA2];
	_ =	sdelay $0x3  }
0x37: {  	[smem:$0x3FA2] =	sst s10  }
0x38: {  	s10 =	sld [smem:$0x3FA3]  }
0x39: {  	_ = 	snop;
	(pc) =	sbr.ind lr, $3  }
0x3a: {  	_ = 	snop  }
0x3b: {  	_ = 	snop  }
0x3c: {  	p2 =	seq.s32 s10, $0x1;
	s10 =	sld [smem:$0x3FA2]  }
0x3d: {  	_ =	shalt  }
0x3e: {  	_ =	shalt  }
0x3f: {  	_ =	shalt  }
0x40: {  	_ =	shalt  }
0x41: {  	_ =	shalt  }
0x42: {  	_ =	shalt  }
0x43: {  	_ =	shalt  }
0x44: {  	_ =	shalt  }
0x45: {  	_ =	shalt  }
0x46: {  	_ =	shalt  }
0x47: {  	_ =	shalt  }
0x48: {  	_ =	shalt  }
0x49: {  	_ =	shalt  }
0x4a: {  	_ =	shalt  }
0x4b: {  	_ =	shalt  }
0x4c: {  	_ =	shalt  }
0x4d: {  	_ =	shalt  }
0x4e: {  	_ =	shalt  }
0x4f: {  	_ =	shalt  }
0x50: {  	_ =	shalt  }
0x51: {  	_ =	shalt  }
0x52: {  	_ =	shalt  }
0x53: {  	_ =	shalt  }
0x54: {  	_ =	shalt  }
0x55: {  	_ =	shalt  }
0x56: {  	_ =	shalt  }
0x57: {  	_ =	shalt  }
0x58: {  	_ =	shalt  }
0x59: {  	_ =	shalt  }
0x5a: {  	_ =	shalt  }
0x5b: {  	_ =	shalt  }
0x5c: {  	_ =	shalt  }
0x5d: {  	_ =	shalt  }
0x5e: {  	_ =	shalt  }
0x5f: {  	_ =	shalt  }
0x60: {  	_ =	shalt  }
0x61: {  	_ =	shalt  }
0x62: {  	_ =	shalt  }
0x63: {  	_ =	shalt  }
0x64: {  	_ =	shalt  }
0x65: {  	_ =	shalt  }
0x66: {  	_ =	shalt  }
0x67: {  	_ =	shalt  }
0x68: {  	_ =	shalt  }
0x69: {  	_ =	shalt  }
0x6a: {  	_ =	shalt  }
0x6b: {  	_ =	shalt  }
0x6c: {  	_ =	shalt  }
0x6d: {  	_ =	shalt  }
0x6e: {  	_ =	shalt  }
0x6f: {  	_ =	shalt  }
0x70: {  	_ =	shalt  }
0x71: {  	_ =	shalt  }
0x72: {  	_ =	shalt  }
0x73: {  	_ =	shalt  }
0x74: {  	_ =	shalt  }
0x75: {  	_ =	shalt  }
0x76: {  	_ =	shalt  }
0x77: {  	_ =	shalt  }
0x78: {  	_ =	shalt  }
0x79: {  	_ =	shalt  }
0x7a: {  	_ =	shalt  }
0x7b: {  	_ =	shalt  }
0x7c: {  	_ =	shalt  }
0x7d: {  	_ =	shalt  }
0x7e: {  	_ =	shalt  }
0x7f: {  	_ =	shalt  }
0x80: {  	_ =	shalt  }
0x81: {  	_ =	shalt  }
0x82: {  	_ =	shalt  }
0x83: {  	_ =	shalt  }
0x84: {  	_ =	shalt  }
0x85: {  	_ =	shalt  }
0x86: {  	_ =	shalt  }
0x87: {  	_ =	shalt  }
.Lfunc_end0:
.L_simem_size_0:
called_computation.7_lowered:
.L_overlay_start_0:
0x88: {  	s2 =	sld [smem:$0x3FD9]  }
0x89: {  	s3 =	sld [smem:$0x3FFE];
	_ =	sdelay $0x1  }
0x8a: {  	s1 =	srdreg.scid  }
0x8b: {  	s0 =	sand.u32 $0x1, s1  }
0x8c: {  	s16 =	sshll.u32 s0, $0xA;
	s2 =	sadd.s32 s3, s2  }
0x8d: {  	s2 =	sadd.s32 s2, s16  }
0x8e: {  	[smem:$0x3FAE] =	sst s2  }
0x8f: {  	_ = 	snop  }
0x90: {  	(tm) =	ssettm $0x1  }
0x91: {  	s17 =	sld [smem:$0x3FFB];
	_ =	sdelay $0x3  }
0x92: {  	_ =	strace s17  }
0x93: {  	s2 =	sld [smem:$0x3FFC];
	_ =	sdelay $0x3  }
0x94: {  	_ =	strace s2  }
0x95: {  	s2 =	sld [smem:$0x3FFD];
	_ =	sdelay $0x3  }
0x96: {  	_ =	strace s2  }
0x97: {  	_ =	strace $0x8FFFFFFF  }
0x98: {  	s18 =	sld [smem:$0x3FDB];
	_ =	sdelay $0x1  }
0x99: {  	s19 =	simm.s32 $_scs_section_size  }
0x9a: {  	s4 =	simm.s32 $_size__tile_overlayer_lowered;
	s5 =	simm.s32 $_tile_overlayer_lowered  }
0x9b: {  	s22 =	simm.s32 $0x1BFF;
	s21 =	sshll.u32 s5, $0x1;
	s2 =	sadd.s32 s19, s18  }
0x9c: {  	s6 =	simm.s32 $0x0;
	s20 =	sshll.u32 s4, $0x1;
	s4 =	sadd.s32 s21, s2  }
0x9d: {  	[timem:s6], [sflag:s22] =	dma.local [hbm:s4], s20  }
0x9e: {  	_ =	swait.ge [sflag:s22], s20  }
0x9f: {  	s3 =	ssub.s32 $0x0, s20;
	[sflag:s22] =	ssyncset.done $0x0  }
0xa0: {  	[sflag:s22] =	ssyncadd.s32 s3;
	_ =	sdelay $0x1  }
0xa1: {  	s23 =	simm.s32 $0x1B8B  }
0xa2: {  	_ =	swait.ge [sflag:s23], $0x1  }
0xa3: {  	[sflag:s23] =	ssyncset.done $0x0  }
0xa4: {  	s25 =	simm.s32 $0x1B8E;
	s24 =	sld [smem:$0x3FFE];
	[sflag:s23] =	ssyncadd.s32 $0xFFFFFFFF  }
0xa5: {  	s26 =	simm.s32 $execute0_lowered;
	[smem:$0x3FD2] =	sst s25  }
0xa6: {  	s4 =	sshll.u32 s26, $0x1;
	_ =	strace $0x8000005B;
	[dreg:$0x1] =	wrdreg $0xFFFFFFFF  }
0xa7: {  	s28 =	simm.s32 $_size_execute0_lowered;
	s2 =	sadd.s32 s2, s4;
	[dreg:$0x0] =	wrdreg $0x0  }
0xa8: {  	s4 =	sshll.u32 s28, $0x1;
	[dreg:$0x2] =	wrdreg s2  }
0xa9: {  	[dreg:$0x3] =	wrdreg s4  }
0xaa: {  	[dreg:$0x4] =	wrdreg $0xC0  }
0xab: {  	_ =	task [dreg:s6], $0x5FFFF  }
0xac: {  	[dreg:$0x1] =	wrdreg $0xFFFFFFFF  }
0xad: {  	[dreg:$0x0] =	wrdreg $0x60  }
0xae: {  	[dreg:$0x2] =	wrdreg s24  }
0xaf: {  	[dreg:$0x3] =	wrdreg $0x14800  }
0xb0: {  	[dreg:$0x4] =	wrdreg $0x9  }
0xb1: {  	_ =	task.clear_ibuf [dreg:s6], $0x5FFFF;
	_ =	strace $0x9000005B  }
0xb2: {  	s29 =	simm.s32 $0x9;
	_ =	strace $0x8000005D  }
0xb3: {  	_ =	swait.ge [sflag:s29], $0x1  }
0xb4: {  	[sflag:s29] =	ssyncadd.s32 $0xFFFFFFFF  }
0xb5: {  	_ =	strace $0x9000005D  }
0xb6: {  	_ =	sfence  }
0xb7: {  	s30 =	sld [smem:$0x0];
	_ =	sdelay $0x2  }
0xb8: {  	s31 =	sshll.u32 s1, $0xD;
	s1 =	sshrl.u32 s1, $0x2  }
0xb9: {  	s3 =	sand.u32 $0x4000, s31;
	s1 =	sadd.s32 s1, s30  }
0xba: {  	s0 =	sor.u32 s3, s0;
	s1 =	sshll.u32 s1, $0x11  }
0xbb: {  	s0 =	sor.u32 s1, s0  }
0xbc: {  	s0 =	sadd.s32 $0x8F2B, s0  }
0xbd: {  	[sflag:s0] =	ssyncadd.remote.s32 $0x1  }
0xbe: {  	_ =	sfence.sel $0xFFFF  }
0xbf: {  	[dreg:$0x0] =	wrdreg $0xFFFFFFFF;
	(pc) =	sbr.abs _section_cstart, $3  }
0xc0: {  	[dreg:$0x1] =	wrdreg $0xFFFFFFFF  }
0xc1: {  	_ =	task.clear_ibuf [dreg:s6], $0x2FFFF;
	_ =	strace $0x9FFFFFFF  }
0xc2: {  	(tm) =	ssettm $0x7FFFFFFF  }
0xc3: {  	_ =	shalt  }
tec
execute0_lowered:
.L_overlay_start_1:
0x0: {  	(tag) =	ssettag $0x1  }
0x1: {  	s0 =	stileid.u32  }
0x2: {  	s1 =	srdreg.scid;
	s4 =	smul.u32 $0x27100, s0  }
0x3: {  	s5 =	rddreg [dreg:$0x0];
	s7 =	smul.u32 $0x2710, s0  }
0x4: {  	s2 =	rddreg [dreg:$0x1];
	s9 =	smul.u32 $0x13800, s0  }
0x5: {  	s3 =	simm.s32 $0x0;
	s6 =	sand.u32 $0x1, s1;
	s25 =	smul.u32 $0x4E000, s0  }
0x6: {  	s14 =	simm.s32 $0x0;
	s1 =	rddreg [dreg:$0x2];
	s8 =	smul.u32 $0x1388, s6  }
0x7: {  	[smem:$0x7FF] =	sst s3;
	s30 =	sshll.u32 s0, $0x6;
	s22 =	smul.u32 $0x138800, s6  }
0x8: {  	_ =	strace $0x8000005C;
	s28 =	ssub.s32 $0x2, s6;
	s6 =	smul.u32 $0x13880, s6  }
0x9: {  	s10 =	sadd.s32 s4, s5;
	s24 =	sshrl.u32 s9, $0x3;
	s29 =	sshrl.u32 s28, $0x1  }
0xa: {  	s7 =	sadd.s32 s8, s7;
	s23 =	sadd.s32 s9, s22;
	s8 =	sshrl.u32 s25, $0x2  }
0xb: {  	s12 =	ssub.s32 s28, s29;
	s31 =	sadd.s32 s6, s10;
	s7 =	sshrl.u32 s7, $0x3  }
0xc: {  	s4 =	sshrl.u32 s23, $0x3;
	s13 =	sadd.s32 s8, s2;
	s8 =	sadd.s32 $0x391C00, s31  }
0xd: {  	s11 =	sadd.s32 s7, s5;
	s7 =	sadd.s32 s24, s5;
	s26 =	sadd.s32 s4, s5  }
0xe: {  	s5 =	sor.u32 $0x1C01, s30;
	s10 =	sshrl.u32 s13, $0x3;
	s13 =	simm.s32 $0x28  }
0xf: {  	s4 =	sadd.s32 $0x4E400, s7;
	s6 =	sadd.s32 $0xAB800, s26;
	s7 =	smax.u32 s12, $0x1  }
0x10: {  	s9 =	sadd.s32 $0x20000, s11;
	s11 =	simm.s32 $0x1;
	s12 =	simm.s32 $0x80  }
.LBB2_1:
0x11: {  	[spmem:s10], [sflag:s5] =	dma.local [hbm:s4], $0x2800  }
0x12: {  	_ =	swait.ge [sflag:s11], $0x2800  }
0x13: {  	[sflag:s11] =	ssyncset.done $0x0  }
0x14: {  	[sflag:s11] =	ssyncadd.s32 $0xFFFFD800  }
0x15: {  	s15 =	sadd.s32 $0x0, s9;
	[bflag:$0x0] =	sbarrier.arrive $0xFFFF  }
0x16: {  	[tilespmem:s3], [sflag:$0x1] =	stream.linear.gather [hbm4b:s15+s3], $0x28, $0x38;
	[tilespmem:$0x14D00] =	vst v63  }
0x17: {  	_ =	swait.ge [sflag:s11], $0x28  }
0x18: {  	[sflag:s11] =	ssyncset.done $0x0  }
0x19: {  	[sflag:s11] =	ssyncadd.s32 $0xFFFFFFD8  }
0x1a: {  	[tilespmem:s12], [sflag:$0x1] =	stream.linear.gather [hbm4b:s8+s3], $0x1400, $0x38;
	[tilespmem:$0x14D00] =	vst v63  }
0x1b: {  	_ =	swait.ge [sflag:s11], $0x1400  }
0x1c: {  	[sflag:s11] =	ssyncset.done $0x0  }
0x1d: {  	[sflag:s11] =	ssyncadd.s32 $0xFFFFEC00  }
0x1e: {  	[spmem:s2] =	stream.indirect.scatter.add.f32 [tilespmem:s12], [sflag:$0x1], $0x80, s3, s13, $0xb8;
	[tilespmem:$0x14D00] =	vst v63  }
0x1f: {  	s16 =	simm.s32 $0x5;
	_ =	swait.ge [sflag:s11], $0x1400  }
0x20: {  	s17 =	simm.s32 $0xA;
	s15 =	sadd.s32 $0x280, s8;
	[sflag:s11] =	ssyncset.done $0x0  }
.LBB2_2:
0x21: {  	s18 =	sadd.s32 s16, s9  }
0x22: {  	[sflag:s11] =	ssyncadd.s32 $0xFFFFEC00;
	s16 =	smov.u32 s17;
	s19 =	sadd.s32 $0x5, s17  }
0x23: {  	[tilespmem:s3], [sflag:$0x1] =	stream.linear.gather [hbm4b:s18+s3], $0x28, $0x38;
	[tilespmem:$0x14D00] =	vst v63  }
0x24: {  	p0 =	sne.s32 s17, $0x26C;
	_ =	swait.ge [sflag:s11], $0x28  }
0x25: {  	[sflag:s11] =	ssyncset.done $0x0  }
0x26: {  	[sflag:s11] =	ssyncadd.s32 $0xFFFFFFD8  }
0x27: {  	[tilespmem:s12], [sflag:$0x1] =	stream.linear.gather [hbm4b:s15+s3], $0x1400, $0x38;
	[tilespmem:$0x14D00] =	vst v63  }
0x28: {  	_ =	swait.ge [sflag:s11], $0x1400  }
.Ltmp0:
0x29: {  	[sflag:s11] =	ssyncset.done $0x0;
	(pc) =	sbr.rel @p0 .LBB2_2-.Ltmp0, $4  }
0x2a: {  	[sflag:s11] =	ssyncadd.s32 $0xFFFFEC00  }
0x2b: {  	[spmem:s2] =	stream.indirect.scatter.add.f32 [tilespmem:s12], [sflag:$0x1], $0x80, s3, s13, $0xb8;
	[tilespmem:$0x14D00] =	vst v63  }
0x2c: {  	_ =	swait.ge [sflag:s11], $0x1400  }
0x2d: {  	s17 =	smov.u32 s19;
	s15 =	sadd.s32 $0x280, s15;
	[sflag:s11] =	ssyncset.done $0x0  }
0x2e: {  	s16 =	sadd.s32 s16, s9;
	[sflag:s11] =	ssyncadd.s32 $0xFFFFEC00  }
0x2f: {  	[tilespmem:s3], [sflag:$0x1] =	stream.linear.gather [hbm4b:s16+s3], $0x28, $0x38;
	[tilespmem:$0x14D00] =	vst v63  }
0x30: {  	_ =	swait.ge [sflag:s11], $0x28  }
0x31: {  	[sflag:s11] =	ssyncset.done $0x0  }
0x32: {  	[sflag:s11] =	ssyncadd.s32 $0xFFFFFFD8  }
0x33: {  	[tilespmem:s12], [sflag:$0x1] =	stream.linear.gather [hbm4b:s15+s3], $0x1400, $0x38;
	[tilespmem:$0x14D00] =	vst v63  }
0x34: {  	_ =	swait.ge [sflag:s11], $0x1400  }
0x35: {  	[sflag:s11] =	ssyncset.done $0x0  }
0x36: {  	[sflag:s11] =	ssyncadd.s32 $0xFFFFEC00  }
0x37: {  	[spmem:s2] =	stream.indirect.scatter.add.f32 [tilespmem:s12], [sflag:$0x1], $0x80, s3, s13, $0xb8;
	[tilespmem:$0x14D00] =	vst v63  }
0x38: {  	_ =	swait.ge [sflag:s11], $0x1400  }
0x39: {  	s14 =	sadd.s32 $0x1, s14;
	[sflag:s11] =	ssyncset.done $0x0  }
0x3a: {  	p0 =	sne.s32 s14, s7;
	[sflag:s11] =	ssyncadd.s32 $0xFFFFEC00  }
.Ltmp1:
0x3b: {  	[bflag:$0x0] =	sbarrier.arrive $0xFFFF;
	(pc) =	sbr.rel @p0 .LBB2_1-.Ltmp1, $4  }
0x3c: {  	[hbm:s6], [sflag:s5] =	dma.local [spmem:s10], $0x2800  }
0x3d: {  	_ =	swait.ge [sflag:s11], $0x2800  }
0x3e: {  	[sflag:s11] =	ssyncset.done $0x0  }
0x3f: {  	[sflag:s11] =	ssyncadd.s32 $0xFFFFD800  }
0x40: {  	_ =	sfence.sel $0x180000  }
0x41: {  	[bflag:$0x0] =	sbarrier.arrive $0xFFFF  }
0x42: {  	p0 =	sne.s32 s0, $0x0;
	_ =	strace $0x9000005C  }
0x43: {  	s0 =	sadd.s32 @!p0 $0x100000, s1;
	[bflag:$0x2] =	sbarrier.arrive $0xFFFF  }
0x44: {  	[sflag:s0] =	ssyncadd.tile.s32 @!p0 $0x1;
	_ =	shalt  }
.Lfunc_end2:
_tile_overlayer_lowered:
.L_overlay_start_2:
0x45: {  	(tag) =	ssettag $0x2  }
0x46: {  	s0 =	rddreg [dreg:$0x0];
	s2 =	stileid.u32  }
0x47: {  	s1 =	rddreg [dreg:$0x1];
	p0 =	sne.s32 s2, $0x0  }
0x48: {  	s3 =	rddreg [dreg:$0x2];
	[bflag:$0x3] =	sbarrier.arrive $0xFFFF;
	s2 =	simm.s32 @!p0 $0x1C01  }
0x49: {  	[timem:s3], [sflag:s2] =	dma.local @!p0 [hbm:s0], s1  }
0x4a: {  	s0 =	simm.s32 @!p0 $0x1  }
0x4b: {  	_ =	swait.ge @!p0 [sflag:s0], s1  }
0x4c: {  	s1 =	ssub.s32 @!p0 $0x0, s1;
	[sflag:s0] =	ssyncset.done @!p0 $0x0  }
0x4d: {  	[sflag:s0] =	ssyncadd.s32 @!p0 s1  }
0x4e: {  	[bflag:$0x3] =	sbarrier.arrive $0xFFFF  }
0x4f: {  	_ =	shalt  }

// kernel: kernel.57.cloned.1.call-start
scs
__scs_entry_jumppad:
0x0: {  	(pc) =	sbr.rel $0x88, $3  }
0x1: {  	(tag) =	ssettag $0x0;
	lr =	simm.s32 $0x1  }
0x2: {  	[smem:$0x3F87] =	sst lr;
	_ =	strace $0xD0000000  }
0x3: {  	_ = 	snop  }
0x4: {  	_ = 	snop  }
0x5: {  	_ = 	snop  }
0x6: {  	_ = 	snop  }
0x7: {  	_ = 	snop  }
__scs_overlays_trampoline_lowered:
0x8: {  	[smem:$0x3F96] =	sst s0  }
0x9: {  	[smem:$0x3F97] =	sst s1  }
0xa: {  	[smem:$0x3F98] =	sst s2  }
0xb: {  	[smem:$0x3F99] =	sst s3  }
0xc: {  	[smem:$0x3F9A] =	sst s4  }
0xd: {  	[smem:$0x3F9B] =	sst s5  }
0xe: {  	[smem:$0x3F9C] =	sst s6  }
0xf: {  	[smem:$0x3F9D] =	sst s7  }
0x10: {  	[smem:$0x3F9E] =	sst s8  }
0x11: {  	[smem:$0x3F9F] =	sst s9;
	s0 =	simm.s32 @!p0 $0x0  }
0x12: {  	s1 =	sld [smem:$0x3F85];
	s0 =	simm.s32 @p0 $0x1  }
0x13: {  	[smem:$0x3FA0] =	sst s0;
	s0 =	simm.s32 @!p1 $0x0  }
0x14: {  	s2 =	sld [smem:$0x3F84];
	s0 =	simm.s32 @p1 $0x1  }
0x15: {  	[smem:$0x3FA1] =	sst s0;
	s0 =	simm.s32 @!p2 $0x0  }
0x16: {  	s3 =	sld [smem:$0x3FDB];
	s0 =	simm.s32 @p2 $0x1  }
0x17: {  	s4 =	simm.s32 $0x1BF5;
	[smem:$0x3FA3] =	sst s0  }
0x18: {  	s0 =	sld [smem:$0x3F86];
	_ =	swait.ge [sflag:s4], $0x0  }
0x19: {  	s7 =	sld [smem:$0x3F87]  }
0x1a: {  	s8 =	sadd.s32 $0xFFFFE003, lr  }
0x1b: {  	s9 =	sadd.s32 $0xFFFFFEF7, lr;
	s5 =	simm.s32 $0xFFFFFFFF;
	p2 =	slt.u32 s8, $0xFFFFF086  }
0x1c: {  	p1 =	slt.u32 s9, $0xF7A;
	s5 =	simm.s32 @!p2 $0x0  }
0x1d: {  	s5 =	simm.s32 @p1 $0x1;
	p0 =	seq.s32 s7, s2  }
0x1e: {  	s7 =	smul.u32 @!p0 $0xF7A, s2;
	p2 =	seq.s32 @!p0 s5, $0x0  }
0x1f: {  	s9 =	smul.u32 $0xF7A, s1;
	s8 =	simm.s32 @!p0 $0x1BF5;
	p2 =	por !p2, p0  }
0x20: {  	[sflag:s8] =	ssyncset.s32 @!p0 $0xFFFFF086;
	s6 =	sadd.s32 @!p0 s3, s7;
	s7 =	simm.s32 @!p0 $0x108  }
0x21: {  	s3 =	sadd.s32 s3, s9;
	s6 =	sadd.s32 @!p0 $0x88, s6;
	s7 =	simm.s32 @p2 $0x1082  }
0x22: {  	[simem:s7], [sflag:s8] =	dma.local @!p0 [hbm:s6], $0xF7A  }
0x23: {  	s9 =	sor.u32 $0xD0000000, s2;
	s6 =	simm.s32 $0x108;
	_ =	swait.ge @!p0 [sflag:s8], $0x0  }
0x24: {  	s3 =	sadd.s32 $0x88, s3;
	s6 =	simm.s32 @!p1 $0x1082;
	[sflag:s4] =	ssyncset.s32 $0xFFFFF086  }
0x25: {  	[simem:s6], [sflag:s4] =	dma.local [hbm:s3], $0xF7A  }
0x26: {  	[smem:$0x3F87] =	sst s1;
	(tag) =	ssettag s2;
	_ =	strace s9  }
0x27: {  	s1 =	sld [smem:$0x3F97]  }
0x28: {  	s2 =	sld [smem:$0x3F98]  }
0x29: {  	s4 =	sld [smem:$0x3F9A]  }
0x2a: {  	p0 =	seq.s32 s5, $0x0;
	s5 =	sld [smem:$0x3F9B]  }
0x2b: {  	s6 =	sld [smem:$0x3F9C]  }
0x2c: {  	s7 =	sld [smem:$0x3F9D]  }
0x2d: {  	s3 =	simm.s32 $0x108;
	s8 =	sld [smem:$0x3F9E]  }
0x2e: {  	s3 =	simm.s32 @!p0 $0x1082;
	s9 =	sld [smem:$0x3F9F]  }
0x2f: {  	lr =	sadd.s32 s0, s3;
	s0 =	sld [smem:$0x3F96]  }
0x30: {  	s3 =	sld [smem:$0x3F99]  }
0x31: {  	[smem:$0x3FA2] =	sst s10  }
0x32: {  	s10 =	sld [smem:$0x3FA0];
	_ =	sdelay $0x3  }
0x33: {  	p0 =	seq.s32 s10, $0x1;
	s10 =	sld [smem:$0x3FA2];
	_ =	sdelay $0x3  }
0x34: {  	[smem:$0x3FA2] =	sst s10  }
0x35: {  	s10 =	sld [smem:$0x3FA1];
	_ =	sdelay $0x3  }
0x36: {  	p1 =	seq.s32 s10, $0x1;
	s10 =	sld [smem:$0x3FA2];
	_ =	sdelay $0x3  }
0x37: {  	[smem:$0x3FA2] =	sst s10  }
0x38: {  	s10 =	sld [smem:$0x3FA3]  }
0x39: {  	_ = 	snop;
	(pc) =	sbr.ind lr, $3  }
0x3a: {  	_ = 	snop  }
0x3b: {  	_ = 	snop  }
0x3c: {  	p2 =	seq.s32 s10, $0x1;
	s10 =	sld [smem:$0x3FA2]  }
0x3d: {  	_ =	shalt  }
0x3e: {  	_ =	shalt  }
0x3f: {  	_ =	shalt  }
0x40: {  	_ =	shalt  }
0x41: {  	_ =	shalt  }
0x42: {  	_ =	shalt  }
0x43: {  	_ =	shalt  }
0x44: {  	_ =	shalt  }
0x45: {  	_ =	shalt  }
0x46: {  	_ =	shalt  }
0x47: {  	_ =	shalt  }
0x48: {  	_ =	shalt  }
0x49: {  	_ =	shalt  }
0x4a: {  	_ =	shalt  }
0x4b: {  	_ =	shalt  }
0x4c: {  	_ =	shalt  }
0x4d: {  	_ =	shalt  }
0x4e: {  	_ =	shalt  }
0x4f: {  	_ =	shalt  }
0x50: {  	_ =	shalt  }
0x51: {  	_ =	shalt  }
0x52: {  	_ =	shalt  }
0x53: {  	_ =	shalt  }
0x54: {  	_ =	shalt  }
0x55: {  	_ =	shalt  }
0x56: {  	_ =	shalt  }
0x57: {  	_ =	shalt  }
0x58: {  	_ =	shalt  }
0x59: {  	_ =	shalt  }
0x5a: {  	_ =	shalt  }
0x5b: {  	_ =	shalt  }
0x5c: {  	_ =	shalt  }
0x5d: {  	_ =	shalt  }
0x5e: {  	_ =	shalt  }
0x5f: {  	_ =	shalt  }
0x60: {  	_ =	shalt  }
0x61: {  	_ =	shalt  }
0x62: {  	_ =	shalt  }
0x63: {  	_ =	shalt  }
0x64: {  	_ =	shalt  }
0x65: {  	_ =	shalt  }
0x66: {  	_ =	shalt  }
0x67: {  	_ =	shalt  }
0x68: {  	_ =	shalt  }
0x69: {  	_ =	shalt  }
0x6a: {  	_ =	shalt  }
0x6b: {  	_ =	shalt  }
0x6c: {  	_ =	shalt  }
0x6d: {  	_ =	shalt  }
0x6e: {  	_ =	shalt  }
0x6f: {  	_ =	shalt  }
0x70: {  	_ =	shalt  }
0x71: {  	_ =	shalt  }
0x72: {  	_ =	shalt  }
0x73: {  	_ =	shalt  }
0x74: {  	_ =	shalt  }
0x75: {  	_ =	shalt  }
0x76: {  	_ =	shalt  }
0x77: {  	_ =	shalt  }
0x78: {  	_ =	shalt  }
0x79: {  	_ =	shalt  }
0x7a: {  	_ =	shalt  }
0x7b: {  	_ =	shalt  }
0x7c: {  	_ =	shalt  }
0x7d: {  	_ =	shalt  }
0x7e: {  	_ =	shalt  }
0x7f: {  	_ =	shalt  }
0x80: {  	_ =	shalt  }
0x81: {  	_ =	shalt  }
0x82: {  	_ =	shalt  }
0x83: {  	_ =	shalt  }
0x84: {  	_ =	shalt  }
0x85: {  	_ =	shalt  }
0x86: {  	_ =	shalt  }
0x87: {  	_ =	shalt  }
.Lfunc_end0:
.L_simem_size_0:
called_computation.8_lowered:
.L_overlay_start_0:
0x88: {  	s2 =	sld [smem:$0x3FD9]  }
0x89: {  	s3 =	sld [smem:$0x3FFE];
	_ =	sdelay $0x1  }
0x8a: {  	s1 =	srdreg.scid  }
0x8b: {  	s0 =	sand.u32 $0x1, s1  }
0x8c: {  	s16 =	sshll.u32 s0, $0xA;
	s2 =	sadd.s32 s3, s2  }
0x8d: {  	s2 =	sadd.s32 s2, s16  }
0x8e: {  	[smem:$0x3FAE] =	sst s2  }
0x8f: {  	_ = 	snop  }
0x90: {  	(tm) =	ssettm $0x1  }
0x91: {  	s17 =	sld [smem:$0x3FFB];
	_ =	sdelay $0x3  }
0x92: {  	_ =	strace s17  }
0x93: {  	s2 =	sld [smem:$0x3FFC];
	_ =	sdelay $0x3  }
0x94: {  	_ =	strace s2  }
0x95: {  	s2 =	sld [smem:$0x3FFD];
	_ =	sdelay $0x3  }
0x96: {  	_ =	strace s2  }
0x97: {  	_ =	strace $0x8FFFFFFF  }
0x98: {  	s18 =	sld [smem:$0x3FDB];
	_ =	sdelay $0x1  }
0x99: {  	s19 =	simm.s32 $_scs_section_size  }
0x9a: {  	s4 =	simm.s32 $_size__tile_overlayer_lowered;
	s5 =	simm.s32 $_tile_overlayer_lowered  }
0x9b: {  	s22 =	simm.s32 $0x1BFF;
	s21 =	sshll.u32 s5, $0x1;
	s2 =	sadd.s32 s19, s18  }
0x9c: {  	s6 =	simm.s32 $0x0;
	s20 =	sshll.u32 s4, $0x1;
	s4 =	sadd.s32 s21, s2  }
0x9d: {  	[timem:s6], [sflag:s22] =	dma.local [hbm:s4], s20  }
0x9e: {  	_ =	swait.ge [sflag:s22], s20  }
0x9f: {  	s3 =	ssub.s32 $0x0, s20;
	[sflag:s22] =	ssyncset.done $0x0  }
0xa0: {  	[sflag:s22] =	ssyncadd.s32 s3;
	_ =	sdelay $0x1  }
0xa1: {  	s23 =	simm.s32 $0x1B8B  }
0xa2: {  	_ =	swait.ge [sflag:s23], $0x1  }
0xa3: {  	[sflag:s23] =	ssyncset.done $0x0  }
0xa4: {  	s25 =	simm.s32 $0x1B8E;
	s24 =	sld [smem:$0x3FFE];
	[sflag:s23] =	ssyncadd.s32 $0xFFFFFFFF  }
0xa5: {  	s26 =	simm.s32 $execute0_lowered;
	[smem:$0x3FD2] =	sst s25  }
0xa6: {  	s4 =	sshll.u32 s26, $0x1;
	_ =	strace $0x8000005E;
	[dreg:$0x1] =	wrdreg $0xFFFFFFFF  }
0xa7: {  	s28 =	simm.s32 $_size_execute0_lowered;
	s2 =	sadd.s32 s2, s4;
	[dreg:$0x0] =	wrdreg $0x0  }
0xa8: {  	s4 =	sshll.u32 s28, $0x1;
	[dreg:$0x2] =	wrdreg s2  }
0xa9: {  	[dreg:$0x3] =	wrdreg s4  }
0xaa: {  	[dreg:$0x4] =	wrdreg $0xC0  }
0xab: {  	_ =	task [dreg:s6], $0x5FFFF  }
0xac: {  	[dreg:$0x1] =	wrdreg $0xFFFFFFFF  }
0xad: {  	[dreg:$0x0] =	wrdreg $0x60  }
0xae: {  	[dreg:$0x2] =	wrdreg s24  }
0xaf: {  	[dreg:$0x3] =	wrdreg $0x14800  }
0xb0: {  	[dreg:$0x4] =	wrdreg $0x9  }
0xb1: {  	_ =	task.clear_ibuf [dreg:s6], $0x5FFFF;
	_ =	strace $0x9000005E  }
0xb2: {  	s29 =	simm.s32 $0x9;
	_ =	strace $0x80000060  }
0xb3: {  	_ =	swait.ge [sflag:s29], $0x1  }
0xb4: {  	[sflag:s29] =	ssyncadd.s32 $0xFFFFFFFF  }
0xb5: {  	_ =	strace $0x90000060  }
0xb6: {  	_ =	sfence  }
0xb7: {  	s30 =	sld [smem:$0x0];
	_ =	sdelay $0x2  }
0xb8: {  	s31 =	sshll.u32 s1, $0xD;
	s1 =	sshrl.u32 s1, $0x2  }
0xb9: {  	s3 =	sand.u32 $0x4000, s31;
	s1 =	sadd.s32 s1, s30  }
0xba: {  	s0 =	sor.u32 s3, s0;
	s1 =	sshll.u32 s1, $0x11  }
0xbb: {  	s0 =	sor.u32 s1, s0  }
0xbc: {  	s0 =	sadd.s32 $0x8F2B, s0  }
0xbd: {  	[sflag:s0] =	ssyncadd.remote.s32 $0x1  }
0xbe: {  	_ =	sfence.sel $0xFFFF  }
0xbf: {  	[dreg:$0x0] =	wrdreg $0xFFFFFFFF;
	(pc) =	sbr.abs _section_cstart, $3  }
0xc0: {  	[dreg:$0x1] =	wrdreg $0xFFFFFFFF  }
0xc1: {  	_ =	task.clear_ibuf [dreg:s6], $0x2FFFF;
	_ =	strace $0x9FFFFFFF  }
0xc2: {  	(tm) =	ssettm $0x7FFFFFFF  }
0xc3: {  	_ =	shalt  }
tec
execute0_lowered:
.L_overlay_start_1:
0x0: {  	(tag) =	ssettag $0x1  }
0x1: {  	s0 =	stileid.u32  }
0x2: {  	s1 =	srdreg.scid;
	s4 =	smul.u32 $0x27100, s0  }
0x3: {  	s5 =	rddreg [dreg:$0x0];
	s7 =	smul.u32 $0x2710, s0  }
0x4: {  	s2 =	rddreg [dreg:$0x1];
	s9 =	smul.u32 $0x13800, s0  }
0x5: {  	s3 =	simm.s32 $0x0;
	s6 =	sand.u32 $0x1, s1;
	s25 =	smul.u32 $0x4E000, s0  }
0x6: {  	s14 =	simm.s32 $0x0;
	s1 =	rddreg [dreg:$0x2];
	s8 =	smul.u32 $0x1388, s6  }
0x7: {  	[smem:$0x7FF] =	sst s3;
	s30 =	sshll.u32 s0, $0x6;
	s22 =	smul.u32 $0x138800, s6  }
0x8: {  	_ =	strace $0x8000005F;
	s28 =	ssub.s32 $0x2, s6;
	s6 =	smul.u32 $0x13880, s6  }
0x9: {  	s10 =	sadd.s32 s4, s5;
	s24 =	sshrl.u32 s9, $0x3;
	s29 =	sshrl.u32 s28, $0x1  }
0xa: {  	s7 =	sadd.s32 s8, s7;
	s23 =	sadd.s32 s9, s22;
	s8 =	sshrl.u32 s25, $0x2  }
0xb: {  	s12 =	ssub.s32 s28, s29;
	s31 =	sadd.s32 s6, s10;
	s7 =	sshrl.u32 s7, $0x3  }
0xc: {  	s4 =	sshrl.u32 s23, $0x3;
	s13 =	sadd.s32 s8, s2;
	s8 =	sadd.s32 $0xF90E00, s31  }
0xd: {  	s11 =	sadd.s32 s7, s5;
	s7 =	sadd.s32 s24, s5;
	s26 =	sadd.s32 s4, s5  }
0xe: {  	s5 =	sor.u32 $0x1C01, s30;
	s10 =	sshrl.u32 s13, $0x3;
	s13 =	simm.s32 $0x28  }
0xf: {  	s4 =	sadd.s32 $0x75600, s7;
	s6 =	sadd.s32 $0xAAEC00, s26;
	s7 =	smax.u32 s12, $0x1  }
0x10: {  	s9 =	sadd.s32 $0x20000, s11;
	s11 =	simm.s32 $0x1;
	s12 =	simm.s32 $0x80  }
.LBB2_1:
0x11: {  	[spmem:s10], [sflag:s5] =	dma.local [hbm:s4], $0x2800  }
0x12: {  	_ =	swait.ge [sflag:s11], $0x2800  }
0x13: {  	[sflag:s11] =	ssyncset.done $0x0  }
0x14: {  	[sflag:s11] =	ssyncadd.s32 $0xFFFFD800  }
0x15: {  	s15 =	sadd.s32 $0x0, s9;
	[bflag:$0x0] =	sbarrier.arrive $0xFFFF  }
0x16: {  	[tilespmem:s3], [sflag:$0x1] =	stream.linear.gather [hbm4b:s15+s3], $0x28, $0x38;
	[tilespmem:$0x14D00] =	vst v63  }
0x17: {  	_ =	swait.ge [sflag:s11], $0x28  }
0x18: {  	[sflag:s11] =	ssyncset.done $0x0  }
0x19: {  	[sflag:s11] =	ssyncadd.s32 $0xFFFFFFD8  }
0x1a: {  	[tilespmem:s12], [sflag:$0x1] =	stream.linear.gather [hbm4b:s8+s3], $0x1400, $0x38;
	[tilespmem:$0x14D00] =	vst v63  }
0x1b: {  	_ =	swait.ge [sflag:s11], $0x1400  }
0x1c: {  	[sflag:s11] =	ssyncset.done $0x0  }
0x1d: {  	[sflag:s11] =	ssyncadd.s32 $0xFFFFEC00  }
0x1e: {  	[spmem:s2] =	stream.indirect.scatter.add.f32 [tilespmem:s12], [sflag:$0x1], $0x80, s3, s13, $0xb8;
	[tilespmem:$0x14D00] =	vst v63  }
0x1f: {  	s16 =	simm.s32 $0x5;
	_ =	swait.ge [sflag:s11], $0x1400  }
0x20: {  	s17 =	simm.s32 $0xA;
	s15 =	sadd.s32 $0x280, s8;
	[sflag:s11] =	ssyncset.done $0x0  }
.LBB2_2:
0x21: {  	s18 =	sadd.s32 s16, s9  }
0x22: {  	[sflag:s11] =	ssyncadd.s32 $0xFFFFEC00;
	s16 =	smov.u32 s17;
	s19 =	sadd.s32 $0x5, s17  }
0x23: {  	[tilespmem:s3], [sflag:$0x1] =	stream.linear.gather [hbm4b:s18+s3], $0x28, $0x38;
	[tilespmem:$0x14D00] =	vst v63  }
0x24: {  	p0 =	sne.s32 s17, $0x26C;
	_ =	swait.ge [sflag:s11], $0x28  }
0x25: {  	[sflag:s11] =	ssyncset.done $0x0  }
0x26: {  	[sflag:s11] =	ssyncadd.s32 $0xFFFFFFD8  }
0x27: {  	[tilespmem:s12], [sflag:$0x1] =	stream.linear.gather [hbm4b:s15+s3], $0x1400, $0x38;
	[tilespmem:$0x14D00] =	vst v63  }
0x28: {  	_ =	swait.ge [sflag:s11], $0x1400  }
.Ltmp0:
0x29: {  	[sflag:s11] =	ssyncset.done $0x0;
	(pc) =	sbr.rel @p0 .LBB2_2-.Ltmp0, $4  }
0x2a: {  	[sflag:s11] =	ssyncadd.s32 $0xFFFFEC00  }
0x2b: {  	[spmem:s2] =	stream.indirect.scatter.add.f32 [tilespmem:s12], [sflag:$0x1], $0x80, s3, s13, $0xb8;
	[tilespmem:$0x14D00] =	vst v63  }
0x2c: {  	_ =	swait.ge [sflag:s11], $0x1400  }
0x2d: {  	s17 =	smov.u32 s19;
	s15 =	sadd.s32 $0x280, s15;
	[sflag:s11] =	ssyncset.done $0x0  }
0x2e: {  	s16 =	sadd.s32 s16, s9;
	[sflag:s11] =	ssyncadd.s32 $0xFFFFEC00  }
0x2f: {  	[tilespmem:s3], [sflag:$0x1] =	stream.linear.gather [hbm4b:s16+s3], $0x28, $0x38;
	[tilespmem:$0x14D00] =	vst v63  }
0x30: {  	_ =	swait.ge [sflag:s11], $0x28  }
0x31: {  	[sflag:s11] =	ssyncset.done $0x0  }
0x32: {  	[sflag:s11] =	ssyncadd.s32 $0xFFFFFFD8  }
0x33: {  	[tilespmem:s12], [sflag:$0x1] =	stream.linear.gather [hbm4b:s15+s3], $0x1400, $0x38;
	[tilespmem:$0x14D00] =	vst v63  }
0x34: {  	_ =	swait.ge [sflag:s11], $0x1400  }
0x35: {  	[sflag:s11] =	ssyncset.done $0x0  }
0x36: {  	[sflag:s11] =	ssyncadd.s32 $0xFFFFEC00  }
0x37: {  	[spmem:s2] =	stream.indirect.scatter.add.f32 [tilespmem:s12], [sflag:$0x1], $0x80, s3, s13, $0xb8;
	[tilespmem:$0x14D00] =	vst v63  }
0x38: {  	_ =	swait.ge [sflag:s11], $0x1400  }
0x39: {  	s14 =	sadd.s32 $0x1, s14;
	[sflag:s11] =	ssyncset.done $0x0  }
0x3a: {  	p0 =	sne.s32 s14, s7;
	[sflag:s11] =	ssyncadd.s32 $0xFFFFEC00  }
.Ltmp1:
0x3b: {  	[bflag:$0x0] =	sbarrier.arrive $0xFFFF;
	(pc) =	sbr.rel @p0 .LBB2_1-.Ltmp1, $4  }
0x3c: {  	[hbm:s6], [sflag:s5] =	dma.local [spmem:s10], $0x2800  }
0x3d: {  	_ =	swait.ge [sflag:s11], $0x2800  }
0x3e: {  	[sflag:s11] =	ssyncset.done $0x0  }
0x3f: {  	[sflag:s11] =	ssyncadd.s32 $0xFFFFD800  }
0x40: {  	_ =	sfence.sel $0x180000  }
0x41: {  	[bflag:$0x0] =	sbarrier.arrive $0xFFFF  }
0x42: {  	p0 =	sne.s32 s0, $0x0;
	_ =	strace $0x9000005F  }
0x43: {  	s0 =	sadd.s32 @!p0 $0x100000, s1;
	[bflag:$0x2] =	sbarrier.arrive $0xFFFF  }
0x44: {  	[sflag:s0] =	ssyncadd.tile.s32 @!p0 $0x1;
	_ =	shalt  }
.Lfunc_end2:
_tile_overlayer_lowered:
.L_overlay_start_2:
0x45: {  	(tag) =	ssettag $0x2  }
0x46: {  	s0 =	rddreg [dreg:$0x0];
	s2 =	stileid.u32  }
0x47: {  	s1 =	rddreg [dreg:$0x1];
	p0 =	sne.s32 s2, $0x0  }
0x48: {  	s3 =	rddreg [dreg:$0x2];
	[bflag:$0x3] =	sbarrier.arrive $0xFFFF;
	s2 =	simm.s32 @!p0 $0x1C01  }
0x49: {  	[timem:s3], [sflag:s2] =	dma.local @!p0 [hbm:s0], s1  }
0x4a: {  	s0 =	simm.s32 @!p0 $0x1  }
0x4b: {  	_ =	swait.ge @!p0 [sflag:s0], s1  }
0x4c: {  	s1 =	ssub.s32 @!p0 $0x0, s1;
	[sflag:s0] =	ssyncset.done @!p0 $0x0  }
0x4d: {  	[sflag:s0] =	ssyncadd.s32 @!p0 s1  }
0x4e: {  	[bflag:$0x3] =	sbarrier.arrive $0xFFFF  }
0x4f: {  	_ =	shalt  }

// kernel: kernel.60.cloned.1.call-start
scs
__scs_entry_jumppad:
0x0: {  	(pc) =	sbr.rel $0x88, $3  }
0x1: {  	(tag) =	ssettag $0x0;
	lr =	simm.s32 $0x1  }
0x2: {  	[smem:$0x3F87] =	sst lr;
	_ =	strace $0xD0000000  }
0x3: {  	_ = 	snop  }
0x4: {  	_ = 	snop  }
0x5: {  	_ = 	snop  }
0x6: {  	_ = 	snop  }
0x7: {  	_ = 	snop  }
__scs_overlays_trampoline_lowered:
0x8: {  	[smem:$0x3F96] =	sst s0  }
0x9: {  	[smem:$0x3F97] =	sst s1  }
0xa: {  	[smem:$0x3F98] =	sst s2  }
0xb: {  	[smem:$0x3F99] =	sst s3  }
0xc: {  	[smem:$0x3F9A] =	sst s4  }
0xd: {  	[smem:$0x3F9B] =	sst s5  }
0xe: {  	[smem:$0x3F9C] =	sst s6  }
0xf: {  	[smem:$0x3F9D] =	sst s7  }
0x10: {  	[smem:$0x3F9E] =	sst s8  }
0x11: {  	[smem:$0x3F9F] =	sst s9;
	s0 =	simm.s32 @!p0 $0x0  }
0x12: {  	s1 =	sld [smem:$0x3F85];
	s0 =	simm.s32 @p0 $0x1  }
0x13: {  	[smem:$0x3FA0] =	sst s0;
	s0 =	simm.s32 @!p1 $0x0  }
0x14: {  	s2 =	sld [smem:$0x3F84];
	s0 =	simm.s32 @p1 $0x1  }
0x15: {  	[smem:$0x3FA1] =	sst s0;
	s0 =	simm.s32 @!p2 $0x0  }
0x16: {  	s3 =	sld [smem:$0x3FDB];
	s0 =	simm.s32 @p2 $0x1  }
0x17: {  	s4 =	simm.s32 $0x1BF5;
	[smem:$0x3FA3] =	sst s0  }
0x18: {  	s0 =	sld [smem:$0x3F86];
	_ =	swait.ge [sflag:s4], $0x0  }
0x19: {  	s7 =	sld [smem:$0x3F87]  }
0x1a: {  	s8 =	sadd.s32 $0xFFFFE003, lr  }
0x1b: {  	s9 =	sadd.s32 $0xFFFFFEF7, lr;
	s5 =	simm.s32 $0xFFFFFFFF;
	p2 =	slt.u32 s8, $0xFFFFF086  }
0x1c: {  	p1 =	slt.u32 s9, $0xF7A;
	s5 =	simm.s32 @!p2 $0x0  }
0x1d: {  	s5 =	simm.s32 @p1 $0x1;
	p0 =	seq.s32 s7, s2  }
0x1e: {  	s7 =	smul.u32 @!p0 $0xF7A, s2;
	p2 =	seq.s32 @!p0 s5, $0x0  }
0x1f: {  	s9 =	smul.u32 $0xF7A, s1;
	s8 =	simm.s32 @!p0 $0x1BF5;
	p2 =	por !p2, p0  }
0x20: {  	[sflag:s8] =	ssyncset.s32 @!p0 $0xFFFFF086;
	s6 =	sadd.s32 @!p0 s3, s7;
	s7 =	simm.s32 @!p0 $0x108  }
0x21: {  	s3 =	sadd.s32 s3, s9;
	s6 =	sadd.s32 @!p0 $0x88, s6;
	s7 =	simm.s32 @p2 $0x1082  }
0x22: {  	[simem:s7], [sflag:s8] =	dma.local @!p0 [hbm:s6], $0xF7A  }
0x23: {  	s9 =	sor.u32 $0xD0000000, s2;
	s6 =	simm.s32 $0x108;
	_ =	swait.ge @!p0 [sflag:s8], $0x0  }
0x24: {  	s3 =	sadd.s32 $0x88, s3;
	s6 =	simm.s32 @!p1 $0x1082;
	[sflag:s4] =	ssyncset.s32 $0xFFFFF086  }
0x25: {  	[simem:s6], [sflag:s4] =	dma.local [hbm:s3], $0xF7A  }
0x26: {  	[smem:$0x3F87] =	sst s1;
	(tag) =	ssettag s2;
	_ =	strace s9  }
0x27: {  	s1 =	sld [smem:$0x3F97]  }
0x28: {  	s2 =	sld [smem:$0x3F98]  }
0x29: {  	s4 =	sld [smem:$0x3F9A]  }
0x2a: {  	p0 =	seq.s32 s5, $0x0;
	s5 =	sld [smem:$0x3F9B]  }
0x2b: {  	s6 =	sld [smem:$0x3F9C]  }
0x2c: {  	s7 =	sld [smem:$0x3F9D]  }
0x2d: {  	s3 =	simm.s32 $0x108;
	s8 =	sld [smem:$0x3F9E]  }
0x2e: {  	s3 =	simm.s32 @!p0 $0x1082;
	s9 =	sld [smem:$0x3F9F]  }
0x2f: {  	lr =	sadd.s32 s0, s3;
	s0 =	sld [smem:$0x3F96]  }
0x30: {  	s3 =	sld [smem:$0x3F99]  }
0x31: {  	[smem:$0x3FA2] =	sst s10  }
0x32: {  	s10 =	sld [smem:$0x3FA0];
	_ =	sdelay $0x3  }
0x33: {  	p0 =	seq.s32 s10, $0x1;
	s10 =	sld [smem:$0x3FA2];
	_ =	sdelay $0x3  }
0x34: {  	[smem:$0x3FA2] =	sst s10  }
0x35: {  	s10 =	sld [smem:$0x3FA1];
	_ =	sdelay $0x3  }
0x36: {  	p1 =	seq.s32 s10, $0x1;
	s10 =	sld [smem:$0x3FA2];
	_ =	sdelay $0x3  }
0x37: {  	[smem:$0x3FA2] =	sst s10  }
0x38: {  	s10 =	sld [smem:$0x3FA3]  }
0x39: {  	_ = 	snop;
	(pc) =	sbr.ind lr, $3  }
0x3a: {  	_ = 	snop  }
0x3b: {  	_ = 	snop  }
0x3c: {  	p2 =	seq.s32 s10, $0x1;
	s10 =	sld [smem:$0x3FA2]  }
0x3d: {  	_ =	shalt  }
0x3e: {  	_ =	shalt  }
0x3f: {  	_ =	shalt  }
0x40: {  	_ =	shalt  }
0x41: {  	_ =	shalt  }
0x42: {  	_ =	shalt  }
0x43: {  	_ =	shalt  }
0x44: {  	_ =	shalt  }
0x45: {  	_ =	shalt  }
0x46: {  	_ =	shalt  }
0x47: {  	_ =	shalt  }
0x48: {  	_ =	shalt  }
0x49: {  	_ =	shalt  }
0x4a: {  	_ =	shalt  }
0x4b: {  	_ =	shalt  }
0x4c: {  	_ =	shalt  }
0x4d: {  	_ =	shalt  }
0x4e: {  	_ =	shalt  }
0x4f: {  	_ =	shalt  }
0x50: {  	_ =	shalt  }
0x51: {  	_ =	shalt  }
0x52: {  	_ =	shalt  }
0x53: {  	_ =	shalt  }
0x54: {  	_ =	shalt  }
0x55: {  	_ =	shalt  }
0x56: {  	_ =	shalt  }
0x57: {  	_ =	shalt  }
0x58: {  	_ =	shalt  }
0x59: {  	_ =	shalt  }
0x5a: {  	_ =	shalt  }
0x5b: {  	_ =	shalt  }
0x5c: {  	_ =	shalt  }
0x5d: {  	_ =	shalt  }
0x5e: {  	_ =	shalt  }
0x5f: {  	_ =	shalt  }
0x60: {  	_ =	shalt  }
0x61: {  	_ =	shalt  }
0x62: {  	_ =	shalt  }
0x63: {  	_ =	shalt  }
0x64: {  	_ =	shalt  }
0x65: {  	_ =	shalt  }
0x66: {  	_ =	shalt  }
0x67: {  	_ =	shalt  }
0x68: {  	_ =	shalt  }
0x69: {  	_ =	shalt  }
0x6a: {  	_ =	shalt  }
0x6b: {  	_ =	shalt  }
0x6c: {  	_ =	shalt  }
0x6d: {  	_ =	shalt  }
0x6e: {  	_ =	shalt  }
0x6f: {  	_ =	shalt  }
0x70: {  	_ =	shalt  }
0x71: {  	_ =	shalt  }
0x72: {  	_ =	shalt  }
0x73: {  	_ =	shalt  }
0x74: {  	_ =	shalt  }
0x75: {  	_ =	shalt  }
0x76: {  	_ =	shalt  }
0x77: {  	_ =	shalt  }
0x78: {  	_ =	shalt  }
0x79: {  	_ =	shalt  }
0x7a: {  	_ =	shalt  }
0x7b: {  	_ =	shalt  }
0x7c: {  	_ =	shalt  }
0x7d: {  	_ =	shalt  }
0x7e: {  	_ =	shalt  }
0x7f: {  	_ =	shalt  }
0x80: {  	_ =	shalt  }
0x81: {  	_ =	shalt  }
0x82: {  	_ =	shalt  }
0x83: {  	_ =	shalt  }
0x84: {  	_ =	shalt  }
0x85: {  	_ =	shalt  }
0x86: {  	_ =	shalt  }
0x87: {  	_ =	shalt  }
.Lfunc_end0:
.L_simem_size_0:
called_computation.9_lowered:
.L_overlay_start_0:
0x88: {  	s2 =	sld [smem:$0x3FD9]  }
0x89: {  	s3 =	sld [smem:$0x3FFE];
	_ =	sdelay $0x1  }
0x8a: {  	s1 =	srdreg.scid  }
0x8b: {  	s0 =	sand.u32 $0x1, s1  }
0x8c: {  	s16 =	sshll.u32 s0, $0xA;
	s2 =	sadd.s32 s3, s2  }
0x8d: {  	s2 =	sadd.s32 s2, s16  }
0x8e: {  	[smem:$0x3FAE] =	sst s2  }
0x8f: {  	_ = 	snop  }
0x90: {  	(tm) =	ssettm $0x1  }
0x91: {  	s17 =	sld [smem:$0x3FFB];
	_ =	sdelay $0x3  }
0x92: {  	_ =	strace s17  }
0x93: {  	s2 =	sld [smem:$0x3FFC];
	_ =	sdelay $0x3  }
0x94: {  	_ =	strace s2  }
0x95: {  	s2 =	sld [smem:$0x3FFD];
	_ =	sdelay $0x3  }
0x96: {  	_ =	strace s2  }
0x97: {  	_ =	strace $0x8FFFFFFF  }
0x98: {  	s18 =	sld [smem:$0x3FDB];
	_ =	sdelay $0x1  }
0x99: {  	s19 =	simm.s32 $_scs_section_size  }
0x9a: {  	s4 =	simm.s32 $_size__tile_overlayer_lowered;
	s5 =	simm.s32 $_tile_overlayer_lowered  }
0x9b: {  	s22 =	simm.s32 $0x1BFF;
	s21 =	sshll.u32 s5, $0x1;
	s2 =	sadd.s32 s19, s18  }
0x9c: {  	s6 =	simm.s32 $0x0;
	s20 =	sshll.u32 s4, $0x1;
	s4 =	sadd.s32 s21, s2  }
0x9d: {  	[timem:s6], [sflag:s22] =	dma.local [hbm:s4], s20  }
0x9e: {  	_ =	swait.ge [sflag:s22], s20  }
0x9f: {  	s3 =	ssub.s32 $0x0, s20;
	[sflag:s22] =	ssyncset.done $0x0  }
0xa0: {  	[sflag:s22] =	ssyncadd.s32 s3;
	_ =	sdelay $0x1  }
0xa1: {  	s23 =	simm.s32 $0x1B8B  }
0xa2: {  	_ =	swait.ge [sflag:s23], $0x1  }
0xa3: {  	[sflag:s23] =	ssyncset.done $0x0  }
0xa4: {  	s25 =	simm.s32 $0x1B8E;
	s24 =	sld [smem:$0x3FFE];
	[sflag:s23] =	ssyncadd.s32 $0xFFFFFFFF  }
0xa5: {  	s26 =	simm.s32 $execute0_lowered;
	[smem:$0x3FD2] =	sst s25  }
0xa6: {  	s4 =	sshll.u32 s26, $0x1;
	_ =	strace $0x80000061;
	[dreg:$0x1] =	wrdreg $0xFFFFFFFF  }
0xa7: {  	s28 =	simm.s32 $_size_execute0_lowered;
	s2 =	sadd.s32 s2, s4;
	[dreg:$0x0] =	wrdreg $0x0  }
0xa8: {  	s4 =	sshll.u32 s28, $0x1;
	[dreg:$0x2] =	wrdreg s2  }
0xa9: {  	[dreg:$0x3] =	wrdreg s4  }
0xaa: {  	[dreg:$0x4] =	wrdreg $0xC0  }
0xab: {  	_ =	task [dreg:s6], $0x5FFFF  }
0xac: {  	[dreg:$0x1] =	wrdreg $0xFFFFFFFF  }
0xad: {  	[dreg:$0x0] =	wrdreg $0x60  }
0xae: {  	[dreg:$0x2] =	wrdreg s24  }
0xaf: {  	[dreg:$0x3] =	wrdreg $0x9  }
0xb0: {  	_ =	task.clear_ibuf [dreg:s6], $0x4FFFF;
	_ =	strace $0x90000061  }
0xb1: {  	s29 =	simm.s32 $0x9;
	_ =	strace $0x80000063  }
0xb2: {  	_ =	swait.ge [sflag:s29], $0x1  }
0xb3: {  	[sflag:s29] =	ssyncadd.s32 $0xFFFFFFFF  }
0xb4: {  	_ =	strace $0x90000063  }
0xb5: {  	_ =	sfence  }
0xb6: {  	s30 =	sld [smem:$0x0];
	_ =	sdelay $0x2  }
0xb7: {  	s31 =	sshll.u32 s1, $0xD;
	s1 =	sshrl.u32 s1, $0x2  }
0xb8: {  	s3 =	sand.u32 $0x4000, s31;
	s1 =	sadd.s32 s1, s30  }
0xb9: {  	s0 =	sor.u32 s3, s0;
	s1 =	sshll.u32 s1, $0x11  }
0xba: {  	s0 =	sor.u32 s1, s0  }
0xbb: {  	s0 =	sadd.s32 $0x8F2B, s0  }
0xbc: {  	[sflag:s0] =	ssyncadd.remote.s32 $0x1  }
0xbd: {  	_ =	sfence.sel $0xFFFF  }
0xbe: {  	[dreg:$0x0] =	wrdreg $0xFFFFFFFF;
	(pc) =	sbr.abs _section_cstart, $3  }
0xbf: {  	[dreg:$0x1] =	wrdreg $0xFFFFFFFF  }
0xc0: {  	_ =	task.clear_ibuf [dreg:s6], $0x2FFFF;
	_ =	strace $0x9FFFFFFF  }
0xc1: {  	(tm) =	ssettm $0x7FFFFFFF  }
tec
execute0_lowered:
.L_overlay_start_1:
0x0: {  	(tag) =	ssettag $0x1  }
0x1: {  	s5 =	rddreg [dreg:$0x0]  }
0x2: {  	s0 =	rddreg [dreg:$0x1]  }
0x3: {  	s3 =	srdreg.scid;
	s1 =	stileid.u32;
	s2 =	simm.s32 $0x0  }
0x4: {  	s12 =	simm.s32 $0x28;
	s13 =	simm.s32 $0x100;
	s14 =	simm.s32 $0x1500  }
0x5: {  	s15 =	simm.s32 $0x1D00;
	s16 =	simm.s32 $0x2500;
	s4 =	smul.u32 $0x2710, s1  }
0x6: {  	s17 =	simm.s32 $0x2D00;
	s18 =	simm.s32 $0x3500;
	s8 =	smul.u32 $0x27100, s1  }
0x7: {  	s19 =	simm.s32 $0x0;
	s6 =	sand.u32 $0x1, s3;
	s9 =	smul.u32 $0x4E200, s1  }
0x8: {  	[smem:$0x7FF] =	sst s2;
	s3 =	sadd.s32 $0x75600, s5;
	s7 =	smul.u32 $0x1388, s6  }
0x9: {  	_ =	strace $0x80000062;
	s10 =	smul.u32 $0x27100, s6;
	s29 =	ssub.s32 $0x2, s6  }
0xa: {  	s6 =	smul.u32 $0x13880, s6;
	s8 =	sadd.s32 s8, s5;
	s7 =	sadd.s32 s7, s4  }
0xb: {  	s30 =	sshrl.u32 s29, $0x1;
	s4 =	sadd.s32 $0xAB800, s5;
	s7 =	sshrl.u32 s7, $0x3  }
0xc: {  	s11 =	sadd.s32 s7, s5;
	s5 =	sadd.s32 s9, s5;
	s7 =	ssub.s32 s29, s30  }
0xd: {  	v2 =	vlaneseq.u32;
	s8 =	sadd.s32 s6, s8;
	s31 =	sadd.s32 s10, s5;
	s5 =	smax.u32 s7, $0x1  }
0xe: {  	vm0 =	vmmov $0xffff;
	v1 =	vshrl.u32 v2, $0x3;
	s7 =	sadd.s32 $0x120C00, s8;
	s8 =	sadd.s32 $0x1B000, s11;
	s9 =	sadd.s32 $0x20000, s11  }
0xf: {  	v0 =	vand.u32 $0x7, v2;
	v2 =	vor.u32 $0x8, v2;
	v1 =	vmul.u32 $0x8, v1;
	s10 =	simm.s32 $0x1;
	s11 =	simm.s32 $0x80;
	s6 =	sadd.s32 $0xAAEA00, s31  }
.LBB2_1:
0x10: {  	s20 =	smov.u32 s7;
	s21 =	smov.u32 s6;
	s22 =	simm.s32 $0x0  }
.LBB2_2:
0x11: {  	s23 =	sadd.s32 s22, s9  }
0x12: {  	[tilespmem:s2], [sflag:$0x1] =	stream.linear.gather [hbm4b:s23+s2], $0x28, $0x38;
	[tilespmem:$0x3D00] =	vst v63  }
0x13: {  	_ =	swait.ge [sflag:s10], $0x28  }
0x14: {  	[sflag:s10] =	ssyncset.done $0x0  }
0x15: {  	s31 =	sadd.s32 s22, s8;
	[sflag:s10] =	ssyncadd.s32 $0xFFFFFFD8  }
0x16: {  	[tilespmem:s11], [sflag:$0x1] =	stream.linear.gather [hbm4b:s31+s2], $0x28, $0x38;
	[tilespmem:$0x3D00] =	vst v63  }
0x17: {  	_ =	swait.ge [sflag:s10], $0x28  }
0x18: {  	[sflag:s10] =	ssyncset.done $0x0  }
0x19: {  	[sflag:s10] =	ssyncadd.s32 $0xFFFFFFD8  }
0x1a: {  	[tilespmem:s13], [sflag:$0x1] =	stream.indirect.gather [hbm4b:s3+s12], $0x80, s2, s12, $0xb8;
	[tilespmem:$0x3D00] =	vst v63  }
0x1b: {  	_ =	swait.ge [sflag:s10], $0x1400  }
0x1c: {  	[sflag:s10] =	ssyncset.done $0x0  }
0x1d: {  	[sflag:s10] =	ssyncadd.s32 $0xFFFFEC00  }
0x1e: {  	v3 =	vld [tilespmem:$0x80];
	_ =	sdelay $0x4  }
0x1f: {  	v4 =	vshll.u32 v3, $0x1  }
0x20: {  	v3 =	vand.u32 $0x7, v3;
	v4 =	vand.u32 $0xFFFFFFF0, v4  }
0x21: {  	v3 =	vor.u32 v3, v4  }
0x22: {  	v4 =	vperm.xlane v3, v0;
	_ =	sdelay $0x1  }
0x23: {  	v3 =	vperm.xlane v3, v2;
	v4 =	vadd.s32 v1, v4;
	_ =	sdelay $0x1  }
0x24: {  	v3 =	vadd.s32 v1, v3;
	_ =	sdelay $0x2  }
0x25: {  	[tilespmem:s14], [sflag:$0x1] =	stream.indirect_vreg.gather [hbm4b:s4+s2], $0x80, v4, vm0, $0xb8;
	[tilespmem:$0x3D00] =	vst v63  }
0x26: {  	_ = 	snop  }
0x27: {  	[tilespmem:s15], [sflag:$0x1] =	stream.indirect_vreg.gather [hbm4b:s4+s2], $0x80, v3, vm0, $0xb8;
	[tilespmem:$0x3D00] =	vst v63  }
0x28: {  	v3 =	vld [tilespmem:$0x90];
	_ =	sdelay $0x4  }
0x29: {  	v62 =	vshll.u32 v3, $0x1  }
0x2a: {  	v3 =	vand.u32 $0x7, v3;
	v4 =	vand.u32 $0xFFFFFFF0, v62  }
0x2b: {  	v3 =	vor.u32 v3, v4  }
0x2c: {  	v4 =	vperm.xlane v3, v0;
	_ =	sdelay $0x1  }
0x2d: {  	v3 =	vperm.xlane v3, v2;
	v4 =	vadd.s32 v1, v4;
	_ =	sdelay $0x1  }
0x2e: {  	v3 =	vadd.s32 v1, v3;
	_ =	sdelay $0x2  }
0x2f: {  	[tilespmem:s16], [sflag:$0x1] =	stream.indirect_vreg.gather [hbm4b:s4+s2], $0x80, v4, vm0, $0xb8;
	[tilespmem:$0x3D00] =	vst v63  }
0x30: {  	_ = 	snop  }
0x31: {  	[tilespmem:s17], [sflag:$0x1] =	stream.indirect_vreg.gather [hbm4b:s4+s2], $0x80, v3, vm0, $0xb8;
	[tilespmem:$0x3D00] =	vst v63  }
0x32: {  	v3 =	vld.msk [tilespmem:$0xA0], $0xff;
	_ =	sdelay $0x4  }
0x33: {  	v63 =	vshll.u32 v3, $0x1  }
0x34: {  	v3 =	vand.u32 $0x7, v3;
	v4 =	vand.u32 $0xFFFFFFF0, v63  }
0x35: {  	v3 =	vor.u32 v3, v4  }
0x36: {  	v3 =	vperm.xlane v3, v0;
	_ =	sdelay $0x1  }
0x37: {  	v3 =	vadd.s32 v1, v3;
	_ =	sdelay $0x4  }
0x38: {  	[tilespmem:s18], [sflag:$0x1] =	stream.indirect_vreg.gather [hbm4b:s4+s2], $0x80, v3, vm0, $0xb8;
	[tilespmem:$0x3D00] =	vst v63  }
0x39: {  	_ =	swait.ge [sflag:s10], $0x2800  }
0x3a: {  	[sflag:s10] =	ssyncset.done $0x0  }
0x3b: {  	[sflag:s10] =	ssyncadd.s32 $0xFFFFD800  }
0x3c: {  	[hbm4b:s20+s2] =	stream.linear.scatter [tilespmem:s13], [sflag:$0x1], $0x1400, $0x38;
	[tilespmem:$0x3D00] =	vst v63  }
0x3d: {  	_ =	swait.ge [sflag:s10], $0x1400  }
0x3e: {  	p0 =	sne.s32 s22, $0x26C;
	[sflag:s10] =	ssyncset.done $0x0  }
.Ltmp0:
0x3f: {  	[sflag:s10] =	ssyncadd.s32 $0xFFFFEC00;
	(pc) =	sbr.rel @p0 .LBB2_2-.Ltmp0, $4  }
0x40: {  	[hbm4b:s21+s2] =	stream.linear.scatter [tilespmem:s14], [sflag:$0x1], $0x2800, $0x38;
	[tilespmem:$0x3D00] =	vst v63  }
0x41: {  	_ =	swait.ge [sflag:s10], $0x2800  }
0x42: {  	s22 =	sadd.s32 $0x5, s22;
	[sflag:s10] =	ssyncset.done $0x0  }
0x43: {  	s20 =	sadd.s32 $0x280, s20;
	s21 =	sadd.s32 $0x500, s21;
	[sflag:s10] =	ssyncadd.s32 $0xFFFFD800  }
0x44: {  	s19 =	sadd.s32 $0x1, s19  }
0x45: {  	p0 =	sne.s32 s19, s5  }
.Ltmp1:
0x46: {  	_ = 	snop;
	(pc) =	sbr.rel @p0 .LBB2_1-.Ltmp1, $1  }
0x47: {  	_ =	sdelay $0x3  }
0x48: {  	_ =	sfence.sel $0x180000  }
0x49: {  	[bflag:$0x0] =	sbarrier.arrive $0xFFFF  }
0x4a: {  	p0 =	sne.s32 s1, $0x0;
	_ =	strace $0x90000062  }
0x4b: {  	s0 =	sadd.s32 @!p0 $0x100000, s0;
	[bflag:$0x2] =	sbarrier.arrive $0xFFFF  }
0x4c: {  	[sflag:s0] =	ssyncadd.tile.s32 @!p0 $0x1;
	_ =	shalt  }
.Lfunc_end2:
_tile_overlayer_lowered:
.L_overlay_start_2:
0x4d: {  	(tag) =	ssettag $0x2  }
0x4e: {  	s0 =	rddreg [dreg:$0x0];
	s2 =	stileid.u32  }
0x4f: {  	s1 =	rddreg [dreg:$0x1];
	p0 =	sne.s32 s2, $0x0  }
0x50: {  	s3 =	rddreg [dreg:$0x2];
	[bflag:$0x3] =	sbarrier.arrive $0xFFFF;
	s2 =	simm.s32 @!p0 $0x1C01  }
0x51: {  	[timem:s3], [sflag:s2] =	dma.local @!p0 [hbm:s0], s1  }
0x52: {  	s0 =	simm.s32 @!p0 $0x1  }
0x53: {  	_ =	swait.ge @!p0 [sflag:s0], s1  }
0x54: {  	s1 =	ssub.s32 @!p0 $0x0, s1;
	[sflag:s0] =	ssyncset.done @!p0 $0x0  }
0x55: {  	[sflag:s0] =	ssyncadd.s32 @!p0 s1  }
0x56: {  	[bflag:$0x3] =	sbarrier.arrive $0xFFFF  }
0x57: {  	_ =	shalt  }

// kernel: kernel.63.cloned.1.call-start
scs
__scs_entry_jumppad:
0x0: {  	(pc) =	sbr.rel $0x88, $3  }
0x1: {  	(tag) =	ssettag $0x0;
	lr =	simm.s32 $0x1  }
0x2: {  	[smem:$0x3F87] =	sst lr;
	_ =	strace $0xD0000000  }
0x3: {  	_ = 	snop  }
0x4: {  	_ = 	snop  }
0x5: {  	_ = 	snop  }
0x6: {  	_ = 	snop  }
0x7: {  	_ = 	snop  }
__scs_overlays_trampoline_lowered:
0x8: {  	[smem:$0x3F96] =	sst s0  }
0x9: {  	[smem:$0x3F97] =	sst s1  }
0xa: {  	[smem:$0x3F98] =	sst s2  }
0xb: {  	[smem:$0x3F99] =	sst s3  }
0xc: {  	[smem:$0x3F9A] =	sst s4  }
0xd: {  	[smem:$0x3F9B] =	sst s5  }
0xe: {  	[smem:$0x3F9C] =	sst s6  }
0xf: {  	[smem:$0x3F9D] =	sst s7  }
0x10: {  	[smem:$0x3F9E] =	sst s8  }
0x11: {  	[smem:$0x3F9F] =	sst s9;
	s0 =	simm.s32 @!p0 $0x0  }
0x12: {  	s1 =	sld [smem:$0x3F85];
	s0 =	simm.s32 @p0 $0x1  }
0x13: {  	[smem:$0x3FA0] =	sst s0;
	s0 =	simm.s32 @!p1 $0x0  }
0x14: {  	s2 =	sld [smem:$0x3F84];
	s0 =	simm.s32 @p1 $0x1  }
0x15: {  	[smem:$0x3FA1] =	sst s0;
	s0 =	simm.s32 @!p2 $0x0  }
0x16: {  	s3 =	sld [smem:$0x3FDB];
	s0 =	simm.s32 @p2 $0x1  }
0x17: {  	s4 =	simm.s32 $0x1BF5;
	[smem:$0x3FA3] =	sst s0  }
0x18: {  	s0 =	sld [smem:$0x3F86];
	_ =	swait.ge [sflag:s4], $0x0  }
0x19: {  	s7 =	sld [smem:$0x3F87]  }
0x1a: {  	s8 =	sadd.s32 $0xFFFFE003, lr  }
0x1b: {  	s9 =	sadd.s32 $0xFFFFFEF7, lr;
	s5 =	simm.s32 $0xFFFFFFFF;
	p2 =	slt.u32 s8, $0xFFFFF086  }
0x1c: {  	p1 =	slt.u32 s9, $0xF7A;
	s5 =	simm.s32 @!p2 $0x0  }
0x1d: {  	s5 =	simm.s32 @p1 $0x1;
	p0 =	seq.s32 s7, s2  }
0x1e: {  	s7 =	smul.u32 @!p0 $0xF7A, s2;
	p2 =	seq.s32 @!p0 s5, $0x0  }
0x1f: {  	s9 =	smul.u32 $0xF7A, s1;
	s8 =	simm.s32 @!p0 $0x1BF5;
	p2 =	por !p2, p0  }
0x20: {  	[sflag:s8] =	ssyncset.s32 @!p0 $0xFFFFF086;
	s6 =	sadd.s32 @!p0 s3, s7;
	s7 =	simm.s32 @!p0 $0x108  }
0x21: {  	s3 =	sadd.s32 s3, s9;
	s6 =	sadd.s32 @!p0 $0x88, s6;
	s7 =	simm.s32 @p2 $0x1082  }
0x22: {  	[simem:s7], [sflag:s8] =	dma.local @!p0 [hbm:s6], $0xF7A  }
0x23: {  	s9 =	sor.u32 $0xD0000000, s2;
	s6 =	simm.s32 $0x108;
	_ =	swait.ge @!p0 [sflag:s8], $0x0  }
0x24: {  	s3 =	sadd.s32 $0x88, s3;
	s6 =	simm.s32 @!p1 $0x1082;
	[sflag:s4] =	ssyncset.s32 $0xFFFFF086  }
0x25: {  	[simem:s6], [sflag:s4] =	dma.local [hbm:s3], $0xF7A  }
0x26: {  	[smem:$0x3F87] =	sst s1;
	(tag) =	ssettag s2;
	_ =	strace s9  }
0x27: {  	s1 =	sld [smem:$0x3F97]  }
0x28: {  	s2 =	sld [smem:$0x3F98]  }
0x29: {  	s4 =	sld [smem:$0x3F9A]  }
0x2a: {  	p0 =	seq.s32 s5, $0x0;
	s5 =	sld [smem:$0x3F9B]  }
0x2b: {  	s6 =	sld [smem:$0x3F9C]  }
0x2c: {  	s7 =	sld [smem:$0x3F9D]  }
0x2d: {  	s3 =	simm.s32 $0x108;
	s8 =	sld [smem:$0x3F9E]  }
0x2e: {  	s3 =	simm.s32 @!p0 $0x1082;
	s9 =	sld [smem:$0x3F9F]  }
0x2f: {  	lr =	sadd.s32 s0, s3;
	s0 =	sld [smem:$0x3F96]  }
0x30: {  	s3 =	sld [smem:$0x3F99]  }
0x31: {  	[smem:$0x3FA2] =	sst s10  }
0x32: {  	s10 =	sld [smem:$0x3FA0];
	_ =	sdelay $0x3  }
0x33: {  	p0 =	seq.s32 s10, $0x1;
	s10 =	sld [smem:$0x3FA2];
	_ =	sdelay $0x3  }
0x34: {  	[smem:$0x3FA2] =	sst s10  }
0x35: {  	s10 =	sld [smem:$0x3FA1];
	_ =	sdelay $0x3  }
0x36: {  	p1 =	seq.s32 s10, $0x1;
	s10 =	sld [smem:$0x3FA2];
	_ =	sdelay $0x3  }
0x37: {  	[smem:$0x3FA2] =	sst s10  }
0x38: {  	s10 =	sld [smem:$0x3FA3]  }
0x39: {  	_ = 	snop;
	(pc) =	sbr.ind lr, $3  }
0x3a: {  	_ = 	snop  }
0x3b: {  	_ = 	snop  }
0x3c: {  	p2 =	seq.s32 s10, $0x1;
	s10 =	sld [smem:$0x3FA2]  }
0x3d: {  	_ =	shalt  }
0x3e: {  	_ =	shalt  }
0x3f: {  	_ =	shalt  }
0x40: {  	_ =	shalt  }
0x41: {  	_ =	shalt  }
0x42: {  	_ =	shalt  }
0x43: {  	_ =	shalt  }
0x44: {  	_ =	shalt  }
0x45: {  	_ =	shalt  }
0x46: {  	_ =	shalt  }
0x47: {  	_ =	shalt  }
0x48: {  	_ =	shalt  }
0x49: {  	_ =	shalt  }
0x4a: {  	_ =	shalt  }
0x4b: {  	_ =	shalt  }
0x4c: {  	_ =	shalt  }
0x4d: {  	_ =	shalt  }
0x4e: {  	_ =	shalt  }
0x4f: {  	_ =	shalt  }
0x50: {  	_ =	shalt  }
0x51: {  	_ =	shalt  }
0x52: {  	_ =	shalt  }
0x53: {  	_ =	shalt  }
0x54: {  	_ =	shalt  }
0x55: {  	_ =	shalt  }
0x56: {  	_ =	shalt  }
0x57: {  	_ =	shalt  }
0x58: {  	_ =	shalt  }
0x59: {  	_ =	shalt  }
0x5a: {  	_ =	shalt  }
0x5b: {  	_ =	shalt  }
0x5c: {  	_ =	shalt  }
0x5d: {  	_ =	shalt  }
0x5e: {  	_ =	shalt  }
0x5f: {  	_ =	shalt  }
0x60: {  	_ =	shalt  }
0x61: {  	_ =	shalt  }
0x62: {  	_ =	shalt  }
0x63: {  	_ =	shalt  }
0x64: {  	_ =	shalt  }
0x65: {  	_ =	shalt  }
0x66: {  	_ =	shalt  }
0x67: {  	_ =	shalt  }
0x68: {  	_ =	shalt  }
0x69: {  	_ =	shalt  }
0x6a: {  	_ =	shalt  }
0x6b: {  	_ =	shalt  }
0x6c: {  	_ =	shalt  }
0x6d: {  	_ =	shalt  }
0x6e: {  	_ =	shalt  }
0x6f: {  	_ =	shalt  }
0x70: {  	_ =	shalt  }
0x71: {  	_ =	shalt  }
0x72: {  	_ =	shalt  }
0x73: {  	_ =	shalt  }
0x74: {  	_ =	shalt  }
0x75: {  	_ =	shalt  }
0x76: {  	_ =	shalt  }
0x77: {  	_ =	shalt  }
0x78: {  	_ =	shalt  }
0x79: {  	_ =	shalt  }
0x7a: {  	_ =	shalt  }
0x7b: {  	_ =	shalt  }
0x7c: {  	_ =	shalt  }
0x7d: {  	_ =	shalt  }
0x7e: {  	_ =	shalt  }
0x7f: {  	_ =	shalt  }
0x80: {  	_ =	shalt  }
0x81: {  	_ =	shalt  }
0x82: {  	_ =	shalt  }
0x83: {  	_ =	shalt  }
0x84: {  	_ =	shalt  }
0x85: {  	_ =	shalt  }
0x86: {  	_ =	shalt  }
0x87: {  	_ =	shalt  }
.Lfunc_end0:
.L_simem_size_0:
called_computation.10_lowered:
.L_overlay_start_0:
0x88: {  	s2 =	sld [smem:$0x3FD9]  }
0x89: {  	s3 =	sld [smem:$0x3FFE];
	_ =	sdelay $0x1  }
0x8a: {  	s1 =	srdreg.scid  }
0x8b: {  	s0 =	sand.u32 $0x1, s1  }
0x8c: {  	s16 =	sshll.u32 s0, $0xA;
	s2 =	sadd.s32 s3, s2  }
0x8d: {  	s2 =	sadd.s32 s2, s16  }
0x8e: {  	[smem:$0x3FAE] =	sst s2  }
0x8f: {  	_ = 	snop  }
0x90: {  	(tm) =	ssettm $0x1  }
0x91: {  	s17 =	sld [smem:$0x3FFB];
	_ =	sdelay $0x3  }
0x92: {  	_ =	strace s17  }
0x93: {  	s2 =	sld [smem:$0x3FFC];
	_ =	sdelay $0x3  }
0x94: {  	_ =	strace s2  }
0x95: {  	s2 =	sld [smem:$0x3FFD];
	_ =	sdelay $0x3  }
0x96: {  	_ =	strace s2  }
0x97: {  	_ =	strace $0x8FFFFFFF  }
0x98: {  	s18 =	sld [smem:$0x3FDB];
	_ =	sdelay $0x1  }
0x99: {  	s19 =	simm.s32 $_scs_section_size  }
0x9a: {  	s4 =	simm.s32 $_size__tile_overlayer_lowered;
	s5 =	simm.s32 $_tile_overlayer_lowered  }
0x9b: {  	s22 =	simm.s32 $0x1BFF;
	s21 =	sshll.u32 s5, $0x1;
	s2 =	sadd.s32 s19, s18  }
0x9c: {  	s6 =	simm.s32 $0x0;
	s20 =	sshll.u32 s4, $0x1;
	s4 =	sadd.s32 s21, s2  }
0x9d: {  	[timem:s6], [sflag:s22] =	dma.local [hbm:s4], s20  }
0x9e: {  	_ =	swait.ge [sflag:s22], s20  }
0x9f: {  	s3 =	ssub.s32 $0x0, s20;
	[sflag:s22] =	ssyncset.done $0x0  }
0xa0: {  	[sflag:s22] =	ssyncadd.s32 s3;
	_ =	sdelay $0x1  }
0xa1: {  	s23 =	simm.s32 $0x1B8B  }
0xa2: {  	_ =	swait.ge [sflag:s23], $0x1  }
0xa3: {  	[sflag:s23] =	ssyncset.done $0x0  }
0xa4: {  	s25 =	simm.s32 $0x1B8E;
	s24 =	sld [smem:$0x3FFE];
	[sflag:s23] =	ssyncadd.s32 $0xFFFFFFFF  }
0xa5: {  	s26 =	simm.s32 $execute0_lowered;
	[smem:$0x3FD2] =	sst s25  }
0xa6: {  	s4 =	sshll.u32 s26, $0x1;
	_ =	strace $0x80000064;
	[dreg:$0x1] =	wrdreg $0xFFFFFFFF  }
0xa7: {  	s28 =	simm.s32 $_size_execute0_lowered;
	s2 =	sadd.s32 s2, s4;
	[dreg:$0x0] =	wrdreg $0x0  }
0xa8: {  	s4 =	sshll.u32 s28, $0x1;
	[dreg:$0x2] =	wrdreg s2  }
0xa9: {  	[dreg:$0x3] =	wrdreg s4  }
0xaa: {  	[dreg:$0x4] =	wrdreg $0xC0  }
0xab: {  	_ =	task [dreg:s6], $0x5FFFF  }
0xac: {  	[dreg:$0x1] =	wrdreg $0xFFFFFFFF  }
0xad: {  	[dreg:$0x0] =	wrdreg $0x60  }
0xae: {  	[dreg:$0x2] =	wrdreg s24  }
0xaf: {  	[dreg:$0x3] =	wrdreg $0x14800  }
0xb0: {  	[dreg:$0x4] =	wrdreg $0x9  }
0xb1: {  	_ =	task.clear_ibuf [dreg:s6], $0x5FFFF;
	_ =	strace $0x90000064  }
0xb2: {  	s29 =	simm.s32 $0x9;
	_ =	strace $0x80000066  }
0xb3: {  	_ =	swait.ge [sflag:s29], $0x1  }
0xb4: {  	[sflag:s29] =	ssyncadd.s32 $0xFFFFFFFF  }
0xb5: {  	_ =	strace $0x90000066  }
0xb6: {  	_ =	sfence  }
0xb7: {  	s30 =	sld [smem:$0x0];
	_ =	sdelay $0x2  }
0xb8: {  	s31 =	sshll.u32 s1, $0xD;
	s1 =	sshrl.u32 s1, $0x2  }
0xb9: {  	s3 =	sand.u32 $0x4000, s31;
	s1 =	sadd.s32 s1, s30  }
0xba: {  	s0 =	sor.u32 s3, s0;
	s1 =	sshll.u32 s1, $0x11  }
0xbb: {  	s0 =	sor.u32 s1, s0  }
0xbc: {  	s0 =	sadd.s32 $0x8F2B, s0  }
0xbd: {  	[sflag:s0] =	ssyncadd.remote.s32 $0x1  }
0xbe: {  	_ =	sfence.sel $0xFFFF  }
0xbf: {  	[dreg:$0x0] =	wrdreg $0xFFFFFFFF;
	(pc) =	sbr.abs _section_cstart, $3  }
0xc0: {  	[dreg:$0x1] =	wrdreg $0xFFFFFFFF  }
0xc1: {  	_ =	task.clear_ibuf [dreg:s6], $0x2FFFF;
	_ =	strace $0x9FFFFFFF  }
0xc2: {  	(tm) =	ssettm $0x7FFFFFFF  }
0xc3: {  	_ =	shalt  }
tec
execute0_lowered:
.L_overlay_start_1:
0x0: {  	(tag) =	ssettag $0x1  }
0x1: {  	s0 =	stileid.u32  }
0x2: {  	s1 =	srdreg.scid;
	s4 =	smul.u32 $0x27100, s0  }
0x3: {  	s5 =	rddreg [dreg:$0x0];
	s7 =	smul.u32 $0x2710, s0  }
0x4: {  	s2 =	rddreg [dreg:$0x1];
	s9 =	smul.u32 $0x13800, s0  }
0x5: {  	s3 =	simm.s32 $0x0;
	s6 =	sand.u32 $0x1, s1;
	s25 =	smul.u32 $0x4E000, s0  }
0x6: {  	s14 =	simm.s32 $0x0;
	s1 =	rddreg [dreg:$0x2];
	s8 =	smul.u32 $0x1388, s6  }
0x7: {  	[smem:$0x7FF] =	sst s3;
	s30 =	sshll.u32 s0, $0x6;
	s22 =	smul.u32 $0x138800, s6  }
0x8: {  	_ =	strace $0x80000065;
	s28 =	ssub.s32 $0x2, s6;
	s6 =	smul.u32 $0x13880, s6  }
0x9: {  	s10 =	sadd.s32 s4, s5;
	s24 =	sshrl.u32 s9, $0x3;
	s29 =	sshrl.u32 s28, $0x1  }
0xa: {  	s7 =	sadd.s32 s8, s7;
	s23 =	sadd.s32 s9, s22;
	s8 =	sshrl.u32 s25, $0x2  }
0xb: {  	s12 =	ssub.s32 s28, s29;
	s31 =	sadd.s32 s6, s10;
	s7 =	sshrl.u32 s7, $0x3  }
0xc: {  	s4 =	sshrl.u32 s23, $0x3;
	s13 =	sadd.s32 s8, s2;
	s8 =	sadd.s32 $0x391C00, s31  }
0xd: {  	s11 =	sadd.s32 s7, s5;
	s7 =	sadd.s32 s24, s5;
	s26 =	sadd.s32 s4, s5  }
0xe: {  	s5 =	sor.u32 $0x1C01, s30;
	s10 =	sshrl.u32 s13, $0x3;
	s13 =	simm.s32 $0x28  }
0xf: {  	s4 =	sadd.s32 $0x4E400, s7;
	s6 =	sadd.s32 $0xAB800, s26;
	s7 =	smax.u32 s12, $0x1  }
0x10: {  	s9 =	sadd.s32 $0x20000, s11;
	s11 =	simm.s32 $0x1;
	s12 =	simm.s32 $0x80  }
.LBB2_1:
0x11: {  	[spmem:s10], [sflag:s5] =	dma.local [hbm:s4], $0x2800  }
0x12: {  	_ =	swait.ge [sflag:s11], $0x2800  }
0x13: {  	[sflag:s11] =	ssyncset.done $0x0  }
0x14: {  	[sflag:s11] =	ssyncadd.s32 $0xFFFFD800  }
0x15: {  	s15 =	sadd.s32 $0x0, s9;
	[bflag:$0x0] =	sbarrier.arrive $0xFFFF  }
0x16: {  	[tilespmem:s3], [sflag:$0x1] =	stream.linear.gather [hbm4b:s15+s3], $0x28, $0x38;
	[tilespmem:$0x14D00] =	vst v63  }
0x17: {  	_ =	swait.ge [sflag:s11], $0x28  }
0x18: {  	[sflag:s11] =	ssyncset.done $0x0  }
0x19: {  	[sflag:s11] =	ssyncadd.s32 $0xFFFFFFD8  }
0x1a: {  	[tilespmem:s12], [sflag:$0x1] =	stream.linear.gather [hbm4b:s8+s3], $0x1400, $0x38;
	[tilespmem:$0x14D00] =	vst v63  }
0x1b: {  	_ =	swait.ge [sflag:s11], $0x1400  }
0x1c: {  	[sflag:s11] =	ssyncset.done $0x0  }
0x1d: {  	[sflag:s11] =	ssyncadd.s32 $0xFFFFEC00  }
0x1e: {  	[spmem:s2] =	stream.indirect.scatter.add.f32 [tilespmem:s12], [sflag:$0x1], $0x80, s3, s13, $0xb8;
	[tilespmem:$0x14D00] =	vst v63  }
0x1f: {  	s16 =	simm.s32 $0x5;
	_ =	swait.ge [sflag:s11], $0x1400  }
0x20: {  	s17 =	simm.s32 $0xA;
	s15 =	sadd.s32 $0x280, s8;
	[sflag:s11] =	ssyncset.done $0x0  }
.LBB2_2:
0x21: {  	s18 =	sadd.s32 s16, s9  }
0x22: {  	[sflag:s11] =	ssyncadd.s32 $0xFFFFEC00;
	s16 =	smov.u32 s17;
	s19 =	sadd.s32 $0x5, s17  }
0x23: {  	[tilespmem:s3], [sflag:$0x1] =	stream.linear.gather [hbm4b:s18+s3], $0x28, $0x38;
	[tilespmem:$0x14D00] =	vst v63  }
0x24: {  	p0 =	sne.s32 s17, $0x26C;
	_ =	swait.ge [sflag:s11], $0x28  }
0x25: {  	[sflag:s11] =	ssyncset.done $0x0  }
0x26: {  	[sflag:s11] =	ssyncadd.s32 $0xFFFFFFD8  }
0x27: {  	[tilespmem:s12], [sflag:$0x1] =	stream.linear.gather [hbm4b:s15+s3], $0x1400, $0x38;
	[tilespmem:$0x14D00] =	vst v63  }
0x28: {  	_ =	swait.ge [sflag:s11], $0x1400  }
.Ltmp0:
0x29: {  	[sflag:s11] =	ssyncset.done $0x0;
	(pc) =	sbr.rel @p0 .LBB2_2-.Ltmp0, $4  }
0x2a: {  	[sflag:s11] =	ssyncadd.s32 $0xFFFFEC00  }
0x2b: {  	[spmem:s2] =	stream.indirect.scatter.add.f32 [tilespmem:s12], [sflag:$0x1], $0x80, s3, s13, $0xb8;
	[tilespmem:$0x14D00] =	vst v63  }
0x2c: {  	_ =	swait.ge [sflag:s11], $0x1400  }
0x2d: {  	s17 =	smov.u32 s19;
	s15 =	sadd.s32 $0x280, s15;
	[sflag:s11] =	ssyncset.done $0x0  }
0x2e: {  	s16 =	sadd.s32 s16, s9;
	[sflag:s11] =	ssyncadd.s32 $0xFFFFEC00  }
0x2f: {  	[tilespmem:s3], [sflag:$0x1] =	stream.linear.gather [hbm4b:s16+s3], $0x28, $0x38;
	[tilespmem:$0x14D00] =	vst v63  }
0x30: {  	_ =	swait.ge [sflag:s11], $0x28  }
0x31: {  	[sflag:s11] =	ssyncset.done $0x0  }
0x32: {  	[sflag:s11] =	ssyncadd.s32 $0xFFFFFFD8  }
0x33: {  	[tilespmem:s12], [sflag:$0x1] =	stream.linear.gather [hbm4b:s15+s3], $0x1400, $0x38;
	[tilespmem:$0x14D00] =	vst v63  }
0x34: {  	_ =	swait.ge [sflag:s11], $0x1400  }
0x35: {  	[sflag:s11] =	ssyncset.done $0x0  }
0x36: {  	[sflag:s11] =	ssyncadd.s32 $0xFFFFEC00  }
0x37: {  	[spmem:s2] =	stream.indirect.scatter.add.f32 [tilespmem:s12], [sflag:$0x1], $0x80, s3, s13, $0xb8;
	[tilespmem:$0x14D00] =	vst v63  }
0x38: {  	_ =	swait.ge [sflag:s11], $0x1400  }
0x39: {  	s14 =	sadd.s32 $0x1, s14;
	[sflag:s11] =	ssyncset.done $0x0  }
0x3a: {  	p0 =	sne.s32 s14, s7;
	[sflag:s11] =	ssyncadd.s32 $0xFFFFEC00  }
.Ltmp1:
0x3b: {  	[bflag:$0x0] =	sbarrier.arrive $0xFFFF;
	(pc) =	sbr.rel @p0 .LBB2_1-.Ltmp1, $4  }
0x3c: {  	[hbm:s6], [sflag:s5] =	dma.local [spmem:s10], $0x2800  }
0x3d: {  	_ =	swait.ge [sflag:s11], $0x2800  }
0x3e: {  	[sflag:s11] =	ssyncset.done $0x0  }
0x3f: {  	[sflag:s11] =	ssyncadd.s32 $0xFFFFD800  }
0x40: {  	_ =	sfence.sel $0x180000  }
0x41: {  	[bflag:$0x0] =	sbarrier.arrive $0xFFFF  }
0x42: {  	p0 =	sne.s32 s0, $0x0;
	_ =	strace $0x90000065  }
0x43: {  	s0 =	sadd.s32 @!p0 $0x100000, s1;
	[bflag:$0x2] =	sbarrier.arrive $0xFFFF  }
0x44: {  	[sflag:s0] =	ssyncadd.tile.s32 @!p0 $0x1;
	_ =	shalt  }
.Lfunc_end2:
_tile_overlayer_lowered:
.L_overlay_start_2:
0x45: {  	(tag) =	ssettag $0x2  }
0x46: {  	s0 =	rddreg [dreg:$0x0];
	s2 =	stileid.u32  }
0x47: {  	s1 =	rddreg [dreg:$0x1];
	p0 =	sne.s32 s2, $0x0  }
0x48: {  	s3 =	rddreg [dreg:$0x2];
	[bflag:$0x3] =	sbarrier.arrive $0xFFFF;
	s2 =	simm.s32 @!p0 $0x1C01  }
0x49: {  	[timem:s3], [sflag:s2] =	dma.local @!p0 [hbm:s0], s1  }
0x4a: {  	s0 =	simm.s32 @!p0 $0x1  }
0x4b: {  	_ =	swait.ge @!p0 [sflag:s0], s1  }
0x4c: {  	s1 =	ssub.s32 @!p0 $0x0, s1;
	[sflag:s0] =	ssyncset.done @!p0 $0x0  }
0x4d: {  	[sflag:s0] =	ssyncadd.s32 @!p0 s1  }
0x4e: {  	[bflag:$0x3] =	sbarrier.arrive $0xFFFF  }
0x4f: {  	_ =	shalt  }

// kernel: kernel.66.cloned.1.call-start
scs
__scs_entry_jumppad:
0x0: {  	(pc) =	sbr.rel $0x88, $3  }
0x1: {  	(tag) =	ssettag $0x0;
	lr =	simm.s32 $0x1  }
0x2: {  	[smem:$0x3F87] =	sst lr;
	_ =	strace $0xD0000000  }
0x3: {  	_ = 	snop  }
0x4: {  	_ = 	snop  }
0x5: {  	_ = 	snop  }
0x6: {  	_ = 	snop  }
0x7: {  	_ = 	snop  }
__scs_overlays_trampoline_lowered:
0x8: {  	[smem:$0x3F96] =	sst s0  }
0x9: {  	[smem:$0x3F97] =	sst s1  }
0xa: {  	[smem:$0x3F98] =	sst s2  }
0xb: {  	[smem:$0x3F99] =	sst s3  }
0xc: {  	[smem:$0x3F9A] =	sst s4  }
0xd: {  	[smem:$0x3F9B] =	sst s5  }
0xe: {  	[smem:$0x3F9C] =	sst s6  }
0xf: {  	[smem:$0x3F9D] =	sst s7  }
0x10: {  	[smem:$0x3F9E] =	sst s8  }
0x11: {  	[smem:$0x3F9F] =	sst s9;
	s0 =	simm.s32 @!p0 $0x0  }
0x12: {  	s1 =	sld [smem:$0x3F85];
	s0 =	simm.s32 @p0 $0x1  }
0x13: {  	[smem:$0x3FA0] =	sst s0;
	s0 =	simm.s32 @!p1 $0x0  }
0x14: {  	s2 =	sld [smem:$0x3F84];
	s0 =	simm.s32 @p1 $0x1  }
0x15: {  	[smem:$0x3FA1] =	sst s0;
	s0 =	simm.s32 @!p2 $0x0  }
0x16: {  	s3 =	sld [smem:$0x3FDB];
	s0 =	simm.s32 @p2 $0x1  }
0x17: {  	s4 =	simm.s32 $0x1BF5;
	[smem:$0x3FA3] =	sst s0  }
0x18: {  	s0 =	sld [smem:$0x3F86];
	_ =	swait.ge [sflag:s4], $0x0  }
0x19: {  	s7 =	sld [smem:$0x3F87]  }
0x1a: {  	s8 =	sadd.s32 $0xFFFFE003, lr  }
0x1b: {  	s9 =	sadd.s32 $0xFFFFFEF7, lr;
	s5 =	simm.s32 $0xFFFFFFFF;
	p2 =	slt.u32 s8, $0xFFFFF086  }
0x1c: {  	p1 =	slt.u32 s9, $0xF7A;
	s5 =	simm.s32 @!p2 $0x0  }
0x1d: {  	s5 =	simm.s32 @p1 $0x1;
	p0 =	seq.s32 s7, s2  }
0x1e: {  	s7 =	smul.u32 @!p0 $0xF7A, s2;
	p2 =	seq.s32 @!p0 s5, $0x0  }
0x1f: {  	s9 =	smul.u32 $0xF7A, s1;
	s8 =	simm.s32 @!p0 $0x1BF5;
	p2 =	por !p2, p0  }
0x20: {  	[sflag:s8] =	ssyncset.s32 @!p0 $0xFFFFF086;
	s6 =	sadd.s32 @!p0 s3, s7;
	s7 =	simm.s32 @!p0 $0x108  }
0x21: {  	s3 =	sadd.s32 s3, s9;
	s6 =	sadd.s32 @!p0 $0x88, s6;
	s7 =	simm.s32 @p2 $0x1082  }
0x22: {  	[simem:s7], [sflag:s8] =	dma.local @!p0 [hbm:s6], $0xF7A  }
0x23: {  	s9 =	sor.u32 $0xD0000000, s2;
	s6 =	simm.s32 $0x108;
	_ =	swait.ge @!p0 [sflag:s8], $0x0  }
0x24: {  	s3 =	sadd.s32 $0x88, s3;
	s6 =	simm.s32 @!p1 $0x1082;
	[sflag:s4] =	ssyncset.s32 $0xFFFFF086  }
0x25: {  	[simem:s6], [sflag:s4] =	dma.local [hbm:s3], $0xF7A  }
0x26: {  	[smem:$0x3F87] =	sst s1;
	(tag) =	ssettag s2;
	_ =	strace s9  }
0x27: {  	s1 =	sld [smem:$0x3F97]  }
0x28: {  	s2 =	sld [smem:$0x3F98]  }
0x29: {  	s4 =	sld [smem:$0x3F9A]  }
0x2a: {  	p0 =	seq.s32 s5, $0x0;
	s5 =	sld [smem:$0x3F9B]  }
0x2b: {  	s6 =	sld [smem:$0x3F9C]  }
0x2c: {  	s7 =	sld [smem:$0x3F9D]  }
0x2d: {  	s3 =	simm.s32 $0x108;
	s8 =	sld [smem:$0x3F9E]  }
0x2e: {  	s3 =	simm.s32 @!p0 $0x1082;
	s9 =	sld [smem:$0x3F9F]  }
0x2f: {  	lr =	sadd.s32 s0, s3;
	s0 =	sld [smem:$0x3F96]  }
0x30: {  	s3 =	sld [smem:$0x3F99]  }
0x31: {  	[smem:$0x3FA2] =	sst s10  }
0x32: {  	s10 =	sld [smem:$0x3FA0];
	_ =	sdelay $0x3  }
0x33: {  	p0 =	seq.s32 s10, $0x1;
	s10 =	sld [smem:$0x3FA2];
	_ =	sdelay $0x3  }
0x34: {  	[smem:$0x3FA2] =	sst s10  }
0x35: {  	s10 =	sld [smem:$0x3FA1];
	_ =	sdelay $0x3  }
0x36: {  	p1 =	seq.s32 s10, $0x1;
	s10 =	sld [smem:$0x3FA2];
	_ =	sdelay $0x3  }
0x37: {  	[smem:$0x3FA2] =	sst s10  }
0x38: {  	s10 =	sld [smem:$0x3FA3]  }
0x39: {  	_ = 	snop;
	(pc) =	sbr.ind lr, $3  }
0x3a: {  	_ = 	snop  }
0x3b: {  	_ = 	snop  }
0x3c: {  	p2 =	seq.s32 s10, $0x1;
	s10 =	sld [smem:$0x3FA2]  }
0x3d: {  	_ =	shalt  }
0x3e: {  	_ =	shalt  }
0x3f: {  	_ =	shalt  }
0x40: {  	_ =	shalt  }
0x41: {  	_ =	shalt  }
0x42: {  	_ =	shalt  }
0x43: {  	_ =	shalt  }
0x44: {  	_ =	shalt  }
0x45: {  	_ =	shalt  }
0x46: {  	_ =	shalt  }
0x47: {  	_ =	shalt  }
0x48: {  	_ =	shalt  }
0x49: {  	_ =	shalt  }
0x4a: {  	_ =	shalt  }
0x4b: {  	_ =	shalt  }
0x4c: {  	_ =	shalt  }
0x4d: {  	_ =	shalt  }
0x4e: {  	_ =	shalt  }
0x4f: {  	_ =	shalt  }
0x50: {  	_ =	shalt  }
0x51: {  	_ =	shalt  }
0x52: {  	_ =	shalt  }
0x53: {  	_ =	shalt  }
0x54: {  	_ =	shalt  }
0x55: {  	_ =	shalt  }
0x56: {  	_ =	shalt  }
0x57: {  	_ =	shalt  }
0x58: {  	_ =	shalt  }
0x59: {  	_ =	shalt  }
0x5a: {  	_ =	shalt  }
0x5b: {  	_ =	shalt  }
0x5c: {  	_ =	shalt  }
0x5d: {  	_ =	shalt  }
0x5e: {  	_ =	shalt  }
0x5f: {  	_ =	shalt  }
0x60: {  	_ =	shalt  }
0x61: {  	_ =	shalt  }
0x62: {  	_ =	shalt  }
0x63: {  	_ =	shalt  }
0x64: {  	_ =	shalt  }
0x65: {  	_ =	shalt  }
0x66: {  	_ =	shalt  }
0x67: {  	_ =	shalt  }
0x68: {  	_ =	shalt  }
0x69: {  	_ =	shalt  }
0x6a: {  	_ =	shalt  }
0x6b: {  	_ =	shalt  }
0x6c: {  	_ =	shalt  }
0x6d: {  	_ =	shalt  }
0x6e: {  	_ =	shalt  }
0x6f: {  	_ =	shalt  }
0x70: {  	_ =	shalt  }
0x71: {  	_ =	shalt  }
0x72: {  	_ =	shalt  }
0x73: {  	_ =	shalt  }
0x74: {  	_ =	shalt  }
0x75: {  	_ =	shalt  }
0x76: {  	_ =	shalt  }
0x77: {  	_ =	shalt  }
0x78: {  	_ =	shalt  }
0x79: {  	_ =	shalt  }
0x7a: {  	_ =	shalt  }
0x7b: {  	_ =	shalt  }
0x7c: {  	_ =	shalt  }
0x7d: {  	_ =	shalt  }
0x7e: {  	_ =	shalt  }
0x7f: {  	_ =	shalt  }
0x80: {  	_ =	shalt  }
0x81: {  	_ =	shalt  }
0x82: {  	_ =	shalt  }
0x83: {  	_ =	shalt  }
0x84: {  	_ =	shalt  }
0x85: {  	_ =	shalt  }
0x86: {  	_ =	shalt  }
0x87: {  	_ =	shalt  }
.Lfunc_end0:
.L_simem_size_0:
called_computation.11_lowered:
.L_overlay_start_0:
0x88: {  	s2 =	sld [smem:$0x3FD9]  }
0x89: {  	s3 =	sld [smem:$0x3FFE];
	_ =	sdelay $0x1  }
0x8a: {  	s1 =	srdreg.scid  }
0x8b: {  	s0 =	sand.u32 $0x1, s1  }
0x8c: {  	s16 =	sshll.u32 s0, $0xA;
	s2 =	sadd.s32 s3, s2  }
0x8d: {  	s2 =	sadd.s32 s2, s16  }
0x8e: {  	[smem:$0x3FAE] =	sst s2  }
0x8f: {  	_ = 	snop  }
0x90: {  	(tm) =	ssettm $0x1  }
0x91: {  	s17 =	sld [smem:$0x3FFB];
	_ =	sdelay $0x3  }
0x92: {  	_ =	strace s17  }
0x93: {  	s2 =	sld [smem:$0x3FFC];
	_ =	sdelay $0x3  }
0x94: {  	_ =	strace s2  }
0x95: {  	s2 =	sld [smem:$0x3FFD];
	_ =	sdelay $0x3  }
0x96: {  	_ =	strace s2  }
0x97: {  	_ =	strace $0x8FFFFFFF  }
0x98: {  	s18 =	sld [smem:$0x3FDB];
	_ =	sdelay $0x1  }
0x99: {  	s19 =	simm.s32 $_scs_section_size  }
0x9a: {  	s4 =	simm.s32 $_size__tile_overlayer_lowered;
	s5 =	simm.s32 $_tile_overlayer_lowered  }
0x9b: {  	s22 =	simm.s32 $0x1BFF;
	s21 =	sshll.u32 s5, $0x1;
	s2 =	sadd.s32 s19, s18  }
0x9c: {  	s6 =	simm.s32 $0x0;
	s20 =	sshll.u32 s4, $0x1;
	s4 =	sadd.s32 s21, s2  }
0x9d: {  	[timem:s6], [sflag:s22] =	dma.local [hbm:s4], s20  }
0x9e: {  	_ =	swait.ge [sflag:s22], s20  }
0x9f: {  	s3 =	ssub.s32 $0x0, s20;
	[sflag:s22] =	ssyncset.done $0x0  }
0xa0: {  	[sflag:s22] =	ssyncadd.s32 s3;
	_ =	sdelay $0x1  }
0xa1: {  	s23 =	simm.s32 $0x1B8B  }
0xa2: {  	_ =	swait.ge [sflag:s23], $0x1  }
0xa3: {  	[sflag:s23] =	ssyncset.done $0x0  }
0xa4: {  	s25 =	simm.s32 $0x1B8E;
	s24 =	sld [smem:$0x3FFE];
	[sflag:s23] =	ssyncadd.s32 $0xFFFFFFFF  }
0xa5: {  	s26 =	simm.s32 $execute0_lowered;
	[smem:$0x3FD2] =	sst s25  }
0xa6: {  	s4 =	sshll.u32 s26, $0x1;
	_ =	strace $0x80000067;
	[dreg:$0x1] =	wrdreg $0xFFFFFFFF  }
0xa7: {  	s28 =	simm.s32 $_size_execute0_lowered;
	s2 =	sadd.s32 s2, s4;
	[dreg:$0x0] =	wrdreg $0x0  }
0xa8: {  	s4 =	sshll.u32 s28, $0x1;
	[dreg:$0x2] =	wrdreg s2  }
0xa9: {  	[dreg:$0x3] =	wrdreg s4  }
0xaa: {  	[dreg:$0x4] =	wrdreg $0xC0  }
0xab: {  	_ =	task [dreg:s6], $0x5FFFF  }
0xac: {  	[dreg:$0x1] =	wrdreg $0xFFFFFFFF  }
0xad: {  	[dreg:$0x0] =	wrdreg $0x60  }
0xae: {  	[dreg:$0x2] =	wrdreg s24  }
0xaf: {  	[dreg:$0x3] =	wrdreg $0x14800  }
0xb0: {  	[dreg:$0x4] =	wrdreg $0x9  }
0xb1: {  	_ =	task.clear_ibuf [dreg:s6], $0x5FFFF;
	_ =	strace $0x90000067  }
0xb2: {  	s29 =	simm.s32 $0x9;
	_ =	strace $0x80000069  }
0xb3: {  	_ =	swait.ge [sflag:s29], $0x1  }
0xb4: {  	[sflag:s29] =	ssyncadd.s32 $0xFFFFFFFF  }
0xb5: {  	_ =	strace $0x90000069  }
0xb6: {  	_ =	sfence  }
0xb7: {  	s30 =	sld [smem:$0x0];
	_ =	sdelay $0x2  }
0xb8: {  	s31 =	sshll.u32 s1, $0xD;
	s1 =	sshrl.u32 s1, $0x2  }
0xb9: {  	s3 =	sand.u32 $0x4000, s31;
	s1 =	sadd.s32 s1, s30  }
0xba: {  	s0 =	sor.u32 s3, s0;
	s1 =	sshll.u32 s1, $0x11  }
0xbb: {  	s0 =	sor.u32 s1, s0  }
0xbc: {  	s0 =	sadd.s32 $0x8F2B, s0  }
0xbd: {  	[sflag:s0] =	ssyncadd.remote.s32 $0x1  }
0xbe: {  	_ =	sfence.sel $0xFFFF  }
0xbf: {  	[dreg:$0x0] =	wrdreg $0xFFFFFFFF;
	(pc) =	sbr.abs _section_cstart, $3  }
0xc0: {  	[dreg:$0x1] =	wrdreg $0xFFFFFFFF  }
0xc1: {  	_ =	task.clear_ibuf [dreg:s6], $0x2FFFF;
	_ =	strace $0x9FFFFFFF  }
0xc2: {  	(tm) =	ssettm $0x7FFFFFFF  }
0xc3: {  	_ =	shalt  }
tec
execute0_lowered:
.L_overlay_start_1:
0x0: {  	(tag) =	ssettag $0x1  }
0x1: {  	s0 =	stileid.u32  }
0x2: {  	s1 =	srdreg.scid;
	s4 =	smul.u32 $0x27100, s0  }
0x3: {  	s5 =	rddreg [dreg:$0x0];
	s7 =	smul.u32 $0x2710, s0  }
0x4: {  	s2 =	rddreg [dreg:$0x1];
	s9 =	smul.u32 $0x13800, s0  }
0x5: {  	s3 =	simm.s32 $0x0;
	s6 =	sand.u32 $0x1, s1;
	s25 =	smul.u32 $0x4E000, s0  }
0x6: {  	s14 =	simm.s32 $0x0;
	s1 =	rddreg [dreg:$0x2];
	s8 =	smul.u32 $0x1388, s6  }
0x7: {  	[smem:$0x7FF] =	sst s3;
	s30 =	sshll.u32 s0, $0x6;
	s22 =	smul.u32 $0x138800, s6  }
0x8: {  	_ =	strace $0x80000068;
	s28 =	ssub.s32 $0x2, s6;
	s6 =	smul.u32 $0x13880, s6  }
0x9: {  	s10 =	sadd.s32 s4, s5;
	s24 =	sshrl.u32 s9, $0x3;
	s29 =	sshrl.u32 s28, $0x1  }
0xa: {  	s7 =	sadd.s32 s8, s7;
	s23 =	sadd.s32 s9, s22;
	s8 =	sshrl.u32 s25, $0x2  }
0xb: {  	s12 =	ssub.s32 s28, s29;
	s31 =	sadd.s32 s6, s10;
	s7 =	sshrl.u32 s7, $0x3  }
0xc: {  	s4 =	sshrl.u32 s23, $0x3;
	s13 =	sadd.s32 s8, s2;
	s8 =	sadd.s32 $0xF90A00, s31  }
0xd: {  	s11 =	sadd.s32 s7, s5;
	s7 =	sadd.s32 s24, s5;
	s26 =	sadd.s32 s4, s5  }
0xe: {  	s5 =	sor.u32 $0x1C01, s30;
	s10 =	sshrl.u32 s13, $0x3;
	s13 =	simm.s32 $0x28  }
0xf: {  	s4 =	sadd.s32 $0x4C200, s7;
	s6 =	sadd.s32 $0x120C00, s26;
	s7 =	smax.u32 s12, $0x1  }
0x10: {  	s9 =	sadd.s32 $0x20000, s11;
	s11 =	simm.s32 $0x1;
	s12 =	simm.s32 $0x80  }
.LBB2_1:
0x11: {  	[spmem:s10], [sflag:s5] =	dma.local [hbm:s4], $0x2800  }
0x12: {  	_ =	swait.ge [sflag:s11], $0x2800  }
0x13: {  	[sflag:s11] =	ssyncset.done $0x0  }
0x14: {  	[sflag:s11] =	ssyncadd.s32 $0xFFFFD800  }
0x15: {  	s15 =	sadd.s32 $0x0, s9;
	[bflag:$0x0] =	sbarrier.arrive $0xFFFF  }
0x16: {  	[tilespmem:s3], [sflag:$0x1] =	stream.linear.gather [hbm4b:s15+s3], $0x28, $0x38;
	[tilespmem:$0x14D00] =	vst v63  }
0x17: {  	_ =	swait.ge [sflag:s11], $0x28  }
0x18: {  	[sflag:s11] =	ssyncset.done $0x0  }
0x19: {  	[sflag:s11] =	ssyncadd.s32 $0xFFFFFFD8  }
0x1a: {  	[tilespmem:s12], [sflag:$0x1] =	stream.linear.gather [hbm4b:s8+s3], $0x1400, $0x38;
	[tilespmem:$0x14D00] =	vst v63  }
0x1b: {  	_ =	swait.ge [sflag:s11], $0x1400  }
0x1c: {  	[sflag:s11] =	ssyncset.done $0x0  }
0x1d: {  	[sflag:s11] =	ssyncadd.s32 $0xFFFFEC00  }
0x1e: {  	[spmem:s2] =	stream.indirect.scatter.add.f32 [tilespmem:s12], [sflag:$0x1], $0x80, s3, s13, $0xb8;
	[tilespmem:$0x14D00] =	vst v63  }
0x1f: {  	s16 =	simm.s32 $0x5;
	_ =	swait.ge [sflag:s11], $0x1400  }
0x20: {  	s17 =	simm.s32 $0xA;
	s15 =	sadd.s32 $0x280, s8;
	[sflag:s11] =	ssyncset.done $0x0  }
.LBB2_2:
0x21: {  	s18 =	sadd.s32 s16, s9  }
0x22: {  	[sflag:s11] =	ssyncadd.s32 $0xFFFFEC00;
	s16 =	smov.u32 s17;
	s19 =	sadd.s32 $0x5, s17  }
0x23: {  	[tilespmem:s3], [sflag:$0x1] =	stream.linear.gather [hbm4b:s18+s3], $0x28, $0x38;
	[tilespmem:$0x14D00] =	vst v63  }
0x24: {  	p0 =	sne.s32 s17, $0x26C;
	_ =	swait.ge [sflag:s11], $0x28  }
0x25: {  	[sflag:s11] =	ssyncset.done $0x0  }
0x26: {  	[sflag:s11] =	ssyncadd.s32 $0xFFFFFFD8  }
0x27: {  	[tilespmem:s12], [sflag:$0x1] =	stream.linear.gather [hbm4b:s15+s3], $0x1400, $0x38;
	[tilespmem:$0x14D00] =	vst v63  }
0x28: {  	_ =	swait.ge [sflag:s11], $0x1400  }
.Ltmp0:
0x29: {  	[sflag:s11] =	ssyncset.done $0x0;
	(pc) =	sbr.rel @p0 .LBB2_2-.Ltmp0, $4  }
0x2a: {  	[sflag:s11] =	ssyncadd.s32 $0xFFFFEC00  }
0x2b: {  	[spmem:s2] =	stream.indirect.scatter.add.f32 [tilespmem:s12], [sflag:$0x1], $0x80, s3, s13, $0xb8;
	[tilespmem:$0x14D00] =	vst v63  }
0x2c: {  	_ =	swait.ge [sflag:s11], $0x1400  }
0x2d: {  	s17 =	smov.u32 s19;
	s15 =	sadd.s32 $0x280, s15;
	[sflag:s11] =	ssyncset.done $0x0  }
0x2e: {  	s16 =	sadd.s32 s16, s9;
	[sflag:s11] =	ssyncadd.s32 $0xFFFFEC00  }
0x2f: {  	[tilespmem:s3], [sflag:$0x1] =	stream.linear.gather [hbm4b:s16+s3], $0x28, $0x38;
	[tilespmem:$0x14D00] =	vst v63  }
0x30: {  	_ =	swait.ge [sflag:s11], $0x28  }
0x31: {  	[sflag:s11] =	ssyncset.done $0x0  }
0x32: {  	[sflag:s11] =	ssyncadd.s32 $0xFFFFFFD8  }
0x33: {  	[tilespmem:s12], [sflag:$0x1] =	stream.linear.gather [hbm4b:s15+s3], $0x1400, $0x38;
	[tilespmem:$0x14D00] =	vst v63  }
0x34: {  	_ =	swait.ge [sflag:s11], $0x1400  }
0x35: {  	[sflag:s11] =	ssyncset.done $0x0  }
0x36: {  	[sflag:s11] =	ssyncadd.s32 $0xFFFFEC00  }
0x37: {  	[spmem:s2] =	stream.indirect.scatter.add.f32 [tilespmem:s12], [sflag:$0x1], $0x80, s3, s13, $0xb8;
	[tilespmem:$0x14D00] =	vst v63  }
0x38: {  	_ =	swait.ge [sflag:s11], $0x1400  }
0x39: {  	s14 =	sadd.s32 $0x1, s14;
	[sflag:s11] =	ssyncset.done $0x0  }
0x3a: {  	p0 =	sne.s32 s14, s7;
	[sflag:s11] =	ssyncadd.s32 $0xFFFFEC00  }
.Ltmp1:
0x3b: {  	[bflag:$0x0] =	sbarrier.arrive $0xFFFF;
	(pc) =	sbr.rel @p0 .LBB2_1-.Ltmp1, $4  }
0x3c: {  	[hbm:s6], [sflag:s5] =	dma.local [spmem:s10], $0x2800  }
0x3d: {  	_ =	swait.ge [sflag:s11], $0x2800  }
0x3e: {  	[sflag:s11] =	ssyncset.done $0x0  }
0x3f: {  	[sflag:s11] =	ssyncadd.s32 $0xFFFFD800  }
0x40: {  	_ =	sfence.sel $0x180000  }
0x41: {  	[bflag:$0x0] =	sbarrier.arrive $0xFFFF  }
0x42: {  	p0 =	sne.s32 s0, $0x0;
	_ =	strace $0x90000068  }
0x43: {  	s0 =	sadd.s32 @!p0 $0x100000, s1;
	[bflag:$0x2] =	sbarrier.arrive $0xFFFF  }
0x44: {  	[sflag:s0] =	ssyncadd.tile.s32 @!p0 $0x1;
	_ =	shalt  }
.Lfunc_end2:
_tile_overlayer_lowered:
.L_overlay_start_2:
0x45: {  	(tag) =	ssettag $0x2  }
0x46: {  	s0 =	rddreg [dreg:$0x0];
	s2 =	stileid.u32  }
0x47: {  	s1 =	rddreg [dreg:$0x1];
	p0 =	sne.s32 s2, $0x0  }
0x48: {  	s3 =	rddreg [dreg:$0x2];
	[bflag:$0x3] =	sbarrier.arrive $0xFFFF;
	s2 =	simm.s32 @!p0 $0x1C01  }
0x49: {  	[timem:s3], [sflag:s2] =	dma.local @!p0 [hbm:s0], s1  }
0x4a: {  	s0 =	simm.s32 @!p0 $0x1  }
0x4b: {  	_ =	swait.ge @!p0 [sflag:s0], s1  }
0x4c: {  	s1 =	ssub.s32 @!p0 $0x0, s1;
	[sflag:s0] =	ssyncset.done @!p0 $0x0  }
0x4d: {  	[sflag:s0] =	ssyncadd.s32 @!p0 s1  }
0x4e: {  	[bflag:$0x3] =	sbarrier.arrive $0xFFFF  }
0x4f: {  	_ =	shalt  }

</sc_bundles>
